<compile_context>
chip_gen: v7x
topology: tpu7x:2x2x1
jax: 0.10.2.dev20260603
libtpu: 0.0.44.dev20260713+nightly
codegen_flags: <defaults>
</compile_context>

<pallas_src>
import functools

import jax
import jax.numpy as jnp
from jax import lax
from jax.experimental import pallas as pl
from jax.experimental.pallas import tpu as pltpu
from jax.experimental.pallas import tpu_sc as plsc

_DIM = 32
_NW = 32
_CHUNK = 256
_NBUF = 4


def _poe_pallas(idx1, idx2, emb):
    n = idx1.shape[0]
    per_w = n // _NW
    n_chunks = per_w // _CHUNK
    groups = _CHUNK // 16

    mesh = plsc.VectorSubcoreMesh(
        core_axis_name="c", subcore_axis_name="s", num_cores=2, num_subcores=16
    )

    @functools.partial(
        pl.kernel,
        out_type=jax.ShapeDtypeStruct((n,), jnp.float32),
        mesh=mesh,
        compiler_params=pltpu.CompilerParams(
            needs_layout_passes=False, use_tc_tiling_on_sc=False),
        scratch_types=[
            pltpu.VMEM((2 * per_w,), jnp.int32),
        ] + [pltpu.VMEM((2 * _CHUNK, _DIM), jnp.float32)] * _NBUF
          + [pltpu.VMEM((_CHUNK,), jnp.float32)] * _NBUF
          + [pltpu.SemaphoreType.DMA] * (2 * _NBUF),
    )
    def run(idx1_hbm, idx2_hbm, emb_hbm, out_hbm, idx_v, *rest):
        bufs = rest[:_NBUF]
        obufs = rest[_NBUF:2 * _NBUF]
        sems = rest[2 * _NBUF:3 * _NBUF]
        osems = rest[3 * _NBUF:]
        wid = lax.axis_index("s") * 2 + lax.axis_index("c")
        base = wid * per_w
        lanes = lax.iota(jnp.int32, 16)

        gdn = lax.GatherDimensionNumbers(
            offset_dims=(), collapsed_slice_dims=(0,), start_index_map=(0,))

        def permute(v, idx):
            return lax.gather(
                v, idx[:, None], gdn, (1,),
                mode=lax.GatherScatterMode.PROMISE_IN_BOUNDS)

        def rot(v, k):
            return permute(v, (lanes + k) & 15)

        bitrev = (((lanes & 1) << 3) | ((lanes & 2) << 1)
                  | ((lanes & 4) >> 1) | ((lanes & 8) >> 3))
        m8 = lanes < 8
        m4 = (lanes & 7) < 4
        m2 = (lanes & 3) < 2
        m1 = (lanes & 1) < 1

        pltpu.sync_copy(idx1_hbm.at[pl.ds(base, per_w)],
                        idx_v.at[pl.ds(0, per_w)])
        pltpu.sync_copy(idx2_hbm.at[pl.ds(base, per_w)],
                        idx_v.at[pl.ds(per_w, per_w)])

        def fire(g, r, sem):
            src1 = pl.ds(g * _CHUNK, _CHUNK)
            src2 = pl.ds(per_w + g * _CHUNK, _CHUNK)
            pltpu.async_copy(emb_hbm.at[idx_v.at[src1]],
                             r.at[pl.ds(0, _CHUNK)], sem)
            pltpu.async_copy(emb_hbm.at[idx_v.at[src2]],
                             r.at[pl.ds(_CHUNK, _CHUNK)], sem)

        def drain(r, sem):
            for j in range(2):
                dst = pl.ds(j * _CHUNK, _CHUNK)
                pltpu.make_async_copy(
                    emb_hbm.at[idx_v.at[pl.ds(0, _CHUNK)]], r.at[dst], sem).wait()

        def compute(g, r, ob):
            def group_body(gi, c2):
                row0 = gi * 16
                us = []
                for j in range(16):
                    e1 = row0 + j
                    e2 = _CHUNK + e1
                    a = r[e1, pl.ds(0, 16)]
                    b = r[e1, pl.ds(16, 16)]
                    c = r[e2, pl.ds(0, 16)]
                    d = r[e2, pl.ds(16, 16)]
                    us.append(jnp.maximum(a - c, 0.0) + jnp.maximum(b - d, 0.0))
                xs = [u + rot(u, 8) for u in us]
                ys = [jnp.where(m8, xs[2 * k], xs[2 * k + 1]) for k in range(8)]
                zs = [y + rot(y, 4) for y in ys]
                ws = [jnp.where(m4, zs[2 * k], rot(zs[2 * k + 1], -4))
                      for k in range(4)]
                ts = [w + rot(w, 2) for w in ws]
                vs = [jnp.where(m2, ts[2 * k], rot(ts[2 * k + 1], -2))
                      for k in range(2)]
                ss = [v + rot(v, 1) for v in vs]
                s = jnp.where(m1, ss[0], rot(ss[1], -1))
                ob[pl.ds(gi * 16, 16)] = -permute(s, bitrev)
                return c2
            lax.fori_loop(0, groups, group_body, 0)

        for b in range(_NBUF - 1):
            fire(b, bufs[b], sems[b])

        def ring_body(i, carry):
            g0 = i * _NBUF
            for b in range(_NBUF):
                g = g0 + b
                ahead = g + _NBUF - 1
                ba = (b + _NBUF - 1) % _NBUF

                @pl.when(ahead < n_chunks)
                def _(ahead=ahead, ba=ba):
                    fire(ahead, bufs[ba], sems[ba])

                drain(bufs[b], sems[b])

                @pl.when(g >= _NBUF)
                def _(b=b):
                    pltpu.make_async_copy(
                        obufs[b], out_hbm.at[pl.ds(base, _CHUNK)],
                        osems[b]).wait()

                compute(g, bufs[b], obufs[b])
                pltpu.async_copy(
                    obufs[b], out_hbm.at[pl.ds(base + g * _CHUNK, _CHUNK)],
                    osems[b])
            return carry

        lax.fori_loop(0, n_chunks // _NBUF, ring_body, 0)
        for b in range(_NBUF):
            pltpu.make_async_copy(
                obufs[b], out_hbm.at[pl.ds(base, _CHUNK)], osems[b]).wait()

    return run(idx1, idx2, emb)


def kernel(idxs, emb):
    b, s, _ = idxs.shape
    out = _poe_pallas(idxs[:, :, 0].reshape(-1), idxs[:, :, 1].reshape(-1), emb)
    return out.reshape(b, s)

# --- scband reference (transcript-rebuilt; emitter-appended) ---
"""Pipeline reference for scband-poe-13700945674302 (READ-ONLY COPY).

The authoritative reference and input builder live on the scoring server;
editing this copy changes nothing except your own understanding.
"""

import jax, jax.numpy as jnp
import numpy as np

NUM_ENTITY = 1000000
DIM = 32

def setup_inputs(seed: int = 0) -> dict:
    key = jax.random.key(seed)
    k1, k2 = jax.random.split(key)
    idxs = jax.random.randint(k1, (16384, 50, 2), 0, NUM_ENTITY, dtype=jnp.int64 if jax.config.jax_enable_x64 else jnp.int32)
    emb = jax.random.normal(k2, (NUM_ENTITY, DIM), dtype=jnp.float32)
    return {"idxs": idxs, "emb": emb}

def reference(idxs, emb):
    # e1 = embeddings(idxs[..., 0]); e2 = embeddings(idxs[..., 1])
    e1 = jnp.take(emb, idxs[..., 0], axis=0)
    e2 = jnp.take(emb, idxs[..., 1], axis=0)
    # intersection = elementwise max
    e_intersect = jnp.maximum(e1, e2)
    # log_volume(e) = -e.sum(-1)
    log_overlap_volume = -e_intersect.sum(-1)
    log_rhs_volume = -e2.sum(-1)
    return log_overlap_volume - log_rhs_volume

if __name__ == "__main__":
    import jax
    _d = setup_inputs()
    print(jax.jit(kernel)(*tuple(_d.values())))

</pallas_src>

<mosaic_0001>
#map = affine_map<(d0, d1) -> (0)>
#map1 = affine_map<(d0, d1) -> (0, 0)>
module attributes {stable_mosaic.version = 14 : i64} {
  func.func @run(%arg0: i32, %arg1: i32, %arg2: memref<819200xi32, #tpu.memory_space<hbm>>, %arg3: memref<819200xi32, #tpu.memory_space<hbm>>, %arg4: memref<1000000x32xf32, #tpu.memory_space<hbm>>, %arg5: memref<819200xf32, #tpu.memory_space<hbm>>, %arg6: memref<51200xi32, #tpu.memory_space<vmem>>, %arg7: memref<512x32xf32, #tpu.memory_space<vmem>>, %arg8: memref<512x32xf32, #tpu.memory_space<vmem>>, %arg9: memref<512x32xf32, #tpu.memory_space<vmem>>, %arg10: memref<512x32xf32, #tpu.memory_space<vmem>>, %arg11: memref<256xf32, #tpu.memory_space<vmem>>, %arg12: memref<256xf32, #tpu.memory_space<vmem>>, %arg13: memref<256xf32, #tpu.memory_space<vmem>>, %arg14: memref<256xf32, #tpu.memory_space<vmem>>, %arg15: memref<!tpu.dma_semaphore, #tpu.memory_space<semaphore_mem>>, %arg16: memref<!tpu.dma_semaphore, #tpu.memory_space<semaphore_mem>>, %arg17: memref<!tpu.dma_semaphore, #tpu.memory_space<semaphore_mem>>, %arg18: memref<!tpu.dma_semaphore, #tpu.memory_space<semaphore_mem>>, %arg19: memref<!tpu.dma_semaphore, #tpu.memory_space<semaphore_mem>>, %arg20: memref<!tpu.dma_semaphore, #tpu.memory_space<semaphore_mem>>, %arg21: memref<!tpu.dma_semaphore, #tpu.memory_space<semaphore_mem>>, %arg22: memref<!tpu.dma_semaphore, #tpu.memory_space<semaphore_mem>>) attributes {dimension_semantics = [#tpu.dimension_semantics<core_parallel>, #tpu.dimension_semantics<subcore_parallel>], iteration_bounds = array<i64: 2, 16>, scalar_prefetch = 0 : i64, scratch_operands = 17 : i64, tpu.core_type = #tpu.core_type<sc_vector_subcore>, window_params = [{transform_indices = #map}, {transform_indices = #map}, {transform_indices = #map1}, {transform_indices = #map}]} {
    %mul3A = arith.constant 2 : i32
    %mul3A_0 = arith.muli %arg1, %mul3A : i32
    %add3A = arith.addi %mul3A_0, %arg0 : i32
    %mul3A_1 = arith.constant 25600 : i32
    %mul3A_2 = arith.muli %add3A, %mul3A_1 : i32
    %iota3A = tpu.iota {dimensions = array<i32: 0>} : vector<16xi32>
    %and3A = arith.constant 1 : i32
    %and3A_3 = vector.broadcast %and3A : i32 to vector<16xi32>
    %and3A_4 = arith.andi %iota3A, %and3A_3 : vector<16xi32>
    %shift_left3A = arith.constant 3 : i32
    %shift_left3A_5 = vector.broadcast %shift_left3A : i32 to vector<16xi32>
    %shift_left3A_6 = arith.shli %and3A_4, %shift_left3A_5 : vector<16xi32>
    %and3A_7 = arith.constant 2 : i32
    %and3A_8 = vector.broadcast %and3A_7 : i32 to vector<16xi32>
    %and3A_9 = arith.andi %iota3A, %and3A_8 : vector<16xi32>
    %shift_left3A_10 = arith.constant 1 : i32
    %shift_left3A_11 = vector.broadcast %shift_left3A_10 : i32 to vector<16xi32>
    %shift_left3A_12 = arith.shli %and3A_9, %shift_left3A_11 : vector<16xi32>
    %or3A = arith.ori %shift_left3A_6, %shift_left3A_12 : vector<16xi32>
    %and3A_13 = arith.constant 4 : i32
    %and3A_14 = vector.broadcast %and3A_13 : i32 to vector<16xi32>
    %and3A_15 = arith.andi %iota3A, %and3A_14 : vector<16xi32>
    %shift_right_arithmetic3A = arith.constant 1 : i32
    %shift_right_arithmetic3A_16 = vector.broadcast %shift_right_arithmetic3A : i32 to vector<16xi32>
    %shift_right_arithmetic3A_17 = arith.shrsi %and3A_15, %shift_right_arithmetic3A_16 : vector<16xi32>
    %or3A_18 = arith.ori %or3A, %shift_right_arithmetic3A_17 : vector<16xi32>
    %and3A_19 = arith.constant 8 : i32
    %and3A_20 = vector.broadcast %and3A_19 : i32 to vector<16xi32>
    %and3A_21 = arith.andi %iota3A, %and3A_20 : vector<16xi32>
    %shift_right_arithmetic3A_22 = arith.constant 3 : i32
    %shift_right_arithmetic3A_23 = vector.broadcast %shift_right_arithmetic3A_22 : i32 to vector<16xi32>
    %shift_right_arithmetic3A_24 = arith.shrsi %and3A_21, %shift_right_arithmetic3A_23 : vector<16xi32>
    %or3A_25 = arith.ori %or3A_18, %shift_right_arithmetic3A_24 : vector<16xi32>
    %lt3A = arith.constant 8 : i32
    %lt3A_26 = vector.broadcast %lt3A : i32 to vector<16xi32>
    %lt3A_27 = arith.cmpi slt, %iota3A, %lt3A_26 : vector<16xi32>
    %and3A_28 = arith.constant 7 : i32
    %and3A_29 = vector.broadcast %and3A_28 : i32 to vector<16xi32>
    %and3A_30 = arith.andi %iota3A, %and3A_29 : vector<16xi32>
    %lt3A_31 = arith.constant 4 : i32
    %lt3A_32 = vector.broadcast %lt3A_31 : i32 to vector<16xi32>
    %lt3A_33 = arith.cmpi slt, %and3A_30, %lt3A_32 : vector<16xi32>
    %and3A_34 = arith.constant 3 : i32
    %and3A_35 = vector.broadcast %and3A_34 : i32 to vector<16xi32>
    %and3A_36 = arith.andi %iota3A, %and3A_35 : vector<16xi32>
    %lt3A_37 = arith.constant 2 : i32
    %lt3A_38 = vector.broadcast %lt3A_37 : i32 to vector<16xi32>
    %lt3A_39 = arith.cmpi slt, %and3A_36, %lt3A_38 : vector<16xi32>
    %and3A_40 = arith.constant 1 : i32
    %and3A_41 = vector.broadcast %and3A_40 : i32 to vector<16xi32>
    %and3A_42 = arith.andi %iota3A, %and3A_41 : vector<16xi32>
    %lt3A_43 = arith.constant 1 : i32
    %lt3A_44 = vector.broadcast %lt3A_43 : i32 to vector<16xi32>
    %lt3A_45 = arith.cmpi slt, %and3A_42, %lt3A_44 : vector<16xi32>
    "tpu.region"() ({
      %run_scoped3A = tpu.sem_alloc : memref<!tpu.dma_semaphore, #tpu.memory_space<semaphore_mem>>
      %dma_start3A_105 = arith.constant 0 : i32
      %dma_start3A_106 = tpu.memref_slice %arg6[%dma_start3A_105] : memref<51200xi32, #tpu.memory_space<vmem>> -> memref<25600xi32, #tpu.memory_space<vmem>>
      %dma_start3A_107 = tpu.memref_slice %arg2[%mul3A_2] : memref<819200xi32, #tpu.memory_space<hbm>> -> memref<25600xi32, #tpu.memory_space<hbm>>
      %dma_start3A_108 = arith.constant 0 : i32
      %dma_start3A_109 = tpu.memref_slice %arg6[%dma_start3A_108] : memref<51200xi32, #tpu.memory_space<vmem>> -> memref<25600xi32, #tpu.memory_space<vmem>>
      %dma_start3A_110 = tpu.memref_slice %arg2[%mul3A_2] : memref<819200xi32, #tpu.memory_space<hbm>> -> memref<25600xi32, #tpu.memory_space<hbm>>
      tpu.enqueue_dma source(%dma_start3A_110 : memref<25600xi32, #tpu.memory_space<hbm>>) target(%dma_start3A_109 : memref<25600xi32, #tpu.memory_space<vmem>>) target_semaphore(%run_scoped3A : memref<!tpu.dma_semaphore, #tpu.memory_space<semaphore_mem>>)
      %dma_wait3A_111 = arith.constant 0 : i32
      %dma_wait3A_112 = tpu.memref_slice %arg6[%dma_wait3A_111] : memref<51200xi32, #tpu.memory_space<vmem>> -> memref<25600xi32, #tpu.memory_space<vmem>>
      %dma_wait3A_113 = tpu.memref_slice %arg2[%mul3A_2] : memref<819200xi32, #tpu.memory_space<hbm>> -> memref<25600xi32, #tpu.memory_space<hbm>>
      %dma_wait3A_114 = arith.constant 0 : i32
      %dma_wait3A_115 = tpu.memref_slice %arg6[%dma_wait3A_114] : memref<51200xi32, #tpu.memory_space<vmem>> -> memref<25600xi32, #tpu.memory_space<vmem>>
      %dma_wait3A_116 = tpu.memref_slice %arg2[%mul3A_2] : memref<819200xi32, #tpu.memory_space<hbm>> -> memref<25600xi32, #tpu.memory_space<hbm>>
      tpu.wait_dma2 semaphore(%run_scoped3A : memref<!tpu.dma_semaphore, #tpu.memory_space<semaphore_mem>>) src(%dma_wait3A_116 : memref<25600xi32, #tpu.memory_space<hbm>>) dst(%dma_wait3A_115 : memref<25600xi32, #tpu.memory_space<vmem>>)
      tpu.yield
    }) : () -> ()
    "tpu.region"() ({
      %run_scoped3A = tpu.sem_alloc : memref<!tpu.dma_semaphore, #tpu.memory_space<semaphore_mem>>
      %dma_start3A_105 = arith.constant 25600 : i32
      %dma_start3A_106 = tpu.memref_slice %arg6[%dma_start3A_105] : memref<51200xi32, #tpu.memory_space<vmem>> -> memref<25600xi32, #tpu.memory_space<vmem>>
      %dma_start3A_107 = tpu.memref_slice %arg3[%mul3A_2] : memref<819200xi32, #tpu.memory_space<hbm>> -> memref<25600xi32, #tpu.memory_space<hbm>>
      %dma_start3A_108 = arith.constant 25600 : i32
      %dma_start3A_109 = tpu.memref_slice %arg6[%dma_start3A_108] : memref<51200xi32, #tpu.memory_space<vmem>> -> memref<25600xi32, #tpu.memory_space<vmem>>
      %dma_start3A_110 = tpu.memref_slice %arg3[%mul3A_2] : memref<819200xi32, #tpu.memory_space<hbm>> -> memref<25600xi32, #tpu.memory_space<hbm>>
      tpu.enqueue_dma source(%dma_start3A_110 : memref<25600xi32, #tpu.memory_space<hbm>>) target(%dma_start3A_109 : memref<25600xi32, #tpu.memory_space<vmem>>) target_semaphore(%run_scoped3A : memref<!tpu.dma_semaphore, #tpu.memory_space<semaphore_mem>>)
      %dma_wait3A_111 = arith.constant 25600 : i32
      %dma_wait3A_112 = tpu.memref_slice %arg6[%dma_wait3A_111] : memref<51200xi32, #tpu.memory_space<vmem>> -> memref<25600xi32, #tpu.memory_space<vmem>>
      %dma_wait3A_113 = tpu.memref_slice %arg3[%mul3A_2] : memref<819200xi32, #tpu.memory_space<hbm>> -> memref<25600xi32, #tpu.memory_space<hbm>>
      %dma_wait3A_114 = arith.constant 25600 : i32
      %dma_wait3A_115 = tpu.memref_slice %arg6[%dma_wait3A_114] : memref<51200xi32, #tpu.memory_space<vmem>> -> memref<25600xi32, #tpu.memory_space<vmem>>
      %dma_wait3A_116 = tpu.memref_slice %arg3[%mul3A_2] : memref<819200xi32, #tpu.memory_space<hbm>> -> memref<25600xi32, #tpu.memory_space<hbm>>
      tpu.wait_dma2 semaphore(%run_scoped3A : memref<!tpu.dma_semaphore, #tpu.memory_space<semaphore_mem>>) src(%dma_wait3A_116 : memref<25600xi32, #tpu.memory_space<hbm>>) dst(%dma_wait3A_115 : memref<25600xi32, #tpu.memory_space<vmem>>)
      tpu.yield
    }) : () -> ()
    %dma_start3A = arith.constant 0 : i32
    %dma_start3A_46 = arith.constant 0 : i32
    %dma_start3A_47 = tpu.memref_slice %arg7[%dma_start3A, %dma_start3A_46] : memref<512x32xf32, #tpu.memory_space<vmem>> -> memref<256x32xf32, #tpu.memory_space<vmem>>
    %dma_start3A_48 = arith.constant 0 : i32
    %dma_start3A_49 = tpu.memref_slice %arg6[%dma_start3A_48] : memref<51200xi32, #tpu.memory_space<vmem>> -> memref<256xi32, #tpu.memory_space<vmem>>
    %dma_start3A_50 = arith.constant 0 : i32
    %dma_start3A_51 = arith.constant 0 : i32
    %dma_start3A_52 = tpu.memref_slice %arg4[%dma_start3A_50, %dma_start3A_51] : memref<1000000x32xf32, #tpu.memory_space<hbm>> -> memref<1000000x32xf32, #tpu.memory_space<hbm>>
    tpu.enqueue_indirect_dma source(%dma_start3A_52 : memref<1000000x32xf32, #tpu.memory_space<hbm>>) target(%dma_start3A_47 : memref<256x32xf32, #tpu.memory_space<vmem>>) offsets(%dma_start3A_49 : memref<256xi32, #tpu.memory_space<vmem>>) semaphore(%arg15 : memref<!tpu.dma_semaphore, #tpu.memory_space<semaphore_mem>>)
    %dma_start3A_53 = arith.constant 256 : i32
    %dma_start3A_54 = arith.constant 0 : i32
    %dma_start3A_55 = tpu.memref_slice %arg7[%dma_start3A_53, %dma_start3A_54] : memref<512x32xf32, #tpu.memory_space<vmem>> -> memref<256x32xf32, #tpu.memory_space<vmem>>
    %dma_start3A_56 = arith.constant 25600 : i32
    %dma_start3A_57 = tpu.memref_slice %arg6[%dma_start3A_56] : memref<51200xi32, #tpu.memory_space<vmem>> -> memref<256xi32, #tpu.memory_space<vmem>>
    %dma_start3A_58 = arith.constant 0 : i32
    %dma_start3A_59 = arith.constant 0 : i32
    %dma_start3A_60 = tpu.memref_slice %arg4[%dma_start3A_58, %dma_start3A_59] : memref<1000000x32xf32, #tpu.memory_space<hbm>> -> memref<1000000x32xf32, #tpu.memory_space<hbm>>
    tpu.enqueue_indirect_dma source(%dma_start3A_60 : memref<1000000x32xf32, #tpu.memory_space<hbm>>) target(%dma_start3A_55 : memref<256x32xf32, #tpu.memory_space<vmem>>) offsets(%dma_start3A_57 : memref<256xi32, #tpu.memory_space<vmem>>) semaphore(%arg15 : memref<!tpu.dma_semaphore, #tpu.memory_space<semaphore_mem>>)
    %dma_start3A_61 = arith.constant 0 : i32
    %dma_start3A_62 = arith.constant 0 : i32
    %dma_start3A_63 = tpu.memref_slice %arg8[%dma_start3A_61, %dma_start3A_62] : memref<512x32xf32, #tpu.memory_space<vmem>> -> memref<256x32xf32, #tpu.memory_space<vmem>>
    %dma_start3A_64 = arith.constant 256 : i32
    %dma_start3A_65 = tpu.memref_slice %arg6[%dma_start3A_64] : memref<51200xi32, #tpu.memory_space<vmem>> -> memref<256xi32, #tpu.memory_space<vmem>>
    %dma_start3A_66 = arith.constant 0 : i32
    %dma_start3A_67 = arith.constant 0 : i32
    %dma_start3A_68 = tpu.memref_slice %arg4[%dma_start3A_66, %dma_start3A_67] : memref<1000000x32xf32, #tpu.memory_space<hbm>> -> memref<1000000x32xf32, #tpu.memory_space<hbm>>
    tpu.enqueue_indirect_dma source(%dma_start3A_68 : memref<1000000x32xf32, #tpu.memory_space<hbm>>) target(%dma_start3A_63 : memref<256x32xf32, #tpu.memory_space<vmem>>) offsets(%dma_start3A_65 : memref<256xi32, #tpu.memory_space<vmem>>) semaphore(%arg16 : memref<!tpu.dma_semaphore, #tpu.memory_space<semaphore_mem>>)
    %dma_start3A_69 = arith.constant 256 : i32
    %dma_start3A_70 = arith.constant 0 : i32
    %dma_start3A_71 = tpu.memref_slice %arg8[%dma_start3A_69, %dma_start3A_70] : memref<512x32xf32, #tpu.memory_space<vmem>> -> memref<256x32xf32, #tpu.memory_space<vmem>>
    %dma_start3A_72 = arith.constant 25856 : i32
    %dma_start3A_73 = tpu.memref_slice %arg6[%dma_start3A_72] : memref<51200xi32, #tpu.memory_space<vmem>> -> memref<256xi32, #tpu.memory_space<vmem>>
    %dma_start3A_74 = arith.constant 0 : i32
    %dma_start3A_75 = arith.constant 0 : i32
    %dma_start3A_76 = tpu.memref_slice %arg4[%dma_start3A_74, %dma_start3A_75] : memref<1000000x32xf32, #tpu.memory_space<hbm>> -> memref<1000000x32xf32, #tpu.memory_space<hbm>>
    tpu.enqueue_indirect_dma source(%dma_start3A_76 : memref<1000000x32xf32, #tpu.memory_space<hbm>>) target(%dma_start3A_71 : memref<256x32xf32, #tpu.memory_space<vmem>>) offsets(%dma_start3A_73 : memref<256xi32, #tpu.memory_space<vmem>>) semaphore(%arg16 : memref<!tpu.dma_semaphore, #tpu.memory_space<semaphore_mem>>)
    %dma_start3A_77 = arith.constant 0 : i32
    %dma_start3A_78 = arith.constant 0 : i32
    %dma_start3A_79 = tpu.memref_slice %arg9[%dma_start3A_77, %dma_start3A_78] : memref<512x32xf32, #tpu.memory_space<vmem>> -> memref<256x32xf32, #tpu.memory_space<vmem>>
    %dma_start3A_80 = arith.constant 512 : i32
    %dma_start3A_81 = tpu.memref_slice %arg6[%dma_start3A_80] : memref<51200xi32, #tpu.memory_space<vmem>> -> memref<256xi32, #tpu.memory_space<vmem>>
    %dma_start3A_82 = arith.constant 0 : i32
    %dma_start3A_83 = arith.constant 0 : i32
    %dma_start3A_84 = tpu.memref_slice %arg4[%dma_start3A_82, %dma_start3A_83] : memref<1000000x32xf32, #tpu.memory_space<hbm>> -> memref<1000000x32xf32, #tpu.memory_space<hbm>>
    tpu.enqueue_indirect_dma source(%dma_start3A_84 : memref<1000000x32xf32, #tpu.memory_space<hbm>>) target(%dma_start3A_79 : memref<256x32xf32, #tpu.memory_space<vmem>>) offsets(%dma_start3A_81 : memref<256xi32, #tpu.memory_space<vmem>>) semaphore(%arg17 : memref<!tpu.dma_semaphore, #tpu.memory_space<semaphore_mem>>)
    %dma_start3A_85 = arith.constant 256 : i32
    %dma_start3A_86 = arith.constant 0 : i32
    %dma_start3A_87 = tpu.memref_slice %arg9[%dma_start3A_85, %dma_start3A_86] : memref<512x32xf32, #tpu.memory_space<vmem>> -> memref<256x32xf32, #tpu.memory_space<vmem>>
    %dma_start3A_88 = arith.constant 26112 : i32
    %dma_start3A_89 = tpu.memref_slice %arg6[%dma_start3A_88] : memref<51200xi32, #tpu.memory_space<vmem>> -> memref<256xi32, #tpu.memory_space<vmem>>
    %dma_start3A_90 = arith.constant 0 : i32
    %dma_start3A_91 = arith.constant 0 : i32
    %dma_start3A_92 = tpu.memref_slice %arg4[%dma_start3A_90, %dma_start3A_91] : memref<1000000x32xf32, #tpu.memory_space<hbm>> -> memref<1000000x32xf32, #tpu.memory_space<hbm>>
    tpu.enqueue_indirect_dma source(%dma_start3A_92 : memref<1000000x32xf32, #tpu.memory_space<hbm>>) target(%dma_start3A_87 : memref<256x32xf32, #tpu.memory_space<vmem>>) offsets(%dma_start3A_89 : memref<256xi32, #tpu.memory_space<vmem>>) semaphore(%arg17 : memref<!tpu.dma_semaphore, #tpu.memory_space<semaphore_mem>>)
    %scan3A = arith.constant 0 : i32
    %scan3A_93 = arith.constant 0 : i32
    %scan3A_94 = arith.constant 25 : i32
    %scan3A_95 = arith.addi %scan3A_93, %scan3A_94 : i32
    %scan3A_96 = arith.constant 1 : i32
    scf.for %scan3A_105 = %scan3A_93 to %scan3A_95 step %scan3A_96  : i32 {
      %mul3A_106 = arith.constant 4 : i32
      %mul3A_107 = arith.muli %scan3A_105, %mul3A_106 : i32
      %add3A_108 = arith.constant 0 : i32
      %add3A_109 = arith.addi %mul3A_107, %add3A_108 : i32
      %add3A_110 = arith.constant 4 : i32
      %add3A_111 = arith.addi %add3A_109, %add3A_110 : i32
      %sub3A = arith.constant 1 : i32
      %sub3A_112 = arith.subi %add3A_111, %sub3A : i32
      %lt3A_113 = arith.constant 100 : i32
      %lt3A_114 = arith.cmpi slt, %sub3A_112, %lt3A_113 : i32
      %convert_element_type3A = arith.extui %lt3A_114 : i1 to i32
      %cond3A = arith.constant 0 : i32
      %cond3A_115 = arith.cmpi ne, %convert_element_type3A, %cond3A : i32
      scf.if %cond3A_115 {
        %mul3A_276 = arith.constant 256 : i32
        %mul3A_277 = arith.muli %sub3A_112, %mul3A_276 : i32
        %mul3A_278 = arith.constant 256 : i32
        %mul3A_279 = arith.muli %sub3A_112, %mul3A_278 : i32
        %add3A_280 = arith.constant 25600 : i32
        %add3A_281 = arith.addi %add3A_280, %mul3A_279 : i32
        %dma_start3A_282 = arith.constant 0 : i32
        %dma_start3A_283 = arith.constant 0 : i32
        %dma_start3A_284 = tpu.memref_slice %arg10[%dma_start3A_282, %dma_start3A_283] : memref<512x32xf32, #tpu.memory_space<vmem>> -> memref<256x32xf32, #tpu.memory_space<vmem>>
        %dma_start3A_285 = tpu.memref_slice %arg6[%mul3A_277] : memref<51200xi32, #tpu.memory_space<vmem>> -> memref<256xi32, #tpu.memory_space<vmem>>
        %dma_start3A_286 = arith.constant 0 : i32
        %dma_start3A_287 = arith.constant 0 : i32
        %dma_start3A_288 = tpu.memref_slice %arg4[%dma_start3A_286, %dma_start3A_287] : memref<1000000x32xf32, #tpu.memory_space<hbm>> -> memref<1000000x32xf32, #tpu.memory_space<hbm>>
        tpu.enqueue_indirect_dma source(%dma_start3A_288 : memref<1000000x32xf32, #tpu.memory_space<hbm>>) target(%dma_start3A_284 : memref<256x32xf32, #tpu.memory_space<vmem>>) offsets(%dma_start3A_285 : memref<256xi32, #tpu.memory_space<vmem>>) semaphore(%arg18 : memref<!tpu.dma_semaphore, #tpu.memory_space<semaphore_mem>>)
        %dma_start3A_289 = arith.constant 256 : i32
        %dma_start3A_290 = arith.constant 0 : i32
        %dma_start3A_291 = tpu.memref_slice %arg10[%dma_start3A_289, %dma_start3A_290] : memref<512x32xf32, #tpu.memory_space<vmem>> -> memref<256x32xf32, #tpu.memory_space<vmem>>
        %dma_start3A_292 = tpu.memref_slice %arg6[%add3A_281] : memref<51200xi32, #tpu.memory_space<vmem>> -> memref<256xi32, #tpu.memory_space<vmem>>
        %dma_start3A_293 = arith.constant 0 : i32
        %dma_start3A_294 = arith.constant 0 : i32
        %dma_start3A_295 = tpu.memref_slice %arg4[%dma_start3A_293, %dma_start3A_294] : memref<1000000x32xf32, #tpu.memory_space<hbm>> -> memref<1000000x32xf32, #tpu.memory_space<hbm>>
        tpu.enqueue_indirect_dma source(%dma_start3A_295 : memref<1000000x32xf32, #tpu.memory_space<hbm>>) target(%dma_start3A_291 : memref<256x32xf32, #tpu.memory_space<vmem>>) offsets(%dma_start3A_292 : memref<256xi32, #tpu.memory_space<vmem>>) semaphore(%arg18 : memref<!tpu.dma_semaphore, #tpu.memory_space<semaphore_mem>>)
      } else {
      }
      %dma_wait3A_116 = arith.constant 0 : i32
      %dma_wait3A_117 = arith.constant 0 : i32
      %dma_wait3A_118 = tpu.memref_slice %arg7[%dma_wait3A_116, %dma_wait3A_117] : memref<512x32xf32, #tpu.memory_space<vmem>> -> memref<256x32xf32, #tpu.memory_space<vmem>>
      %dma_wait3A_119 = arith.constant 0 : i32
      %dma_wait3A_120 = tpu.memref_slice %arg6[%dma_wait3A_119] : memref<51200xi32, #tpu.memory_space<vmem>> -> memref<256xi32, #tpu.memory_space<vmem>>
      %dma_wait3A_121 = arith.constant 0 : i32
      %dma_wait3A_122 = arith.constant 0 : i32
      %dma_wait3A_123 = tpu.memref_slice %arg4[%dma_wait3A_121, %dma_wait3A_122] : memref<1000000x32xf32, #tpu.memory_space<hbm>> -> memref<1000000x32xf32, #tpu.memory_space<hbm>>
      tpu.wait_indirect_dma semaphore(%arg15 : memref<!tpu.dma_semaphore, #tpu.memory_space<semaphore_mem>>) src(%dma_wait3A_123 : memref<1000000x32xf32, #tpu.memory_space<hbm>>) dst(%dma_wait3A_118 : memref<256x32xf32, #tpu.memory_space<vmem>>)
      %dma_wait3A_124 = arith.constant 256 : i32
      %dma_wait3A_125 = arith.constant 0 : i32
      %dma_wait3A_126 = tpu.memref_slice %arg7[%dma_wait3A_124, %dma_wait3A_125] : memref<512x32xf32, #tpu.memory_space<vmem>> -> memref<256x32xf32, #tpu.memory_space<vmem>>
      %dma_wait3A_127 = arith.constant 0 : i32
      %dma_wait3A_128 = tpu.memref_slice %arg6[%dma_wait3A_127] : memref<51200xi32, #tpu.memory_space<vmem>> -> memref<256xi32, #tpu.memory_space<vmem>>
      %dma_wait3A_129 = arith.constant 0 : i32
      %dma_wait3A_130 = arith.constant 0 : i32
      %dma_wait3A_131 = tpu.memref_slice %arg4[%dma_wait3A_129, %dma_wait3A_130] : memref<1000000x32xf32, #tpu.memory_space<hbm>> -> memref<1000000x32xf32, #tpu.memory_space<hbm>>
      tpu.wait_indirect_dma semaphore(%arg15 : memref<!tpu.dma_semaphore, #tpu.memory_space<semaphore_mem>>) src(%dma_wait3A_131 : memref<1000000x32xf32, #tpu.memory_space<hbm>>) dst(%dma_wait3A_126 : memref<256x32xf32, #tpu.memory_space<vmem>>)
      %ge3A = arith.constant 4 : i32
      %ge3A_132 = arith.cmpi sge, %add3A_109, %ge3A : i32
      %convert_element_type3A_133 = arith.extui %ge3A_132 : i1 to i32
      %cond3A_134 = arith.constant 0 : i32
      %cond3A_135 = arith.cmpi ne, %convert_element_type3A_133, %cond3A_134 : i32
      scf.if %cond3A_135 {
        %dma_wait3A_276 = tpu.memref_slice %arg5[%mul3A_2] : memref<819200xf32, #tpu.memory_space<hbm>> -> memref<256xf32, #tpu.memory_space<hbm>>
        %dma_wait3A_277 = tpu.memref_slice %arg5[%mul3A_2] : memref<819200xf32, #tpu.memory_space<hbm>> -> memref<256xf32, #tpu.memory_space<hbm>>
        tpu.wait_dma2 semaphore(%arg19 : memref<!tpu.dma_semaphore, #tpu.memory_space<semaphore_mem>>) src(%arg11 : memref<256xf32, #tpu.memory_space<vmem>>) dst(%dma_wait3A_277 : memref<256xf32, #tpu.memory_space<hbm>>)
      } else {
      }
      %scan3A_136 = arith.constant 0 : i32
      %scan3A_137 = arith.constant 0 : i32
      %scan3A_138 = arith.constant 16 : i32
      %scan3A_139 = arith.addi %scan3A_137, %scan3A_138 : i32
      %scan3A_140 = arith.constant 1 : i32
      scf.for %scan3A_276 = %scan3A_137 to %scan3A_139 step %scan3A_140  : i32 {
        %mul3A_277 = arith.constant 16 : i32
        %mul3A_278 = arith.muli %scan3A_276, %mul3A_277 : i32
        %add3A_279 = arith.constant 0 : i32
        %add3A_280 = arith.addi %mul3A_278, %add3A_279 : i32
        %add3A_281 = arith.constant 256 : i32
        %add3A_282 = arith.addi %add3A_281, %add3A_280 : i32
        %get3A = arith.index_cast %add3A_280 : i32 to index
        %get3A_283 = arith.constant 0 : index
        %get3A_284 = tpu.vector_load %arg7[%get3A, %get3A_283] {strides = array<i32>} : memref<512x32xf32, #tpu.memory_space<vmem>>, vector<16xf32>,
        %get3A_285 = arith.index_cast %add3A_280 : i32 to index
        %get3A_286 = arith.constant 16 : index
        %get3A_287 = tpu.vector_load %arg7[%get3A_285, %get3A_286] {strides = array<i32>} : memref<512x32xf32, #tpu.memory_space<vmem>>, vector<16xf32>,
        %get3A_288 = arith.index_cast %add3A_282 : i32 to index
        %get3A_289 = arith.constant 0 : index
        %get3A_290 = tpu.vector_load %arg7[%get3A_288, %get3A_289] {strides = array<i32>} : memref<512x32xf32, #tpu.memory_space<vmem>>, vector<16xf32>,
        %get3A_291 = arith.index_cast %add3A_282 : i32 to index
        %get3A_292 = arith.constant 16 : index
        %get3A_293 = tpu.vector_load %arg7[%get3A_291, %get3A_292] {strides = array<i32>} : memref<512x32xf32, #tpu.memory_space<vmem>>, vector<16xf32>,
        %sub3A_294 = arith.subf %get3A_284, %get3A_290 : vector<16xf32>
        %max3A = arith.constant 0.000000e+00 : f32
        %max3A_295 = vector.broadcast %max3A : f32 to vector<16xf32>
        %max3A_296 = arith.maximumf %sub3A_294, %max3A_295 : vector<16xf32>
        %sub3A_297 = arith.subf %get3A_287, %get3A_293 : vector<16xf32>
        %max3A_298 = arith.constant 0.000000e+00 : f32
        %max3A_299 = vector.broadcast %max3A_298 : f32 to vector<16xf32>
        %max3A_300 = arith.maximumf %sub3A_297, %max3A_299 : vector<16xf32>
        %add3A_301 = arith.addf %max3A_296, %max3A_300 : vector<16xf32>
        %add3A_302 = arith.constant 1 : i32
        %add3A_303 = arith.addi %mul3A_278, %add3A_302 : i32
        %add3A_304 = arith.constant 256 : i32
        %add3A_305 = arith.addi %add3A_304, %add3A_303 : i32
        %get3A_306 = arith.index_cast %add3A_303 : i32 to index
        %get3A_307 = arith.constant 0 : index
        %get3A_308 = tpu.vector_load %arg7[%get3A_306, %get3A_307] {strides = array<i32>} : memref<512x32xf32, #tpu.memory_space<vmem>>, vector<16xf32>,
        %get3A_309 = arith.index_cast %add3A_303 : i32 to index
        %get3A_310 = arith.constant 16 : index
        %get3A_311 = tpu.vector_load %arg7[%get3A_309, %get3A_310] {strides = array<i32>} : memref<512x32xf32, #tpu.memory_space<vmem>>, vector<16xf32>,
        %get3A_312 = arith.index_cast %add3A_305 : i32 to index
        %get3A_313 = arith.constant 0 : index
        %get3A_314 = tpu.vector_load %arg7[%get3A_312, %get3A_313] {strides = array<i32>} : memref<512x32xf32, #tpu.memory_space<vmem>>, vector<16xf32>,
        %get3A_315 = arith.index_cast %add3A_305 : i32 to index
        %get3A_316 = arith.constant 16 : index
        %get3A_317 = tpu.vector_load %arg7[%get3A_315, %get3A_316] {strides = array<i32>} : memref<512x32xf32, #tpu.memory_space<vmem>>, vector<16xf32>,
        %sub3A_318 = arith.subf %get3A_308, %get3A_314 : vector<16xf32>
        %max3A_319 = arith.constant 0.000000e+00 : f32
        %max3A_320 = vector.broadcast %max3A_319 : f32 to vector<16xf32>
        %max3A_321 = arith.maximumf %sub3A_318, %max3A_320 : vector<16xf32>
        %sub3A_322 = arith.subf %get3A_311, %get3A_317 : vector<16xf32>
        %max3A_323 = arith.constant 0.000000e+00 : f32
        %max3A_324 = vector.broadcast %max3A_323 : f32 to vector<16xf32>
        %max3A_325 = arith.maximumf %sub3A_322, %max3A_324 : vector<16xf32>
        %add3A_326 = arith.addf %max3A_321, %max3A_325 : vector<16xf32>
        %add3A_327 = arith.constant 2 : i32
        %add3A_328 = arith.addi %mul3A_278, %add3A_327 : i32
        %add3A_329 = arith.constant 256 : i32
        %add3A_330 = arith.addi %add3A_329, %add3A_328 : i32
        %get3A_331 = arith.index_cast %add3A_328 : i32 to index
        %get3A_332 = arith.constant 0 : index
        %get3A_333 = tpu.vector_load %arg7[%get3A_331, %get3A_332] {strides = array<i32>} : memref<512x32xf32, #tpu.memory_space<vmem>>, vector<16xf32>,
        %get3A_334 = arith.index_cast %add3A_328 : i32 to index
        %get3A_335 = arith.constant 16 : index
        %get3A_336 = tpu.vector_load %arg7[%get3A_334, %get3A_335] {strides = array<i32>} : memref<512x32xf32, #tpu.memory_space<vmem>>, vector<16xf32>,
        %get3A_337 = arith.index_cast %add3A_330 : i32 to index
        %get3A_338 = arith.constant 0 : index
        %get3A_339 = tpu.vector_load %arg7[%get3A_337, %get3A_338] {strides = array<i32>} : memref<512x32xf32, #tpu.memory_space<vmem>>, vector<16xf32>,
        %get3A_340 = arith.index_cast %add3A_330 : i32 to index
        %get3A_341 = arith.constant 16 : index
        %get3A_342 = tpu.vector_load %arg7[%get3A_340, %get3A_341] {strides = array<i32>} : memref<512x32xf32, #tpu.memory_space<vmem>>, vector<16xf32>,
        %sub3A_343 = arith.subf %get3A_333, %get3A_339 : vector<16xf32>
        %max3A_344 = arith.constant 0.000000e+00 : f32
        %max3A_345 = vector.broadcast %max3A_344 : f32 to vector<16xf32>
        %max3A_346 = arith.maximumf %sub3A_343, %max3A_345 : vector<16xf32>
        %sub3A_347 = arith.subf %get3A_336, %get3A_342 : vector<16xf32>
        %max3A_348 = arith.constant 0.000000e+00 : f32
        %max3A_349 = vector.broadcast %max3A_348 : f32 to vector<16xf32>
        %max3A_350 = arith.maximumf %sub3A_347, %max3A_349 : vector<16xf32>
        %add3A_351 = arith.addf %max3A_346, %max3A_350 : vector<16xf32>
        %add3A_352 = arith.constant 3 : i32
        %add3A_353 = arith.addi %mul3A_278, %add3A_352 : i32
        %add3A_354 = arith.constant 256 : i32
        %add3A_355 = arith.addi %add3A_354, %add3A_353 : i32
        %get3A_356 = arith.index_cast %add3A_353 : i32 to index
        %get3A_357 = arith.constant 0 : index
        %get3A_358 = tpu.vector_load %arg7[%get3A_356, %get3A_357] {strides = array<i32>} : memref<512x32xf32, #tpu.memory_space<vmem>>, vector<16xf32>,
        %get3A_359 = arith.index_cast %add3A_353 : i32 to index
        %get3A_360 = arith.constant 16 : index
        %get3A_361 = tpu.vector_load %arg7[%get3A_359, %get3A_360] {strides = array<i32>} : memref<512x32xf32, #tpu.memory_space<vmem>>, vector<16xf32>,
        %get3A_362 = arith.index_cast %add3A_355 : i32 to index
        %get3A_363 = arith.constant 0 : index
        %get3A_364 = tpu.vector_load %arg7[%get3A_362, %get3A_363] {strides = array<i32>} : memref<512x32xf32, #tpu.memory_space<vmem>>, vector<16xf32>,
        %get3A_365 = arith.index_cast %add3A_355 : i32 to index
        %get3A_366 = arith.constant 16 : index
        %get3A_367 = tpu.vector_load %arg7[%get3A_365, %get3A_366] {strides = array<i32>} : memref<512x32xf32, #tpu.memory_space<vmem>>, vector<16xf32>,
        %sub3A_368 = arith.subf %get3A_358, %get3A_364 : vector<16xf32>
        %max3A_369 = arith.constant 0.000000e+00 : f32
        %max3A_370 = vector.broadcast %max3A_369 : f32 to vector<16xf32>
        %max3A_371 = arith.maximumf %sub3A_368, %max3A_370 : vector<16xf32>
        %sub3A_372 = arith.subf %get3A_361, %get3A_367 : vector<16xf32>
        %max3A_373 = arith.constant 0.000000e+00 : f32
        %max3A_374 = vector.broadcast %max3A_373 : f32 to vector<16xf32>
        %max3A_375 = arith.maximumf %sub3A_372, %max3A_374 : vector<16xf32>
        %add3A_376 = arith.addf %max3A_371, %max3A_375 : vector<16xf32>
        %add3A_377 = arith.constant 4 : i32
        %add3A_378 = arith.addi %mul3A_278, %add3A_377 : i32
        %add3A_379 = arith.constant 256 : i32
        %add3A_380 = arith.addi %add3A_379, %add3A_378 : i32
        %get3A_381 = arith.index_cast %add3A_378 : i32 to index
        %get3A_382 = arith.constant 0 : index
        %get3A_383 = tpu.vector_load %arg7[%get3A_381, %get3A_382] {strides = array<i32>} : memref<512x32xf32, #tpu.memory_space<vmem>>, vector<16xf32>,
        %get3A_384 = arith.index_cast %add3A_378 : i32 to index
        %get3A_385 = arith.constant 16 : index
        %get3A_386 = tpu.vector_load %arg7[%get3A_384, %get3A_385] {strides = array<i32>} : memref<512x32xf32, #tpu.memory_space<vmem>>, vector<16xf32>,
        %get3A_387 = arith.index_cast %add3A_380 : i32 to index
        %get3A_388 = arith.constant 0 : index
        %get3A_389 = tpu.vector_load %arg7[%get3A_387, %get3A_388] {strides = array<i32>} : memref<512x32xf32, #tpu.memory_space<vmem>>, vector<16xf32>,
        %get3A_390 = arith.index_cast %add3A_380 : i32 to index
        %get3A_391 = arith.constant 16 : index
        %get3A_392 = tpu.vector_load %arg7[%get3A_390, %get3A_391] {strides = array<i32>} : memref<512x32xf32, #tpu.memory_space<vmem>>, vector<16xf32>,
        %sub3A_393 = arith.subf %get3A_383, %get3A_389 : vector<16xf32>
        %max3A_394 = arith.constant 0.000000e+00 : f32
        %max3A_395 = vector.broadcast %max3A_394 : f32 to vector<16xf32>
        %max3A_396 = arith.maximumf %sub3A_393, %max3A_395 : vector<16xf32>
        %sub3A_397 = arith.subf %get3A_386, %get3A_392 : vector<16xf32>
        %max3A_398 = arith.constant 0.000000e+00 : f32
        %max3A_399 = vector.broadcast %max3A_398 : f32 to vector<16xf32>
        %max3A_400 = arith.maximumf %sub3A_397, %max3A_399 : vector<16xf32>
        %add3A_401 = arith.addf %max3A_396, %max3A_400 : vector<16xf32>
        %add3A_402 = arith.constant 5 : i32
        %add3A_403 = arith.addi %mul3A_278, %add3A_402 : i32
        %add3A_404 = arith.constant 256 : i32
        %add3A_405 = arith.addi %add3A_404, %add3A_403 : i32
        %get3A_406 = arith.index_cast %add3A_403 : i32 to index
        %get3A_407 = arith.constant 0 : index
        %get3A_408 = tpu.vector_load %arg7[%get3A_406, %get3A_407] {strides = array<i32>} : memref<512x32xf32, #tpu.memory_space<vmem>>, vector<16xf32>,
        %get3A_409 = arith.index_cast %add3A_403 : i32 to index
        %get3A_410 = arith.constant 16 : index
        %get3A_411 = tpu.vector_load %arg7[%get3A_409, %get3A_410] {strides = array<i32>} : memref<512x32xf32, #tpu.memory_space<vmem>>, vector<16xf32>,
        %get3A_412 = arith.index_cast %add3A_405 : i32 to index
        %get3A_413 = arith.constant 0 : index
        %get3A_414 = tpu.vector_load %arg7[%get3A_412, %get3A_413] {strides = array<i32>} : memref<512x32xf32, #tpu.memory_space<vmem>>, vector<16xf32>,
        %get3A_415 = arith.index_cast %add3A_405 : i32 to index
        %get3A_416 = arith.constant 16 : index
        %get3A_417 = tpu.vector_load %arg7[%get3A_415, %get3A_416] {strides = array<i32>} : memref<512x32xf32, #tpu.memory_space<vmem>>, vector<16xf32>,
        %sub3A_418 = arith.subf %get3A_408, %get3A_414 : vector<16xf32>
        %max3A_419 = arith.constant 0.000000e+00 : f32
        %max3A_420 = vector.broadcast %max3A_419 : f32 to vector<16xf32>
        %max3A_421 = arith.maximumf %sub3A_418, %max3A_420 : vector<16xf32>
        %sub3A_422 = arith.subf %get3A_411, %get3A_417 : vector<16xf32>
        %max3A_423 = arith.constant 0.000000e+00 : f32
        %max3A_424 = vector.broadcast %max3A_423 : f32 to vector<16xf32>
        %max3A_425 = arith.maximumf %sub3A_422, %max3A_424 : vector<16xf32>
        %add3A_426 = arith.addf %max3A_421, %max3A_425 : vector<16xf32>
        %add3A_427 = arith.constant 6 : i32
        %add3A_428 = arith.addi %mul3A_278, %add3A_427 : i32
        %add3A_429 = arith.constant 256 : i32
        %add3A_430 = arith.addi %add3A_429, %add3A_428 : i32
        %get3A_431 = arith.index_cast %add3A_428 : i32 to index
        %get3A_432 = arith.constant 0 : index
        %get3A_433 = tpu.vector_load %arg7[%get3A_431, %get3A_432] {strides = array<i32>} : memref<512x32xf32, #tpu.memory_space<vmem>>, vector<16xf32>,
        %get3A_434 = arith.index_cast %add3A_428 : i32 to index
        %get3A_435 = arith.constant 16 : index
        %get3A_436 = tpu.vector_load %arg7[%get3A_434, %get3A_435] {strides = array<i32>} : memref<512x32xf32, #tpu.memory_space<vmem>>, vector<16xf32>,
        %get3A_437 = arith.index_cast %add3A_430 : i32 to index
        %get3A_438 = arith.constant 0 : index
        %get3A_439 = tpu.vector_load %arg7[%get3A_437, %get3A_438] {strides = array<i32>} : memref<512x32xf32, #tpu.memory_space<vmem>>, vector<16xf32>,
        %get3A_440 = arith.index_cast %add3A_430 : i32 to index
        %get3A_441 = arith.constant 16 : index
        %get3A_442 = tpu.vector_load %arg7[%get3A_440, %get3A_441] {strides = array<i32>} : memref<512x32xf32, #tpu.memory_space<vmem>>, vector<16xf32>,
        %sub3A_443 = arith.subf %get3A_433, %get3A_439 : vector<16xf32>
        %max3A_444 = arith.constant 0.000000e+00 : f32
        %max3A_445 = vector.broadcast %max3A_444 : f32 to vector<16xf32>
        %max3A_446 = arith.maximumf %sub3A_443, %max3A_445 : vector<16xf32>
        %sub3A_447 = arith.subf %get3A_436, %get3A_442 : vector<16xf32>
        %max3A_448 = arith.constant 0.000000e+00 : f32
        %max3A_449 = vector.broadcast %max3A_448 : f32 to vector<16xf32>
        %max3A_450 = arith.maximumf %sub3A_447, %max3A_449 : vector<16xf32>
        %add3A_451 = arith.addf %max3A_446, %max3A_450 : vector<16xf32>
        %add3A_452 = arith.constant 7 : i32
        %add3A_453 = arith.addi %mul3A_278, %add3A_452 : i32
        %add3A_454 = arith.constant 256 : i32
        %add3A_455 = arith.addi %add3A_454, %add3A_453 : i32
        %get3A_456 = arith.index_cast %add3A_453 : i32 to index
        %get3A_457 = arith.constant 0 : index
        %get3A_458 = tpu.vector_load %arg7[%get3A_456, %get3A_457] {strides = array<i32>} : memref<512x32xf32, #tpu.memory_space<vmem>>, vector<16xf32>,
        %get3A_459 = arith.index_cast %add3A_453 : i32 to index
        %get3A_460 = arith.constant 16 : index
        %get3A_461 = tpu.vector_load %arg7[%get3A_459, %get3A_460] {strides = array<i32>} : memref<512x32xf32, #tpu.memory_space<vmem>>, vector<16xf32>,
        %get3A_462 = arith.index_cast %add3A_455 : i32 to index
        %get3A_463 = arith.constant 0 : index
        %get3A_464 = tpu.vector_load %arg7[%get3A_462, %get3A_463] {strides = array<i32>} : memref<512x32xf32, #tpu.memory_space<vmem>>, vector<16xf32>,
        %get3A_465 = arith.index_cast %add3A_455 : i32 to index
        %get3A_466 = arith.constant 16 : index
        %get3A_467 = tpu.vector_load %arg7[%get3A_465, %get3A_466] {strides = array<i32>} : memref<512x32xf32, #tpu.memory_space<vmem>>, vector<16xf32>,
        %sub3A_468 = arith.subf %get3A_458, %get3A_464 : vector<16xf32>
        %max3A_469 = arith.constant 0.000000e+00 : f32
        %max3A_470 = vector.broadcast %max3A_469 : f32 to vector<16xf32>
        %max3A_471 = arith.maximumf %sub3A_468, %max3A_470 : vector<16xf32>
        %sub3A_472 = arith.subf %get3A_461, %get3A_467 : vector<16xf32>
        %max3A_473 = arith.constant 0.000000e+00 : f32
        %max3A_474 = vector.broadcast %max3A_473 : f32 to vector<16xf32>
        %max3A_475 = arith.maximumf %sub3A_472, %max3A_474 : vector<16xf32>
        %add3A_476 = arith.addf %max3A_471, %max3A_475 : vector<16xf32>
        %add3A_477 = arith.constant 8 : i32
        %add3A_478 = arith.addi %mul3A_278, %add3A_477 : i32
        %add3A_479 = arith.constant 256 : i32
        %add3A_480 = arith.addi %add3A_479, %add3A_478 : i32
        %get3A_481 = arith.index_cast %add3A_478 : i32 to index
        %get3A_482 = arith.constant 0 : index
        %get3A_483 = tpu.vector_load %arg7[%get3A_481, %get3A_482] {strides = array<i32>} : memref<512x32xf32, #tpu.memory_space<vmem>>, vector<16xf32>,
        %get3A_484 = arith.index_cast %add3A_478 : i32 to index
        %get3A_485 = arith.constant 16 : index
        %get3A_486 = tpu.vector_load %arg7[%get3A_484, %get3A_485] {strides = array<i32>} : memref<512x32xf32, #tpu.memory_space<vmem>>, vector<16xf32>,
        %get3A_487 = arith.index_cast %add3A_480 : i32 to index
        %get3A_488 = arith.constant 0 : index
        %get3A_489 = tpu.vector_load %arg7[%get3A_487, %get3A_488] {strides = array<i32>} : memref<512x32xf32, #tpu.memory_space<vmem>>, vector<16xf32>,
        %get3A_490 = arith.index_cast %add3A_480 : i32 to index
        %get3A_491 = arith.constant 16 : index
        %get3A_492 = tpu.vector_load %arg7[%get3A_490, %get3A_491] {strides = array<i32>} : memref<512x32xf32, #tpu.memory_space<vmem>>, vector<16xf32>,
        %sub3A_493 = arith.subf %get3A_483, %get3A_489 : vector<16xf32>
        %max3A_494 = arith.constant 0.000000e+00 : f32
        %max3A_495 = vector.broadcast %max3A_494 : f32 to vector<16xf32>
        %max3A_496 = arith.maximumf %sub3A_493, %max3A_495 : vector<16xf32>
        %sub3A_497 = arith.subf %get3A_486, %get3A_492 : vector<16xf32>
        %max3A_498 = arith.constant 0.000000e+00 : f32
        %max3A_499 = vector.broadcast %max3A_498 : f32 to vector<16xf32>
        %max3A_500 = arith.maximumf %sub3A_497, %max3A_499 : vector<16xf32>
        %add3A_501 = arith.addf %max3A_496, %max3A_500 : vector<16xf32>
        %add3A_502 = arith.constant 9 : i32
        %add3A_503 = arith.addi %mul3A_278, %add3A_502 : i32
        %add3A_504 = arith.constant 256 : i32
        %add3A_505 = arith.addi %add3A_504, %add3A_503 : i32
        %get3A_506 = arith.index_cast %add3A_503 : i32 to index
        %get3A_507 = arith.constant 0 : index
        %get3A_508 = tpu.vector_load %arg7[%get3A_506, %get3A_507] {strides = array<i32>} : memref<512x32xf32, #tpu.memory_space<vmem>>, vector<16xf32>,
        %get3A_509 = arith.index_cast %add3A_503 : i32 to index
        %get3A_510 = arith.constant 16 : index
        %get3A_511 = tpu.vector_load %arg7[%get3A_509, %get3A_510] {strides = array<i32>} : memref<512x32xf32, #tpu.memory_space<vmem>>, vector<16xf32>,
        %get3A_512 = arith.index_cast %add3A_505 : i32 to index
        %get3A_513 = arith.constant 0 : index
        %get3A_514 = tpu.vector_load %arg7[%get3A_512, %get3A_513] {strides = array<i32>} : memref<512x32xf32, #tpu.memory_space<vmem>>, vector<16xf32>,
        %get3A_515 = arith.index_cast %add3A_505 : i32 to index
        %get3A_516 = arith.constant 16 : index
        %get3A_517 = tpu.vector_load %arg7[%get3A_515, %get3A_516] {strides = array<i32>} : memref<512x32xf32, #tpu.memory_space<vmem>>, vector<16xf32>,
        %sub3A_518 = arith.subf %get3A_508, %get3A_514 : vector<16xf32>
        %max3A_519 = arith.constant 0.000000e+00 : f32
        %max3A_520 = vector.broadcast %max3A_519 : f32 to vector<16xf32>
        %max3A_521 = arith.maximumf %sub3A_518, %max3A_520 : vector<16xf32>
        %sub3A_522 = arith.subf %get3A_511, %get3A_517 : vector<16xf32>
        %max3A_523 = arith.constant 0.000000e+00 : f32
        %max3A_524 = vector.broadcast %max3A_523 : f32 to vector<16xf32>
        %max3A_525 = arith.maximumf %sub3A_522, %max3A_524 : vector<16xf32>
        %add3A_526 = arith.addf %max3A_521, %max3A_525 : vector<16xf32>
        %add3A_527 = arith.constant 10 : i32
        %add3A_528 = arith.addi %mul3A_278, %add3A_527 : i32
        %add3A_529 = arith.constant 256 : i32
        %add3A_530 = arith.addi %add3A_529, %add3A_528 : i32
        %get3A_531 = arith.index_cast %add3A_528 : i32 to index
        %get3A_532 = arith.constant 0 : index
        %get3A_533 = tpu.vector_load %arg7[%get3A_531, %get3A_532] {strides = array<i32>} : memref<512x32xf32, #tpu.memory_space<vmem>>, vector<16xf32>,
        %get3A_534 = arith.index_cast %add3A_528 : i32 to index
        %get3A_535 = arith.constant 16 : index
        %get3A_536 = tpu.vector_load %arg7[%get3A_534, %get3A_535] {strides = array<i32>} : memref<512x32xf32, #tpu.memory_space<vmem>>, vector<16xf32>,
        %get3A_537 = arith.index_cast %add3A_530 : i32 to index
        %get3A_538 = arith.constant 0 : index
        %get3A_539 = tpu.vector_load %arg7[%get3A_537, %get3A_538] {strides = array<i32>} : memref<512x32xf32, #tpu.memory_space<vmem>>, vector<16xf32>,
        %get3A_540 = arith.index_cast %add3A_530 : i32 to index
        %get3A_541 = arith.constant 16 : index
        %get3A_542 = tpu.vector_load %arg7[%get3A_540, %get3A_541] {strides = array<i32>} : memref<512x32xf32, #tpu.memory_space<vmem>>, vector<16xf32>,
        %sub3A_543 = arith.subf %get3A_533, %get3A_539 : vector<16xf32>
        %max3A_544 = arith.constant 0.000000e+00 : f32
        %max3A_545 = vector.broadcast %max3A_544 : f32 to vector<16xf32>
        %max3A_546 = arith.maximumf %sub3A_543, %max3A_545 : vector<16xf32>
        %sub3A_547 = arith.subf %get3A_536, %get3A_542 : vector<16xf32>
        %max3A_548 = arith.constant 0.000000e+00 : f32
        %max3A_549 = vector.broadcast %max3A_548 : f32 to vector<16xf32>
        %max3A_550 = arith.maximumf %sub3A_547, %max3A_549 : vector<16xf32>
        %add3A_551 = arith.addf %max3A_546, %max3A_550 : vector<16xf32>
        %add3A_552 = arith.constant 11 : i32
        %add3A_553 = arith.addi %mul3A_278, %add3A_552 : i32
        %add3A_554 = arith.constant 256 : i32
        %add3A_555 = arith.addi %add3A_554, %add3A_553 : i32
        %get3A_556 = arith.index_cast %add3A_553 : i32 to index
        %get3A_557 = arith.constant 0 : index
        %get3A_558 = tpu.vector_load %arg7[%get3A_556, %get3A_557] {strides = array<i32>} : memref<512x32xf32, #tpu.memory_space<vmem>>, vector<16xf32>,
        %get3A_559 = arith.index_cast %add3A_553 : i32 to index
        %get3A_560 = arith.constant 16 : index
        %get3A_561 = tpu.vector_load %arg7[%get3A_559, %get3A_560] {strides = array<i32>} : memref<512x32xf32, #tpu.memory_space<vmem>>, vector<16xf32>,
        %get3A_562 = arith.index_cast %add3A_555 : i32 to index
        %get3A_563 = arith.constant 0 : index
        %get3A_564 = tpu.vector_load %arg7[%get3A_562, %get3A_563] {strides = array<i32>} : memref<512x32xf32, #tpu.memory_space<vmem>>, vector<16xf32>,
        %get3A_565 = arith.index_cast %add3A_555 : i32 to index
        %get3A_566 = arith.constant 16 : index
        %get3A_567 = tpu.vector_load %arg7[%get3A_565, %get3A_566] {strides = array<i32>} : memref<512x32xf32, #tpu.memory_space<vmem>>, vector<16xf32>,
        %sub3A_568 = arith.subf %get3A_558, %get3A_564 : vector<16xf32>
        %max3A_569 = arith.constant 0.000000e+00 : f32
        %max3A_570 = vector.broadcast %max3A_569 : f32 to vector<16xf32>
        %max3A_571 = arith.maximumf %sub3A_568, %max3A_570 : vector<16xf32>
        %sub3A_572 = arith.subf %get3A_561, %get3A_567 : vector<16xf32>
        %max3A_573 = arith.constant 0.000000e+00 : f32
        %max3A_574 = vector.broadcast %max3A_573 : f32 to vector<16xf32>
        %max3A_575 = arith.maximumf %sub3A_572, %max3A_574 : vector<16xf32>
        %add3A_576 = arith.addf %max3A_571, %max3A_575 : vector<16xf32>
        %add3A_577 = arith.constant 12 : i32
        %add3A_578 = arith.addi %mul3A_278, %add3A_577 : i32
        %add3A_579 = arith.constant 256 : i32
        %add3A_580 = arith.addi %add3A_579, %add3A_578 : i32
        %get3A_581 = arith.index_cast %add3A_578 : i32 to index
        %get3A_582 = arith.constant 0 : index
        %get3A_583 = tpu.vector_load %arg7[%get3A_581, %get3A_582] {strides = array<i32>} : memref<512x32xf32, #tpu.memory_space<vmem>>, vector<16xf32>,
        %get3A_584 = arith.index_cast %add3A_578 : i32 to index
        %get3A_585 = arith.constant 16 : index
        %get3A_586 = tpu.vector_load %arg7[%get3A_584, %get3A_585] {strides = array<i32>} : memref<512x32xf32, #tpu.memory_space<vmem>>, vector<16xf32>,
        %get3A_587 = arith.index_cast %add3A_580 : i32 to index
        %get3A_588 = arith.constant 0 : index
        %get3A_589 = tpu.vector_load %arg7[%get3A_587, %get3A_588] {strides = array<i32>} : memref<512x32xf32, #tpu.memory_space<vmem>>, vector<16xf32>,
        %get3A_590 = arith.index_cast %add3A_580 : i32 to index
        %get3A_591 = arith.constant 16 : index
        %get3A_592 = tpu.vector_load %arg7[%get3A_590, %get3A_591] {strides = array<i32>} : memref<512x32xf32, #tpu.memory_space<vmem>>, vector<16xf32>,
        %sub3A_593 = arith.subf %get3A_583, %get3A_589 : vector<16xf32>
        %max3A_594 = arith.constant 0.000000e+00 : f32
        %max3A_595 = vector.broadcast %max3A_594 : f32 to vector<16xf32>
        %max3A_596 = arith.maximumf %sub3A_593, %max3A_595 : vector<16xf32>
        %sub3A_597 = arith.subf %get3A_586, %get3A_592 : vector<16xf32>
        %max3A_598 = arith.constant 0.000000e+00 : f32
        %max3A_599 = vector.broadcast %max3A_598 : f32 to vector<16xf32>
        %max3A_600 = arith.maximumf %sub3A_597, %max3A_599 : vector<16xf32>
        %add3A_601 = arith.addf %max3A_596, %max3A_600 : vector<16xf32>
        %add3A_602 = arith.constant 13 : i32
        %add3A_603 = arith.addi %mul3A_278, %add3A_602 : i32
        %add3A_604 = arith.constant 256 : i32
        %add3A_605 = arith.addi %add3A_604, %add3A_603 : i32
        %get3A_606 = arith.index_cast %add3A_603 : i32 to index
        %get3A_607 = arith.constant 0 : index
        %get3A_608 = tpu.vector_load %arg7[%get3A_606, %get3A_607] {strides = array<i32>} : memref<512x32xf32, #tpu.memory_space<vmem>>, vector<16xf32>,
        %get3A_609 = arith.index_cast %add3A_603 : i32 to index
        %get3A_610 = arith.constant 16 : index
        %get3A_611 = tpu.vector_load %arg7[%get3A_609, %get3A_610] {strides = array<i32>} : memref<512x32xf32, #tpu.memory_space<vmem>>, vector<16xf32>,
        %get3A_612 = arith.index_cast %add3A_605 : i32 to index
        %get3A_613 = arith.constant 0 : index
        %get3A_614 = tpu.vector_load %arg7[%get3A_612, %get3A_613] {strides = array<i32>} : memref<512x32xf32, #tpu.memory_space<vmem>>, vector<16xf32>,
        %get3A_615 = arith.index_cast %add3A_605 : i32 to index
        %get3A_616 = arith.constant 16 : index
        %get3A_617 = tpu.vector_load %arg7[%get3A_615, %get3A_616] {strides = array<i32>} : memref<512x32xf32, #tpu.memory_space<vmem>>, vector<16xf32>,
        %sub3A_618 = arith.subf %get3A_608, %get3A_614 : vector<16xf32>
        %max3A_619 = arith.constant 0.000000e+00 : f32
        %max3A_620 = vector.broadcast %max3A_619 : f32 to vector<16xf32>
        %max3A_621 = arith.maximumf %sub3A_618, %max3A_620 : vector<16xf32>
        %sub3A_622 = arith.subf %get3A_611, %get3A_617 : vector<16xf32>
        %max3A_623 = arith.constant 0.000000e+00 : f32
        %max3A_624 = vector.broadcast %max3A_623 : f32 to vector<16xf32>
        %max3A_625 = arith.maximumf %sub3A_622, %max3A_624 : vector<16xf32>
        %add3A_626 = arith.addf %max3A_621, %max3A_625 : vector<16xf32>
        %add3A_627 = arith.constant 14 : i32
        %add3A_628 = arith.addi %mul3A_278, %add3A_627 : i32
        %add3A_629 = arith.constant 256 : i32
        %add3A_630 = arith.addi %add3A_629, %add3A_628 : i32
        %get3A_631 = arith.index_cast %add3A_628 : i32 to index
        %get3A_632 = arith.constant 0 : index
        %get3A_633 = tpu.vector_load %arg7[%get3A_631, %get3A_632] {strides = array<i32>} : memref<512x32xf32, #tpu.memory_space<vmem>>, vector<16xf32>,
        %get3A_634 = arith.index_cast %add3A_628 : i32 to index
        %get3A_635 = arith.constant 16 : index
        %get3A_636 = tpu.vector_load %arg7[%get3A_634, %get3A_635] {strides = array<i32>} : memref<512x32xf32, #tpu.memory_space<vmem>>, vector<16xf32>,
        %get3A_637 = arith.index_cast %add3A_630 : i32 to index
        %get3A_638 = arith.constant 0 : index
        %get3A_639 = tpu.vector_load %arg7[%get3A_637, %get3A_638] {strides = array<i32>} : memref<512x32xf32, #tpu.memory_space<vmem>>, vector<16xf32>,
        %get3A_640 = arith.index_cast %add3A_630 : i32 to index
        %get3A_641 = arith.constant 16 : index
        %get3A_642 = tpu.vector_load %arg7[%get3A_640, %get3A_641] {strides = array<i32>} : memref<512x32xf32, #tpu.memory_space<vmem>>, vector<16xf32>,
        %sub3A_643 = arith.subf %get3A_633, %get3A_639 : vector<16xf32>
        %max3A_644 = arith.constant 0.000000e+00 : f32
        %max3A_645 = vector.broadcast %max3A_644 : f32 to vector<16xf32>
        %max3A_646 = arith.maximumf %sub3A_643, %max3A_645 : vector<16xf32>
        %sub3A_647 = arith.subf %get3A_636, %get3A_642 : vector<16xf32>
        %max3A_648 = arith.constant 0.000000e+00 : f32
        %max3A_649 = vector.broadcast %max3A_648 : f32 to vector<16xf32>
        %max3A_650 = arith.maximumf %sub3A_647, %max3A_649 : vector<16xf32>
        %add3A_651 = arith.addf %max3A_646, %max3A_650 : vector<16xf32>
        %add3A_652 = arith.constant 15 : i32
        %add3A_653 = arith.addi %mul3A_278, %add3A_652 : i32
        %add3A_654 = arith.constant 256 : i32
        %add3A_655 = arith.addi %add3A_654, %add3A_653 : i32
        %get3A_656 = arith.index_cast %add3A_653 : i32 to index
        %get3A_657 = arith.constant 0 : index
        %get3A_658 = tpu.vector_load %arg7[%get3A_656, %get3A_657] {strides = array<i32>} : memref<512x32xf32, #tpu.memory_space<vmem>>, vector<16xf32>,
        %get3A_659 = arith.index_cast %add3A_653 : i32 to index
        %get3A_660 = arith.constant 16 : index
        %get3A_661 = tpu.vector_load %arg7[%get3A_659, %get3A_660] {strides = array<i32>} : memref<512x32xf32, #tpu.memory_space<vmem>>, vector<16xf32>,
        %get3A_662 = arith.index_cast %add3A_655 : i32 to index
        %get3A_663 = arith.constant 0 : index
        %get3A_664 = tpu.vector_load %arg7[%get3A_662, %get3A_663] {strides = array<i32>} : memref<512x32xf32, #tpu.memory_space<vmem>>, vector<16xf32>,
        %get3A_665 = arith.index_cast %add3A_655 : i32 to index
        %get3A_666 = arith.constant 16 : index
        %get3A_667 = tpu.vector_load %arg7[%get3A_665, %get3A_666] {strides = array<i32>} : memref<512x32xf32, #tpu.memory_space<vmem>>, vector<16xf32>,
        %sub3A_668 = arith.subf %get3A_658, %get3A_664 : vector<16xf32>
        %max3A_669 = arith.constant 0.000000e+00 : f32
        %max3A_670 = vector.broadcast %max3A_669 : f32 to vector<16xf32>
        %max3A_671 = arith.maximumf %sub3A_668, %max3A_670 : vector<16xf32>
        %sub3A_672 = arith.subf %get3A_661, %get3A_667 : vector<16xf32>
        %max3A_673 = arith.constant 0.000000e+00 : f32
        %max3A_674 = vector.broadcast %max3A_673 : f32 to vector<16xf32>
        %max3A_675 = arith.maximumf %sub3A_672, %max3A_674 : vector<16xf32>
        %add3A_676 = arith.addf %max3A_671, %max3A_675 : vector<16xf32>
        %add3A_677 = arith.constant 8 : i32
        %add3A_678 = vector.broadcast %add3A_677 : i32 to vector<16xi32>
        %add3A_679 = arith.addi %iota3A, %add3A_678 : vector<16xi32>
        %and3A_680 = arith.constant 15 : i32
        %and3A_681 = vector.broadcast %and3A_680 : i32 to vector<16xi32>
        %and3A_682 = arith.andi %add3A_679, %and3A_681 : vector<16xi32>
        %broadcast_in_dim3A = vector.shape_cast %and3A_682 : vector<16xi32> to vector<16x1xi32>
        %gather3A = vector.shape_cast %broadcast_in_dim3A : vector<16x1xi32> to vector<16xi32>
        %gather3A_683 = tpu.dynamic_gather %add3A_301[%gather3A] in [0] : vector<16xf32>, vector<16xi32> -> vector<16xf32>
        %add3A_684 = arith.addf %add3A_301, %gather3A_683 : vector<16xf32>
        %add3A_685 = arith.constant 8 : i32
        %add3A_686 = vector.broadcast %add3A_685 : i32 to vector<16xi32>
        %add3A_687 = arith.addi %iota3A, %add3A_686 : vector<16xi32>
        %and3A_688 = arith.constant 15 : i32
        %and3A_689 = vector.broadcast %and3A_688 : i32 to vector<16xi32>
        %and3A_690 = arith.andi %add3A_687, %and3A_689 : vector<16xi32>
        %broadcast_in_dim3A_691 = vector.shape_cast %and3A_690 : vector<16xi32> to vector<16x1xi32>
        %gather3A_692 = vector.shape_cast %broadcast_in_dim3A_691 : vector<16x1xi32> to vector<16xi32>
        %gather3A_693 = tpu.dynamic_gather %add3A_326[%gather3A_692] in [0] : vector<16xf32>, vector<16xi32> -> vector<16xf32>
        %add3A_694 = arith.addf %add3A_326, %gather3A_693 : vector<16xf32>
        %add3A_695 = arith.constant 8 : i32
        %add3A_696 = vector.broadcast %add3A_695 : i32 to vector<16xi32>
        %add3A_697 = arith.addi %iota3A, %add3A_696 : vector<16xi32>
        %and3A_698 = arith.constant 15 : i32
        %and3A_699 = vector.broadcast %and3A_698 : i32 to vector<16xi32>
        %and3A_700 = arith.andi %add3A_697, %and3A_699 : vector<16xi32>
        %broadcast_in_dim3A_701 = vector.shape_cast %and3A_700 : vector<16xi32> to vector<16x1xi32>
        %gather3A_702 = vector.shape_cast %broadcast_in_dim3A_701 : vector<16x1xi32> to vector<16xi32>
        %gather3A_703 = tpu.dynamic_gather %add3A_351[%gather3A_702] in [0] : vector<16xf32>, vector<16xi32> -> vector<16xf32>
        %add3A_704 = arith.addf %add3A_351, %gather3A_703 : vector<16xf32>
        %add3A_705 = arith.constant 8 : i32
        %add3A_706 = vector.broadcast %add3A_705 : i32 to vector<16xi32>
        %add3A_707 = arith.addi %iota3A, %add3A_706 : vector<16xi32>
        %and3A_708 = arith.constant 15 : i32
        %and3A_709 = vector.broadcast %and3A_708 : i32 to vector<16xi32>
        %and3A_710 = arith.andi %add3A_707, %and3A_709 : vector<16xi32>
        %broadcast_in_dim3A_711 = vector.shape_cast %and3A_710 : vector<16xi32> to vector<16x1xi32>
        %gather3A_712 = vector.shape_cast %broadcast_in_dim3A_711 : vector<16x1xi32> to vector<16xi32>
        %gather3A_713 = tpu.dynamic_gather %add3A_376[%gather3A_712] in [0] : vector<16xf32>, vector<16xi32> -> vector<16xf32>
        %add3A_714 = arith.addf %add3A_376, %gather3A_713 : vector<16xf32>
        %add3A_715 = arith.constant 8 : i32
        %add3A_716 = vector.broadcast %add3A_715 : i32 to vector<16xi32>
        %add3A_717 = arith.addi %iota3A, %add3A_716 : vector<16xi32>
        %and3A_718 = arith.constant 15 : i32
        %and3A_719 = vector.broadcast %and3A_718 : i32 to vector<16xi32>
        %and3A_720 = arith.andi %add3A_717, %and3A_719 : vector<16xi32>
        %broadcast_in_dim3A_721 = vector.shape_cast %and3A_720 : vector<16xi32> to vector<16x1xi32>
        %gather3A_722 = vector.shape_cast %broadcast_in_dim3A_721 : vector<16x1xi32> to vector<16xi32>
        %gather3A_723 = tpu.dynamic_gather %add3A_401[%gather3A_722] in [0] : vector<16xf32>, vector<16xi32> -> vector<16xf32>
        %add3A_724 = arith.addf %add3A_401, %gather3A_723 : vector<16xf32>
        %add3A_725 = arith.constant 8 : i32
        %add3A_726 = vector.broadcast %add3A_725 : i32 to vector<16xi32>
        %add3A_727 = arith.addi %iota3A, %add3A_726 : vector<16xi32>
        %and3A_728 = arith.constant 15 : i32
        %and3A_729 = vector.broadcast %and3A_728 : i32 to vector<16xi32>
        %and3A_730 = arith.andi %add3A_727, %and3A_729 : vector<16xi32>
        %broadcast_in_dim3A_731 = vector.shape_cast %and3A_730 : vector<16xi32> to vector<16x1xi32>
        %gather3A_732 = vector.shape_cast %broadcast_in_dim3A_731 : vector<16x1xi32> to vector<16xi32>
        %gather3A_733 = tpu.dynamic_gather %add3A_426[%gather3A_732] in [0] : vector<16xf32>, vector<16xi32> -> vector<16xf32>
        %add3A_734 = arith.addf %add3A_426, %gather3A_733 : vector<16xf32>
        %add3A_735 = arith.constant 8 : i32
        %add3A_736 = vector.broadcast %add3A_735 : i32 to vector<16xi32>
        %add3A_737 = arith.addi %iota3A, %add3A_736 : vector<16xi32>
        %and3A_738 = arith.constant 15 : i32
        %and3A_739 = vector.broadcast %and3A_738 : i32 to vector<16xi32>
        %and3A_740 = arith.andi %add3A_737, %and3A_739 : vector<16xi32>
        %broadcast_in_dim3A_741 = vector.shape_cast %and3A_740 : vector<16xi32> to vector<16x1xi32>
        %gather3A_742 = vector.shape_cast %broadcast_in_dim3A_741 : vector<16x1xi32> to vector<16xi32>
        %gather3A_743 = tpu.dynamic_gather %add3A_451[%gather3A_742] in [0] : vector<16xf32>, vector<16xi32> -> vector<16xf32>
        %add3A_744 = arith.addf %add3A_451, %gather3A_743 : vector<16xf32>
        %add3A_745 = arith.constant 8 : i32
        %add3A_746 = vector.broadcast %add3A_745 : i32 to vector<16xi32>
        %add3A_747 = arith.addi %iota3A, %add3A_746 : vector<16xi32>
        %and3A_748 = arith.constant 15 : i32
        %and3A_749 = vector.broadcast %and3A_748 : i32 to vector<16xi32>
        %and3A_750 = arith.andi %add3A_747, %and3A_749 : vector<16xi32>
        %broadcast_in_dim3A_751 = vector.shape_cast %and3A_750 : vector<16xi32> to vector<16x1xi32>
        %gather3A_752 = vector.shape_cast %broadcast_in_dim3A_751 : vector<16x1xi32> to vector<16xi32>
        %gather3A_753 = tpu.dynamic_gather %add3A_476[%gather3A_752] in [0] : vector<16xf32>, vector<16xi32> -> vector<16xf32>
        %add3A_754 = arith.addf %add3A_476, %gather3A_753 : vector<16xf32>
        %add3A_755 = arith.constant 8 : i32
        %add3A_756 = vector.broadcast %add3A_755 : i32 to vector<16xi32>
        %add3A_757 = arith.addi %iota3A, %add3A_756 : vector<16xi32>
        %and3A_758 = arith.constant 15 : i32
        %and3A_759 = vector.broadcast %and3A_758 : i32 to vector<16xi32>
        %and3A_760 = arith.andi %add3A_757, %and3A_759 : vector<16xi32>
        %broadcast_in_dim3A_761 = vector.shape_cast %and3A_760 : vector<16xi32> to vector<16x1xi32>
        %gather3A_762 = vector.shape_cast %broadcast_in_dim3A_761 : vector<16x1xi32> to vector<16xi32>
        %gather3A_763 = tpu.dynamic_gather %add3A_501[%gather3A_762] in [0] : vector<16xf32>, vector<16xi32> -> vector<16xf32>
        %add3A_764 = arith.addf %add3A_501, %gather3A_763 : vector<16xf32>
        %add3A_765 = arith.constant 8 : i32
        %add3A_766 = vector.broadcast %add3A_765 : i32 to vector<16xi32>
        %add3A_767 = arith.addi %iota3A, %add3A_766 : vector<16xi32>
        %and3A_768 = arith.constant 15 : i32
        %and3A_769 = vector.broadcast %and3A_768 : i32 to vector<16xi32>
        %and3A_770 = arith.andi %add3A_767, %and3A_769 : vector<16xi32>
        %broadcast_in_dim3A_771 = vector.shape_cast %and3A_770 : vector<16xi32> to vector<16x1xi32>
        %gather3A_772 = vector.shape_cast %broadcast_in_dim3A_771 : vector<16x1xi32> to vector<16xi32>
        %gather3A_773 = tpu.dynamic_gather %add3A_526[%gather3A_772] in [0] : vector<16xf32>, vector<16xi32> -> vector<16xf32>
        %add3A_774 = arith.addf %add3A_526, %gather3A_773 : vector<16xf32>
        %add3A_775 = arith.constant 8 : i32
        %add3A_776 = vector.broadcast %add3A_775 : i32 to vector<16xi32>
        %add3A_777 = arith.addi %iota3A, %add3A_776 : vector<16xi32>
        %and3A_778 = arith.constant 15 : i32
        %and3A_779 = vector.broadcast %and3A_778 : i32 to vector<16xi32>
        %and3A_780 = arith.andi %add3A_777, %and3A_779 : vector<16xi32>
        %broadcast_in_dim3A_781 = vector.shape_cast %and3A_780 : vector<16xi32> to vector<16x1xi32>
        %gather3A_782 = vector.shape_cast %broadcast_in_dim3A_781 : vector<16x1xi32> to vector<16xi32>
        %gather3A_783 = tpu.dynamic_gather %add3A_551[%gather3A_782] in [0] : vector<16xf32>, vector<16xi32> -> vector<16xf32>
        %add3A_784 = arith.addf %add3A_551, %gather3A_783 : vector<16xf32>
        %add3A_785 = arith.constant 8 : i32
        %add3A_786 = vector.broadcast %add3A_785 : i32 to vector<16xi32>
        %add3A_787 = arith.addi %iota3A, %add3A_786 : vector<16xi32>
        %and3A_788 = arith.constant 15 : i32
        %and3A_789 = vector.broadcast %and3A_788 : i32 to vector<16xi32>
        %and3A_790 = arith.andi %add3A_787, %and3A_789 : vector<16xi32>
        %broadcast_in_dim3A_791 = vector.shape_cast %and3A_790 : vector<16xi32> to vector<16x1xi32>
        %gather3A_792 = vector.shape_cast %broadcast_in_dim3A_791 : vector<16x1xi32> to vector<16xi32>
        %gather3A_793 = tpu.dynamic_gather %add3A_576[%gather3A_792] in [0] : vector<16xf32>, vector<16xi32> -> vector<16xf32>
        %add3A_794 = arith.addf %add3A_576, %gather3A_793 : vector<16xf32>
        %add3A_795 = arith.constant 8 : i32
        %add3A_796 = vector.broadcast %add3A_795 : i32 to vector<16xi32>
        %add3A_797 = arith.addi %iota3A, %add3A_796 : vector<16xi32>
        %and3A_798 = arith.constant 15 : i32
        %and3A_799 = vector.broadcast %and3A_798 : i32 to vector<16xi32>
        %and3A_800 = arith.andi %add3A_797, %and3A_799 : vector<16xi32>
        %broadcast_in_dim3A_801 = vector.shape_cast %and3A_800 : vector<16xi32> to vector<16x1xi32>
        %gather3A_802 = vector.shape_cast %broadcast_in_dim3A_801 : vector<16x1xi32> to vector<16xi32>
        %gather3A_803 = tpu.dynamic_gather %add3A_601[%gather3A_802] in [0] : vector<16xf32>, vector<16xi32> -> vector<16xf32>
        %add3A_804 = arith.addf %add3A_601, %gather3A_803 : vector<16xf32>
        %add3A_805 = arith.constant 8 : i32
        %add3A_806 = vector.broadcast %add3A_805 : i32 to vector<16xi32>
        %add3A_807 = arith.addi %iota3A, %add3A_806 : vector<16xi32>
        %and3A_808 = arith.constant 15 : i32
        %and3A_809 = vector.broadcast %and3A_808 : i32 to vector<16xi32>
        %and3A_810 = arith.andi %add3A_807, %and3A_809 : vector<16xi32>
        %broadcast_in_dim3A_811 = vector.shape_cast %and3A_810 : vector<16xi32> to vector<16x1xi32>
        %gather3A_812 = vector.shape_cast %broadcast_in_dim3A_811 : vector<16x1xi32> to vector<16xi32>
        %gather3A_813 = tpu.dynamic_gather %add3A_626[%gather3A_812] in [0] : vector<16xf32>, vector<16xi32> -> vector<16xf32>
        %add3A_814 = arith.addf %add3A_626, %gather3A_813 : vector<16xf32>
        %add3A_815 = arith.constant 8 : i32
        %add3A_816 = vector.broadcast %add3A_815 : i32 to vector<16xi32>
        %add3A_817 = arith.addi %iota3A, %add3A_816 : vector<16xi32>
        %and3A_818 = arith.constant 15 : i32
        %and3A_819 = vector.broadcast %and3A_818 : i32 to vector<16xi32>
        %and3A_820 = arith.andi %add3A_817, %and3A_819 : vector<16xi32>
        %broadcast_in_dim3A_821 = vector.shape_cast %and3A_820 : vector<16xi32> to vector<16x1xi32>
        %gather3A_822 = vector.shape_cast %broadcast_in_dim3A_821 : vector<16x1xi32> to vector<16xi32>
        %gather3A_823 = tpu.dynamic_gather %add3A_651[%gather3A_822] in [0] : vector<16xf32>, vector<16xi32> -> vector<16xf32>
        %add3A_824 = arith.addf %add3A_651, %gather3A_823 : vector<16xf32>
        %add3A_825 = arith.constant 8 : i32
        %add3A_826 = vector.broadcast %add3A_825 : i32 to vector<16xi32>
        %add3A_827 = arith.addi %iota3A, %add3A_826 : vector<16xi32>
        %and3A_828 = arith.constant 15 : i32
        %and3A_829 = vector.broadcast %and3A_828 : i32 to vector<16xi32>
        %and3A_830 = arith.andi %add3A_827, %and3A_829 : vector<16xi32>
        %broadcast_in_dim3A_831 = vector.shape_cast %and3A_830 : vector<16xi32> to vector<16x1xi32>
        %gather3A_832 = vector.shape_cast %broadcast_in_dim3A_831 : vector<16x1xi32> to vector<16xi32>
        %gather3A_833 = tpu.dynamic_gather %add3A_676[%gather3A_832] in [0] : vector<16xf32>, vector<16xi32> -> vector<16xf32>
        %add3A_834 = arith.addf %add3A_676, %gather3A_833 : vector<16xf32>
        %select_n3A = arith.select %lt3A_27, %add3A_684, %add3A_694 : vector<16xi1>, vector<16xf32>
        %select_n3A_835 = arith.select %lt3A_27, %add3A_704, %add3A_714 : vector<16xi1>, vector<16xf32>
        %select_n3A_836 = arith.select %lt3A_27, %add3A_724, %add3A_734 : vector<16xi1>, vector<16xf32>
        %select_n3A_837 = arith.select %lt3A_27, %add3A_744, %add3A_754 : vector<16xi1>, vector<16xf32>
        %select_n3A_838 = arith.select %lt3A_27, %add3A_764, %add3A_774 : vector<16xi1>, vector<16xf32>
        %select_n3A_839 = arith.select %lt3A_27, %add3A_784, %add3A_794 : vector<16xi1>, vector<16xf32>
        %select_n3A_840 = arith.select %lt3A_27, %add3A_804, %add3A_814 : vector<16xi1>, vector<16xf32>
        %select_n3A_841 = arith.select %lt3A_27, %add3A_824, %add3A_834 : vector<16xi1>, vector<16xf32>
        %add3A_842 = arith.constant 4 : i32
        %add3A_843 = vector.broadcast %add3A_842 : i32 to vector<16xi32>
        %add3A_844 = arith.addi %iota3A, %add3A_843 : vector<16xi32>
        %and3A_845 = arith.constant 15 : i32
        %and3A_846 = vector.broadcast %and3A_845 : i32 to vector<16xi32>
        %and3A_847 = arith.andi %add3A_844, %and3A_846 : vector<16xi32>
        %broadcast_in_dim3A_848 = vector.shape_cast %and3A_847 : vector<16xi32> to vector<16x1xi32>
        %gather3A_849 = vector.shape_cast %broadcast_in_dim3A_848 : vector<16x1xi32> to vector<16xi32>
        %gather3A_850 = tpu.dynamic_gather %select_n3A[%gather3A_849] in [0] : vector<16xf32>, vector<16xi32> -> vector<16xf32>
        %add3A_851 = arith.addf %select_n3A, %gather3A_850 : vector<16xf32>
        %add3A_852 = arith.constant 4 : i32
        %add3A_853 = vector.broadcast %add3A_852 : i32 to vector<16xi32>
        %add3A_854 = arith.addi %iota3A, %add3A_853 : vector<16xi32>
        %and3A_855 = arith.constant 15 : i32
        %and3A_856 = vector.broadcast %and3A_855 : i32 to vector<16xi32>
        %and3A_857 = arith.andi %add3A_854, %and3A_856 : vector<16xi32>
        %broadcast_in_dim3A_858 = vector.shape_cast %and3A_857 : vector<16xi32> to vector<16x1xi32>
        %gather3A_859 = vector.shape_cast %broadcast_in_dim3A_858 : vector<16x1xi32> to vector<16xi32>
        %gather3A_860 = tpu.dynamic_gather %select_n3A_835[%gather3A_859] in [0] : vector<16xf32>, vector<16xi32> -> vector<16xf32>
        %add3A_861 = arith.addf %select_n3A_835, %gather3A_860 : vector<16xf32>
        %add3A_862 = arith.constant 4 : i32
        %add3A_863 = vector.broadcast %add3A_862 : i32 to vector<16xi32>
        %add3A_864 = arith.addi %iota3A, %add3A_863 : vector<16xi32>
        %and3A_865 = arith.constant 15 : i32
        %and3A_866 = vector.broadcast %and3A_865 : i32 to vector<16xi32>
        %and3A_867 = arith.andi %add3A_864, %and3A_866 : vector<16xi32>
        %broadcast_in_dim3A_868 = vector.shape_cast %and3A_867 : vector<16xi32> to vector<16x1xi32>
        %gather3A_869 = vector.shape_cast %broadcast_in_dim3A_868 : vector<16x1xi32> to vector<16xi32>
        %gather3A_870 = tpu.dynamic_gather %select_n3A_836[%gather3A_869] in [0] : vector<16xf32>, vector<16xi32> -> vector<16xf32>
        %add3A_871 = arith.addf %select_n3A_836, %gather3A_870 : vector<16xf32>
        %add3A_872 = arith.constant 4 : i32
        %add3A_873 = vector.broadcast %add3A_872 : i32 to vector<16xi32>
        %add3A_874 = arith.addi %iota3A, %add3A_873 : vector<16xi32>
        %and3A_875 = arith.constant 15 : i32
        %and3A_876 = vector.broadcast %and3A_875 : i32 to vector<16xi32>
        %and3A_877 = arith.andi %add3A_874, %and3A_876 : vector<16xi32>
        %broadcast_in_dim3A_878 = vector.shape_cast %and3A_877 : vector<16xi32> to vector<16x1xi32>
        %gather3A_879 = vector.shape_cast %broadcast_in_dim3A_878 : vector<16x1xi32> to vector<16xi32>
        %gather3A_880 = tpu.dynamic_gather %select_n3A_837[%gather3A_879] in [0] : vector<16xf32>, vector<16xi32> -> vector<16xf32>
        %add3A_881 = arith.addf %select_n3A_837, %gather3A_880 : vector<16xf32>
        %add3A_882 = arith.constant 4 : i32
        %add3A_883 = vector.broadcast %add3A_882 : i32 to vector<16xi32>
        %add3A_884 = arith.addi %iota3A, %add3A_883 : vector<16xi32>
        %and3A_885 = arith.constant 15 : i32
        %and3A_886 = vector.broadcast %and3A_885 : i32 to vector<16xi32>
        %and3A_887 = arith.andi %add3A_884, %and3A_886 : vector<16xi32>
        %broadcast_in_dim3A_888 = vector.shape_cast %and3A_887 : vector<16xi32> to vector<16x1xi32>
        %gather3A_889 = vector.shape_cast %broadcast_in_dim3A_888 : vector<16x1xi32> to vector<16xi32>
        %gather3A_890 = tpu.dynamic_gather %select_n3A_838[%gather3A_889] in [0] : vector<16xf32>, vector<16xi32> -> vector<16xf32>
        %add3A_891 = arith.addf %select_n3A_838, %gather3A_890 : vector<16xf32>
        %add3A_892 = arith.constant 4 : i32
        %add3A_893 = vector.broadcast %add3A_892 : i32 to vector<16xi32>
        %add3A_894 = arith.addi %iota3A, %add3A_893 : vector<16xi32>
        %and3A_895 = arith.constant 15 : i32
        %and3A_896 = vector.broadcast %and3A_895 : i32 to vector<16xi32>
        %and3A_897 = arith.andi %add3A_894, %and3A_896 : vector<16xi32>
        %broadcast_in_dim3A_898 = vector.shape_cast %and3A_897 : vector<16xi32> to vector<16x1xi32>
        %gather3A_899 = vector.shape_cast %broadcast_in_dim3A_898 : vector<16x1xi32> to vector<16xi32>
        %gather3A_900 = tpu.dynamic_gather %select_n3A_839[%gather3A_899] in [0] : vector<16xf32>, vector<16xi32> -> vector<16xf32>
        %add3A_901 = arith.addf %select_n3A_839, %gather3A_900 : vector<16xf32>
        %add3A_902 = arith.constant 4 : i32
        %add3A_903 = vector.broadcast %add3A_902 : i32 to vector<16xi32>
        %add3A_904 = arith.addi %iota3A, %add3A_903 : vector<16xi32>
        %and3A_905 = arith.constant 15 : i32
        %and3A_906 = vector.broadcast %and3A_905 : i32 to vector<16xi32>
        %and3A_907 = arith.andi %add3A_904, %and3A_906 : vector<16xi32>
        %broadcast_in_dim3A_908 = vector.shape_cast %and3A_907 : vector<16xi32> to vector<16x1xi32>
        %gather3A_909 = vector.shape_cast %broadcast_in_dim3A_908 : vector<16x1xi32> to vector<16xi32>
        %gather3A_910 = tpu.dynamic_gather %select_n3A_840[%gather3A_909] in [0] : vector<16xf32>, vector<16xi32> -> vector<16xf32>
        %add3A_911 = arith.addf %select_n3A_840, %gather3A_910 : vector<16xf32>
        %add3A_912 = arith.constant 4 : i32
        %add3A_913 = vector.broadcast %add3A_912 : i32 to vector<16xi32>
        %add3A_914 = arith.addi %iota3A, %add3A_913 : vector<16xi32>
        %and3A_915 = arith.constant 15 : i32
        %and3A_916 = vector.broadcast %and3A_915 : i32 to vector<16xi32>
        %and3A_917 = arith.andi %add3A_914, %and3A_916 : vector<16xi32>
        %broadcast_in_dim3A_918 = vector.shape_cast %and3A_917 : vector<16xi32> to vector<16x1xi32>
        %gather3A_919 = vector.shape_cast %broadcast_in_dim3A_918 : vector<16x1xi32> to vector<16xi32>
        %gather3A_920 = tpu.dynamic_gather %select_n3A_841[%gather3A_919] in [0] : vector<16xf32>, vector<16xi32> -> vector<16xf32>
        %add3A_921 = arith.addf %select_n3A_841, %gather3A_920 : vector<16xf32>
        %add3A_922 = arith.constant -4 : i32
        %add3A_923 = vector.broadcast %add3A_922 : i32 to vector<16xi32>
        %add3A_924 = arith.addi %iota3A, %add3A_923 : vector<16xi32>
        %and3A_925 = arith.constant 15 : i32
        %and3A_926 = vector.broadcast %and3A_925 : i32 to vector<16xi32>
        %and3A_927 = arith.andi %add3A_924, %and3A_926 : vector<16xi32>
        %broadcast_in_dim3A_928 = vector.shape_cast %and3A_927 : vector<16xi32> to vector<16x1xi32>
        %gather3A_929 = vector.shape_cast %broadcast_in_dim3A_928 : vector<16x1xi32> to vector<16xi32>
        %gather3A_930 = tpu.dynamic_gather %add3A_861[%gather3A_929] in [0] : vector<16xf32>, vector<16xi32> -> vector<16xf32>
        %select_n3A_931 = arith.select %lt3A_33, %add3A_851, %gather3A_930 : vector<16xi1>, vector<16xf32>
        %add3A_932 = arith.constant -4 : i32
        %add3A_933 = vector.broadcast %add3A_932 : i32 to vector<16xi32>
        %add3A_934 = arith.addi %iota3A, %add3A_933 : vector<16xi32>
        %and3A_935 = arith.constant 15 : i32
        %and3A_936 = vector.broadcast %and3A_935 : i32 to vector<16xi32>
        %and3A_937 = arith.andi %add3A_934, %and3A_936 : vector<16xi32>
        %broadcast_in_dim3A_938 = vector.shape_cast %and3A_937 : vector<16xi32> to vector<16x1xi32>
        %gather3A_939 = vector.shape_cast %broadcast_in_dim3A_938 : vector<16x1xi32> to vector<16xi32>
        %gather3A_940 = tpu.dynamic_gather %add3A_881[%gather3A_939] in [0] : vector<16xf32>, vector<16xi32> -> vector<16xf32>
        %select_n3A_941 = arith.select %lt3A_33, %add3A_871, %gather3A_940 : vector<16xi1>, vector<16xf32>
        %add3A_942 = arith.constant -4 : i32
        %add3A_943 = vector.broadcast %add3A_942 : i32 to vector<16xi32>
        %add3A_944 = arith.addi %iota3A, %add3A_943 : vector<16xi32>
        %and3A_945 = arith.constant 15 : i32
        %and3A_946 = vector.broadcast %and3A_945 : i32 to vector<16xi32>
        %and3A_947 = arith.andi %add3A_944, %and3A_946 : vector<16xi32>
        %broadcast_in_dim3A_948 = vector.shape_cast %and3A_947 : vector<16xi32> to vector<16x1xi32>
        %gather3A_949 = vector.shape_cast %broadcast_in_dim3A_948 : vector<16x1xi32> to vector<16xi32>
        %gather3A_950 = tpu.dynamic_gather %add3A_901[%gather3A_949] in [0] : vector<16xf32>, vector<16xi32> -> vector<16xf32>
        %select_n3A_951 = arith.select %lt3A_33, %add3A_891, %gather3A_950 : vector<16xi1>, vector<16xf32>
        %add3A_952 = arith.constant -4 : i32
        %add3A_953 = vector.broadcast %add3A_952 : i32 to vector<16xi32>
        %add3A_954 = arith.addi %iota3A, %add3A_953 : vector<16xi32>
        %and3A_955 = arith.constant 15 : i32
        %and3A_956 = vector.broadcast %and3A_955 : i32 to vector<16xi32>
        %and3A_957 = arith.andi %add3A_954, %and3A_956 : vector<16xi32>
        %broadcast_in_dim3A_958 = vector.shape_cast %and3A_957 : vector<16xi32> to vector<16x1xi32>
        %gather3A_959 = vector.shape_cast %broadcast_in_dim3A_958 : vector<16x1xi32> to vector<16xi32>
        %gather3A_960 = tpu.dynamic_gather %add3A_921[%gather3A_959] in [0] : vector<16xf32>, vector<16xi32> -> vector<16xf32>
        %select_n3A_961 = arith.select %lt3A_33, %add3A_911, %gather3A_960 : vector<16xi1>, vector<16xf32>
        %add3A_962 = arith.constant 2 : i32
        %add3A_963 = vector.broadcast %add3A_962 : i32 to vector<16xi32>
        %add3A_964 = arith.addi %iota3A, %add3A_963 : vector<16xi32>
        %and3A_965 = arith.constant 15 : i32
        %and3A_966 = vector.broadcast %and3A_965 : i32 to vector<16xi32>
        %and3A_967 = arith.andi %add3A_964, %and3A_966 : vector<16xi32>
        %broadcast_in_dim3A_968 = vector.shape_cast %and3A_967 : vector<16xi32> to vector<16x1xi32>
        %gather3A_969 = vector.shape_cast %broadcast_in_dim3A_968 : vector<16x1xi32> to vector<16xi32>
        %gather3A_970 = tpu.dynamic_gather %select_n3A_931[%gather3A_969] in [0] : vector<16xf32>, vector<16xi32> -> vector<16xf32>
        %add3A_971 = arith.addf %select_n3A_931, %gather3A_970 : vector<16xf32>
        %add3A_972 = arith.constant 2 : i32
        %add3A_973 = vector.broadcast %add3A_972 : i32 to vector<16xi32>
        %add3A_974 = arith.addi %iota3A, %add3A_973 : vector<16xi32>
        %and3A_975 = arith.constant 15 : i32
        %and3A_976 = vector.broadcast %and3A_975 : i32 to vector<16xi32>
        %and3A_977 = arith.andi %add3A_974, %and3A_976 : vector<16xi32>
        %broadcast_in_dim3A_978 = vector.shape_cast %and3A_977 : vector<16xi32> to vector<16x1xi32>
        %gather3A_979 = vector.shape_cast %broadcast_in_dim3A_978 : vector<16x1xi32> to vector<16xi32>
        %gather3A_980 = tpu.dynamic_gather %select_n3A_941[%gather3A_979] in [0] : vector<16xf32>, vector<16xi32> -> vector<16xf32>
        %add3A_981 = arith.addf %select_n3A_941, %gather3A_980 : vector<16xf32>
        %add3A_982 = arith.constant 2 : i32
        %add3A_983 = vector.broadcast %add3A_982 : i32 to vector<16xi32>
        %add3A_984 = arith.addi %iota3A, %add3A_983 : vector<16xi32>
        %and3A_985 = arith.constant 15 : i32
        %and3A_986 = vector.broadcast %and3A_985 : i32 to vector<16xi32>
        %and3A_987 = arith.andi %add3A_984, %and3A_986 : vector<16xi32>
        %broadcast_in_dim3A_988 = vector.shape_cast %and3A_987 : vector<16xi32> to vector<16x1xi32>
        %gather3A_989 = vector.shape_cast %broadcast_in_dim3A_988 : vector<16x1xi32> to vector<16xi32>
        %gather3A_990 = tpu.dynamic_gather %select_n3A_951[%gather3A_989] in [0] : vector<16xf32>, vector<16xi32> -> vector<16xf32>
        %add3A_991 = arith.addf %select_n3A_951, %gather3A_990 : vector<16xf32>
        %add3A_992 = arith.constant 2 : i32
        %add3A_993 = vector.broadcast %add3A_992 : i32 to vector<16xi32>
        %add3A_994 = arith.addi %iota3A, %add3A_993 : vector<16xi32>
        %and3A_995 = arith.constant 15 : i32
        %and3A_996 = vector.broadcast %and3A_995 : i32 to vector<16xi32>
        %and3A_997 = arith.andi %add3A_994, %and3A_996 : vector<16xi32>
        %broadcast_in_dim3A_998 = vector.shape_cast %and3A_997 : vector<16xi32> to vector<16x1xi32>
        %gather3A_999 = vector.shape_cast %broadcast_in_dim3A_998 : vector<16x1xi32> to vector<16xi32>
        %gather3A_1000 = tpu.dynamic_gather %select_n3A_961[%gather3A_999] in [0] : vector<16xf32>, vector<16xi32> -> vector<16xf32>
        %add3A_1001 = arith.addf %select_n3A_961, %gather3A_1000 : vector<16xf32>
        %add3A_1002 = arith.constant -2 : i32
        %add3A_1003 = vector.broadcast %add3A_1002 : i32 to vector<16xi32>
        %add3A_1004 = arith.addi %iota3A, %add3A_1003 : vector<16xi32>
        %and3A_1005 = arith.constant 15 : i32
        %and3A_1006 = vector.broadcast %and3A_1005 : i32 to vector<16xi32>
        %and3A_1007 = arith.andi %add3A_1004, %and3A_1006 : vector<16xi32>
        %broadcast_in_dim3A_1008 = vector.shape_cast %and3A_1007 : vector<16xi32> to vector<16x1xi32>
        %gather3A_1009 = vector.shape_cast %broadcast_in_dim3A_1008 : vector<16x1xi32> to vector<16xi32>
        %gather3A_1010 = tpu.dynamic_gather %add3A_981[%gather3A_1009] in [0] : vector<16xf32>, vector<16xi32> -> vector<16xf32>
        %select_n3A_1011 = arith.select %lt3A_39, %add3A_971, %gather3A_1010 : vector<16xi1>, vector<16xf32>
        %add3A_1012 = arith.constant -2 : i32
        %add3A_1013 = vector.broadcast %add3A_1012 : i32 to vector<16xi32>
        %add3A_1014 = arith.addi %iota3A, %add3A_1013 : vector<16xi32>
        %and3A_1015 = arith.constant 15 : i32
        %and3A_1016 = vector.broadcast %and3A_1015 : i32 to vector<16xi32>
        %and3A_1017 = arith.andi %add3A_1014, %and3A_1016 : vector<16xi32>
        %broadcast_in_dim3A_1018 = vector.shape_cast %and3A_1017 : vector<16xi32> to vector<16x1xi32>
        %gather3A_1019 = vector.shape_cast %broadcast_in_dim3A_1018 : vector<16x1xi32> to vector<16xi32>
        %gather3A_1020 = tpu.dynamic_gather %add3A_1001[%gather3A_1019] in [0] : vector<16xf32>, vector<16xi32> -> vector<16xf32>
        %select_n3A_1021 = arith.select %lt3A_39, %add3A_991, %gather3A_1020 : vector<16xi1>, vector<16xf32>
        %add3A_1022 = arith.constant 1 : i32
        %add3A_1023 = vector.broadcast %add3A_1022 : i32 to vector<16xi32>
        %add3A_1024 = arith.addi %iota3A, %add3A_1023 : vector<16xi32>
        %and3A_1025 = arith.constant 15 : i32
        %and3A_1026 = vector.broadcast %and3A_1025 : i32 to vector<16xi32>
        %and3A_1027 = arith.andi %add3A_1024, %and3A_1026 : vector<16xi32>
        %broadcast_in_dim3A_1028 = vector.shape_cast %and3A_1027 : vector<16xi32> to vector<16x1xi32>
        %gather3A_1029 = vector.shape_cast %broadcast_in_dim3A_1028 : vector<16x1xi32> to vector<16xi32>
        %gather3A_1030 = tpu.dynamic_gather %select_n3A_1011[%gather3A_1029] in [0] : vector<16xf32>, vector<16xi32> -> vector<16xf32>
        %add3A_1031 = arith.addf %select_n3A_1011, %gather3A_1030 : vector<16xf32>
        %add3A_1032 = arith.constant 1 : i32
        %add3A_1033 = vector.broadcast %add3A_1032 : i32 to vector<16xi32>
        %add3A_1034 = arith.addi %iota3A, %add3A_1033 : vector<16xi32>
        %and3A_1035 = arith.constant 15 : i32
        %and3A_1036 = vector.broadcast %and3A_1035 : i32 to vector<16xi32>
        %and3A_1037 = arith.andi %add3A_1034, %and3A_1036 : vector<16xi32>
        %broadcast_in_dim3A_1038 = vector.shape_cast %and3A_1037 : vector<16xi32> to vector<16x1xi32>
        %gather3A_1039 = vector.shape_cast %broadcast_in_dim3A_1038 : vector<16x1xi32> to vector<16xi32>
        %gather3A_1040 = tpu.dynamic_gather %select_n3A_1021[%gather3A_1039] in [0] : vector<16xf32>, vector<16xi32> -> vector<16xf32>
        %add3A_1041 = arith.addf %select_n3A_1021, %gather3A_1040 : vector<16xf32>
        %add3A_1042 = arith.constant -1 : i32
        %add3A_1043 = vector.broadcast %add3A_1042 : i32 to vector<16xi32>
        %add3A_1044 = arith.addi %iota3A, %add3A_1043 : vector<16xi32>
        %and3A_1045 = arith.constant 15 : i32
        %and3A_1046 = vector.broadcast %and3A_1045 : i32 to vector<16xi32>
        %and3A_1047 = arith.andi %add3A_1044, %and3A_1046 : vector<16xi32>
        %broadcast_in_dim3A_1048 = vector.shape_cast %and3A_1047 : vector<16xi32> to vector<16x1xi32>
        %gather3A_1049 = vector.shape_cast %broadcast_in_dim3A_1048 : vector<16x1xi32> to vector<16xi32>
        %gather3A_1050 = tpu.dynamic_gather %add3A_1041[%gather3A_1049] in [0] : vector<16xf32>, vector<16xi32> -> vector<16xf32>
        %select_n3A_1051 = arith.select %lt3A_45, %add3A_1031, %gather3A_1050 : vector<16xi1>, vector<16xf32>
        %broadcast_in_dim3A_1052 = vector.shape_cast %or3A_25 : vector<16xi32> to vector<16x1xi32>
        %gather3A_1053 = vector.shape_cast %broadcast_in_dim3A_1052 : vector<16x1xi32> to vector<16xi32>
        %gather3A_1054 = tpu.dynamic_gather %select_n3A_1051[%gather3A_1053] in [0] : vector<16xf32>, vector<16xi32> -> vector<16xf32>
        %neg3A = arith.constant 0.000000e+00 : f32
        %neg3A_1055 = vector.broadcast %neg3A : f32 to vector<16xf32>
        %neg3A_1056 = arith.subf %neg3A_1055, %gather3A_1054 : vector<16xf32>
        %mul3A_1057 = arith.constant 16 : i32
        %mul3A_1058 = arith.muli %scan3A_276, %mul3A_1057 : i32
        %swap3A = arith.index_cast %mul3A_1058 : i32 to index
        %swap3A_1059 = tpu.vector_load %arg11[%swap3A] {strides = array<i32>} : memref<256xf32, #tpu.memory_space<vmem>>, vector<16xf32>,
        tpu.vector_store %arg11[%swap3A], %neg3A_1056 {strides = array<i32>} : memref<256xf32, #tpu.memory_space<vmem>>, vector<16xf32>,
      }
      %scan3A_141 = arith.constant 16 : i32
      %mul3A_142 = arith.constant 256 : i32
      %mul3A_143 = arith.muli %add3A_109, %mul3A_142 : i32
      %add3A_144 = arith.addi %mul3A_2, %mul3A_143 : i32
      %dma_start3A_145 = tpu.memref_slice %arg5[%add3A_144] : memref<819200xf32, #tpu.memory_space<hbm>> -> memref<256xf32, #tpu.memory_space<hbm>>
      %dma_start3A_146 = tpu.memref_slice %arg5[%add3A_144] : memref<819200xf32, #tpu.memory_space<hbm>> -> memref<256xf32, #tpu.memory_space<hbm>>
      tpu.enqueue_dma source(%arg11 : memref<256xf32, #tpu.memory_space<vmem>>) target(%dma_start3A_146 : memref<256xf32, #tpu.memory_space<hbm>>) target_semaphore(%arg19 : memref<!tpu.dma_semaphore, #tpu.memory_space<semaphore_mem>>)
      %add3A_147 = arith.constant 1 : i32
      %add3A_148 = arith.addi %mul3A_107, %add3A_147 : i32
      %add3A_149 = arith.constant 4 : i32
      %add3A_150 = arith.addi %add3A_148, %add3A_149 : i32
      %sub3A_151 = arith.constant 1 : i32
      %sub3A_152 = arith.subi %add3A_150, %sub3A_151 : i32
      %lt3A_153 = arith.constant 100 : i32
      %lt3A_154 = arith.cmpi slt, %sub3A_152, %lt3A_153 : i32
      %convert_element_type3A_155 = arith.extui %lt3A_154 : i1 to i32
      %cond3A_156 = arith.constant 0 : i32
      %cond3A_157 = arith.cmpi ne, %convert_element_type3A_155, %cond3A_156 : i32
      scf.if %cond3A_157 {
        %mul3A_276 = arith.constant 256 : i32
        %mul3A_277 = arith.muli %sub3A_152, %mul3A_276 : i32
        %mul3A_278 = arith.constant 256 : i32
        %mul3A_279 = arith.muli %sub3A_152, %mul3A_278 : i32
        %add3A_280 = arith.constant 25600 : i32
        %add3A_281 = arith.addi %add3A_280, %mul3A_279 : i32
        %dma_start3A_282 = arith.constant 0 : i32
        %dma_start3A_283 = arith.constant 0 : i32
        %dma_start3A_284 = tpu.memref_slice %arg7[%dma_start3A_282, %dma_start3A_283] : memref<512x32xf32, #tpu.memory_space<vmem>> -> memref<256x32xf32, #tpu.memory_space<vmem>>
        %dma_start3A_285 = tpu.memref_slice %arg6[%mul3A_277] : memref<51200xi32, #tpu.memory_space<vmem>> -> memref<256xi32, #tpu.memory_space<vmem>>
        %dma_start3A_286 = arith.constant 0 : i32
        %dma_start3A_287 = arith.constant 0 : i32
        %dma_start3A_288 = tpu.memref_slice %arg4[%dma_start3A_286, %dma_start3A_287] : memref<1000000x32xf32, #tpu.memory_space<hbm>> -> memref<1000000x32xf32, #tpu.memory_space<hbm>>
        tpu.enqueue_indirect_dma source(%dma_start3A_288 : memref<1000000x32xf32, #tpu.memory_space<hbm>>) target(%dma_start3A_284 : memref<256x32xf32, #tpu.memory_space<vmem>>) offsets(%dma_start3A_285 : memref<256xi32, #tpu.memory_space<vmem>>) semaphore(%arg15 : memref<!tpu.dma_semaphore, #tpu.memory_space<semaphore_mem>>)
        %dma_start3A_289 = arith.constant 256 : i32
        %dma_start3A_290 = arith.constant 0 : i32
        %dma_start3A_291 = tpu.memref_slice %arg7[%dma_start3A_289, %dma_start3A_290] : memref<512x32xf32, #tpu.memory_space<vmem>> -> memref<256x32xf32, #tpu.memory_space<vmem>>
        %dma_start3A_292 = tpu.memref_slice %arg6[%add3A_281] : memref<51200xi32, #tpu.memory_space<vmem>> -> memref<256xi32, #tpu.memory_space<vmem>>
        %dma_start3A_293 = arith.constant 0 : i32
        %dma_start3A_294 = arith.constant 0 : i32
        %dma_start3A_295 = tpu.memref_slice %arg4[%dma_start3A_293, %dma_start3A_294] : memref<1000000x32xf32, #tpu.memory_space<hbm>> -> memref<1000000x32xf32, #tpu.memory_space<hbm>>
        tpu.enqueue_indirect_dma source(%dma_start3A_295 : memref<1000000x32xf32, #tpu.memory_space<hbm>>) target(%dma_start3A_291 : memref<256x32xf32, #tpu.memory_space<vmem>>) offsets(%dma_start3A_292 : memref<256xi32, #tpu.memory_space<vmem>>) semaphore(%arg15 : memref<!tpu.dma_semaphore, #tpu.memory_space<semaphore_mem>>)
      } else {
      }
      %dma_wait3A_158 = arith.constant 0 : i32
      %dma_wait3A_159 = arith.constant 0 : i32
      %dma_wait3A_160 = tpu.memref_slice %arg8[%dma_wait3A_158, %dma_wait3A_159] : memref<512x32xf32, #tpu.memory_space<vmem>> -> memref<256x32xf32, #tpu.memory_space<vmem>>
      %dma_wait3A_161 = arith.constant 0 : i32
      %dma_wait3A_162 = tpu.memref_slice %arg6[%dma_wait3A_161] : memref<51200xi32, #tpu.memory_space<vmem>> -> memref<256xi32, #tpu.memory_space<vmem>>
      %dma_wait3A_163 = arith.constant 0 : i32
      %dma_wait3A_164 = arith.constant 0 : i32
      %dma_wait3A_165 = tpu.memref_slice %arg4[%dma_wait3A_163, %dma_wait3A_164] : memref<1000000x32xf32, #tpu.memory_space<hbm>> -> memref<1000000x32xf32, #tpu.memory_space<hbm>>
      tpu.wait_indirect_dma semaphore(%arg16 : memref<!tpu.dma_semaphore, #tpu.memory_space<semaphore_mem>>) src(%dma_wait3A_165 : memref<1000000x32xf32, #tpu.memory_space<hbm>>) dst(%dma_wait3A_160 : memref<256x32xf32, #tpu.memory_space<vmem>>)
      %dma_wait3A_166 = arith.constant 256 : i32
      %dma_wait3A_167 = arith.constant 0 : i32
      %dma_wait3A_168 = tpu.memref_slice %arg8[%dma_wait3A_166, %dma_wait3A_167] : memref<512x32xf32, #tpu.memory_space<vmem>> -> memref<256x32xf32, #tpu.memory_space<vmem>>
      %dma_wait3A_169 = arith.constant 0 : i32
      %dma_wait3A_170 = tpu.memref_slice %arg6[%dma_wait3A_169] : memref<51200xi32, #tpu.memory_space<vmem>> -> memref<256xi32, #tpu.memory_space<vmem>>
      %dma_wait3A_171 = arith.constant 0 : i32
      %dma_wait3A_172 = arith.constant 0 : i32
      %dma_wait3A_173 = tpu.memref_slice %arg4[%dma_wait3A_171, %dma_wait3A_172] : memref<1000000x32xf32, #tpu.memory_space<hbm>> -> memref<1000000x32xf32, #tpu.memory_space<hbm>>
      tpu.wait_indirect_dma semaphore(%arg16 : memref<!tpu.dma_semaphore, #tpu.memory_space<semaphore_mem>>) src(%dma_wait3A_173 : memref<1000000x32xf32, #tpu.memory_space<hbm>>) dst(%dma_wait3A_168 : memref<256x32xf32, #tpu.memory_space<vmem>>)
      %ge3A_174 = arith.constant 4 : i32
      %ge3A_175 = arith.cmpi sge, %add3A_148, %ge3A_174 : i32
      %convert_element_type3A_176 = arith.extui %ge3A_175 : i1 to i32
      %cond3A_177 = arith.constant 0 : i32
      %cond3A_178 = arith.cmpi ne, %convert_element_type3A_176, %cond3A_177 : i32
      scf.if %cond3A_178 {
        %dma_wait3A_276 = tpu.memref_slice %arg5[%mul3A_2] : memref<819200xf32, #tpu.memory_space<hbm>> -> memref<256xf32, #tpu.memory_space<hbm>>
        %dma_wait3A_277 = tpu.memref_slice %arg5[%mul3A_2] : memref<819200xf32, #tpu.memory_space<hbm>> -> memref<256xf32, #tpu.memory_space<hbm>>
        tpu.wait_dma2 semaphore(%arg20 : memref<!tpu.dma_semaphore, #tpu.memory_space<semaphore_mem>>) src(%arg12 : memref<256xf32, #tpu.memory_space<vmem>>) dst(%dma_wait3A_277 : memref<256xf32, #tpu.memory_space<hbm>>)
      } else {
      }
      %scan3A_179 = arith.constant 0 : i32
      %scan3A_180 = arith.constant 0 : i32
      %scan3A_181 = arith.constant 16 : i32
      %scan3A_182 = arith.addi %scan3A_180, %scan3A_181 : i32
      %scan3A_183 = arith.constant 1 : i32
      scf.for %scan3A_276 = %scan3A_180 to %scan3A_182 step %scan3A_183  : i32 {
        %mul3A_277 = arith.constant 16 : i32
        %mul3A_278 = arith.muli %scan3A_276, %mul3A_277 : i32
        %add3A_279 = arith.constant 0 : i32
        %add3A_280 = arith.addi %mul3A_278, %add3A_279 : i32
        %add3A_281 = arith.constant 256 : i32
        %add3A_282 = arith.addi %add3A_281, %add3A_280 : i32
        %get3A = arith.index_cast %add3A_280 : i32 to index
        %get3A_283 = arith.constant 0 : index
        %get3A_284 = tpu.vector_load %arg8[%get3A, %get3A_283] {strides = array<i32>} : memref<512x32xf32, #tpu.memory_space<vmem>>, vector<16xf32>,
        %get3A_285 = arith.index_cast %add3A_280 : i32 to index
        %get3A_286 = arith.constant 16 : index
        %get3A_287 = tpu.vector_load %arg8[%get3A_285, %get3A_286] {strides = array<i32>} : memref<512x32xf32, #tpu.memory_space<vmem>>, vector<16xf32>,
        %get3A_288 = arith.index_cast %add3A_282 : i32 to index
        %get3A_289 = arith.constant 0 : index
        %get3A_290 = tpu.vector_load %arg8[%get3A_288, %get3A_289] {strides = array<i32>} : memref<512x32xf32, #tpu.memory_space<vmem>>, vector<16xf32>,
        %get3A_291 = arith.index_cast %add3A_282 : i32 to index
        %get3A_292 = arith.constant 16 : index
        %get3A_293 = tpu.vector_load %arg8[%get3A_291, %get3A_292] {strides = array<i32>} : memref<512x32xf32, #tpu.memory_space<vmem>>, vector<16xf32>,
        %sub3A_294 = arith.subf %get3A_284, %get3A_290 : vector<16xf32>
        %max3A = arith.constant 0.000000e+00 : f32
        %max3A_295 = vector.broadcast %max3A : f32 to vector<16xf32>
        %max3A_296 = arith.maximumf %sub3A_294, %max3A_295 : vector<16xf32>
        %sub3A_297 = arith.subf %get3A_287, %get3A_293 : vector<16xf32>
        %max3A_298 = arith.constant 0.000000e+00 : f32
        %max3A_299 = vector.broadcast %max3A_298 : f32 to vector<16xf32>
        %max3A_300 = arith.maximumf %sub3A_297, %max3A_299 : vector<16xf32>
        %add3A_301 = arith.addf %max3A_296, %max3A_300 : vector<16xf32>
        %add3A_302 = arith.constant 1 : i32
        %add3A_303 = arith.addi %mul3A_278, %add3A_302 : i32
        %add3A_304 = arith.constant 256 : i32
        %add3A_305 = arith.addi %add3A_304, %add3A_303 : i32
        %get3A_306 = arith.index_cast %add3A_303 : i32 to index
        %get3A_307 = arith.constant 0 : index
        %get3A_308 = tpu.vector_load %arg8[%get3A_306, %get3A_307] {strides = array<i32>} : memref<512x32xf32, #tpu.memory_space<vmem>>, vector<16xf32>,
        %get3A_309 = arith.index_cast %add3A_303 : i32 to index
        %get3A_310 = arith.constant 16 : index
        %get3A_311 = tpu.vector_load %arg8[%get3A_309, %get3A_310] {strides = array<i32>} : memref<512x32xf32, #tpu.memory_space<vmem>>, vector<16xf32>,
        %get3A_312 = arith.index_cast %add3A_305 : i32 to index
        %get3A_313 = arith.constant 0 : index
        %get3A_314 = tpu.vector_load %arg8[%get3A_312, %get3A_313] {strides = array<i32>} : memref<512x32xf32, #tpu.memory_space<vmem>>, vector<16xf32>,
        %get3A_315 = arith.index_cast %add3A_305 : i32 to index
        %get3A_316 = arith.constant 16 : index
        %get3A_317 = tpu.vector_load %arg8[%get3A_315, %get3A_316] {strides = array<i32>} : memref<512x32xf32, #tpu.memory_space<vmem>>, vector<16xf32>,
        %sub3A_318 = arith.subf %get3A_308, %get3A_314 : vector<16xf32>
        %max3A_319 = arith.constant 0.000000e+00 : f32
        %max3A_320 = vector.broadcast %max3A_319 : f32 to vector<16xf32>
        %max3A_321 = arith.maximumf %sub3A_318, %max3A_320 : vector<16xf32>
        %sub3A_322 = arith.subf %get3A_311, %get3A_317 : vector<16xf32>
        %max3A_323 = arith.constant 0.000000e+00 : f32
        %max3A_324 = vector.broadcast %max3A_323 : f32 to vector<16xf32>
        %max3A_325 = arith.maximumf %sub3A_322, %max3A_324 : vector<16xf32>
        %add3A_326 = arith.addf %max3A_321, %max3A_325 : vector<16xf32>
        %add3A_327 = arith.constant 2 : i32
        %add3A_328 = arith.addi %mul3A_278, %add3A_327 : i32
        %add3A_329 = arith.constant 256 : i32
        %add3A_330 = arith.addi %add3A_329, %add3A_328 : i32
        %get3A_331 = arith.index_cast %add3A_328 : i32 to index
        %get3A_332 = arith.constant 0 : index
        %get3A_333 = tpu.vector_load %arg8[%get3A_331, %get3A_332] {strides = array<i32>} : memref<512x32xf32, #tpu.memory_space<vmem>>, vector<16xf32>,
        %get3A_334 = arith.index_cast %add3A_328 : i32 to index
        %get3A_335 = arith.constant 16 : index
        %get3A_336 = tpu.vector_load %arg8[%get3A_334, %get3A_335] {strides = array<i32>} : memref<512x32xf32, #tpu.memory_space<vmem>>, vector<16xf32>,
        %get3A_337 = arith.index_cast %add3A_330 : i32 to index
        %get3A_338 = arith.constant 0 : index
        %get3A_339 = tpu.vector_load %arg8[%get3A_337, %get3A_338] {strides = array<i32>} : memref<512x32xf32, #tpu.memory_space<vmem>>, vector<16xf32>,
        %get3A_340 = arith.index_cast %add3A_330 : i32 to index
        %get3A_341 = arith.constant 16 : index
        %get3A_342 = tpu.vector_load %arg8[%get3A_340, %get3A_341] {strides = array<i32>} : memref<512x32xf32, #tpu.memory_space<vmem>>, vector<16xf32>,
        %sub3A_343 = arith.subf %get3A_333, %get3A_339 : vector<16xf32>
        %max3A_344 = arith.constant 0.000000e+00 : f32
        %max3A_345 = vector.broadcast %max3A_344 : f32 to vector<16xf32>
        %max3A_346 = arith.maximumf %sub3A_343, %max3A_345 : vector<16xf32>
        %sub3A_347 = arith.subf %get3A_336, %get3A_342 : vector<16xf32>
        %max3A_348 = arith.constant 0.000000e+00 : f32
        %max3A_349 = vector.broadcast %max3A_348 : f32 to vector<16xf32>
        %max3A_350 = arith.maximumf %sub3A_347, %max3A_349 : vector<16xf32>
        %add3A_351 = arith.addf %max3A_346, %max3A_350 : vector<16xf32>
        %add3A_352 = arith.constant 3 : i32
        %add3A_353 = arith.addi %mul3A_278, %add3A_352 : i32
        %add3A_354 = arith.constant 256 : i32
        %add3A_355 = arith.addi %add3A_354, %add3A_353 : i32
        %get3A_356 = arith.index_cast %add3A_353 : i32 to index
        %get3A_357 = arith.constant 0 : index
        %get3A_358 = tpu.vector_load %arg8[%get3A_356, %get3A_357] {strides = array<i32>} : memref<512x32xf32, #tpu.memory_space<vmem>>, vector<16xf32>,
        %get3A_359 = arith.index_cast %add3A_353 : i32 to index
        %get3A_360 = arith.constant 16 : index
        %get3A_361 = tpu.vector_load %arg8[%get3A_359, %get3A_360] {strides = array<i32>} : memref<512x32xf32, #tpu.memory_space<vmem>>, vector<16xf32>,
        %get3A_362 = arith.index_cast %add3A_355 : i32 to index
        %get3A_363 = arith.constant 0 : index
        %get3A_364 = tpu.vector_load %arg8[%get3A_362, %get3A_363] {strides = array<i32>} : memref<512x32xf32, #tpu.memory_space<vmem>>, vector<16xf32>,
        %get3A_365 = arith.index_cast %add3A_355 : i32 to index
        %get3A_366 = arith.constant 16 : index
        %get3A_367 = tpu.vector_load %arg8[%get3A_365, %get3A_366] {strides = array<i32>} : memref<512x32xf32, #tpu.memory_space<vmem>>, vector<16xf32>,
        %sub3A_368 = arith.subf %get3A_358, %get3A_364 : vector<16xf32>
        %max3A_369 = arith.constant 0.000000e+00 : f32
        %max3A_370 = vector.broadcast %max3A_369 : f32 to vector<16xf32>
        %max3A_371 = arith.maximumf %sub3A_368, %max3A_370 : vector<16xf32>
        %sub3A_372 = arith.subf %get3A_361, %get3A_367 : vector<16xf32>
        %max3A_373 = arith.constant 0.000000e+00 : f32
        %max3A_374 = vector.broadcast %max3A_373 : f32 to vector<16xf32>
        %max3A_375 = arith.maximumf %sub3A_372, %max3A_374 : vector<16xf32>
        %add3A_376 = arith.addf %max3A_371, %max3A_375 : vector<16xf32>
        %add3A_377 = arith.constant 4 : i32
        %add3A_378 = arith.addi %mul3A_278, %add3A_377 : i32
        %add3A_379 = arith.constant 256 : i32
        %add3A_380 = arith.addi %add3A_379, %add3A_378 : i32
        %get3A_381 = arith.index_cast %add3A_378 : i32 to index
        %get3A_382 = arith.constant 0 : index
        %get3A_383 = tpu.vector_load %arg8[%get3A_381, %get3A_382] {strides = array<i32>} : memref<512x32xf32, #tpu.memory_space<vmem>>, vector<16xf32>,
        %get3A_384 = arith.index_cast %add3A_378 : i32 to index
        %get3A_385 = arith.constant 16 : index
        %get3A_386 = tpu.vector_load %arg8[%get3A_384, %get3A_385] {strides = array<i32>} : memref<512x32xf32, #tpu.memory_space<vmem>>, vector<16xf32>,
        %get3A_387 = arith.index_cast %add3A_380 : i32 to index
        %get3A_388 = arith.constant 0 : index
        %get3A_389 = tpu.vector_load %arg8[%get3A_387, %get3A_388] {strides = array<i32>} : memref<512x32xf32, #tpu.memory_space<vmem>>, vector<16xf32>,
        %get3A_390 = arith.index_cast %add3A_380 : i32 to index
        %get3A_391 = arith.constant 16 : index
        %get3A_392 = tpu.vector_load %arg8[%get3A_390, %get3A_391] {strides = array<i32>} : memref<512x32xf32, #tpu.memory_space<vmem>>, vector<16xf32>,
        %sub3A_393 = arith.subf %get3A_383, %get3A_389 : vector<16xf32>
        %max3A_394 = arith.constant 0.000000e+00 : f32
        %max3A_395 = vector.broadcast %max3A_394 : f32 to vector<16xf32>
        %max3A_396 = arith.maximumf %sub3A_393, %max3A_395 : vector<16xf32>
        %sub3A_397 = arith.subf %get3A_386, %get3A_392 : vector<16xf32>
        %max3A_398 = arith.constant 0.000000e+00 : f32
        %max3A_399 = vector.broadcast %max3A_398 : f32 to vector<16xf32>
        %max3A_400 = arith.maximumf %sub3A_397, %max3A_399 : vector<16xf32>
        %add3A_401 = arith.addf %max3A_396, %max3A_400 : vector<16xf32>
        %add3A_402 = arith.constant 5 : i32
        %add3A_403 = arith.addi %mul3A_278, %add3A_402 : i32
        %add3A_404 = arith.constant 256 : i32
        %add3A_405 = arith.addi %add3A_404, %add3A_403 : i32
        %get3A_406 = arith.index_cast %add3A_403 : i32 to index
        %get3A_407 = arith.constant 0 : index
        %get3A_408 = tpu.vector_load %arg8[%get3A_406, %get3A_407] {strides = array<i32>} : memref<512x32xf32, #tpu.memory_space<vmem>>, vector<16xf32>,
        %get3A_409 = arith.index_cast %add3A_403 : i32 to index
        %get3A_410 = arith.constant 16 : index
        %get3A_411 = tpu.vector_load %arg8[%get3A_409, %get3A_410] {strides = array<i32>} : memref<512x32xf32, #tpu.memory_space<vmem>>, vector<16xf32>,
        %get3A_412 = arith.index_cast %add3A_405 : i32 to index
        %get3A_413 = arith.constant 0 : index
        %get3A_414 = tpu.vector_load %arg8[%get3A_412, %get3A_413] {strides = array<i32>} : memref<512x32xf32, #tpu.memory_space<vmem>>, vector<16xf32>,
        %get3A_415 = arith.index_cast %add3A_405 : i32 to index
        %get3A_416 = arith.constant 16 : index
        %get3A_417 = tpu.vector_load %arg8[%get3A_415, %get3A_416] {strides = array<i32>} : memref<512x32xf32, #tpu.memory_space<vmem>>, vector<16xf32>,
        %sub3A_418 = arith.subf %get3A_408, %get3A_414 : vector<16xf32>
        %max3A_419 = arith.constant 0.000000e+00 : f32
        %max3A_420 = vector.broadcast %max3A_419 : f32 to vector<16xf32>
        %max3A_421 = arith.maximumf %sub3A_418, %max3A_420 : vector<16xf32>
        %sub3A_422 = arith.subf %get3A_411, %get3A_417 : vector<16xf32>
        %max3A_423 = arith.constant 0.000000e+00 : f32
        %max3A_424 = vector.broadcast %max3A_423 : f32 to vector<16xf32>
        %max3A_425 = arith.maximumf %sub3A_422, %max3A_424 : vector<16xf32>
        %add3A_426 = arith.addf %max3A_421, %max3A_425 : vector<16xf32>
        %add3A_427 = arith.constant 6 : i32
        %add3A_428 = arith.addi %mul3A_278, %add3A_427 : i32
        %add3A_429 = arith.constant 256 : i32
        %add3A_430 = arith.addi %add3A_429, %add3A_428 : i32
        %get3A_431 = arith.index_cast %add3A_428 : i32 to index
        %get3A_432 = arith.constant 0 : index
        %get3A_433 = tpu.vector_load %arg8[%get3A_431, %get3A_432] {strides = array<i32>} : memref<512x32xf32, #tpu.memory_space<vmem>>, vector<16xf32>,
        %get3A_434 = arith.index_cast %add3A_428 : i32 to index
        %get3A_435 = arith.constant 16 : index
        %get3A_436 = tpu.vector_load %arg8[%get3A_434, %get3A_435] {strides = array<i32>} : memref<512x32xf32, #tpu.memory_space<vmem>>, vector<16xf32>,
        %get3A_437 = arith.index_cast %add3A_430 : i32 to index
        %get3A_438 = arith.constant 0 : index
        %get3A_439 = tpu.vector_load %arg8[%get3A_437, %get3A_438] {strides = array<i32>} : memref<512x32xf32, #tpu.memory_space<vmem>>, vector<16xf32>,
        %get3A_440 = arith.index_cast %add3A_430 : i32 to index
        %get3A_441 = arith.constant 16 : index
        %get3A_442 = tpu.vector_load %arg8[%get3A_440, %get3A_441] {strides = array<i32>} : memref<512x32xf32, #tpu.memory_space<vmem>>, vector<16xf32>,
        %sub3A_443 = arith.subf %get3A_433, %get3A_439 : vector<16xf32>
        %max3A_444 = arith.constant 0.000000e+00 : f32
        %max3A_445 = vector.broadcast %max3A_444 : f32 to vector<16xf32>
        %max3A_446 = arith.maximumf %sub3A_443, %max3A_445 : vector<16xf32>
        %sub3A_447 = arith.subf %get3A_436, %get3A_442 : vector<16xf32>
        %max3A_448 = arith.constant 0.000000e+00 : f32
        %max3A_449 = vector.broadcast %max3A_448 : f32 to vector<16xf32>
        %max3A_450 = arith.maximumf %sub3A_447, %max3A_449 : vector<16xf32>
        %add3A_451 = arith.addf %max3A_446, %max3A_450 : vector<16xf32>
        %add3A_452 = arith.constant 7 : i32
        %add3A_453 = arith.addi %mul3A_278, %add3A_452 : i32
        %add3A_454 = arith.constant 256 : i32
        %add3A_455 = arith.addi %add3A_454, %add3A_453 : i32
        %get3A_456 = arith.index_cast %add3A_453 : i32 to index
        %get3A_457 = arith.constant 0 : index
        %get3A_458 = tpu.vector_load %arg8[%get3A_456, %get3A_457] {strides = array<i32>} : memref<512x32xf32, #tpu.memory_space<vmem>>, vector<16xf32>,
        %get3A_459 = arith.index_cast %add3A_453 : i32 to index
        %get3A_460 = arith.constant 16 : index
        %get3A_461 = tpu.vector_load %arg8[%get3A_459, %get3A_460] {strides = array<i32>} : memref<512x32xf32, #tpu.memory_space<vmem>>, vector<16xf32>,
        %get3A_462 = arith.index_cast %add3A_455 : i32 to index
        %get3A_463 = arith.constant 0 : index
        %get3A_464 = tpu.vector_load %arg8[%get3A_462, %get3A_463] {strides = array<i32>} : memref<512x32xf32, #tpu.memory_space<vmem>>, vector<16xf32>,
        %get3A_465 = arith.index_cast %add3A_455 : i32 to index
        %get3A_466 = arith.constant 16 : index
        %get3A_467 = tpu.vector_load %arg8[%get3A_465, %get3A_466] {strides = array<i32>} : memref<512x32xf32, #tpu.memory_space<vmem>>, vector<16xf32>,
        %sub3A_468 = arith.subf %get3A_458, %get3A_464 : vector<16xf32>
        %max3A_469 = arith.constant 0.000000e+00 : f32
        %max3A_470 = vector.broadcast %max3A_469 : f32 to vector<16xf32>
        %max3A_471 = arith.maximumf %sub3A_468, %max3A_470 : vector<16xf32>
        %sub3A_472 = arith.subf %get3A_461, %get3A_467 : vector<16xf32>
        %max3A_473 = arith.constant 0.000000e+00 : f32
        %max3A_474 = vector.broadcast %max3A_473 : f32 to vector<16xf32>
        %max3A_475 = arith.maximumf %sub3A_472, %max3A_474 : vector<16xf32>
        %add3A_476 = arith.addf %max3A_471, %max3A_475 : vector<16xf32>
        %add3A_477 = arith.constant 8 : i32
        %add3A_478 = arith.addi %mul3A_278, %add3A_477 : i32
        %add3A_479 = arith.constant 256 : i32
        %add3A_480 = arith.addi %add3A_479, %add3A_478 : i32
        %get3A_481 = arith.index_cast %add3A_478 : i32 to index
        %get3A_482 = arith.constant 0 : index
        %get3A_483 = tpu.vector_load %arg8[%get3A_481, %get3A_482] {strides = array<i32>} : memref<512x32xf32, #tpu.memory_space<vmem>>, vector<16xf32>,
        %get3A_484 = arith.index_cast %add3A_478 : i32 to index
        %get3A_485 = arith.constant 16 : index
        %get3A_486 = tpu.vector_load %arg8[%get3A_484, %get3A_485] {strides = array<i32>} : memref<512x32xf32, #tpu.memory_space<vmem>>, vector<16xf32>,
        %get3A_487 = arith.index_cast %add3A_480 : i32 to index
        %get3A_488 = arith.constant 0 : index
        %get3A_489 = tpu.vector_load %arg8[%get3A_487, %get3A_488] {strides = array<i32>} : memref<512x32xf32, #tpu.memory_space<vmem>>, vector<16xf32>,
        %get3A_490 = arith.index_cast %add3A_480 : i32 to index
        %get3A_491 = arith.constant 16 : index
        %get3A_492 = tpu.vector_load %arg8[%get3A_490, %get3A_491] {strides = array<i32>} : memref<512x32xf32, #tpu.memory_space<vmem>>, vector<16xf32>,
        %sub3A_493 = arith.subf %get3A_483, %get3A_489 : vector<16xf32>
        %max3A_494 = arith.constant 0.000000e+00 : f32
        %max3A_495 = vector.broadcast %max3A_494 : f32 to vector<16xf32>
        %max3A_496 = arith.maximumf %sub3A_493, %max3A_495 : vector<16xf32>
        %sub3A_497 = arith.subf %get3A_486, %get3A_492 : vector<16xf32>
        %max3A_498 = arith.constant 0.000000e+00 : f32
        %max3A_499 = vector.broadcast %max3A_498 : f32 to vector<16xf32>
        %max3A_500 = arith.maximumf %sub3A_497, %max3A_499 : vector<16xf32>
        %add3A_501 = arith.addf %max3A_496, %max3A_500 : vector<16xf32>
        %add3A_502 = arith.constant 9 : i32
        %add3A_503 = arith.addi %mul3A_278, %add3A_502 : i32
        %add3A_504 = arith.constant 256 : i32
        %add3A_505 = arith.addi %add3A_504, %add3A_503 : i32
        %get3A_506 = arith.index_cast %add3A_503 : i32 to index
        %get3A_507 = arith.constant 0 : index
        %get3A_508 = tpu.vector_load %arg8[%get3A_506, %get3A_507] {strides = array<i32>} : memref<512x32xf32, #tpu.memory_space<vmem>>, vector<16xf32>,
        %get3A_509 = arith.index_cast %add3A_503 : i32 to index
        %get3A_510 = arith.constant 16 : index
        %get3A_511 = tpu.vector_load %arg8[%get3A_509, %get3A_510] {strides = array<i32>} : memref<512x32xf32, #tpu.memory_space<vmem>>, vector<16xf32>,
        %get3A_512 = arith.index_cast %add3A_505 : i32 to index
        %get3A_513 = arith.constant 0 : index
        %get3A_514 = tpu.vector_load %arg8[%get3A_512, %get3A_513] {strides = array<i32>} : memref<512x32xf32, #tpu.memory_space<vmem>>, vector<16xf32>,
        %get3A_515 = arith.index_cast %add3A_505 : i32 to index
        %get3A_516 = arith.constant 16 : index
        %get3A_517 = tpu.vector_load %arg8[%get3A_515, %get3A_516] {strides = array<i32>} : memref<512x32xf32, #tpu.memory_space<vmem>>, vector<16xf32>,
        %sub3A_518 = arith.subf %get3A_508, %get3A_514 : vector<16xf32>
        %max3A_519 = arith.constant 0.000000e+00 : f32
        %max3A_520 = vector.broadcast %max3A_519 : f32 to vector<16xf32>
        %max3A_521 = arith.maximumf %sub3A_518, %max3A_520 : vector<16xf32>
        %sub3A_522 = arith.subf %get3A_511, %get3A_517 : vector<16xf32>
        %max3A_523 = arith.constant 0.000000e+00 : f32
        %max3A_524 = vector.broadcast %max3A_523 : f32 to vector<16xf32>
        %max3A_525 = arith.maximumf %sub3A_522, %max3A_524 : vector<16xf32>
        %add3A_526 = arith.addf %max3A_521, %max3A_525 : vector<16xf32>
        %add3A_527 = arith.constant 10 : i32
        %add3A_528 = arith.addi %mul3A_278, %add3A_527 : i32
        %add3A_529 = arith.constant 256 : i32
        %add3A_530 = arith.addi %add3A_529, %add3A_528 : i32
        %get3A_531 = arith.index_cast %add3A_528 : i32 to index
        %get3A_532 = arith.constant 0 : index
        %get3A_533 = tpu.vector_load %arg8[%get3A_531, %get3A_532] {strides = array<i32>} : memref<512x32xf32, #tpu.memory_space<vmem>>, vector<16xf32>,
        %get3A_534 = arith.index_cast %add3A_528 : i32 to index
        %get3A_535 = arith.constant 16 : index
        %get3A_536 = tpu.vector_load %arg8[%get3A_534, %get3A_535] {strides = array<i32>} : memref<512x32xf32, #tpu.memory_space<vmem>>, vector<16xf32>,
        %get3A_537 = arith.index_cast %add3A_530 : i32 to index
        %get3A_538 = arith.constant 0 : index
        %get3A_539 = tpu.vector_load %arg8[%get3A_537, %get3A_538] {strides = array<i32>} : memref<512x32xf32, #tpu.memory_space<vmem>>, vector<16xf32>,
        %get3A_540 = arith.index_cast %add3A_530 : i32 to index
        %get3A_541 = arith.constant 16 : index
        %get3A_542 = tpu.vector_load %arg8[%get3A_540, %get3A_541] {strides = array<i32>} : memref<512x32xf32, #tpu.memory_space<vmem>>, vector<16xf32>,
        %sub3A_543 = arith.subf %get3A_533, %get3A_539 : vector<16xf32>
        %max3A_544 = arith.constant 0.000000e+00 : f32
        %max3A_545 = vector.broadcast %max3A_544 : f32 to vector<16xf32>
        %max3A_546 = arith.maximumf %sub3A_543, %max3A_545 : vector<16xf32>
        %sub3A_547 = arith.subf %get3A_536, %get3A_542 : vector<16xf32>
        %max3A_548 = arith.constant 0.000000e+00 : f32
        %max3A_549 = vector.broadcast %max3A_548 : f32 to vector<16xf32>
        %max3A_550 = arith.maximumf %sub3A_547, %max3A_549 : vector<16xf32>
        %add3A_551 = arith.addf %max3A_546, %max3A_550 : vector<16xf32>
        %add3A_552 = arith.constant 11 : i32
        %add3A_553 = arith.addi %mul3A_278, %add3A_552 : i32
        %add3A_554 = arith.constant 256 : i32
        %add3A_555 = arith.addi %add3A_554, %add3A_553 : i32
        %get3A_556 = arith.index_cast %add3A_553 : i32 to index
        %get3A_557 = arith.constant 0 : index
        %get3A_558 = tpu.vector_load %arg8[%get3A_556, %get3A_557] {strides = array<i32>} : memref<512x32xf32, #tpu.memory_space<vmem>>, vector<16xf32>,
        %get3A_559 = arith.index_cast %add3A_553 : i32 to index
        %get3A_560 = arith.constant 16 : index
        %get3A_561 = tpu.vector_load %arg8[%get3A_559, %get3A_560] {strides = array<i32>} : memref<512x32xf32, #tpu.memory_space<vmem>>, vector<16xf32>,
        %get3A_562 = arith.index_cast %add3A_555 : i32 to index
        %get3A_563 = arith.constant 0 : index
        %get3A_564 = tpu.vector_load %arg8[%get3A_562, %get3A_563] {strides = array<i32>} : memref<512x32xf32, #tpu.memory_space<vmem>>, vector<16xf32>,
        %get3A_565 = arith.index_cast %add3A_555 : i32 to index
        %get3A_566 = arith.constant 16 : index
        %get3A_567 = tpu.vector_load %arg8[%get3A_565, %get3A_566] {strides = array<i32>} : memref<512x32xf32, #tpu.memory_space<vmem>>, vector<16xf32>,
        %sub3A_568 = arith.subf %get3A_558, %get3A_564 : vector<16xf32>
        %max3A_569 = arith.constant 0.000000e+00 : f32
        %max3A_570 = vector.broadcast %max3A_569 : f32 to vector<16xf32>
        %max3A_571 = arith.maximumf %sub3A_568, %max3A_570 : vector<16xf32>
        %sub3A_572 = arith.subf %get3A_561, %get3A_567 : vector<16xf32>
        %max3A_573 = arith.constant 0.000000e+00 : f32
        %max3A_574 = vector.broadcast %max3A_573 : f32 to vector<16xf32>
        %max3A_575 = arith.maximumf %sub3A_572, %max3A_574 : vector<16xf32>
        %add3A_576 = arith.addf %max3A_571, %max3A_575 : vector<16xf32>
        %add3A_577 = arith.constant 12 : i32
        %add3A_578 = arith.addi %mul3A_278, %add3A_577 : i32
        %add3A_579 = arith.constant 256 : i32
        %add3A_580 = arith.addi %add3A_579, %add3A_578 : i32
        %get3A_581 = arith.index_cast %add3A_578 : i32 to index
        %get3A_582 = arith.constant 0 : index
        %get3A_583 = tpu.vector_load %arg8[%get3A_581, %get3A_582] {strides = array<i32>} : memref<512x32xf32, #tpu.memory_space<vmem>>, vector<16xf32>,
        %get3A_584 = arith.index_cast %add3A_578 : i32 to index
        %get3A_585 = arith.constant 16 : index
        %get3A_586 = tpu.vector_load %arg8[%get3A_584, %get3A_585] {strides = array<i32>} : memref<512x32xf32, #tpu.memory_space<vmem>>, vector<16xf32>,
        %get3A_587 = arith.index_cast %add3A_580 : i32 to index
        %get3A_588 = arith.constant 0 : index
        %get3A_589 = tpu.vector_load %arg8[%get3A_587, %get3A_588] {strides = array<i32>} : memref<512x32xf32, #tpu.memory_space<vmem>>, vector<16xf32>,
        %get3A_590 = arith.index_cast %add3A_580 : i32 to index
        %get3A_591 = arith.constant 16 : index
        %get3A_592 = tpu.vector_load %arg8[%get3A_590, %get3A_591] {strides = array<i32>} : memref<512x32xf32, #tpu.memory_space<vmem>>, vector<16xf32>,
        %sub3A_593 = arith.subf %get3A_583, %get3A_589 : vector<16xf32>
        %max3A_594 = arith.constant 0.000000e+00 : f32
        %max3A_595 = vector.broadcast %max3A_594 : f32 to vector<16xf32>
        %max3A_596 = arith.maximumf %sub3A_593, %max3A_595 : vector<16xf32>
        %sub3A_597 = arith.subf %get3A_586, %get3A_592 : vector<16xf32>
        %max3A_598 = arith.constant 0.000000e+00 : f32
        %max3A_599 = vector.broadcast %max3A_598 : f32 to vector<16xf32>
        %max3A_600 = arith.maximumf %sub3A_597, %max3A_599 : vector<16xf32>
        %add3A_601 = arith.addf %max3A_596, %max3A_600 : vector<16xf32>
        %add3A_602 = arith.constant 13 : i32
        %add3A_603 = arith.addi %mul3A_278, %add3A_602 : i32
        %add3A_604 = arith.constant 256 : i32
        %add3A_605 = arith.addi %add3A_604, %add3A_603 : i32
        %get3A_606 = arith.index_cast %add3A_603 : i32 to index
        %get3A_607 = arith.constant 0 : index
        %get3A_608 = tpu.vector_load %arg8[%get3A_606, %get3A_607] {strides = array<i32>} : memref<512x32xf32, #tpu.memory_space<vmem>>, vector<16xf32>,
        %get3A_609 = arith.index_cast %add3A_603 : i32 to index
        %get3A_610 = arith.constant 16 : index
        %get3A_611 = tpu.vector_load %arg8[%get3A_609, %get3A_610] {strides = array<i32>} : memref<512x32xf32, #tpu.memory_space<vmem>>, vector<16xf32>,
        %get3A_612 = arith.index_cast %add3A_605 : i32 to index
        %get3A_613 = arith.constant 0 : index
        %get3A_614 = tpu.vector_load %arg8[%get3A_612, %get3A_613] {strides = array<i32>} : memref<512x32xf32, #tpu.memory_space<vmem>>, vector<16xf32>,
        %get3A_615 = arith.index_cast %add3A_605 : i32 to index
        %get3A_616 = arith.constant 16 : index
        %get3A_617 = tpu.vector_load %arg8[%get3A_615, %get3A_616] {strides = array<i32>} : memref<512x32xf32, #tpu.memory_space<vmem>>, vector<16xf32>,
        %sub3A_618 = arith.subf %get3A_608, %get3A_614 : vector<16xf32>
        %max3A_619 = arith.constant 0.000000e+00 : f32
        %max3A_620 = vector.broadcast %max3A_619 : f32 to vector<16xf32>
        %max3A_621 = arith.maximumf %sub3A_618, %max3A_620 : vector<16xf32>
        %sub3A_622 = arith.subf %get3A_611, %get3A_617 : vector<16xf32>
        %max3A_623 = arith.constant 0.000000e+00 : f32
        %max3A_624 = vector.broadcast %max3A_623 : f32 to vector<16xf32>
        %max3A_625 = arith.maximumf %sub3A_622, %max3A_624 : vector<16xf32>
        %add3A_626 = arith.addf %max3A_621, %max3A_625 : vector<16xf32>
        %add3A_627 = arith.constant 14 : i32
        %add3A_628 = arith.addi %mul3A_278, %add3A_627 : i32
        %add3A_629 = arith.constant 256 : i32
        %add3A_630 = arith.addi %add3A_629, %add3A_628 : i32
        %get3A_631 = arith.index_cast %add3A_628 : i32 to index
        %get3A_632 = arith.constant 0 : index
        %get3A_633 = tpu.vector_load %arg8[%get3A_631, %get3A_632] {strides = array<i32>} : memref<512x32xf32, #tpu.memory_space<vmem>>, vector<16xf32>,
        %get3A_634 = arith.index_cast %add3A_628 : i32 to index
        %get3A_635 = arith.constant 16 : index
        %get3A_636 = tpu.vector_load %arg8[%get3A_634, %get3A_635] {strides = array<i32>} : memref<512x32xf32, #tpu.memory_space<vmem>>, vector<16xf32>,
        %get3A_637 = arith.index_cast %add3A_630 : i32 to index
        %get3A_638 = arith.constant 0 : index
        %get3A_639 = tpu.vector_load %arg8[%get3A_637, %get3A_638] {strides = array<i32>} : memref<512x32xf32, #tpu.memory_space<vmem>>, vector<16xf32>,
        %get3A_640 = arith.index_cast %add3A_630 : i32 to index
        %get3A_641 = arith.constant 16 : index
        %get3A_642 = tpu.vector_load %arg8[%get3A_640, %get3A_641] {strides = array<i32>} : memref<512x32xf32, #tpu.memory_space<vmem>>, vector<16xf32>,
        %sub3A_643 = arith.subf %get3A_633, %get3A_639 : vector<16xf32>
        %max3A_644 = arith.constant 0.000000e+00 : f32
        %max3A_645 = vector.broadcast %max3A_644 : f32 to vector<16xf32>
        %max3A_646 = arith.maximumf %sub3A_643, %max3A_645 : vector<16xf32>
        %sub3A_647 = arith.subf %get3A_636, %get3A_642 : vector<16xf32>
        %max3A_648 = arith.constant 0.000000e+00 : f32
        %max3A_649 = vector.broadcast %max3A_648 : f32 to vector<16xf32>
        %max3A_650 = arith.maximumf %sub3A_647, %max3A_649 : vector<16xf32>
        %add3A_651 = arith.addf %max3A_646, %max3A_650 : vector<16xf32>
        %add3A_652 = arith.constant 15 : i32
        %add3A_653 = arith.addi %mul3A_278, %add3A_652 : i32
        %add3A_654 = arith.constant 256 : i32
        %add3A_655 = arith.addi %add3A_654, %add3A_653 : i32
        %get3A_656 = arith.index_cast %add3A_653 : i32 to index
        %get3A_657 = arith.constant 0 : index
        %get3A_658 = tpu.vector_load %arg8[%get3A_656, %get3A_657] {strides = array<i32>} : memref<512x32xf32, #tpu.memory_space<vmem>>, vector<16xf32>,
        %get3A_659 = arith.index_cast %add3A_653 : i32 to index
        %get3A_660 = arith.constant 16 : index
        %get3A_661 = tpu.vector_load %arg8[%get3A_659, %get3A_660] {strides = array<i32>} : memref<512x32xf32, #tpu.memory_space<vmem>>, vector<16xf32>,
        %get3A_662 = arith.index_cast %add3A_655 : i32 to index
        %get3A_663 = arith.constant 0 : index
        %get3A_664 = tpu.vector_load %arg8[%get3A_662, %get3A_663] {strides = array<i32>} : memref<512x32xf32, #tpu.memory_space<vmem>>, vector<16xf32>,
        %get3A_665 = arith.index_cast %add3A_655 : i32 to index
        %get3A_666 = arith.constant 16 : index
        %get3A_667 = tpu.vector_load %arg8[%get3A_665, %get3A_666] {strides = array<i32>} : memref<512x32xf32, #tpu.memory_space<vmem>>, vector<16xf32>,
        %sub3A_668 = arith.subf %get3A_658, %get3A_664 : vector<16xf32>
        %max3A_669 = arith.constant 0.000000e+00 : f32
        %max3A_670 = vector.broadcast %max3A_669 : f32 to vector<16xf32>
        %max3A_671 = arith.maximumf %sub3A_668, %max3A_670 : vector<16xf32>
        %sub3A_672 = arith.subf %get3A_661, %get3A_667 : vector<16xf32>
        %max3A_673 = arith.constant 0.000000e+00 : f32
        %max3A_674 = vector.broadcast %max3A_673 : f32 to vector<16xf32>
        %max3A_675 = arith.maximumf %sub3A_672, %max3A_674 : vector<16xf32>
        %add3A_676 = arith.addf %max3A_671, %max3A_675 : vector<16xf32>
        %add3A_677 = arith.constant 8 : i32
        %add3A_678 = vector.broadcast %add3A_677 : i32 to vector<16xi32>
        %add3A_679 = arith.addi %iota3A, %add3A_678 : vector<16xi32>
        %and3A_680 = arith.constant 15 : i32
        %and3A_681 = vector.broadcast %and3A_680 : i32 to vector<16xi32>
        %and3A_682 = arith.andi %add3A_679, %and3A_681 : vector<16xi32>
        %broadcast_in_dim3A = vector.shape_cast %and3A_682 : vector<16xi32> to vector<16x1xi32>
        %gather3A = vector.shape_cast %broadcast_in_dim3A : vector<16x1xi32> to vector<16xi32>
        %gather3A_683 = tpu.dynamic_gather %add3A_301[%gather3A] in [0] : vector<16xf32>, vector<16xi32> -> vector<16xf32>
        %add3A_684 = arith.addf %add3A_301, %gather3A_683 : vector<16xf32>
        %add3A_685 = arith.constant 8 : i32
        %add3A_686 = vector.broadcast %add3A_685 : i32 to vector<16xi32>
        %add3A_687 = arith.addi %iota3A, %add3A_686 : vector<16xi32>
        %and3A_688 = arith.constant 15 : i32
        %and3A_689 = vector.broadcast %and3A_688 : i32 to vector<16xi32>
        %and3A_690 = arith.andi %add3A_687, %and3A_689 : vector<16xi32>
        %broadcast_in_dim3A_691 = vector.shape_cast %and3A_690 : vector<16xi32> to vector<16x1xi32>
        %gather3A_692 = vector.shape_cast %broadcast_in_dim3A_691 : vector<16x1xi32> to vector<16xi32>
        %gather3A_693 = tpu.dynamic_gather %add3A_326[%gather3A_692] in [0] : vector<16xf32>, vector<16xi32> -> vector<16xf32>
        %add3A_694 = arith.addf %add3A_326, %gather3A_693 : vector<16xf32>
        %add3A_695 = arith.constant 8 : i32
        %add3A_696 = vector.broadcast %add3A_695 : i32 to vector<16xi32>
        %add3A_697 = arith.addi %iota3A, %add3A_696 : vector<16xi32>
        %and3A_698 = arith.constant 15 : i32
        %and3A_699 = vector.broadcast %and3A_698 : i32 to vector<16xi32>
        %and3A_700 = arith.andi %add3A_697, %and3A_699 : vector<16xi32>
        %broadcast_in_dim3A_701 = vector.shape_cast %and3A_700 : vector<16xi32> to vector<16x1xi32>
        %gather3A_702 = vector.shape_cast %broadcast_in_dim3A_701 : vector<16x1xi32> to vector<16xi32>
        %gather3A_703 = tpu.dynamic_gather %add3A_351[%gather3A_702] in [0] : vector<16xf32>, vector<16xi32> -> vector<16xf32>
        %add3A_704 = arith.addf %add3A_351, %gather3A_703 : vector<16xf32>
        %add3A_705 = arith.constant 8 : i32
        %add3A_706 = vector.broadcast %add3A_705 : i32 to vector<16xi32>
        %add3A_707 = arith.addi %iota3A, %add3A_706 : vector<16xi32>
        %and3A_708 = arith.constant 15 : i32
        %and3A_709 = vector.broadcast %and3A_708 : i32 to vector<16xi32>
        %and3A_710 = arith.andi %add3A_707, %and3A_709 : vector<16xi32>
        %broadcast_in_dim3A_711 = vector.shape_cast %and3A_710 : vector<16xi32> to vector<16x1xi32>
        %gather3A_712 = vector.shape_cast %broadcast_in_dim3A_711 : vector<16x1xi32> to vector<16xi32>
        %gather3A_713 = tpu.dynamic_gather %add3A_376[%gather3A_712] in [0] : vector<16xf32>, vector<16xi32> -> vector<16xf32>
        %add3A_714 = arith.addf %add3A_376, %gather3A_713 : vector<16xf32>
        %add3A_715 = arith.constant 8 : i32
        %add3A_716 = vector.broadcast %add3A_715 : i32 to vector<16xi32>
        %add3A_717 = arith.addi %iota3A, %add3A_716 : vector<16xi32>
        %and3A_718 = arith.constant 15 : i32
        %and3A_719 = vector.broadcast %and3A_718 : i32 to vector<16xi32>
        %and3A_720 = arith.andi %add3A_717, %and3A_719 : vector<16xi32>
        %broadcast_in_dim3A_721 = vector.shape_cast %and3A_720 : vector<16xi32> to vector<16x1xi32>
        %gather3A_722 = vector.shape_cast %broadcast_in_dim3A_721 : vector<16x1xi32> to vector<16xi32>
        %gather3A_723 = tpu.dynamic_gather %add3A_401[%gather3A_722] in [0] : vector<16xf32>, vector<16xi32> -> vector<16xf32>
        %add3A_724 = arith.addf %add3A_401, %gather3A_723 : vector<16xf32>
        %add3A_725 = arith.constant 8 : i32
        %add3A_726 = vector.broadcast %add3A_725 : i32 to vector<16xi32>
        %add3A_727 = arith.addi %iota3A, %add3A_726 : vector<16xi32>
        %and3A_728 = arith.constant 15 : i32
        %and3A_729 = vector.broadcast %and3A_728 : i32 to vector<16xi32>
        %and3A_730 = arith.andi %add3A_727, %and3A_729 : vector<16xi32>
        %broadcast_in_dim3A_731 = vector.shape_cast %and3A_730 : vector<16xi32> to vector<16x1xi32>
        %gather3A_732 = vector.shape_cast %broadcast_in_dim3A_731 : vector<16x1xi32> to vector<16xi32>
        %gather3A_733 = tpu.dynamic_gather %add3A_426[%gather3A_732] in [0] : vector<16xf32>, vector<16xi32> -> vector<16xf32>
        %add3A_734 = arith.addf %add3A_426, %gather3A_733 : vector<16xf32>
        %add3A_735 = arith.constant 8 : i32
        %add3A_736 = vector.broadcast %add3A_735 : i32 to vector<16xi32>
        %add3A_737 = arith.addi %iota3A, %add3A_736 : vector<16xi32>
        %and3A_738 = arith.constant 15 : i32
        %and3A_739 = vector.broadcast %and3A_738 : i32 to vector<16xi32>
        %and3A_740 = arith.andi %add3A_737, %and3A_739 : vector<16xi32>
        %broadcast_in_dim3A_741 = vector.shape_cast %and3A_740 : vector<16xi32> to vector<16x1xi32>
        %gather3A_742 = vector.shape_cast %broadcast_in_dim3A_741 : vector<16x1xi32> to vector<16xi32>
        %gather3A_743 = tpu.dynamic_gather %add3A_451[%gather3A_742] in [0] : vector<16xf32>, vector<16xi32> -> vector<16xf32>
        %add3A_744 = arith.addf %add3A_451, %gather3A_743 : vector<16xf32>
        %add3A_745 = arith.constant 8 : i32
        %add3A_746 = vector.broadcast %add3A_745 : i32 to vector<16xi32>
        %add3A_747 = arith.addi %iota3A, %add3A_746 : vector<16xi32>
        %and3A_748 = arith.constant 15 : i32
        %and3A_749 = vector.broadcast %and3A_748 : i32 to vector<16xi32>
        %and3A_750 = arith.andi %add3A_747, %and3A_749 : vector<16xi32>
        %broadcast_in_dim3A_751 = vector.shape_cast %and3A_750 : vector<16xi32> to vector<16x1xi32>
        %gather3A_752 = vector.shape_cast %broadcast_in_dim3A_751 : vector<16x1xi32> to vector<16xi32>
        %gather3A_753 = tpu.dynamic_gather %add3A_476[%gather3A_752] in [0] : vector<16xf32>, vector<16xi32> -> vector<16xf32>
        %add3A_754 = arith.addf %add3A_476, %gather3A_753 : vector<16xf32>
        %add3A_755 = arith.constant 8 : i32
        %add3A_756 = vector.broadcast %add3A_755 : i32 to vector<16xi32>
        %add3A_757 = arith.addi %iota3A, %add3A_756 : vector<16xi32>
        %and3A_758 = arith.constant 15 : i32
        %and3A_759 = vector.broadcast %and3A_758 : i32 to vector<16xi32>
        %and3A_760 = arith.andi %add3A_757, %and3A_759 : vector<16xi32>
        %broadcast_in_dim3A_761 = vector.shape_cast %and3A_760 : vector<16xi32> to vector<16x1xi32>
        %gather3A_762 = vector.shape_cast %broadcast_in_dim3A_761 : vector<16x1xi32> to vector<16xi32>
        %gather3A_763 = tpu.dynamic_gather %add3A_501[%gather3A_762] in [0] : vector<16xf32>, vector<16xi32> -> vector<16xf32>
        %add3A_764 = arith.addf %add3A_501, %gather3A_763 : vector<16xf32>
        %add3A_765 = arith.constant 8 : i32
        %add3A_766 = vector.broadcast %add3A_765 : i32 to vector<16xi32>
        %add3A_767 = arith.addi %iota3A, %add3A_766 : vector<16xi32>
        %and3A_768 = arith.constant 15 : i32
        %and3A_769 = vector.broadcast %and3A_768 : i32 to vector<16xi32>
        %and3A_770 = arith.andi %add3A_767, %and3A_769 : vector<16xi32>
        %broadcast_in_dim3A_771 = vector.shape_cast %and3A_770 : vector<16xi32> to vector<16x1xi32>
        %gather3A_772 = vector.shape_cast %broadcast_in_dim3A_771 : vector<16x1xi32> to vector<16xi32>
        %gather3A_773 = tpu.dynamic_gather %add3A_526[%gather3A_772] in [0] : vector<16xf32>, vector<16xi32> -> vector<16xf32>
        %add3A_774 = arith.addf %add3A_526, %gather3A_773 : vector<16xf32>
        %add3A_775 = arith.constant 8 : i32
        %add3A_776 = vector.broadcast %add3A_775 : i32 to vector<16xi32>
        %add3A_777 = arith.addi %iota3A, %add3A_776 : vector<16xi32>
        %and3A_778 = arith.constant 15 : i32
        %and3A_779 = vector.broadcast %and3A_778 : i32 to vector<16xi32>
        %and3A_780 = arith.andi %add3A_777, %and3A_779 : vector<16xi32>
        %broadcast_in_dim3A_781 = vector.shape_cast %and3A_780 : vector<16xi32> to vector<16x1xi32>
        %gather3A_782 = vector.shape_cast %broadcast_in_dim3A_781 : vector<16x1xi32> to vector<16xi32>
        %gather3A_783 = tpu.dynamic_gather %add3A_551[%gather3A_782] in [0] : vector<16xf32>, vector<16xi32> -> vector<16xf32>
        %add3A_784 = arith.addf %add3A_551, %gather3A_783 : vector<16xf32>
        %add3A_785 = arith.constant 8 : i32
        %add3A_786 = vector.broadcast %add3A_785 : i32 to vector<16xi32>
        %add3A_787 = arith.addi %iota3A, %add3A_786 : vector<16xi32>
        %and3A_788 = arith.constant 15 : i32
        %and3A_789 = vector.broadcast %and3A_788 : i32 to vector<16xi32>
        %and3A_790 = arith.andi %add3A_787, %and3A_789 : vector<16xi32>
        %broadcast_in_dim3A_791 = vector.shape_cast %and3A_790 : vector<16xi32> to vector<16x1xi32>
        %gather3A_792 = vector.shape_cast %broadcast_in_dim3A_791 : vector<16x1xi32> to vector<16xi32>
        %gather3A_793 = tpu.dynamic_gather %add3A_576[%gather3A_792] in [0] : vector<16xf32>, vector<16xi32> -> vector<16xf32>
        %add3A_794 = arith.addf %add3A_576, %gather3A_793 : vector<16xf32>
        %add3A_795 = arith.constant 8 : i32
        %add3A_796 = vector.broadcast %add3A_795 : i32 to vector<16xi32>
        %add3A_797 = arith.addi %iota3A, %add3A_796 : vector<16xi32>
        %and3A_798 = arith.constant 15 : i32
        %and3A_799 = vector.broadcast %and3A_798 : i32 to vector<16xi32>
        %and3A_800 = arith.andi %add3A_797, %and3A_799 : vector<16xi32>
        %broadcast_in_dim3A_801 = vector.shape_cast %and3A_800 : vector<16xi32> to vector<16x1xi32>
        %gather3A_802 = vector.shape_cast %broadcast_in_dim3A_801 : vector<16x1xi32> to vector<16xi32>
        %gather3A_803 = tpu.dynamic_gather %add3A_601[%gather3A_802] in [0] : vector<16xf32>, vector<16xi32> -> vector<16xf32>
        %add3A_804 = arith.addf %add3A_601, %gather3A_803 : vector<16xf32>
        %add3A_805 = arith.constant 8 : i32
        %add3A_806 = vector.broadcast %add3A_805 : i32 to vector<16xi32>
        %add3A_807 = arith.addi %iota3A, %add3A_806 : vector<16xi32>
        %and3A_808 = arith.constant 15 : i32
        %and3A_809 = vector.broadcast %and3A_808 : i32 to vector<16xi32>
        %and3A_810 = arith.andi %add3A_807, %and3A_809 : vector<16xi32>
        %broadcast_in_dim3A_811 = vector.shape_cast %and3A_810 : vector<16xi32> to vector<16x1xi32>
        %gather3A_812 = vector.shape_cast %broadcast_in_dim3A_811 : vector<16x1xi32> to vector<16xi32>
        %gather3A_813 = tpu.dynamic_gather %add3A_626[%gather3A_812] in [0] : vector<16xf32>, vector<16xi32> -> vector<16xf32>
        %add3A_814 = arith.addf %add3A_626, %gather3A_813 : vector<16xf32>
        %add3A_815 = arith.constant 8 : i32
        %add3A_816 = vector.broadcast %add3A_815 : i32 to vector<16xi32>
        %add3A_817 = arith.addi %iota3A, %add3A_816 : vector<16xi32>
        %and3A_818 = arith.constant 15 : i32
        %and3A_819 = vector.broadcast %and3A_818 : i32 to vector<16xi32>
        %and3A_820 = arith.andi %add3A_817, %and3A_819 : vector<16xi32>
        %broadcast_in_dim3A_821 = vector.shape_cast %and3A_820 : vector<16xi32> to vector<16x1xi32>
        %gather3A_822 = vector.shape_cast %broadcast_in_dim3A_821 : vector<16x1xi32> to vector<16xi32>
        %gather3A_823 = tpu.dynamic_gather %add3A_651[%gather3A_822] in [0] : vector<16xf32>, vector<16xi32> -> vector<16xf32>
        %add3A_824 = arith.addf %add3A_651, %gather3A_823 : vector<16xf32>
        %add3A_825 = arith.constant 8 : i32
        %add3A_826 = vector.broadcast %add3A_825 : i32 to vector<16xi32>
        %add3A_827 = arith.addi %iota3A, %add3A_826 : vector<16xi32>
        %and3A_828 = arith.constant 15 : i32
        %and3A_829 = vector.broadcast %and3A_828 : i32 to vector<16xi32>
        %and3A_830 = arith.andi %add3A_827, %and3A_829 : vector<16xi32>
        %broadcast_in_dim3A_831 = vector.shape_cast %and3A_830 : vector<16xi32> to vector<16x1xi32>
        %gather3A_832 = vector.shape_cast %broadcast_in_dim3A_831 : vector<16x1xi32> to vector<16xi32>
        %gather3A_833 = tpu.dynamic_gather %add3A_676[%gather3A_832] in [0] : vector<16xf32>, vector<16xi32> -> vector<16xf32>
        %add3A_834 = arith.addf %add3A_676, %gather3A_833 : vector<16xf32>
        %select_n3A = arith.select %lt3A_27, %add3A_684, %add3A_694 : vector<16xi1>, vector<16xf32>
        %select_n3A_835 = arith.select %lt3A_27, %add3A_704, %add3A_714 : vector<16xi1>, vector<16xf32>
        %select_n3A_836 = arith.select %lt3A_27, %add3A_724, %add3A_734 : vector<16xi1>, vector<16xf32>
        %select_n3A_837 = arith.select %lt3A_27, %add3A_744, %add3A_754 : vector<16xi1>, vector<16xf32>
        %select_n3A_838 = arith.select %lt3A_27, %add3A_764, %add3A_774 : vector<16xi1>, vector<16xf32>
        %select_n3A_839 = arith.select %lt3A_27, %add3A_784, %add3A_794 : vector<16xi1>, vector<16xf32>
        %select_n3A_840 = arith.select %lt3A_27, %add3A_804, %add3A_814 : vector<16xi1>, vector<16xf32>
        %select_n3A_841 = arith.select %lt3A_27, %add3A_824, %add3A_834 : vector<16xi1>, vector<16xf32>
        %add3A_842 = arith.constant 4 : i32
        %add3A_843 = vector.broadcast %add3A_842 : i32 to vector<16xi32>
        %add3A_844 = arith.addi %iota3A, %add3A_843 : vector<16xi32>
        %and3A_845 = arith.constant 15 : i32
        %and3A_846 = vector.broadcast %and3A_845 : i32 to vector<16xi32>
        %and3A_847 = arith.andi %add3A_844, %and3A_846 : vector<16xi32>
        %broadcast_in_dim3A_848 = vector.shape_cast %and3A_847 : vector<16xi32> to vector<16x1xi32>
        %gather3A_849 = vector.shape_cast %broadcast_in_dim3A_848 : vector<16x1xi32> to vector<16xi32>
        %gather3A_850 = tpu.dynamic_gather %select_n3A[%gather3A_849] in [0] : vector<16xf32>, vector<16xi32> -> vector<16xf32>
        %add3A_851 = arith.addf %select_n3A, %gather3A_850 : vector<16xf32>
        %add3A_852 = arith.constant 4 : i32
        %add3A_853 = vector.broadcast %add3A_852 : i32 to vector<16xi32>
        %add3A_854 = arith.addi %iota3A, %add3A_853 : vector<16xi32>
        %and3A_855 = arith.constant 15 : i32
        %and3A_856 = vector.broadcast %and3A_855 : i32 to vector<16xi32>
        %and3A_857 = arith.andi %add3A_854, %and3A_856 : vector<16xi32>
        %broadcast_in_dim3A_858 = vector.shape_cast %and3A_857 : vector<16xi32> to vector<16x1xi32>
        %gather3A_859 = vector.shape_cast %broadcast_in_dim3A_858 : vector<16x1xi32> to vector<16xi32>
        %gather3A_860 = tpu.dynamic_gather %select_n3A_835[%gather3A_859] in [0] : vector<16xf32>, vector<16xi32> -> vector<16xf32>
        %add3A_861 = arith.addf %select_n3A_835, %gather3A_860 : vector<16xf32>
        %add3A_862 = arith.constant 4 : i32
        %add3A_863 = vector.broadcast %add3A_862 : i32 to vector<16xi32>
        %add3A_864 = arith.addi %iota3A, %add3A_863 : vector<16xi32>
        %and3A_865 = arith.constant 15 : i32
        %and3A_866 = vector.broadcast %and3A_865 : i32 to vector<16xi32>
        %and3A_867 = arith.andi %add3A_864, %and3A_866 : vector<16xi32>
        %broadcast_in_dim3A_868 = vector.shape_cast %and3A_867 : vector<16xi32> to vector<16x1xi32>
        %gather3A_869 = vector.shape_cast %broadcast_in_dim3A_868 : vector<16x1xi32> to vector<16xi32>
        %gather3A_870 = tpu.dynamic_gather %select_n3A_836[%gather3A_869] in [0] : vector<16xf32>, vector<16xi32> -> vector<16xf32>
        %add3A_871 = arith.addf %select_n3A_836, %gather3A_870 : vector<16xf32>
        %add3A_872 = arith.constant 4 : i32
        %add3A_873 = vector.broadcast %add3A_872 : i32 to vector<16xi32>
        %add3A_874 = arith.addi %iota3A, %add3A_873 : vector<16xi32>
        %and3A_875 = arith.constant 15 : i32
        %and3A_876 = vector.broadcast %and3A_875 : i32 to vector<16xi32>
        %and3A_877 = arith.andi %add3A_874, %and3A_876 : vector<16xi32>
        %broadcast_in_dim3A_878 = vector.shape_cast %and3A_877 : vector<16xi32> to vector<16x1xi32>
        %gather3A_879 = vector.shape_cast %broadcast_in_dim3A_878 : vector<16x1xi32> to vector<16xi32>
        %gather3A_880 = tpu.dynamic_gather %select_n3A_837[%gather3A_879] in [0] : vector<16xf32>, vector<16xi32> -> vector<16xf32>
        %add3A_881 = arith.addf %select_n3A_837, %gather3A_880 : vector<16xf32>
        %add3A_882 = arith.constant 4 : i32
        %add3A_883 = vector.broadcast %add3A_882 : i32 to vector<16xi32>
        %add3A_884 = arith.addi %iota3A, %add3A_883 : vector<16xi32>
        %and3A_885 = arith.constant 15 : i32
        %and3A_886 = vector.broadcast %and3A_885 : i32 to vector<16xi32>
        %and3A_887 = arith.andi %add3A_884, %and3A_886 : vector<16xi32>
        %broadcast_in_dim3A_888 = vector.shape_cast %and3A_887 : vector<16xi32> to vector<16x1xi32>
        %gather3A_889 = vector.shape_cast %broadcast_in_dim3A_888 : vector<16x1xi32> to vector<16xi32>
        %gather3A_890 = tpu.dynamic_gather %select_n3A_838[%gather3A_889] in [0] : vector<16xf32>, vector<16xi32> -> vector<16xf32>
        %add3A_891 = arith.addf %select_n3A_838, %gather3A_890 : vector<16xf32>
        %add3A_892 = arith.constant 4 : i32
        %add3A_893 = vector.broadcast %add3A_892 : i32 to vector<16xi32>
        %add3A_894 = arith.addi %iota3A, %add3A_893 : vector<16xi32>
        %and3A_895 = arith.constant 15 : i32
        %and3A_896 = vector.broadcast %and3A_895 : i32 to vector<16xi32>
        %and3A_897 = arith.andi %add3A_894, %and3A_896 : vector<16xi32>
        %broadcast_in_dim3A_898 = vector.shape_cast %and3A_897 : vector<16xi32> to vector<16x1xi32>
        %gather3A_899 = vector.shape_cast %broadcast_in_dim3A_898 : vector<16x1xi32> to vector<16xi32>
        %gather3A_900 = tpu.dynamic_gather %select_n3A_839[%gather3A_899] in [0] : vector<16xf32>, vector<16xi32> -> vector<16xf32>
        %add3A_901 = arith.addf %select_n3A_839, %gather3A_900 : vector<16xf32>
        %add3A_902 = arith.constant 4 : i32
        %add3A_903 = vector.broadcast %add3A_902 : i32 to vector<16xi32>
        %add3A_904 = arith.addi %iota3A, %add3A_903 : vector<16xi32>
        %and3A_905 = arith.constant 15 : i32
        %and3A_906 = vector.broadcast %and3A_905 : i32 to vector<16xi32>
        %and3A_907 = arith.andi %add3A_904, %and3A_906 : vector<16xi32>
        %broadcast_in_dim3A_908 = vector.shape_cast %and3A_907 : vector<16xi32> to vector<16x1xi32>
        %gather3A_909 = vector.shape_cast %broadcast_in_dim3A_908 : vector<16x1xi32> to vector<16xi32>
        %gather3A_910 = tpu.dynamic_gather %select_n3A_840[%gather3A_909] in [0] : vector<16xf32>, vector<16xi32> -> vector<16xf32>
        %add3A_911 = arith.addf %select_n3A_840, %gather3A_910 : vector<16xf32>
        %add3A_912 = arith.constant 4 : i32
        %add3A_913 = vector.broadcast %add3A_912 : i32 to vector<16xi32>
        %add3A_914 = arith.addi %iota3A, %add3A_913 : vector<16xi32>
        %and3A_915 = arith.constant 15 : i32
        %and3A_916 = vector.broadcast %and3A_915 : i32 to vector<16xi32>
        %and3A_917 = arith.andi %add3A_914, %and3A_916 : vector<16xi32>
        %broadcast_in_dim3A_918 = vector.shape_cast %and3A_917 : vector<16xi32> to vector<16x1xi32>
        %gather3A_919 = vector.shape_cast %broadcast_in_dim3A_918 : vector<16x1xi32> to vector<16xi32>
        %gather3A_920 = tpu.dynamic_gather %select_n3A_841[%gather3A_919] in [0] : vector<16xf32>, vector<16xi32> -> vector<16xf32>
        %add3A_921 = arith.addf %select_n3A_841, %gather3A_920 : vector<16xf32>
        %add3A_922 = arith.constant -4 : i32
        %add3A_923 = vector.broadcast %add3A_922 : i32 to vector<16xi32>
        %add3A_924 = arith.addi %iota3A, %add3A_923 : vector<16xi32>
        %and3A_925 = arith.constant 15 : i32
        %and3A_926 = vector.broadcast %and3A_925 : i32 to vector<16xi32>
        %and3A_927 = arith.andi %add3A_924, %and3A_926 : vector<16xi32>
        %broadcast_in_dim3A_928 = vector.shape_cast %and3A_927 : vector<16xi32> to vector<16x1xi32>
        %gather3A_929 = vector.shape_cast %broadcast_in_dim3A_928 : vector<16x1xi32> to vector<16xi32>
        %gather3A_930 = tpu.dynamic_gather %add3A_861[%gather3A_929] in [0] : vector<16xf32>, vector<16xi32> -> vector<16xf32>
        %select_n3A_931 = arith.select %lt3A_33, %add3A_851, %gather3A_930 : vector<16xi1>, vector<16xf32>
        %add3A_932 = arith.constant -4 : i32
        %add3A_933 = vector.broadcast %add3A_932 : i32 to vector<16xi32>
        %add3A_934 = arith.addi %iota3A, %add3A_933 : vector<16xi32>
        %and3A_935 = arith.constant 15 : i32
        %and3A_936 = vector.broadcast %and3A_935 : i32 to vector<16xi32>
        %and3A_937 = arith.andi %add3A_934, %and3A_936 : vector<16xi32>
        %broadcast_in_dim3A_938 = vector.shape_cast %and3A_937 : vector<16xi32> to vector<16x1xi32>
        %gather3A_939 = vector.shape_cast %broadcast_in_dim3A_938 : vector<16x1xi32> to vector<16xi32>
        %gather3A_940 = tpu.dynamic_gather %add3A_881[%gather3A_939] in [0] : vector<16xf32>, vector<16xi32> -> vector<16xf32>
        %select_n3A_941 = arith.select %lt3A_33, %add3A_871, %gather3A_940 : vector<16xi1>, vector<16xf32>
        %add3A_942 = arith.constant -4 : i32
        %add3A_943 = vector.broadcast %add3A_942 : i32 to vector<16xi32>
        %add3A_944 = arith.addi %iota3A, %add3A_943 : vector<16xi32>
        %and3A_945 = arith.constant 15 : i32
        %and3A_946 = vector.broadcast %and3A_945 : i32 to vector<16xi32>
        %and3A_947 = arith.andi %add3A_944, %and3A_946 : vector<16xi32>
        %broadcast_in_dim3A_948 = vector.shape_cast %and3A_947 : vector<16xi32> to vector<16x1xi32>
        %gather3A_949 = vector.shape_cast %broadcast_in_dim3A_948 : vector<16x1xi32> to vector<16xi32>
        %gather3A_950 = tpu.dynamic_gather %add3A_901[%gather3A_949] in [0] : vector<16xf32>, vector<16xi32> -> vector<16xf32>
        %select_n3A_951 = arith.select %lt3A_33, %add3A_891, %gather3A_950 : vector<16xi1>, vector<16xf32>
        %add3A_952 = arith.constant -4 : i32
        %add3A_953 = vector.broadcast %add3A_952 : i32 to vector<16xi32>
        %add3A_954 = arith.addi %iota3A, %add3A_953 : vector<16xi32>
        %and3A_955 = arith.constant 15 : i32
        %and3A_956 = vector.broadcast %and3A_955 : i32 to vector<16xi32>
        %and3A_957 = arith.andi %add3A_954, %and3A_956 : vector<16xi32>
        %broadcast_in_dim3A_958 = vector.shape_cast %and3A_957 : vector<16xi32> to vector<16x1xi32>
        %gather3A_959 = vector.shape_cast %broadcast_in_dim3A_958 : vector<16x1xi32> to vector<16xi32>
        %gather3A_960 = tpu.dynamic_gather %add3A_921[%gather3A_959] in [0] : vector<16xf32>, vector<16xi32> -> vector<16xf32>
        %select_n3A_961 = arith.select %lt3A_33, %add3A_911, %gather3A_960 : vector<16xi1>, vector<16xf32>
        %add3A_962 = arith.constant 2 : i32
        %add3A_963 = vector.broadcast %add3A_962 : i32 to vector<16xi32>
        %add3A_964 = arith.addi %iota3A, %add3A_963 : vector<16xi32>
        %and3A_965 = arith.constant 15 : i32
        %and3A_966 = vector.broadcast %and3A_965 : i32 to vector<16xi32>
        %and3A_967 = arith.andi %add3A_964, %and3A_966 : vector<16xi32>
        %broadcast_in_dim3A_968 = vector.shape_cast %and3A_967 : vector<16xi32> to vector<16x1xi32>
        %gather3A_969 = vector.shape_cast %broadcast_in_dim3A_968 : vector<16x1xi32> to vector<16xi32>
        %gather3A_970 = tpu.dynamic_gather %select_n3A_931[%gather3A_969] in [0] : vector<16xf32>, vector<16xi32> -> vector<16xf32>
        %add3A_971 = arith.addf %select_n3A_931, %gather3A_970 : vector<16xf32>
        %add3A_972 = arith.constant 2 : i32
        %add3A_973 = vector.broadcast %add3A_972 : i32 to vector<16xi32>
        %add3A_974 = arith.addi %iota3A, %add3A_973 : vector<16xi32>
        %and3A_975 = arith.constant 15 : i32
        %and3A_976 = vector.broadcast %and3A_975 : i32 to vector<16xi32>
        %and3A_977 = arith.andi %add3A_974, %and3A_976 : vector<16xi32>
        %broadcast_in_dim3A_978 = vector.shape_cast %and3A_977 : vector<16xi32> to vector<16x1xi32>
        %gather3A_979 = vector.shape_cast %broadcast_in_dim3A_978 : vector<16x1xi32> to vector<16xi32>
        %gather3A_980 = tpu.dynamic_gather %select_n3A_941[%gather3A_979] in [0] : vector<16xf32>, vector<16xi32> -> vector<16xf32>
        %add3A_981 = arith.addf %select_n3A_941, %gather3A_980 : vector<16xf32>
        %add3A_982 = arith.constant 2 : i32
        %add3A_983 = vector.broadcast %add3A_982 : i32 to vector<16xi32>
        %add3A_984 = arith.addi %iota3A, %add3A_983 : vector<16xi32>
        %and3A_985 = arith.constant 15 : i32
        %and3A_986 = vector.broadcast %and3A_985 : i32 to vector<16xi32>
        %and3A_987 = arith.andi %add3A_984, %and3A_986 : vector<16xi32>
        %broadcast_in_dim3A_988 = vector.shape_cast %and3A_987 : vector<16xi32> to vector<16x1xi32>
        %gather3A_989 = vector.shape_cast %broadcast_in_dim3A_988 : vector<16x1xi32> to vector<16xi32>
        %gather3A_990 = tpu.dynamic_gather %select_n3A_951[%gather3A_989] in [0] : vector<16xf32>, vector<16xi32> -> vector<16xf32>
        %add3A_991 = arith.addf %select_n3A_951, %gather3A_990 : vector<16xf32>
        %add3A_992 = arith.constant 2 : i32
        %add3A_993 = vector.broadcast %add3A_992 : i32 to vector<16xi32>
        %add3A_994 = arith.addi %iota3A, %add3A_993 : vector<16xi32>
        %and3A_995 = arith.constant 15 : i32
        %and3A_996 = vector.broadcast %and3A_995 : i32 to vector<16xi32>
        %and3A_997 = arith.andi %add3A_994, %and3A_996 : vector<16xi32>
        %broadcast_in_dim3A_998 = vector.shape_cast %and3A_997 : vector<16xi32> to vector<16x1xi32>
        %gather3A_999 = vector.shape_cast %broadcast_in_dim3A_998 : vector<16x1xi32> to vector<16xi32>
        %gather3A_1000 = tpu.dynamic_gather %select_n3A_961[%gather3A_999] in [0] : vector<16xf32>, vector<16xi32> -> vector<16xf32>
        %add3A_1001 = arith.addf %select_n3A_961, %gather3A_1000 : vector<16xf32>
        %add3A_1002 = arith.constant -2 : i32
        %add3A_1003 = vector.broadcast %add3A_1002 : i32 to vector<16xi32>
        %add3A_1004 = arith.addi %iota3A, %add3A_1003 : vector<16xi32>
        %and3A_1005 = arith.constant 15 : i32
        %and3A_1006 = vector.broadcast %and3A_1005 : i32 to vector<16xi32>
        %and3A_1007 = arith.andi %add3A_1004, %and3A_1006 : vector<16xi32>
        %broadcast_in_dim3A_1008 = vector.shape_cast %and3A_1007 : vector<16xi32> to vector<16x1xi32>
        %gather3A_1009 = vector.shape_cast %broadcast_in_dim3A_1008 : vector<16x1xi32> to vector<16xi32>
        %gather3A_1010 = tpu.dynamic_gather %add3A_981[%gather3A_1009] in [0] : vector<16xf32>, vector<16xi32> -> vector<16xf32>
        %select_n3A_1011 = arith.select %lt3A_39, %add3A_971, %gather3A_1010 : vector<16xi1>, vector<16xf32>
        %add3A_1012 = arith.constant -2 : i32
        %add3A_1013 = vector.broadcast %add3A_1012 : i32 to vector<16xi32>
        %add3A_1014 = arith.addi %iota3A, %add3A_1013 : vector<16xi32>
        %and3A_1015 = arith.constant 15 : i32
        %and3A_1016 = vector.broadcast %and3A_1015 : i32 to vector<16xi32>
        %and3A_1017 = arith.andi %add3A_1014, %and3A_1016 : vector<16xi32>
        %broadcast_in_dim3A_1018 = vector.shape_cast %and3A_1017 : vector<16xi32> to vector<16x1xi32>
        %gather3A_1019 = vector.shape_cast %broadcast_in_dim3A_1018 : vector<16x1xi32> to vector<16xi32>
        %gather3A_1020 = tpu.dynamic_gather %add3A_1001[%gather3A_1019] in [0] : vector<16xf32>, vector<16xi32> -> vector<16xf32>
        %select_n3A_1021 = arith.select %lt3A_39, %add3A_991, %gather3A_1020 : vector<16xi1>, vector<16xf32>
        %add3A_1022 = arith.constant 1 : i32
        %add3A_1023 = vector.broadcast %add3A_1022 : i32 to vector<16xi32>
        %add3A_1024 = arith.addi %iota3A, %add3A_1023 : vector<16xi32>
        %and3A_1025 = arith.constant 15 : i32
        %and3A_1026 = vector.broadcast %and3A_1025 : i32 to vector<16xi32>
        %and3A_1027 = arith.andi %add3A_1024, %and3A_1026 : vector<16xi32>
        %broadcast_in_dim3A_1028 = vector.shape_cast %and3A_1027 : vector<16xi32> to vector<16x1xi32>
        %gather3A_1029 = vector.shape_cast %broadcast_in_dim3A_1028 : vector<16x1xi32> to vector<16xi32>
        %gather3A_1030 = tpu.dynamic_gather %select_n3A_1011[%gather3A_1029] in [0] : vector<16xf32>, vector<16xi32> -> vector<16xf32>
        %add3A_1031 = arith.addf %select_n3A_1011, %gather3A_1030 : vector<16xf32>
        %add3A_1032 = arith.constant 1 : i32
        %add3A_1033 = vector.broadcast %add3A_1032 : i32 to vector<16xi32>
        %add3A_1034 = arith.addi %iota3A, %add3A_1033 : vector<16xi32>
        %and3A_1035 = arith.constant 15 : i32
        %and3A_1036 = vector.broadcast %and3A_1035 : i32 to vector<16xi32>
        %and3A_1037 = arith.andi %add3A_1034, %and3A_1036 : vector<16xi32>
        %broadcast_in_dim3A_1038 = vector.shape_cast %and3A_1037 : vector<16xi32> to vector<16x1xi32>
        %gather3A_1039 = vector.shape_cast %broadcast_in_dim3A_1038 : vector<16x1xi32> to vector<16xi32>
        %gather3A_1040 = tpu.dynamic_gather %select_n3A_1021[%gather3A_1039] in [0] : vector<16xf32>, vector<16xi32> -> vector<16xf32>
        %add3A_1041 = arith.addf %select_n3A_1021, %gather3A_1040 : vector<16xf32>
        %add3A_1042 = arith.constant -1 : i32
        %add3A_1043 = vector.broadcast %add3A_1042 : i32 to vector<16xi32>
        %add3A_1044 = arith.addi %iota3A, %add3A_1043 : vector<16xi32>
        %and3A_1045 = arith.constant 15 : i32
        %and3A_1046 = vector.broadcast %and3A_1045 : i32 to vector<16xi32>
        %and3A_1047 = arith.andi %add3A_1044, %and3A_1046 : vector<16xi32>
        %broadcast_in_dim3A_1048 = vector.shape_cast %and3A_1047 : vector<16xi32> to vector<16x1xi32>
        %gather3A_1049 = vector.shape_cast %broadcast_in_dim3A_1048 : vector<16x1xi32> to vector<16xi32>
        %gather3A_1050 = tpu.dynamic_gather %add3A_1041[%gather3A_1049] in [0] : vector<16xf32>, vector<16xi32> -> vector<16xf32>
        %select_n3A_1051 = arith.select %lt3A_45, %add3A_1031, %gather3A_1050 : vector<16xi1>, vector<16xf32>
        %broadcast_in_dim3A_1052 = vector.shape_cast %or3A_25 : vector<16xi32> to vector<16x1xi32>
        %gather3A_1053 = vector.shape_cast %broadcast_in_dim3A_1052 : vector<16x1xi32> to vector<16xi32>
        %gather3A_1054 = tpu.dynamic_gather %select_n3A_1051[%gather3A_1053] in [0] : vector<16xf32>, vector<16xi32> -> vector<16xf32>
        %neg3A = arith.constant 0.000000e+00 : f32
        %neg3A_1055 = vector.broadcast %neg3A : f32 to vector<16xf32>
        %neg3A_1056 = arith.subf %neg3A_1055, %gather3A_1054 : vector<16xf32>
        %mul3A_1057 = arith.constant 16 : i32
        %mul3A_1058 = arith.muli %scan3A_276, %mul3A_1057 : i32
        %swap3A = arith.index_cast %mul3A_1058 : i32 to index
        %swap3A_1059 = tpu.vector_load %arg12[%swap3A] {strides = array<i32>} : memref<256xf32, #tpu.memory_space<vmem>>, vector<16xf32>,
        tpu.vector_store %arg12[%swap3A], %neg3A_1056 {strides = array<i32>} : memref<256xf32, #tpu.memory_space<vmem>>, vector<16xf32>,
      }
      %scan3A_184 = arith.constant 16 : i32
      %mul3A_185 = arith.constant 256 : i32
      %mul3A_186 = arith.muli %add3A_148, %mul3A_185 : i32
      %add3A_187 = arith.addi %mul3A_2, %mul3A_186 : i32
      %dma_start3A_188 = tpu.memref_slice %arg5[%add3A_187] : memref<819200xf32, #tpu.memory_space<hbm>> -> memref<256xf32, #tpu.memory_space<hbm>>
      %dma_start3A_189 = tpu.memref_slice %arg5[%add3A_187] : memref<819200xf32, #tpu.memory_space<hbm>> -> memref<256xf32, #tpu.memory_space<hbm>>
      tpu.enqueue_dma source(%arg12 : memref<256xf32, #tpu.memory_space<vmem>>) target(%dma_start3A_189 : memref<256xf32, #tpu.memory_space<hbm>>) target_semaphore(%arg20 : memref<!tpu.dma_semaphore, #tpu.memory_space<semaphore_mem>>)
      %add3A_190 = arith.constant 2 : i32
      %add3A_191 = arith.addi %mul3A_107, %add3A_190 : i32
      %add3A_192 = arith.constant 4 : i32
      %add3A_193 = arith.addi %add3A_191, %add3A_192 : i32
      %sub3A_194 = arith.constant 1 : i32
      %sub3A_195 = arith.subi %add3A_193, %sub3A_194 : i32
      %lt3A_196 = arith.constant 100 : i32
      %lt3A_197 = arith.cmpi slt, %sub3A_195, %lt3A_196 : i32
      %convert_element_type3A_198 = arith.extui %lt3A_197 : i1 to i32
      %cond3A_199 = arith.constant 0 : i32
      %cond3A_200 = arith.cmpi ne, %convert_element_type3A_198, %cond3A_199 : i32
      scf.if %cond3A_200 {
        %mul3A_276 = arith.constant 256 : i32
        %mul3A_277 = arith.muli %sub3A_195, %mul3A_276 : i32
        %mul3A_278 = arith.constant 256 : i32
        %mul3A_279 = arith.muli %sub3A_195, %mul3A_278 : i32
        %add3A_280 = arith.constant 25600 : i32
        %add3A_281 = arith.addi %add3A_280, %mul3A_279 : i32
        %dma_start3A_282 = arith.constant 0 : i32
        %dma_start3A_283 = arith.constant 0 : i32
        %dma_start3A_284 = tpu.memref_slice %arg8[%dma_start3A_282, %dma_start3A_283] : memref<512x32xf32, #tpu.memory_space<vmem>> -> memref<256x32xf32, #tpu.memory_space<vmem>>
        %dma_start3A_285 = tpu.memref_slice %arg6[%mul3A_277] : memref<51200xi32, #tpu.memory_space<vmem>> -> memref<256xi32, #tpu.memory_space<vmem>>
        %dma_start3A_286 = arith.constant 0 : i32
        %dma_start3A_287 = arith.constant 0 : i32
        %dma_start3A_288 = tpu.memref_slice %arg4[%dma_start3A_286, %dma_start3A_287] : memref<1000000x32xf32, #tpu.memory_space<hbm>> -> memref<1000000x32xf32, #tpu.memory_space<hbm>>
        tpu.enqueue_indirect_dma source(%dma_start3A_288 : memref<1000000x32xf32, #tpu.memory_space<hbm>>) target(%dma_start3A_284 : memref<256x32xf32, #tpu.memory_space<vmem>>) offsets(%dma_start3A_285 : memref<256xi32, #tpu.memory_space<vmem>>) semaphore(%arg16 : memref<!tpu.dma_semaphore, #tpu.memory_space<semaphore_mem>>)
        %dma_start3A_289 = arith.constant 256 : i32
        %dma_start3A_290 = arith.constant 0 : i32
        %dma_start3A_291 = tpu.memref_slice %arg8[%dma_start3A_289, %dma_start3A_290] : memref<512x32xf32, #tpu.memory_space<vmem>> -> memref<256x32xf32, #tpu.memory_space<vmem>>
        %dma_start3A_292 = tpu.memref_slice %arg6[%add3A_281] : memref<51200xi32, #tpu.memory_space<vmem>> -> memref<256xi32, #tpu.memory_space<vmem>>
        %dma_start3A_293 = arith.constant 0 : i32
        %dma_start3A_294 = arith.constant 0 : i32
        %dma_start3A_295 = tpu.memref_slice %arg4[%dma_start3A_293, %dma_start3A_294] : memref<1000000x32xf32, #tpu.memory_space<hbm>> -> memref<1000000x32xf32, #tpu.memory_space<hbm>>
        tpu.enqueue_indirect_dma source(%dma_start3A_295 : memref<1000000x32xf32, #tpu.memory_space<hbm>>) target(%dma_start3A_291 : memref<256x32xf32, #tpu.memory_space<vmem>>) offsets(%dma_start3A_292 : memref<256xi32, #tpu.memory_space<vmem>>) semaphore(%arg16 : memref<!tpu.dma_semaphore, #tpu.memory_space<semaphore_mem>>)
      } else {
      }
      %dma_wait3A_201 = arith.constant 0 : i32
      %dma_wait3A_202 = arith.constant 0 : i32
      %dma_wait3A_203 = tpu.memref_slice %arg9[%dma_wait3A_201, %dma_wait3A_202] : memref<512x32xf32, #tpu.memory_space<vmem>> -> memref<256x32xf32, #tpu.memory_space<vmem>>
      %dma_wait3A_204 = arith.constant 0 : i32
      %dma_wait3A_205 = tpu.memref_slice %arg6[%dma_wait3A_204] : memref<51200xi32, #tpu.memory_space<vmem>> -> memref<256xi32, #tpu.memory_space<vmem>>
      %dma_wait3A_206 = arith.constant 0 : i32
      %dma_wait3A_207 = arith.constant 0 : i32
      %dma_wait3A_208 = tpu.memref_slice %arg4[%dma_wait3A_206, %dma_wait3A_207] : memref<1000000x32xf32, #tpu.memory_space<hbm>> -> memref<1000000x32xf32, #tpu.memory_space<hbm>>
      tpu.wait_indirect_dma semaphore(%arg17 : memref<!tpu.dma_semaphore, #tpu.memory_space<semaphore_mem>>) src(%dma_wait3A_208 : memref<1000000x32xf32, #tpu.memory_space<hbm>>) dst(%dma_wait3A_203 : memref<256x32xf32, #tpu.memory_space<vmem>>)
      %dma_wait3A_209 = arith.constant 256 : i32
      %dma_wait3A_210 = arith.constant 0 : i32
      %dma_wait3A_211 = tpu.memref_slice %arg9[%dma_wait3A_209, %dma_wait3A_210] : memref<512x32xf32, #tpu.memory_space<vmem>> -> memref<256x32xf32, #tpu.memory_space<vmem>>
      %dma_wait3A_212 = arith.constant 0 : i32
      %dma_wait3A_213 = tpu.memref_slice %arg6[%dma_wait3A_212] : memref<51200xi32, #tpu.memory_space<vmem>> -> memref<256xi32, #tpu.memory_space<vmem>>
      %dma_wait3A_214 = arith.constant 0 : i32
      %dma_wait3A_215 = arith.constant 0 : i32
      %dma_wait3A_216 = tpu.memref_slice %arg4[%dma_wait3A_214, %dma_wait3A_215] : memref<1000000x32xf32, #tpu.memory_space<hbm>> -> memref<1000000x32xf32, #tpu.memory_space<hbm>>
      tpu.wait_indirect_dma semaphore(%arg17 : memref<!tpu.dma_semaphore, #tpu.memory_space<semaphore_mem>>) src(%dma_wait3A_216 : memref<1000000x32xf32, #tpu.memory_space<hbm>>) dst(%dma_wait3A_211 : memref<256x32xf32, #tpu.memory_space<vmem>>)
      %ge3A_217 = arith.constant 4 : i32
      %ge3A_218 = arith.cmpi sge, %add3A_191, %ge3A_217 : i32
      %convert_element_type3A_219 = arith.extui %ge3A_218 : i1 to i32
      %cond3A_220 = arith.constant 0 : i32
      %cond3A_221 = arith.cmpi ne, %convert_element_type3A_219, %cond3A_220 : i32
      scf.if %cond3A_221 {
        %dma_wait3A_276 = tpu.memref_slice %arg5[%mul3A_2] : memref<819200xf32, #tpu.memory_space<hbm>> -> memref<256xf32, #tpu.memory_space<hbm>>
        %dma_wait3A_277 = tpu.memref_slice %arg5[%mul3A_2] : memref<819200xf32, #tpu.memory_space<hbm>> -> memref<256xf32, #tpu.memory_space<hbm>>
        tpu.wait_dma2 semaphore(%arg21 : memref<!tpu.dma_semaphore, #tpu.memory_space<semaphore_mem>>) src(%arg13 : memref<256xf32, #tpu.memory_space<vmem>>) dst(%dma_wait3A_277 : memref<256xf32, #tpu.memory_space<hbm>>)
      } else {
      }
      %scan3A_222 = arith.constant 0 : i32
      %scan3A_223 = arith.constant 0 : i32
      %scan3A_224 = arith.constant 16 : i32
      %scan3A_225 = arith.addi %scan3A_223, %scan3A_224 : i32
      %scan3A_226 = arith.constant 1 : i32
      scf.for %scan3A_276 = %scan3A_223 to %scan3A_225 step %scan3A_226  : i32 {
        %mul3A_277 = arith.constant 16 : i32
        %mul3A_278 = arith.muli %scan3A_276, %mul3A_277 : i32
        %add3A_279 = arith.constant 0 : i32
        %add3A_280 = arith.addi %mul3A_278, %add3A_279 : i32
        %add3A_281 = arith.constant 256 : i32
        %add3A_282 = arith.addi %add3A_281, %add3A_280 : i32
        %get3A = arith.index_cast %add3A_280 : i32 to index
        %get3A_283 = arith.constant 0 : index
        %get3A_284 = tpu.vector_load %arg9[%get3A, %get3A_283] {strides = array<i32>} : memref<512x32xf32, #tpu.memory_space<vmem>>, vector<16xf32>,
        %get3A_285 = arith.index_cast %add3A_280 : i32 to index
        %get3A_286 = arith.constant 16 : index
        %get3A_287 = tpu.vector_load %arg9[%get3A_285, %get3A_286] {strides = array<i32>} : memref<512x32xf32, #tpu.memory_space<vmem>>, vector<16xf32>,
        %get3A_288 = arith.index_cast %add3A_282 : i32 to index
        %get3A_289 = arith.constant 0 : index
        %get3A_290 = tpu.vector_load %arg9[%get3A_288, %get3A_289] {strides = array<i32>} : memref<512x32xf32, #tpu.memory_space<vmem>>, vector<16xf32>,
        %get3A_291 = arith.index_cast %add3A_282 : i32 to index
        %get3A_292 = arith.constant 16 : index
        %get3A_293 = tpu.vector_load %arg9[%get3A_291, %get3A_292] {strides = array<i32>} : memref<512x32xf32, #tpu.memory_space<vmem>>, vector<16xf32>,
        %sub3A_294 = arith.subf %get3A_284, %get3A_290 : vector<16xf32>
        %max3A = arith.constant 0.000000e+00 : f32
        %max3A_295 = vector.broadcast %max3A : f32 to vector<16xf32>
        %max3A_296 = arith.maximumf %sub3A_294, %max3A_295 : vector<16xf32>
        %sub3A_297 = arith.subf %get3A_287, %get3A_293 : vector<16xf32>
        %max3A_298 = arith.constant 0.000000e+00 : f32
        %max3A_299 = vector.broadcast %max3A_298 : f32 to vector<16xf32>
        %max3A_300 = arith.maximumf %sub3A_297, %max3A_299 : vector<16xf32>
        %add3A_301 = arith.addf %max3A_296, %max3A_300 : vector<16xf32>
        %add3A_302 = arith.constant 1 : i32
        %add3A_303 = arith.addi %mul3A_278, %add3A_302 : i32
        %add3A_304 = arith.constant 256 : i32
        %add3A_305 = arith.addi %add3A_304, %add3A_303 : i32
        %get3A_306 = arith.index_cast %add3A_303 : i32 to index
        %get3A_307 = arith.constant 0 : index
        %get3A_308 = tpu.vector_load %arg9[%get3A_306, %get3A_307] {strides = array<i32>} : memref<512x32xf32, #tpu.memory_space<vmem>>, vector<16xf32>,
        %get3A_309 = arith.index_cast %add3A_303 : i32 to index
        %get3A_310 = arith.constant 16 : index
        %get3A_311 = tpu.vector_load %arg9[%get3A_309, %get3A_310] {strides = array<i32>} : memref<512x32xf32, #tpu.memory_space<vmem>>, vector<16xf32>,
        %get3A_312 = arith.index_cast %add3A_305 : i32 to index
        %get3A_313 = arith.constant 0 : index
        %get3A_314 = tpu.vector_load %arg9[%get3A_312, %get3A_313] {strides = array<i32>} : memref<512x32xf32, #tpu.memory_space<vmem>>, vector<16xf32>,
        %get3A_315 = arith.index_cast %add3A_305 : i32 to index
        %get3A_316 = arith.constant 16 : index
        %get3A_317 = tpu.vector_load %arg9[%get3A_315, %get3A_316] {strides = array<i32>} : memref<512x32xf32, #tpu.memory_space<vmem>>, vector<16xf32>,
        %sub3A_318 = arith.subf %get3A_308, %get3A_314 : vector<16xf32>
        %max3A_319 = arith.constant 0.000000e+00 : f32
        %max3A_320 = vector.broadcast %max3A_319 : f32 to vector<16xf32>
        %max3A_321 = arith.maximumf %sub3A_318, %max3A_320 : vector<16xf32>
        %sub3A_322 = arith.subf %get3A_311, %get3A_317 : vector<16xf32>
        %max3A_323 = arith.constant 0.000000e+00 : f32
        %max3A_324 = vector.broadcast %max3A_323 : f32 to vector<16xf32>
        %max3A_325 = arith.maximumf %sub3A_322, %max3A_324 : vector<16xf32>
        %add3A_326 = arith.addf %max3A_321, %max3A_325 : vector<16xf32>
        %add3A_327 = arith.constant 2 : i32
        %add3A_328 = arith.addi %mul3A_278, %add3A_327 : i32
        %add3A_329 = arith.constant 256 : i32
        %add3A_330 = arith.addi %add3A_329, %add3A_328 : i32
        %get3A_331 = arith.index_cast %add3A_328 : i32 to index
        %get3A_332 = arith.constant 0 : index
        %get3A_333 = tpu.vector_load %arg9[%get3A_331, %get3A_332] {strides = array<i32>} : memref<512x32xf32, #tpu.memory_space<vmem>>, vector<16xf32>,
        %get3A_334 = arith.index_cast %add3A_328 : i32 to index
        %get3A_335 = arith.constant 16 : index
        %get3A_336 = tpu.vector_load %arg9[%get3A_334, %get3A_335] {strides = array<i32>} : memref<512x32xf32, #tpu.memory_space<vmem>>, vector<16xf32>,
        %get3A_337 = arith.index_cast %add3A_330 : i32 to index
        %get3A_338 = arith.constant 0 : index
        %get3A_339 = tpu.vector_load %arg9[%get3A_337, %get3A_338] {strides = array<i32>} : memref<512x32xf32, #tpu.memory_space<vmem>>, vector<16xf32>,
        %get3A_340 = arith.index_cast %add3A_330 : i32 to index
        %get3A_341 = arith.constant 16 : index
        %get3A_342 = tpu.vector_load %arg9[%get3A_340, %get3A_341] {strides = array<i32>} : memref<512x32xf32, #tpu.memory_space<vmem>>, vector<16xf32>,
        %sub3A_343 = arith.subf %get3A_333, %get3A_339 : vector<16xf32>
        %max3A_344 = arith.constant 0.000000e+00 : f32
        %max3A_345 = vector.broadcast %max3A_344 : f32 to vector<16xf32>
        %max3A_346 = arith.maximumf %sub3A_343, %max3A_345 : vector<16xf32>
        %sub3A_347 = arith.subf %get3A_336, %get3A_342 : vector<16xf32>
        %max3A_348 = arith.constant 0.000000e+00 : f32
        %max3A_349 = vector.broadcast %max3A_348 : f32 to vector<16xf32>
        %max3A_350 = arith.maximumf %sub3A_347, %max3A_349 : vector<16xf32>
        %add3A_351 = arith.addf %max3A_346, %max3A_350 : vector<16xf32>
        %add3A_352 = arith.constant 3 : i32
        %add3A_353 = arith.addi %mul3A_278, %add3A_352 : i32
        %add3A_354 = arith.constant 256 : i32
        %add3A_355 = arith.addi %add3A_354, %add3A_353 : i32
        %get3A_356 = arith.index_cast %add3A_353 : i32 to index
        %get3A_357 = arith.constant 0 : index
        %get3A_358 = tpu.vector_load %arg9[%get3A_356, %get3A_357] {strides = array<i32>} : memref<512x32xf32, #tpu.memory_space<vmem>>, vector<16xf32>,
        %get3A_359 = arith.index_cast %add3A_353 : i32 to index
        %get3A_360 = arith.constant 16 : index
        %get3A_361 = tpu.vector_load %arg9[%get3A_359, %get3A_360] {strides = array<i32>} : memref<512x32xf32, #tpu.memory_space<vmem>>, vector<16xf32>,
        %get3A_362 = arith.index_cast %add3A_355 : i32 to index
        %get3A_363 = arith.constant 0 : index
        %get3A_364 = tpu.vector_load %arg9[%get3A_362, %get3A_363] {strides = array<i32>} : memref<512x32xf32, #tpu.memory_space<vmem>>, vector<16xf32>,
        %get3A_365 = arith.index_cast %add3A_355 : i32 to index
        %get3A_366 = arith.constant 16 : index
        %get3A_367 = tpu.vector_load %arg9[%get3A_365, %get3A_366] {strides = array<i32>} : memref<512x32xf32, #tpu.memory_space<vmem>>, vector<16xf32>,
        %sub3A_368 = arith.subf %get3A_358, %get3A_364 : vector<16xf32>
        %max3A_369 = arith.constant 0.000000e+00 : f32
        %max3A_370 = vector.broadcast %max3A_369 : f32 to vector<16xf32>
        %max3A_371 = arith.maximumf %sub3A_368, %max3A_370 : vector<16xf32>
        %sub3A_372 = arith.subf %get3A_361, %get3A_367 : vector<16xf32>
        %max3A_373 = arith.constant 0.000000e+00 : f32
        %max3A_374 = vector.broadcast %max3A_373 : f32 to vector<16xf32>
        %max3A_375 = arith.maximumf %sub3A_372, %max3A_374 : vector<16xf32>
        %add3A_376 = arith.addf %max3A_371, %max3A_375 : vector<16xf32>
        %add3A_377 = arith.constant 4 : i32
        %add3A_378 = arith.addi %mul3A_278, %add3A_377 : i32
        %add3A_379 = arith.constant 256 : i32
        %add3A_380 = arith.addi %add3A_379, %add3A_378 : i32
        %get3A_381 = arith.index_cast %add3A_378 : i32 to index
        %get3A_382 = arith.constant 0 : index
        %get3A_383 = tpu.vector_load %arg9[%get3A_381, %get3A_382] {strides = array<i32>} : memref<512x32xf32, #tpu.memory_space<vmem>>, vector<16xf32>,
        %get3A_384 = arith.index_cast %add3A_378 : i32 to index
        %get3A_385 = arith.constant 16 : index
        %get3A_386 = tpu.vector_load %arg9[%get3A_384, %get3A_385] {strides = array<i32>} : memref<512x32xf32, #tpu.memory_space<vmem>>, vector<16xf32>,
        %get3A_387 = arith.index_cast %add3A_380 : i32 to index
        %get3A_388 = arith.constant 0 : index
        %get3A_389 = tpu.vector_load %arg9[%get3A_387, %get3A_388] {strides = array<i32>} : memref<512x32xf32, #tpu.memory_space<vmem>>, vector<16xf32>,
        %get3A_390 = arith.index_cast %add3A_380 : i32 to index
        %get3A_391 = arith.constant 16 : index
        %get3A_392 = tpu.vector_load %arg9[%get3A_390, %get3A_391] {strides = array<i32>} : memref<512x32xf32, #tpu.memory_space<vmem>>, vector<16xf32>,
        %sub3A_393 = arith.subf %get3A_383, %get3A_389 : vector<16xf32>
        %max3A_394 = arith.constant 0.000000e+00 : f32
        %max3A_395 = vector.broadcast %max3A_394 : f32 to vector<16xf32>
        %max3A_396 = arith.maximumf %sub3A_393, %max3A_395 : vector<16xf32>
        %sub3A_397 = arith.subf %get3A_386, %get3A_392 : vector<16xf32>
        %max3A_398 = arith.constant 0.000000e+00 : f32
        %max3A_399 = vector.broadcast %max3A_398 : f32 to vector<16xf32>
        %max3A_400 = arith.maximumf %sub3A_397, %max3A_399 : vector<16xf32>
        %add3A_401 = arith.addf %max3A_396, %max3A_400 : vector<16xf32>
        %add3A_402 = arith.constant 5 : i32
        %add3A_403 = arith.addi %mul3A_278, %add3A_402 : i32
        %add3A_404 = arith.constant 256 : i32
        %add3A_405 = arith.addi %add3A_404, %add3A_403 : i32
        %get3A_406 = arith.index_cast %add3A_403 : i32 to index
        %get3A_407 = arith.constant 0 : index
        %get3A_408 = tpu.vector_load %arg9[%get3A_406, %get3A_407] {strides = array<i32>} : memref<512x32xf32, #tpu.memory_space<vmem>>, vector<16xf32>,
        %get3A_409 = arith.index_cast %add3A_403 : i32 to index
        %get3A_410 = arith.constant 16 : index
        %get3A_411 = tpu.vector_load %arg9[%get3A_409, %get3A_410] {strides = array<i32>} : memref<512x32xf32, #tpu.memory_space<vmem>>, vector<16xf32>,
        %get3A_412 = arith.index_cast %add3A_405 : i32 to index
        %get3A_413 = arith.constant 0 : index
        %get3A_414 = tpu.vector_load %arg9[%get3A_412, %get3A_413] {strides = array<i32>} : memref<512x32xf32, #tpu.memory_space<vmem>>, vector<16xf32>,
        %get3A_415 = arith.index_cast %add3A_405 : i32 to index
        %get3A_416 = arith.constant 16 : index
        %get3A_417 = tpu.vector_load %arg9[%get3A_415, %get3A_416] {strides = array<i32>} : memref<512x32xf32, #tpu.memory_space<vmem>>, vector<16xf32>,
        %sub3A_418 = arith.subf %get3A_408, %get3A_414 : vector<16xf32>
        %max3A_419 = arith.constant 0.000000e+00 : f32
        %max3A_420 = vector.broadcast %max3A_419 : f32 to vector<16xf32>
        %max3A_421 = arith.maximumf %sub3A_418, %max3A_420 : vector<16xf32>
        %sub3A_422 = arith.subf %get3A_411, %get3A_417 : vector<16xf32>
        %max3A_423 = arith.constant 0.000000e+00 : f32
        %max3A_424 = vector.broadcast %max3A_423 : f32 to vector<16xf32>
        %max3A_425 = arith.maximumf %sub3A_422, %max3A_424 : vector<16xf32>
        %add3A_426 = arith.addf %max3A_421, %max3A_425 : vector<16xf32>
        %add3A_427 = arith.constant 6 : i32
        %add3A_428 = arith.addi %mul3A_278, %add3A_427 : i32
        %add3A_429 = arith.constant 256 : i32
        %add3A_430 = arith.addi %add3A_429, %add3A_428 : i32
        %get3A_431 = arith.index_cast %add3A_428 : i32 to index
        %get3A_432 = arith.constant 0 : index
        %get3A_433 = tpu.vector_load %arg9[%get3A_431, %get3A_432] {strides = array<i32>} : memref<512x32xf32, #tpu.memory_space<vmem>>, vector<16xf32>,
        %get3A_434 = arith.index_cast %add3A_428 : i32 to index
        %get3A_435 = arith.constant 16 : index
        %get3A_436 = tpu.vector_load %arg9[%get3A_434, %get3A_435] {strides = array<i32>} : memref<512x32xf32, #tpu.memory_space<vmem>>, vector<16xf32>,
        %get3A_437 = arith.index_cast %add3A_430 : i32 to index
        %get3A_438 = arith.constant 0 : index
        %get3A_439 = tpu.vector_load %arg9[%get3A_437, %get3A_438] {strides = array<i32>} : memref<512x32xf32, #tpu.memory_space<vmem>>, vector<16xf32>,
        %get3A_440 = arith.index_cast %add3A_430 : i32 to index
        %get3A_441 = arith.constant 16 : index
        %get3A_442 = tpu.vector_load %arg9[%get3A_440, %get3A_441] {strides = array<i32>} : memref<512x32xf32, #tpu.memory_space<vmem>>, vector<16xf32>,
        %sub3A_443 = arith.subf %get3A_433, %get3A_439 : vector<16xf32>
        %max3A_444 = arith.constant 0.000000e+00 : f32
        %max3A_445 = vector.broadcast %max3A_444 : f32 to vector<16xf32>
        %max3A_446 = arith.maximumf %sub3A_443, %max3A_445 : vector<16xf32>
        %sub3A_447 = arith.subf %get3A_436, %get3A_442 : vector<16xf32>
        %max3A_448 = arith.constant 0.000000e+00 : f32
        %max3A_449 = vector.broadcast %max3A_448 : f32 to vector<16xf32>
        %max3A_450 = arith.maximumf %sub3A_447, %max3A_449 : vector<16xf32>
        %add3A_451 = arith.addf %max3A_446, %max3A_450 : vector<16xf32>
        %add3A_452 = arith.constant 7 : i32
        %add3A_453 = arith.addi %mul3A_278, %add3A_452 : i32
        %add3A_454 = arith.constant 256 : i32
        %add3A_455 = arith.addi %add3A_454, %add3A_453 : i32
        %get3A_456 = arith.index_cast %add3A_453 : i32 to index
        %get3A_457 = arith.constant 0 : index
        %get3A_458 = tpu.vector_load %arg9[%get3A_456, %get3A_457] {strides = array<i32>} : memref<512x32xf32, #tpu.memory_space<vmem>>, vector<16xf32>,
        %get3A_459 = arith.index_cast %add3A_453 : i32 to index
        %get3A_460 = arith.constant 16 : index
        %get3A_461 = tpu.vector_load %arg9[%get3A_459, %get3A_460] {strides = array<i32>} : memref<512x32xf32, #tpu.memory_space<vmem>>, vector<16xf32>,
        %get3A_462 = arith.index_cast %add3A_455 : i32 to index
        %get3A_463 = arith.constant 0 : index
        %get3A_464 = tpu.vector_load %arg9[%get3A_462, %get3A_463] {strides = array<i32>} : memref<512x32xf32, #tpu.memory_space<vmem>>, vector<16xf32>,
        %get3A_465 = arith.index_cast %add3A_455 : i32 to index
        %get3A_466 = arith.constant 16 : index
        %get3A_467 = tpu.vector_load %arg9[%get3A_465, %get3A_466] {strides = array<i32>} : memref<512x32xf32, #tpu.memory_space<vmem>>, vector<16xf32>,
        %sub3A_468 = arith.subf %get3A_458, %get3A_464 : vector<16xf32>
        %max3A_469 = arith.constant 0.000000e+00 : f32
        %max3A_470 = vector.broadcast %max3A_469 : f32 to vector<16xf32>
        %max3A_471 = arith.maximumf %sub3A_468, %max3A_470 : vector<16xf32>
        %sub3A_472 = arith.subf %get3A_461, %get3A_467 : vector<16xf32>
        %max3A_473 = arith.constant 0.000000e+00 : f32
        %max3A_474 = vector.broadcast %max3A_473 : f32 to vector<16xf32>
        %max3A_475 = arith.maximumf %sub3A_472, %max3A_474 : vector<16xf32>
        %add3A_476 = arith.addf %max3A_471, %max3A_475 : vector<16xf32>
        %add3A_477 = arith.constant 8 : i32
        %add3A_478 = arith.addi %mul3A_278, %add3A_477 : i32
        %add3A_479 = arith.constant 256 : i32
        %add3A_480 = arith.addi %add3A_479, %add3A_478 : i32
        %get3A_481 = arith.index_cast %add3A_478 : i32 to index
        %get3A_482 = arith.constant 0 : index
        %get3A_483 = tpu.vector_load %arg9[%get3A_481, %get3A_482] {strides = array<i32>} : memref<512x32xf32, #tpu.memory_space<vmem>>, vector<16xf32>,
        %get3A_484 = arith.index_cast %add3A_478 : i32 to index
        %get3A_485 = arith.constant 16 : index
        %get3A_486 = tpu.vector_load %arg9[%get3A_484, %get3A_485] {strides = array<i32>} : memref<512x32xf32, #tpu.memory_space<vmem>>, vector<16xf32>,
        %get3A_487 = arith.index_cast %add3A_480 : i32 to index
        %get3A_488 = arith.constant 0 : index
        %get3A_489 = tpu.vector_load %arg9[%get3A_487, %get3A_488] {strides = array<i32>} : memref<512x32xf32, #tpu.memory_space<vmem>>, vector<16xf32>,
        %get3A_490 = arith.index_cast %add3A_480 : i32 to index
        %get3A_491 = arith.constant 16 : index
        %get3A_492 = tpu.vector_load %arg9[%get3A_490, %get3A_491] {strides = array<i32>} : memref<512x32xf32, #tpu.memory_space<vmem>>, vector<16xf32>,
        %sub3A_493 = arith.subf %get3A_483, %get3A_489 : vector<16xf32>
        %max3A_494 = arith.constant 0.000000e+00 : f32
        %max3A_495 = vector.broadcast %max3A_494 : f32 to vector<16xf32>
        %max3A_496 = arith.maximumf %sub3A_493, %max3A_495 : vector<16xf32>
        %sub3A_497 = arith.subf %get3A_486, %get3A_492 : vector<16xf32>
        %max3A_498 = arith.constant 0.000000e+00 : f32
        %max3A_499 = vector.broadcast %max3A_498 : f32 to vector<16xf32>
        %max3A_500 = arith.maximumf %sub3A_497, %max3A_499 : vector<16xf32>
        %add3A_501 = arith.addf %max3A_496, %max3A_500 : vector<16xf32>
        %add3A_502 = arith.constant 9 : i32
        %add3A_503 = arith.addi %mul3A_278, %add3A_502 : i32
        %add3A_504 = arith.constant 256 : i32
        %add3A_505 = arith.addi %add3A_504, %add3A_503 : i32
        %get3A_506 = arith.index_cast %add3A_503 : i32 to index
        %get3A_507 = arith.constant 0 : index
        %get3A_508 = tpu.vector_load %arg9[%get3A_506, %get3A_507] {strides = array<i32>} : memref<512x32xf32, #tpu.memory_space<vmem>>, vector<16xf32>,
        %get3A_509 = arith.index_cast %add3A_503 : i32 to index
        %get3A_510 = arith.constant 16 : index
        %get3A_511 = tpu.vector_load %arg9[%get3A_509, %get3A_510] {strides = array<i32>} : memref<512x32xf32, #tpu.memory_space<vmem>>, vector<16xf32>,
        %get3A_512 = arith.index_cast %add3A_505 : i32 to index
        %get3A_513 = arith.constant 0 : index
        %get3A_514 = tpu.vector_load %arg9[%get3A_512, %get3A_513] {strides = array<i32>} : memref<512x32xf32, #tpu.memory_space<vmem>>, vector<16xf32>,
        %get3A_515 = arith.index_cast %add3A_505 : i32 to index
        %get3A_516 = arith.constant 16 : index
        %get3A_517 = tpu.vector_load %arg9[%get3A_515, %get3A_516] {strides = array<i32>} : memref<512x32xf32, #tpu.memory_space<vmem>>, vector<16xf32>,
        %sub3A_518 = arith.subf %get3A_508, %get3A_514 : vector<16xf32>
        %max3A_519 = arith.constant 0.000000e+00 : f32
        %max3A_520 = vector.broadcast %max3A_519 : f32 to vector<16xf32>
        %max3A_521 = arith.maximumf %sub3A_518, %max3A_520 : vector<16xf32>
        %sub3A_522 = arith.subf %get3A_511, %get3A_517 : vector<16xf32>
        %max3A_523 = arith.constant 0.000000e+00 : f32
        %max3A_524 = vector.broadcast %max3A_523 : f32 to vector<16xf32>
        %max3A_525 = arith.maximumf %sub3A_522, %max3A_524 : vector<16xf32>
        %add3A_526 = arith.addf %max3A_521, %max3A_525 : vector<16xf32>
        %add3A_527 = arith.constant 10 : i32
        %add3A_528 = arith.addi %mul3A_278, %add3A_527 : i32
        %add3A_529 = arith.constant 256 : i32
        %add3A_530 = arith.addi %add3A_529, %add3A_528 : i32
        %get3A_531 = arith.index_cast %add3A_528 : i32 to index
        %get3A_532 = arith.constant 0 : index
        %get3A_533 = tpu.vector_load %arg9[%get3A_531, %get3A_532] {strides = array<i32>} : memref<512x32xf32, #tpu.memory_space<vmem>>, vector<16xf32>,
        %get3A_534 = arith.index_cast %add3A_528 : i32 to index
        %get3A_535 = arith.constant 16 : index
        %get3A_536 = tpu.vector_load %arg9[%get3A_534, %get3A_535] {strides = array<i32>} : memref<512x32xf32, #tpu.memory_space<vmem>>, vector<16xf32>,
        %get3A_537 = arith.index_cast %add3A_530 : i32 to index
        %get3A_538 = arith.constant 0 : index
        %get3A_539 = tpu.vector_load %arg9[%get3A_537, %get3A_538] {strides = array<i32>} : memref<512x32xf32, #tpu.memory_space<vmem>>, vector<16xf32>,
        %get3A_540 = arith.index_cast %add3A_530 : i32 to index
        %get3A_541 = arith.constant 16 : index
        %get3A_542 = tpu.vector_load %arg9[%get3A_540, %get3A_541] {strides = array<i32>} : memref<512x32xf32, #tpu.memory_space<vmem>>, vector<16xf32>,
        %sub3A_543 = arith.subf %get3A_533, %get3A_539 : vector<16xf32>
        %max3A_544 = arith.constant 0.000000e+00 : f32
        %max3A_545 = vector.broadcast %max3A_544 : f32 to vector<16xf32>
        %max3A_546 = arith.maximumf %sub3A_543, %max3A_545 : vector<16xf32>
        %sub3A_547 = arith.subf %get3A_536, %get3A_542 : vector<16xf32>
        %max3A_548 = arith.constant 0.000000e+00 : f32
        %max3A_549 = vector.broadcast %max3A_548 : f32 to vector<16xf32>
        %max3A_550 = arith.maximumf %sub3A_547, %max3A_549 : vector<16xf32>
        %add3A_551 = arith.addf %max3A_546, %max3A_550 : vector<16xf32>
        %add3A_552 = arith.constant 11 : i32
        %add3A_553 = arith.addi %mul3A_278, %add3A_552 : i32
        %add3A_554 = arith.constant 256 : i32
        %add3A_555 = arith.addi %add3A_554, %add3A_553 : i32
        %get3A_556 = arith.index_cast %add3A_553 : i32 to index
        %get3A_557 = arith.constant 0 : index
        %get3A_558 = tpu.vector_load %arg9[%get3A_556, %get3A_557] {strides = array<i32>} : memref<512x32xf32, #tpu.memory_space<vmem>>, vector<16xf32>,
        %get3A_559 = arith.index_cast %add3A_553 : i32 to index
        %get3A_560 = arith.constant 16 : index
        %get3A_561 = tpu.vector_load %arg9[%get3A_559, %get3A_560] {strides = array<i32>} : memref<512x32xf32, #tpu.memory_space<vmem>>, vector<16xf32>,
        %get3A_562 = arith.index_cast %add3A_555 : i32 to index
        %get3A_563 = arith.constant 0 : index
        %get3A_564 = tpu.vector_load %arg9[%get3A_562, %get3A_563] {strides = array<i32>} : memref<512x32xf32, #tpu.memory_space<vmem>>, vector<16xf32>,
        %get3A_565 = arith.index_cast %add3A_555 : i32 to index
        %get3A_566 = arith.constant 16 : index
        %get3A_567 = tpu.vector_load %arg9[%get3A_565, %get3A_566] {strides = array<i32>} : memref<512x32xf32, #tpu.memory_space<vmem>>, vector<16xf32>,
        %sub3A_568 = arith.subf %get3A_558, %get3A_564 : vector<16xf32>
        %max3A_569 = arith.constant 0.000000e+00 : f32
        %max3A_570 = vector.broadcast %max3A_569 : f32 to vector<16xf32>
        %max3A_571 = arith.maximumf %sub3A_568, %max3A_570 : vector<16xf32>
        %sub3A_572 = arith.subf %get3A_561, %get3A_567 : vector<16xf32>
        %max3A_573 = arith.constant 0.000000e+00 : f32
        %max3A_574 = vector.broadcast %max3A_573 : f32 to vector<16xf32>
        %max3A_575 = arith.maximumf %sub3A_572, %max3A_574 : vector<16xf32>
        %add3A_576 = arith.addf %max3A_571, %max3A_575 : vector<16xf32>
        %add3A_577 = arith.constant 12 : i32
        %add3A_578 = arith.addi %mul3A_278, %add3A_577 : i32
        %add3A_579 = arith.constant 256 : i32
        %add3A_580 = arith.addi %add3A_579, %add3A_578 : i32
        %get3A_581 = arith.index_cast %add3A_578 : i32 to index
        %get3A_582 = arith.constant 0 : index
        %get3A_583 = tpu.vector_load %arg9[%get3A_581, %get3A_582] {strides = array<i32>} : memref<512x32xf32, #tpu.memory_space<vmem>>, vector<16xf32>,
        %get3A_584 = arith.index_cast %add3A_578 : i32 to index
        %get3A_585 = arith.constant 16 : index
        %get3A_586 = tpu.vector_load %arg9[%get3A_584, %get3A_585] {strides = array<i32>} : memref<512x32xf32, #tpu.memory_space<vmem>>, vector<16xf32>,
        %get3A_587 = arith.index_cast %add3A_580 : i32 to index
        %get3A_588 = arith.constant 0 : index
        %get3A_589 = tpu.vector_load %arg9[%get3A_587, %get3A_588] {strides = array<i32>} : memref<512x32xf32, #tpu.memory_space<vmem>>, vector<16xf32>,
        %get3A_590 = arith.index_cast %add3A_580 : i32 to index
        %get3A_591 = arith.constant 16 : index
        %get3A_592 = tpu.vector_load %arg9[%get3A_590, %get3A_591] {strides = array<i32>} : memref<512x32xf32, #tpu.memory_space<vmem>>, vector<16xf32>,
        %sub3A_593 = arith.subf %get3A_583, %get3A_589 : vector<16xf32>
        %max3A_594 = arith.constant 0.000000e+00 : f32
        %max3A_595 = vector.broadcast %max3A_594 : f32 to vector<16xf32>
        %max3A_596 = arith.maximumf %sub3A_593, %max3A_595 : vector<16xf32>
        %sub3A_597 = arith.subf %get3A_586, %get3A_592 : vector<16xf32>
        %max3A_598 = arith.constant 0.000000e+00 : f32
        %max3A_599 = vector.broadcast %max3A_598 : f32 to vector<16xf32>
        %max3A_600 = arith.maximumf %sub3A_597, %max3A_599 : vector<16xf32>
        %add3A_601 = arith.addf %max3A_596, %max3A_600 : vector<16xf32>
        %add3A_602 = arith.constant 13 : i32
        %add3A_603 = arith.addi %mul3A_278, %add3A_602 : i32
        %add3A_604 = arith.constant 256 : i32
        %add3A_605 = arith.addi %add3A_604, %add3A_603 : i32
        %get3A_606 = arith.index_cast %add3A_603 : i32 to index
        %get3A_607 = arith.constant 0 : index
        %get3A_608 = tpu.vector_load %arg9[%get3A_606, %get3A_607] {strides = array<i32>} : memref<512x32xf32, #tpu.memory_space<vmem>>, vector<16xf32>,
        %get3A_609 = arith.index_cast %add3A_603 : i32 to index
        %get3A_610 = arith.constant 16 : index
        %get3A_611 = tpu.vector_load %arg9[%get3A_609, %get3A_610] {strides = array<i32>} : memref<512x32xf32, #tpu.memory_space<vmem>>, vector<16xf32>,
        %get3A_612 = arith.index_cast %add3A_605 : i32 to index
        %get3A_613 = arith.constant 0 : index
        %get3A_614 = tpu.vector_load %arg9[%get3A_612, %get3A_613] {strides = array<i32>} : memref<512x32xf32, #tpu.memory_space<vmem>>, vector<16xf32>,
        %get3A_615 = arith.index_cast %add3A_605 : i32 to index
        %get3A_616 = arith.constant 16 : index
        %get3A_617 = tpu.vector_load %arg9[%get3A_615, %get3A_616] {strides = array<i32>} : memref<512x32xf32, #tpu.memory_space<vmem>>, vector<16xf32>,
        %sub3A_618 = arith.subf %get3A_608, %get3A_614 : vector<16xf32>
        %max3A_619 = arith.constant 0.000000e+00 : f32
        %max3A_620 = vector.broadcast %max3A_619 : f32 to vector<16xf32>
        %max3A_621 = arith.maximumf %sub3A_618, %max3A_620 : vector<16xf32>
        %sub3A_622 = arith.subf %get3A_611, %get3A_617 : vector<16xf32>
        %max3A_623 = arith.constant 0.000000e+00 : f32
        %max3A_624 = vector.broadcast %max3A_623 : f32 to vector<16xf32>
        %max3A_625 = arith.maximumf %sub3A_622, %max3A_624 : vector<16xf32>
        %add3A_626 = arith.addf %max3A_621, %max3A_625 : vector<16xf32>
        %add3A_627 = arith.constant 14 : i32
        %add3A_628 = arith.addi %mul3A_278, %add3A_627 : i32
        %add3A_629 = arith.constant 256 : i32
        %add3A_630 = arith.addi %add3A_629, %add3A_628 : i32
        %get3A_631 = arith.index_cast %add3A_628 : i32 to index
        %get3A_632 = arith.constant 0 : index
        %get3A_633 = tpu.vector_load %arg9[%get3A_631, %get3A_632] {strides = array<i32>} : memref<512x32xf32, #tpu.memory_space<vmem>>, vector<16xf32>,
        %get3A_634 = arith.index_cast %add3A_628 : i32 to index
        %get3A_635 = arith.constant 16 : index
        %get3A_636 = tpu.vector_load %arg9[%get3A_634, %get3A_635] {strides = array<i32>} : memref<512x32xf32, #tpu.memory_space<vmem>>, vector<16xf32>,
        %get3A_637 = arith.index_cast %add3A_630 : i32 to index
        %get3A_638 = arith.constant 0 : index
        %get3A_639 = tpu.vector_load %arg9[%get3A_637, %get3A_638] {strides = array<i32>} : memref<512x32xf32, #tpu.memory_space<vmem>>, vector<16xf32>,
        %get3A_640 = arith.index_cast %add3A_630 : i32 to index
        %get3A_641 = arith.constant 16 : index
        %get3A_642 = tpu.vector_load %arg9[%get3A_640, %get3A_641] {strides = array<i32>} : memref<512x32xf32, #tpu.memory_space<vmem>>, vector<16xf32>,
        %sub3A_643 = arith.subf %get3A_633, %get3A_639 : vector<16xf32>
        %max3A_644 = arith.constant 0.000000e+00 : f32
        %max3A_645 = vector.broadcast %max3A_644 : f32 to vector<16xf32>
        %max3A_646 = arith.maximumf %sub3A_643, %max3A_645 : vector<16xf32>
        %sub3A_647 = arith.subf %get3A_636, %get3A_642 : vector<16xf32>
        %max3A_648 = arith.constant 0.000000e+00 : f32
        %max3A_649 = vector.broadcast %max3A_648 : f32 to vector<16xf32>
        %max3A_650 = arith.maximumf %sub3A_647, %max3A_649 : vector<16xf32>
        %add3A_651 = arith.addf %max3A_646, %max3A_650 : vector<16xf32>
        %add3A_652 = arith.constant 15 : i32
        %add3A_653 = arith.addi %mul3A_278, %add3A_652 : i32
        %add3A_654 = arith.constant 256 : i32
        %add3A_655 = arith.addi %add3A_654, %add3A_653 : i32
        %get3A_656 = arith.index_cast %add3A_653 : i32 to index
        %get3A_657 = arith.constant 0 : index
        %get3A_658 = tpu.vector_load %arg9[%get3A_656, %get3A_657] {strides = array<i32>} : memref<512x32xf32, #tpu.memory_space<vmem>>, vector<16xf32>,
        %get3A_659 = arith.index_cast %add3A_653 : i32 to index
        %get3A_660 = arith.constant 16 : index
        %get3A_661 = tpu.vector_load %arg9[%get3A_659, %get3A_660] {strides = array<i32>} : memref<512x32xf32, #tpu.memory_space<vmem>>, vector<16xf32>,
        %get3A_662 = arith.index_cast %add3A_655 : i32 to index
        %get3A_663 = arith.constant 0 : index
        %get3A_664 = tpu.vector_load %arg9[%get3A_662, %get3A_663] {strides = array<i32>} : memref<512x32xf32, #tpu.memory_space<vmem>>, vector<16xf32>,
        %get3A_665 = arith.index_cast %add3A_655 : i32 to index
        %get3A_666 = arith.constant 16 : index
        %get3A_667 = tpu.vector_load %arg9[%get3A_665, %get3A_666] {strides = array<i32>} : memref<512x32xf32, #tpu.memory_space<vmem>>, vector<16xf32>,
        %sub3A_668 = arith.subf %get3A_658, %get3A_664 : vector<16xf32>
        %max3A_669 = arith.constant 0.000000e+00 : f32
        %max3A_670 = vector.broadcast %max3A_669 : f32 to vector<16xf32>
        %max3A_671 = arith.maximumf %sub3A_668, %max3A_670 : vector<16xf32>
        %sub3A_672 = arith.subf %get3A_661, %get3A_667 : vector<16xf32>
        %max3A_673 = arith.constant 0.000000e+00 : f32
        %max3A_674 = vector.broadcast %max3A_673 : f32 to vector<16xf32>
        %max3A_675 = arith.maximumf %sub3A_672, %max3A_674 : vector<16xf32>
        %add3A_676 = arith.addf %max3A_671, %max3A_675 : vector<16xf32>
        %add3A_677 = arith.constant 8 : i32
        %add3A_678 = vector.broadcast %add3A_677 : i32 to vector<16xi32>
        %add3A_679 = arith.addi %iota3A, %add3A_678 : vector<16xi32>
        %and3A_680 = arith.constant 15 : i32
        %and3A_681 = vector.broadcast %and3A_680 : i32 to vector<16xi32>
        %and3A_682 = arith.andi %add3A_679, %and3A_681 : vector<16xi32>
        %broadcast_in_dim3A = vector.shape_cast %and3A_682 : vector<16xi32> to vector<16x1xi32>
        %gather3A = vector.shape_cast %broadcast_in_dim3A : vector<16x1xi32> to vector<16xi32>
        %gather3A_683 = tpu.dynamic_gather %add3A_301[%gather3A] in [0] : vector<16xf32>, vector<16xi32> -> vector<16xf32>
        %add3A_684 = arith.addf %add3A_301, %gather3A_683 : vector<16xf32>
        %add3A_685 = arith.constant 8 : i32
        %add3A_686 = vector.broadcast %add3A_685 : i32 to vector<16xi32>
        %add3A_687 = arith.addi %iota3A, %add3A_686 : vector<16xi32>
        %and3A_688 = arith.constant 15 : i32
        %and3A_689 = vector.broadcast %and3A_688 : i32 to vector<16xi32>
        %and3A_690 = arith.andi %add3A_687, %and3A_689 : vector<16xi32>
        %broadcast_in_dim3A_691 = vector.shape_cast %and3A_690 : vector<16xi32> to vector<16x1xi32>
        %gather3A_692 = vector.shape_cast %broadcast_in_dim3A_691 : vector<16x1xi32> to vector<16xi32>
        %gather3A_693 = tpu.dynamic_gather %add3A_326[%gather3A_692] in [0] : vector<16xf32>, vector<16xi32> -> vector<16xf32>
        %add3A_694 = arith.addf %add3A_326, %gather3A_693 : vector<16xf32>
        %add3A_695 = arith.constant 8 : i32
        %add3A_696 = vector.broadcast %add3A_695 : i32 to vector<16xi32>
        %add3A_697 = arith.addi %iota3A, %add3A_696 : vector<16xi32>
        %and3A_698 = arith.constant 15 : i32
        %and3A_699 = vector.broadcast %and3A_698 : i32 to vector<16xi32>
        %and3A_700 = arith.andi %add3A_697, %and3A_699 : vector<16xi32>
        %broadcast_in_dim3A_701 = vector.shape_cast %and3A_700 : vector<16xi32> to vector<16x1xi32>
        %gather3A_702 = vector.shape_cast %broadcast_in_dim3A_701 : vector<16x1xi32> to vector<16xi32>
        %gather3A_703 = tpu.dynamic_gather %add3A_351[%gather3A_702] in [0] : vector<16xf32>, vector<16xi32> -> vector<16xf32>
        %add3A_704 = arith.addf %add3A_351, %gather3A_703 : vector<16xf32>
        %add3A_705 = arith.constant 8 : i32
        %add3A_706 = vector.broadcast %add3A_705 : i32 to vector<16xi32>
        %add3A_707 = arith.addi %iota3A, %add3A_706 : vector<16xi32>
        %and3A_708 = arith.constant 15 : i32
        %and3A_709 = vector.broadcast %and3A_708 : i32 to vector<16xi32>
        %and3A_710 = arith.andi %add3A_707, %and3A_709 : vector<16xi32>
        %broadcast_in_dim3A_711 = vector.shape_cast %and3A_710 : vector<16xi32> to vector<16x1xi32>
        %gather3A_712 = vector.shape_cast %broadcast_in_dim3A_711 : vector<16x1xi32> to vector<16xi32>
        %gather3A_713 = tpu.dynamic_gather %add3A_376[%gather3A_712] in [0] : vector<16xf32>, vector<16xi32> -> vector<16xf32>
        %add3A_714 = arith.addf %add3A_376, %gather3A_713 : vector<16xf32>
        %add3A_715 = arith.constant 8 : i32
        %add3A_716 = vector.broadcast %add3A_715 : i32 to vector<16xi32>
        %add3A_717 = arith.addi %iota3A, %add3A_716 : vector<16xi32>
        %and3A_718 = arith.constant 15 : i32
        %and3A_719 = vector.broadcast %and3A_718 : i32 to vector<16xi32>
        %and3A_720 = arith.andi %add3A_717, %and3A_719 : vector<16xi32>
        %broadcast_in_dim3A_721 = vector.shape_cast %and3A_720 : vector<16xi32> to vector<16x1xi32>
        %gather3A_722 = vector.shape_cast %broadcast_in_dim3A_721 : vector<16x1xi32> to vector<16xi32>
        %gather3A_723 = tpu.dynamic_gather %add3A_401[%gather3A_722] in [0] : vector<16xf32>, vector<16xi32> -> vector<16xf32>
        %add3A_724 = arith.addf %add3A_401, %gather3A_723 : vector<16xf32>
        %add3A_725 = arith.constant 8 : i32
        %add3A_726 = vector.broadcast %add3A_725 : i32 to vector<16xi32>
        %add3A_727 = arith.addi %iota3A, %add3A_726 : vector<16xi32>
        %and3A_728 = arith.constant 15 : i32
        %and3A_729 = vector.broadcast %and3A_728 : i32 to vector<16xi32>
        %and3A_730 = arith.andi %add3A_727, %and3A_729 : vector<16xi32>
        %broadcast_in_dim3A_731 = vector.shape_cast %and3A_730 : vector<16xi32> to vector<16x1xi32>
        %gather3A_732 = vector.shape_cast %broadcast_in_dim3A_731 : vector<16x1xi32> to vector<16xi32>
        %gather3A_733 = tpu.dynamic_gather %add3A_426[%gather3A_732] in [0] : vector<16xf32>, vector<16xi32> -> vector<16xf32>
        %add3A_734 = arith.addf %add3A_426, %gather3A_733 : vector<16xf32>
        %add3A_735 = arith.constant 8 : i32
        %add3A_736 = vector.broadcast %add3A_735 : i32 to vector<16xi32>
        %add3A_737 = arith.addi %iota3A, %add3A_736 : vector<16xi32>
        %and3A_738 = arith.constant 15 : i32
        %and3A_739 = vector.broadcast %and3A_738 : i32 to vector<16xi32>
        %and3A_740 = arith.andi %add3A_737, %and3A_739 : vector<16xi32>
        %broadcast_in_dim3A_741 = vector.shape_cast %and3A_740 : vector<16xi32> to vector<16x1xi32>
        %gather3A_742 = vector.shape_cast %broadcast_in_dim3A_741 : vector<16x1xi32> to vector<16xi32>
        %gather3A_743 = tpu.dynamic_gather %add3A_451[%gather3A_742] in [0] : vector<16xf32>, vector<16xi32> -> vector<16xf32>
        %add3A_744 = arith.addf %add3A_451, %gather3A_743 : vector<16xf32>
        %add3A_745 = arith.constant 8 : i32
        %add3A_746 = vector.broadcast %add3A_745 : i32 to vector<16xi32>
        %add3A_747 = arith.addi %iota3A, %add3A_746 : vector<16xi32>
        %and3A_748 = arith.constant 15 : i32
        %and3A_749 = vector.broadcast %and3A_748 : i32 to vector<16xi32>
        %and3A_750 = arith.andi %add3A_747, %and3A_749 : vector<16xi32>
        %broadcast_in_dim3A_751 = vector.shape_cast %and3A_750 : vector<16xi32> to vector<16x1xi32>
        %gather3A_752 = vector.shape_cast %broadcast_in_dim3A_751 : vector<16x1xi32> to vector<16xi32>
        %gather3A_753 = tpu.dynamic_gather %add3A_476[%gather3A_752] in [0] : vector<16xf32>, vector<16xi32> -> vector<16xf32>
        %add3A_754 = arith.addf %add3A_476, %gather3A_753 : vector<16xf32>
        %add3A_755 = arith.constant 8 : i32
        %add3A_756 = vector.broadcast %add3A_755 : i32 to vector<16xi32>
        %add3A_757 = arith.addi %iota3A, %add3A_756 : vector<16xi32>
        %and3A_758 = arith.constant 15 : i32
        %and3A_759 = vector.broadcast %and3A_758 : i32 to vector<16xi32>
        %and3A_760 = arith.andi %add3A_757, %and3A_759 : vector<16xi32>
        %broadcast_in_dim3A_761 = vector.shape_cast %and3A_760 : vector<16xi32> to vector<16x1xi32>
        %gather3A_762 = vector.shape_cast %broadcast_in_dim3A_761 : vector<16x1xi32> to vector<16xi32>
        %gather3A_763 = tpu.dynamic_gather %add3A_501[%gather3A_762] in [0] : vector<16xf32>, vector<16xi32> -> vector<16xf32>
        %add3A_764 = arith.addf %add3A_501, %gather3A_763 : vector<16xf32>
        %add3A_765 = arith.constant 8 : i32
        %add3A_766 = vector.broadcast %add3A_765 : i32 to vector<16xi32>
        %add3A_767 = arith.addi %iota3A, %add3A_766 : vector<16xi32>
        %and3A_768 = arith.constant 15 : i32
        %and3A_769 = vector.broadcast %and3A_768 : i32 to vector<16xi32>
        %and3A_770 = arith.andi %add3A_767, %and3A_769 : vector<16xi32>
        %broadcast_in_dim3A_771 = vector.shape_cast %and3A_770 : vector<16xi32> to vector<16x1xi32>
        %gather3A_772 = vector.shape_cast %broadcast_in_dim3A_771 : vector<16x1xi32> to vector<16xi32>
        %gather3A_773 = tpu.dynamic_gather %add3A_526[%gather3A_772] in [0] : vector<16xf32>, vector<16xi32> -> vector<16xf32>
        %add3A_774 = arith.addf %add3A_526, %gather3A_773 : vector<16xf32>
        %add3A_775 = arith.constant 8 : i32
        %add3A_776 = vector.broadcast %add3A_775 : i32 to vector<16xi32>
        %add3A_777 = arith.addi %iota3A, %add3A_776 : vector<16xi32>
        %and3A_778 = arith.constant 15 : i32
        %and3A_779 = vector.broadcast %and3A_778 : i32 to vector<16xi32>
        %and3A_780 = arith.andi %add3A_777, %and3A_779 : vector<16xi32>
        %broadcast_in_dim3A_781 = vector.shape_cast %and3A_780 : vector<16xi32> to vector<16x1xi32>
        %gather3A_782 = vector.shape_cast %broadcast_in_dim3A_781 : vector<16x1xi32> to vector<16xi32>
        %gather3A_783 = tpu.dynamic_gather %add3A_551[%gather3A_782] in [0] : vector<16xf32>, vector<16xi32> -> vector<16xf32>
        %add3A_784 = arith.addf %add3A_551, %gather3A_783 : vector<16xf32>
        %add3A_785 = arith.constant 8 : i32
        %add3A_786 = vector.broadcast %add3A_785 : i32 to vector<16xi32>
        %add3A_787 = arith.addi %iota3A, %add3A_786 : vector<16xi32>
        %and3A_788 = arith.constant 15 : i32
        %and3A_789 = vector.broadcast %and3A_788 : i32 to vector<16xi32>
        %and3A_790 = arith.andi %add3A_787, %and3A_789 : vector<16xi32>
        %broadcast_in_dim3A_791 = vector.shape_cast %and3A_790 : vector<16xi32> to vector<16x1xi32>
        %gather3A_792 = vector.shape_cast %broadcast_in_dim3A_791 : vector<16x1xi32> to vector<16xi32>
        %gather3A_793 = tpu.dynamic_gather %add3A_576[%gather3A_792] in [0] : vector<16xf32>, vector<16xi32> -> vector<16xf32>
        %add3A_794 = arith.addf %add3A_576, %gather3A_793 : vector<16xf32>
        %add3A_795 = arith.constant 8 : i32
        %add3A_796 = vector.broadcast %add3A_795 : i32 to vector<16xi32>
        %add3A_797 = arith.addi %iota3A, %add3A_796 : vector<16xi32>
        %and3A_798 = arith.constant 15 : i32
        %and3A_799 = vector.broadcast %and3A_798 : i32 to vector<16xi32>
        %and3A_800 = arith.andi %add3A_797, %and3A_799 : vector<16xi32>
        %broadcast_in_dim3A_801 = vector.shape_cast %and3A_800 : vector<16xi32> to vector<16x1xi32>
        %gather3A_802 = vector.shape_cast %broadcast_in_dim3A_801 : vector<16x1xi32> to vector<16xi32>
        %gather3A_803 = tpu.dynamic_gather %add3A_601[%gather3A_802] in [0] : vector<16xf32>, vector<16xi32> -> vector<16xf32>
        %add3A_804 = arith.addf %add3A_601, %gather3A_803 : vector<16xf32>
        %add3A_805 = arith.constant 8 : i32
        %add3A_806 = vector.broadcast %add3A_805 : i32 to vector<16xi32>
        %add3A_807 = arith.addi %iota3A, %add3A_806 : vector<16xi32>
        %and3A_808 = arith.constant 15 : i32
        %and3A_809 = vector.broadcast %and3A_808 : i32 to vector<16xi32>
        %and3A_810 = arith.andi %add3A_807, %and3A_809 : vector<16xi32>
        %broadcast_in_dim3A_811 = vector.shape_cast %and3A_810 : vector<16xi32> to vector<16x1xi32>
        %gather3A_812 = vector.shape_cast %broadcast_in_dim3A_811 : vector<16x1xi32> to vector<16xi32>
        %gather3A_813 = tpu.dynamic_gather %add3A_626[%gather3A_812] in [0] : vector<16xf32>, vector<16xi32> -> vector<16xf32>
        %add3A_814 = arith.addf %add3A_626, %gather3A_813 : vector<16xf32>
        %add3A_815 = arith.constant 8 : i32
        %add3A_816 = vector.broadcast %add3A_815 : i32 to vector<16xi32>
        %add3A_817 = arith.addi %iota3A, %add3A_816 : vector<16xi32>
        %and3A_818 = arith.constant 15 : i32
        %and3A_819 = vector.broadcast %and3A_818 : i32 to vector<16xi32>
        %and3A_820 = arith.andi %add3A_817, %and3A_819 : vector<16xi32>
        %broadcast_in_dim3A_821 = vector.shape_cast %and3A_820 : vector<16xi32> to vector<16x1xi32>
        %gather3A_822 = vector.shape_cast %broadcast_in_dim3A_821 : vector<16x1xi32> to vector<16xi32>
        %gather3A_823 = tpu.dynamic_gather %add3A_651[%gather3A_822] in [0] : vector<16xf32>, vector<16xi32> -> vector<16xf32>
        %add3A_824 = arith.addf %add3A_651, %gather3A_823 : vector<16xf32>
        %add3A_825 = arith.constant 8 : i32
        %add3A_826 = vector.broadcast %add3A_825 : i32 to vector<16xi32>
        %add3A_827 = arith.addi %iota3A, %add3A_826 : vector<16xi32>
        %and3A_828 = arith.constant 15 : i32
        %and3A_829 = vector.broadcast %and3A_828 : i32 to vector<16xi32>
        %and3A_830 = arith.andi %add3A_827, %and3A_829 : vector<16xi32>
        %broadcast_in_dim3A_831 = vector.shape_cast %and3A_830 : vector<16xi32> to vector<16x1xi32>
        %gather3A_832 = vector.shape_cast %broadcast_in_dim3A_831 : vector<16x1xi32> to vector<16xi32>
        %gather3A_833 = tpu.dynamic_gather %add3A_676[%gather3A_832] in [0] : vector<16xf32>, vector<16xi32> -> vector<16xf32>
        %add3A_834 = arith.addf %add3A_676, %gather3A_833 : vector<16xf32>
        %select_n3A = arith.select %lt3A_27, %add3A_684, %add3A_694 : vector<16xi1>, vector<16xf32>
        %select_n3A_835 = arith.select %lt3A_27, %add3A_704, %add3A_714 : vector<16xi1>, vector<16xf32>
        %select_n3A_836 = arith.select %lt3A_27, %add3A_724, %add3A_734 : vector<16xi1>, vector<16xf32>
        %select_n3A_837 = arith.select %lt3A_27, %add3A_744, %add3A_754 : vector<16xi1>, vector<16xf32>
        %select_n3A_838 = arith.select %lt3A_27, %add3A_764, %add3A_774 : vector<16xi1>, vector<16xf32>
        %select_n3A_839 = arith.select %lt3A_27, %add3A_784, %add3A_794 : vector<16xi1>, vector<16xf32>
        %select_n3A_840 = arith.select %lt3A_27, %add3A_804, %add3A_814 : vector<16xi1>, vector<16xf32>
        %select_n3A_841 = arith.select %lt3A_27, %add3A_824, %add3A_834 : vector<16xi1>, vector<16xf32>
        %add3A_842 = arith.constant 4 : i32
        %add3A_843 = vector.broadcast %add3A_842 : i32 to vector<16xi32>
        %add3A_844 = arith.addi %iota3A, %add3A_843 : vector<16xi32>
        %and3A_845 = arith.constant 15 : i32
        %and3A_846 = vector.broadcast %and3A_845 : i32 to vector<16xi32>
        %and3A_847 = arith.andi %add3A_844, %and3A_846 : vector<16xi32>
        %broadcast_in_dim3A_848 = vector.shape_cast %and3A_847 : vector<16xi32> to vector<16x1xi32>
        %gather3A_849 = vector.shape_cast %broadcast_in_dim3A_848 : vector<16x1xi32> to vector<16xi32>
        %gather3A_850 = tpu.dynamic_gather %select_n3A[%gather3A_849] in [0] : vector<16xf32>, vector<16xi32> -> vector<16xf32>
        %add3A_851 = arith.addf %select_n3A, %gather3A_850 : vector<16xf32>
        %add3A_852 = arith.constant 4 : i32
        %add3A_853 = vector.broadcast %add3A_852 : i32 to vector<16xi32>
        %add3A_854 = arith.addi %iota3A, %add3A_853 : vector<16xi32>
        %and3A_855 = arith.constant 15 : i32
        %and3A_856 = vector.broadcast %and3A_855 : i32 to vector<16xi32>
        %and3A_857 = arith.andi %add3A_854, %and3A_856 : vector<16xi32>
        %broadcast_in_dim3A_858 = vector.shape_cast %and3A_857 : vector<16xi32> to vector<16x1xi32>
        %gather3A_859 = vector.shape_cast %broadcast_in_dim3A_858 : vector<16x1xi32> to vector<16xi32>
        %gather3A_860 = tpu.dynamic_gather %select_n3A_835[%gather3A_859] in [0] : vector<16xf32>, vector<16xi32> -> vector<16xf32>
        %add3A_861 = arith.addf %select_n3A_835, %gather3A_860 : vector<16xf32>
        %add3A_862 = arith.constant 4 : i32
        %add3A_863 = vector.broadcast %add3A_862 : i32 to vector<16xi32>
        %add3A_864 = arith.addi %iota3A, %add3A_863 : vector<16xi32>
        %and3A_865 = arith.constant 15 : i32
        %and3A_866 = vector.broadcast %and3A_865 : i32 to vector<16xi32>
        %and3A_867 = arith.andi %add3A_864, %and3A_866 : vector<16xi32>
        %broadcast_in_dim3A_868 = vector.shape_cast %and3A_867 : vector<16xi32> to vector<16x1xi32>
        %gather3A_869 = vector.shape_cast %broadcast_in_dim3A_868 : vector<16x1xi32> to vector<16xi32>
        %gather3A_870 = tpu.dynamic_gather %select_n3A_836[%gather3A_869] in [0] : vector<16xf32>, vector<16xi32> -> vector<16xf32>
        %add3A_871 = arith.addf %select_n3A_836, %gather3A_870 : vector<16xf32>
        %add3A_872 = arith.constant 4 : i32
        %add3A_873 = vector.broadcast %add3A_872 : i32 to vector<16xi32>
        %add3A_874 = arith.addi %iota3A, %add3A_873 : vector<16xi32>
        %and3A_875 = arith.constant 15 : i32
        %and3A_876 = vector.broadcast %and3A_875 : i32 to vector<16xi32>
        %and3A_877 = arith.andi %add3A_874, %and3A_876 : vector<16xi32>
        %broadcast_in_dim3A_878 = vector.shape_cast %and3A_877 : vector<16xi32> to vector<16x1xi32>
        %gather3A_879 = vector.shape_cast %broadcast_in_dim3A_878 : vector<16x1xi32> to vector<16xi32>
        %gather3A_880 = tpu.dynamic_gather %select_n3A_837[%gather3A_879] in [0] : vector<16xf32>, vector<16xi32> -> vector<16xf32>
        %add3A_881 = arith.addf %select_n3A_837, %gather3A_880 : vector<16xf32>
        %add3A_882 = arith.constant 4 : i32
        %add3A_883 = vector.broadcast %add3A_882 : i32 to vector<16xi32>
        %add3A_884 = arith.addi %iota3A, %add3A_883 : vector<16xi32>
        %and3A_885 = arith.constant 15 : i32
        %and3A_886 = vector.broadcast %and3A_885 : i32 to vector<16xi32>
        %and3A_887 = arith.andi %add3A_884, %and3A_886 : vector<16xi32>
        %broadcast_in_dim3A_888 = vector.shape_cast %and3A_887 : vector<16xi32> to vector<16x1xi32>
        %gather3A_889 = vector.shape_cast %broadcast_in_dim3A_888 : vector<16x1xi32> to vector<16xi32>
        %gather3A_890 = tpu.dynamic_gather %select_n3A_838[%gather3A_889] in [0] : vector<16xf32>, vector<16xi32> -> vector<16xf32>
        %add3A_891 = arith.addf %select_n3A_838, %gather3A_890 : vector<16xf32>
        %add3A_892 = arith.constant 4 : i32
        %add3A_893 = vector.broadcast %add3A_892 : i32 to vector<16xi32>
        %add3A_894 = arith.addi %iota3A, %add3A_893 : vector<16xi32>
        %and3A_895 = arith.constant 15 : i32
        %and3A_896 = vector.broadcast %and3A_895 : i32 to vector<16xi32>
        %and3A_897 = arith.andi %add3A_894, %and3A_896 : vector<16xi32>
        %broadcast_in_dim3A_898 = vector.shape_cast %and3A_897 : vector<16xi32> to vector<16x1xi32>
        %gather3A_899 = vector.shape_cast %broadcast_in_dim3A_898 : vector<16x1xi32> to vector<16xi32>
        %gather3A_900 = tpu.dynamic_gather %select_n3A_839[%gather3A_899] in [0] : vector<16xf32>, vector<16xi32> -> vector<16xf32>
        %add3A_901 = arith.addf %select_n3A_839, %gather3A_900 : vector<16xf32>
        %add3A_902 = arith.constant 4 : i32
        %add3A_903 = vector.broadcast %add3A_902 : i32 to vector<16xi32>
        %add3A_904 = arith.addi %iota3A, %add3A_903 : vector<16xi32>
        %and3A_905 = arith.constant 15 : i32
        %and3A_906 = vector.broadcast %and3A_905 : i32 to vector<16xi32>
        %and3A_907 = arith.andi %add3A_904, %and3A_906 : vector<16xi32>
        %broadcast_in_dim3A_908 = vector.shape_cast %and3A_907 : vector<16xi32> to vector<16x1xi32>
        %gather3A_909 = vector.shape_cast %broadcast_in_dim3A_908 : vector<16x1xi32> to vector<16xi32>
        %gather3A_910 = tpu.dynamic_gather %select_n3A_840[%gather3A_909] in [0] : vector<16xf32>, vector<16xi32> -> vector<16xf32>
        %add3A_911 = arith.addf %select_n3A_840, %gather3A_910 : vector<16xf32>
        %add3A_912 = arith.constant 4 : i32
        %add3A_913 = vector.broadcast %add3A_912 : i32 to vector<16xi32>
        %add3A_914 = arith.addi %iota3A, %add3A_913 : vector<16xi32>
        %and3A_915 = arith.constant 15 : i32
        %and3A_916 = vector.broadcast %and3A_915 : i32 to vector<16xi32>
        %and3A_917 = arith.andi %add3A_914, %and3A_916 : vector<16xi32>
        %broadcast_in_dim3A_918 = vector.shape_cast %and3A_917 : vector<16xi32> to vector<16x1xi32>
        %gather3A_919 = vector.shape_cast %broadcast_in_dim3A_918 : vector<16x1xi32> to vector<16xi32>
        %gather3A_920 = tpu.dynamic_gather %select_n3A_841[%gather3A_919] in [0] : vector<16xf32>, vector<16xi32> -> vector<16xf32>
        %add3A_921 = arith.addf %select_n3A_841, %gather3A_920 : vector<16xf32>
        %add3A_922 = arith.constant -4 : i32
        %add3A_923 = vector.broadcast %add3A_922 : i32 to vector<16xi32>
        %add3A_924 = arith.addi %iota3A, %add3A_923 : vector<16xi32>
        %and3A_925 = arith.constant 15 : i32
        %and3A_926 = vector.broadcast %and3A_925 : i32 to vector<16xi32>
        %and3A_927 = arith.andi %add3A_924, %and3A_926 : vector<16xi32>
        %broadcast_in_dim3A_928 = vector.shape_cast %and3A_927 : vector<16xi32> to vector<16x1xi32>
        %gather3A_929 = vector.shape_cast %broadcast_in_dim3A_928 : vector<16x1xi32> to vector<16xi32>
        %gather3A_930 = tpu.dynamic_gather %add3A_861[%gather3A_929] in [0] : vector<16xf32>, vector<16xi32> -> vector<16xf32>
        %select_n3A_931 = arith.select %lt3A_33, %add3A_851, %gather3A_930 : vector<16xi1>, vector<16xf32>
        %add3A_932 = arith.constant -4 : i32
        %add3A_933 = vector.broadcast %add3A_932 : i32 to vector<16xi32>
        %add3A_934 = arith.addi %iota3A, %add3A_933 : vector<16xi32>
        %and3A_935 = arith.constant 15 : i32
        %and3A_936 = vector.broadcast %and3A_935 : i32 to vector<16xi32>
        %and3A_937 = arith.andi %add3A_934, %and3A_936 : vector<16xi32>
        %broadcast_in_dim3A_938 = vector.shape_cast %and3A_937 : vector<16xi32> to vector<16x1xi32>
        %gather3A_939 = vector.shape_cast %broadcast_in_dim3A_938 : vector<16x1xi32> to vector<16xi32>
        %gather3A_940 = tpu.dynamic_gather %add3A_881[%gather3A_939] in [0] : vector<16xf32>, vector<16xi32> -> vector<16xf32>
        %select_n3A_941 = arith.select %lt3A_33, %add3A_871, %gather3A_940 : vector<16xi1>, vector<16xf32>
        %add3A_942 = arith.constant -4 : i32
        %add3A_943 = vector.broadcast %add3A_942 : i32 to vector<16xi32>
        %add3A_944 = arith.addi %iota3A, %add3A_943 : vector<16xi32>
        %and3A_945 = arith.constant 15 : i32
        %and3A_946 = vector.broadcast %and3A_945 : i32 to vector<16xi32>
        %and3A_947 = arith.andi %add3A_944, %and3A_946 : vector<16xi32>
        %broadcast_in_dim3A_948 = vector.shape_cast %and3A_947 : vector<16xi32> to vector<16x1xi32>
        %gather3A_949 = vector.shape_cast %broadcast_in_dim3A_948 : vector<16x1xi32> to vector<16xi32>
        %gather3A_950 = tpu.dynamic_gather %add3A_901[%gather3A_949] in [0] : vector<16xf32>, vector<16xi32> -> vector<16xf32>
        %select_n3A_951 = arith.select %lt3A_33, %add3A_891, %gather3A_950 : vector<16xi1>, vector<16xf32>
        %add3A_952 = arith.constant -4 : i32
        %add3A_953 = vector.broadcast %add3A_952 : i32 to vector<16xi32>
        %add3A_954 = arith.addi %iota3A, %add3A_953 : vector<16xi32>
        %and3A_955 = arith.constant 15 : i32
        %and3A_956 = vector.broadcast %and3A_955 : i32 to vector<16xi32>
        %and3A_957 = arith.andi %add3A_954, %and3A_956 : vector<16xi32>
        %broadcast_in_dim3A_958 = vector.shape_cast %and3A_957 : vector<16xi32> to vector<16x1xi32>
        %gather3A_959 = vector.shape_cast %broadcast_in_dim3A_958 : vector<16x1xi32> to vector<16xi32>
        %gather3A_960 = tpu.dynamic_gather %add3A_921[%gather3A_959] in [0] : vector<16xf32>, vector<16xi32> -> vector<16xf32>
        %select_n3A_961 = arith.select %lt3A_33, %add3A_911, %gather3A_960 : vector<16xi1>, vector<16xf32>
        %add3A_962 = arith.constant 2 : i32
        %add3A_963 = vector.broadcast %add3A_962 : i32 to vector<16xi32>
        %add3A_964 = arith.addi %iota3A, %add3A_963 : vector<16xi32>
        %and3A_965 = arith.constant 15 : i32
        %and3A_966 = vector.broadcast %and3A_965 : i32 to vector<16xi32>
        %and3A_967 = arith.andi %add3A_964, %and3A_966 : vector<16xi32>
        %broadcast_in_dim3A_968 = vector.shape_cast %and3A_967 : vector<16xi32> to vector<16x1xi32>
        %gather3A_969 = vector.shape_cast %broadcast_in_dim3A_968 : vector<16x1xi32> to vector<16xi32>
        %gather3A_970 = tpu.dynamic_gather %select_n3A_931[%gather3A_969] in [0] : vector<16xf32>, vector<16xi32> -> vector<16xf32>
        %add3A_971 = arith.addf %select_n3A_931, %gather3A_970 : vector<16xf32>
        %add3A_972 = arith.constant 2 : i32
        %add3A_973 = vector.broadcast %add3A_972 : i32 to vector<16xi32>
        %add3A_974 = arith.addi %iota3A, %add3A_973 : vector<16xi32>
        %and3A_975 = arith.constant 15 : i32
        %and3A_976 = vector.broadcast %and3A_975 : i32 to vector<16xi32>
        %and3A_977 = arith.andi %add3A_974, %and3A_976 : vector<16xi32>
        %broadcast_in_dim3A_978 = vector.shape_cast %and3A_977 : vector<16xi32> to vector<16x1xi32>
        %gather3A_979 = vector.shape_cast %broadcast_in_dim3A_978 : vector<16x1xi32> to vector<16xi32>
        %gather3A_980 = tpu.dynamic_gather %select_n3A_941[%gather3A_979] in [0] : vector<16xf32>, vector<16xi32> -> vector<16xf32>
        %add3A_981 = arith.addf %select_n3A_941, %gather3A_980 : vector<16xf32>
        %add3A_982 = arith.constant 2 : i32
        %add3A_983 = vector.broadcast %add3A_982 : i32 to vector<16xi32>
        %add3A_984 = arith.addi %iota3A, %add3A_983 : vector<16xi32>
        %and3A_985 = arith.constant 15 : i32
        %and3A_986 = vector.broadcast %and3A_985 : i32 to vector<16xi32>
        %and3A_987 = arith.andi %add3A_984, %and3A_986 : vector<16xi32>
        %broadcast_in_dim3A_988 = vector.shape_cast %and3A_987 : vector<16xi32> to vector<16x1xi32>
        %gather3A_989 = vector.shape_cast %broadcast_in_dim3A_988 : vector<16x1xi32> to vector<16xi32>
        %gather3A_990 = tpu.dynamic_gather %select_n3A_951[%gather3A_989] in [0] : vector<16xf32>, vector<16xi32> -> vector<16xf32>
        %add3A_991 = arith.addf %select_n3A_951, %gather3A_990 : vector<16xf32>
        %add3A_992 = arith.constant 2 : i32
        %add3A_993 = vector.broadcast %add3A_992 : i32 to vector<16xi32>
        %add3A_994 = arith.addi %iota3A, %add3A_993 : vector<16xi32>
        %and3A_995 = arith.constant 15 : i32
        %and3A_996 = vector.broadcast %and3A_995 : i32 to vector<16xi32>
        %and3A_997 = arith.andi %add3A_994, %and3A_996 : vector<16xi32>
        %broadcast_in_dim3A_998 = vector.shape_cast %and3A_997 : vector<16xi32> to vector<16x1xi32>
        %gather3A_999 = vector.shape_cast %broadcast_in_dim3A_998 : vector<16x1xi32> to vector<16xi32>
        %gather3A_1000 = tpu.dynamic_gather %select_n3A_961[%gather3A_999] in [0] : vector<16xf32>, vector<16xi32> -> vector<16xf32>
        %add3A_1001 = arith.addf %select_n3A_961, %gather3A_1000 : vector<16xf32>
        %add3A_1002 = arith.constant -2 : i32
        %add3A_1003 = vector.broadcast %add3A_1002 : i32 to vector<16xi32>
        %add3A_1004 = arith.addi %iota3A, %add3A_1003 : vector<16xi32>
        %and3A_1005 = arith.constant 15 : i32
        %and3A_1006 = vector.broadcast %and3A_1005 : i32 to vector<16xi32>
        %and3A_1007 = arith.andi %add3A_1004, %and3A_1006 : vector<16xi32>
        %broadcast_in_dim3A_1008 = vector.shape_cast %and3A_1007 : vector<16xi32> to vector<16x1xi32>
        %gather3A_1009 = vector.shape_cast %broadcast_in_dim3A_1008 : vector<16x1xi32> to vector<16xi32>
        %gather3A_1010 = tpu.dynamic_gather %add3A_981[%gather3A_1009] in [0] : vector<16xf32>, vector<16xi32> -> vector<16xf32>
        %select_n3A_1011 = arith.select %lt3A_39, %add3A_971, %gather3A_1010 : vector<16xi1>, vector<16xf32>
        %add3A_1012 = arith.constant -2 : i32
        %add3A_1013 = vector.broadcast %add3A_1012 : i32 to vector<16xi32>
        %add3A_1014 = arith.addi %iota3A, %add3A_1013 : vector<16xi32>
        %and3A_1015 = arith.constant 15 : i32
        %and3A_1016 = vector.broadcast %and3A_1015 : i32 to vector<16xi32>
        %and3A_1017 = arith.andi %add3A_1014, %and3A_1016 : vector<16xi32>
        %broadcast_in_dim3A_1018 = vector.shape_cast %and3A_1017 : vector<16xi32> to vector<16x1xi32>
        %gather3A_1019 = vector.shape_cast %broadcast_in_dim3A_1018 : vector<16x1xi32> to vector<16xi32>
        %gather3A_1020 = tpu.dynamic_gather %add3A_1001[%gather3A_1019] in [0] : vector<16xf32>, vector<16xi32> -> vector<16xf32>
        %select_n3A_1021 = arith.select %lt3A_39, %add3A_991, %gather3A_1020 : vector<16xi1>, vector<16xf32>
        %add3A_1022 = arith.constant 1 : i32
        %add3A_1023 = vector.broadcast %add3A_1022 : i32 to vector<16xi32>
        %add3A_1024 = arith.addi %iota3A, %add3A_1023 : vector<16xi32>
        %and3A_1025 = arith.constant 15 : i32
        %and3A_1026 = vector.broadcast %and3A_1025 : i32 to vector<16xi32>
        %and3A_1027 = arith.andi %add3A_1024, %and3A_1026 : vector<16xi32>
        %broadcast_in_dim3A_1028 = vector.shape_cast %and3A_1027 : vector<16xi32> to vector<16x1xi32>
        %gather3A_1029 = vector.shape_cast %broadcast_in_dim3A_1028 : vector<16x1xi32> to vector<16xi32>
        %gather3A_1030 = tpu.dynamic_gather %select_n3A_1011[%gather3A_1029] in [0] : vector<16xf32>, vector<16xi32> -> vector<16xf32>
        %add3A_1031 = arith.addf %select_n3A_1011, %gather3A_1030 : vector<16xf32>
        %add3A_1032 = arith.constant 1 : i32
        %add3A_1033 = vector.broadcast %add3A_1032 : i32 to vector<16xi32>
        %add3A_1034 = arith.addi %iota3A, %add3A_1033 : vector<16xi32>
        %and3A_1035 = arith.constant 15 : i32
        %and3A_1036 = vector.broadcast %and3A_1035 : i32 to vector<16xi32>
        %and3A_1037 = arith.andi %add3A_1034, %and3A_1036 : vector<16xi32>
        %broadcast_in_dim3A_1038 = vector.shape_cast %and3A_1037 : vector<16xi32> to vector<16x1xi32>
        %gather3A_1039 = vector.shape_cast %broadcast_in_dim3A_1038 : vector<16x1xi32> to vector<16xi32>
        %gather3A_1040 = tpu.dynamic_gather %select_n3A_1021[%gather3A_1039] in [0] : vector<16xf32>, vector<16xi32> -> vector<16xf32>
        %add3A_1041 = arith.addf %select_n3A_1021, %gather3A_1040 : vector<16xf32>
        %add3A_1042 = arith.constant -1 : i32
        %add3A_1043 = vector.broadcast %add3A_1042 : i32 to vector<16xi32>
        %add3A_1044 = arith.addi %iota3A, %add3A_1043 : vector<16xi32>
        %and3A_1045 = arith.constant 15 : i32
        %and3A_1046 = vector.broadcast %and3A_1045 : i32 to vector<16xi32>
        %and3A_1047 = arith.andi %add3A_1044, %and3A_1046 : vector<16xi32>
        %broadcast_in_dim3A_1048 = vector.shape_cast %and3A_1047 : vector<16xi32> to vector<16x1xi32>
        %gather3A_1049 = vector.shape_cast %broadcast_in_dim3A_1048 : vector<16x1xi32> to vector<16xi32>
        %gather3A_1050 = tpu.dynamic_gather %add3A_1041[%gather3A_1049] in [0] : vector<16xf32>, vector<16xi32> -> vector<16xf32>
        %select_n3A_1051 = arith.select %lt3A_45, %add3A_1031, %gather3A_1050 : vector<16xi1>, vector<16xf32>
        %broadcast_in_dim3A_1052 = vector.shape_cast %or3A_25 : vector<16xi32> to vector<16x1xi32>
        %gather3A_1053 = vector.shape_cast %broadcast_in_dim3A_1052 : vector<16x1xi32> to vector<16xi32>
        %gather3A_1054 = tpu.dynamic_gather %select_n3A_1051[%gather3A_1053] in [0] : vector<16xf32>, vector<16xi32> -> vector<16xf32>
        %neg3A = arith.constant 0.000000e+00 : f32
        %neg3A_1055 = vector.broadcast %neg3A : f32 to vector<16xf32>
        %neg3A_1056 = arith.subf %neg3A_1055, %gather3A_1054 : vector<16xf32>
        %mul3A_1057 = arith.constant 16 : i32
        %mul3A_1058 = arith.muli %scan3A_276, %mul3A_1057 : i32
        %swap3A = arith.index_cast %mul3A_1058 : i32 to index
        %swap3A_1059 = tpu.vector_load %arg13[%swap3A] {strides = array<i32>} : memref<256xf32, #tpu.memory_space<vmem>>, vector<16xf32>,
        tpu.vector_store %arg13[%swap3A], %neg3A_1056 {strides = array<i32>} : memref<256xf32, #tpu.memory_space<vmem>>, vector<16xf32>,
      }
      %scan3A_227 = arith.constant 16 : i32
      %mul3A_228 = arith.constant 256 : i32
      %mul3A_229 = arith.muli %add3A_191, %mul3A_228 : i32
      %add3A_230 = arith.addi %mul3A_2, %mul3A_229 : i32
      %dma_start3A_231 = tpu.memref_slice %arg5[%add3A_230] : memref<819200xf32, #tpu.memory_space<hbm>> -> memref<256xf32, #tpu.memory_space<hbm>>
      %dma_start3A_232 = tpu.memref_slice %arg5[%add3A_230] : memref<819200xf32, #tpu.memory_space<hbm>> -> memref<256xf32, #tpu.memory_space<hbm>>
      tpu.enqueue_dma source(%arg13 : memref<256xf32, #tpu.memory_space<vmem>>) target(%dma_start3A_232 : memref<256xf32, #tpu.memory_space<hbm>>) target_semaphore(%arg21 : memref<!tpu.dma_semaphore, #tpu.memory_space<semaphore_mem>>)
      %add3A_233 = arith.constant 3 : i32
      %add3A_234 = arith.addi %mul3A_107, %add3A_233 : i32
      %add3A_235 = arith.constant 4 : i32
      %add3A_236 = arith.addi %add3A_234, %add3A_235 : i32
      %sub3A_237 = arith.constant 1 : i32
      %sub3A_238 = arith.subi %add3A_236, %sub3A_237 : i32
      %lt3A_239 = arith.constant 100 : i32
      %lt3A_240 = arith.cmpi slt, %sub3A_238, %lt3A_239 : i32
      %convert_element_type3A_241 = arith.extui %lt3A_240 : i1 to i32
      %cond3A_242 = arith.constant 0 : i32
      %cond3A_243 = arith.cmpi ne, %convert_element_type3A_241, %cond3A_242 : i32
      scf.if %cond3A_243 {
        %mul3A_276 = arith.constant 256 : i32
        %mul3A_277 = arith.muli %sub3A_238, %mul3A_276 : i32
        %mul3A_278 = arith.constant 256 : i32
        %mul3A_279 = arith.muli %sub3A_238, %mul3A_278 : i32
        %add3A_280 = arith.constant 25600 : i32
        %add3A_281 = arith.addi %add3A_280, %mul3A_279 : i32
        %dma_start3A_282 = arith.constant 0 : i32
        %dma_start3A_283 = arith.constant 0 : i32
        %dma_start3A_284 = tpu.memref_slice %arg9[%dma_start3A_282, %dma_start3A_283] : memref<512x32xf32, #tpu.memory_space<vmem>> -> memref<256x32xf32, #tpu.memory_space<vmem>>
        %dma_start3A_285 = tpu.memref_slice %arg6[%mul3A_277] : memref<51200xi32, #tpu.memory_space<vmem>> -> memref<256xi32, #tpu.memory_space<vmem>>
        %dma_start3A_286 = arith.constant 0 : i32
        %dma_start3A_287 = arith.constant 0 : i32
        %dma_start3A_288 = tpu.memref_slice %arg4[%dma_start3A_286, %dma_start3A_287] : memref<1000000x32xf32, #tpu.memory_space<hbm>> -> memref<1000000x32xf32, #tpu.memory_space<hbm>>
        tpu.enqueue_indirect_dma source(%dma_start3A_288 : memref<1000000x32xf32, #tpu.memory_space<hbm>>) target(%dma_start3A_284 : memref<256x32xf32, #tpu.memory_space<vmem>>) offsets(%dma_start3A_285 : memref<256xi32, #tpu.memory_space<vmem>>) semaphore(%arg17 : memref<!tpu.dma_semaphore, #tpu.memory_space<semaphore_mem>>)
        %dma_start3A_289 = arith.constant 256 : i32
        %dma_start3A_290 = arith.constant 0 : i32
        %dma_start3A_291 = tpu.memref_slice %arg9[%dma_start3A_289, %dma_start3A_290] : memref<512x32xf32, #tpu.memory_space<vmem>> -> memref<256x32xf32, #tpu.memory_space<vmem>>
        %dma_start3A_292 = tpu.memref_slice %arg6[%add3A_281] : memref<51200xi32, #tpu.memory_space<vmem>> -> memref<256xi32, #tpu.memory_space<vmem>>
        %dma_start3A_293 = arith.constant 0 : i32
        %dma_start3A_294 = arith.constant 0 : i32
        %dma_start3A_295 = tpu.memref_slice %arg4[%dma_start3A_293, %dma_start3A_294] : memref<1000000x32xf32, #tpu.memory_space<hbm>> -> memref<1000000x32xf32, #tpu.memory_space<hbm>>
        tpu.enqueue_indirect_dma source(%dma_start3A_295 : memref<1000000x32xf32, #tpu.memory_space<hbm>>) target(%dma_start3A_291 : memref<256x32xf32, #tpu.memory_space<vmem>>) offsets(%dma_start3A_292 : memref<256xi32, #tpu.memory_space<vmem>>) semaphore(%arg17 : memref<!tpu.dma_semaphore, #tpu.memory_space<semaphore_mem>>)
      } else {
      }
      %dma_wait3A_244 = arith.constant 0 : i32
      %dma_wait3A_245 = arith.constant 0 : i32
      %dma_wait3A_246 = tpu.memref_slice %arg10[%dma_wait3A_244, %dma_wait3A_245] : memref<512x32xf32, #tpu.memory_space<vmem>> -> memref<256x32xf32, #tpu.memory_space<vmem>>
      %dma_wait3A_247 = arith.constant 0 : i32
      %dma_wait3A_248 = tpu.memref_slice %arg6[%dma_wait3A_247] : memref<51200xi32, #tpu.memory_space<vmem>> -> memref<256xi32, #tpu.memory_space<vmem>>
      %dma_wait3A_249 = arith.constant 0 : i32
      %dma_wait3A_250 = arith.constant 0 : i32
      %dma_wait3A_251 = tpu.memref_slice %arg4[%dma_wait3A_249, %dma_wait3A_250] : memref<1000000x32xf32, #tpu.memory_space<hbm>> -> memref<1000000x32xf32, #tpu.memory_space<hbm>>
      tpu.wait_indirect_dma semaphore(%arg18 : memref<!tpu.dma_semaphore, #tpu.memory_space<semaphore_mem>>) src(%dma_wait3A_251 : memref<1000000x32xf32, #tpu.memory_space<hbm>>) dst(%dma_wait3A_246 : memref<256x32xf32, #tpu.memory_space<vmem>>)
      %dma_wait3A_252 = arith.constant 256 : i32
      %dma_wait3A_253 = arith.constant 0 : i32
      %dma_wait3A_254 = tpu.memref_slice %arg10[%dma_wait3A_252, %dma_wait3A_253] : memref<512x32xf32, #tpu.memory_space<vmem>> -> memref<256x32xf32, #tpu.memory_space<vmem>>
      %dma_wait3A_255 = arith.constant 0 : i32
      %dma_wait3A_256 = tpu.memref_slice %arg6[%dma_wait3A_255] : memref<51200xi32, #tpu.memory_space<vmem>> -> memref<256xi32, #tpu.memory_space<vmem>>
      %dma_wait3A_257 = arith.constant 0 : i32
      %dma_wait3A_258 = arith.constant 0 : i32
      %dma_wait3A_259 = tpu.memref_slice %arg4[%dma_wait3A_257, %dma_wait3A_258] : memref<1000000x32xf32, #tpu.memory_space<hbm>> -> memref<1000000x32xf32, #tpu.memory_space<hbm>>
      tpu.wait_indirect_dma semaphore(%arg18 : memref<!tpu.dma_semaphore, #tpu.memory_space<semaphore_mem>>) src(%dma_wait3A_259 : memref<1000000x32xf32, #tpu.memory_space<hbm>>) dst(%dma_wait3A_254 : memref<256x32xf32, #tpu.memory_space<vmem>>)
      %ge3A_260 = arith.constant 4 : i32
      %ge3A_261 = arith.cmpi sge, %add3A_234, %ge3A_260 : i32
      %convert_element_type3A_262 = arith.extui %ge3A_261 : i1 to i32
      %cond3A_263 = arith.constant 0 : i32
      %cond3A_264 = arith.cmpi ne, %convert_element_type3A_262, %cond3A_263 : i32
      scf.if %cond3A_264 {
        %dma_wait3A_276 = tpu.memref_slice %arg5[%mul3A_2] : memref<819200xf32, #tpu.memory_space<hbm>> -> memref<256xf32, #tpu.memory_space<hbm>>
        %dma_wait3A_277 = tpu.memref_slice %arg5[%mul3A_2] : memref<819200xf32, #tpu.memory_space<hbm>> -> memref<256xf32, #tpu.memory_space<hbm>>
        tpu.wait_dma2 semaphore(%arg22 : memref<!tpu.dma_semaphore, #tpu.memory_space<semaphore_mem>>) src(%arg14 : memref<256xf32, #tpu.memory_space<vmem>>) dst(%dma_wait3A_277 : memref<256xf32, #tpu.memory_space<hbm>>)
      } else {
      }
      %scan3A_265 = arith.constant 0 : i32
      %scan3A_266 = arith.constant 0 : i32
      %scan3A_267 = arith.constant 16 : i32
      %scan3A_268 = arith.addi %scan3A_266, %scan3A_267 : i32
      %scan3A_269 = arith.constant 1 : i32
      scf.for %scan3A_276 = %scan3A_266 to %scan3A_268 step %scan3A_269  : i32 {
        %mul3A_277 = arith.constant 16 : i32
        %mul3A_278 = arith.muli %scan3A_276, %mul3A_277 : i32
        %add3A_279 = arith.constant 0 : i32
        %add3A_280 = arith.addi %mul3A_278, %add3A_279 : i32
        %add3A_281 = arith.constant 256 : i32
        %add3A_282 = arith.addi %add3A_281, %add3A_280 : i32
        %get3A = arith.index_cast %add3A_280 : i32 to index
        %get3A_283 = arith.constant 0 : index
        %get3A_284 = tpu.vector_load %arg10[%get3A, %get3A_283] {strides = array<i32>} : memref<512x32xf32, #tpu.memory_space<vmem>>, vector<16xf32>,
        %get3A_285 = arith.index_cast %add3A_280 : i32 to index
        %get3A_286 = arith.constant 16 : index
        %get3A_287 = tpu.vector_load %arg10[%get3A_285, %get3A_286] {strides = array<i32>} : memref<512x32xf32, #tpu.memory_space<vmem>>, vector<16xf32>,
        %get3A_288 = arith.index_cast %add3A_282 : i32 to index
        %get3A_289 = arith.constant 0 : index
        %get3A_290 = tpu.vector_load %arg10[%get3A_288, %get3A_289] {strides = array<i32>} : memref<512x32xf32, #tpu.memory_space<vmem>>, vector<16xf32>,
        %get3A_291 = arith.index_cast %add3A_282 : i32 to index
        %get3A_292 = arith.constant 16 : index
        %get3A_293 = tpu.vector_load %arg10[%get3A_291, %get3A_292] {strides = array<i32>} : memref<512x32xf32, #tpu.memory_space<vmem>>, vector<16xf32>,
        %sub3A_294 = arith.subf %get3A_284, %get3A_290 : vector<16xf32>
        %max3A = arith.constant 0.000000e+00 : f32
        %max3A_295 = vector.broadcast %max3A : f32 to vector<16xf32>
        %max3A_296 = arith.maximumf %sub3A_294, %max3A_295 : vector<16xf32>
        %sub3A_297 = arith.subf %get3A_287, %get3A_293 : vector<16xf32>
        %max3A_298 = arith.constant 0.000000e+00 : f32
        %max3A_299 = vector.broadcast %max3A_298 : f32 to vector<16xf32>
        %max3A_300 = arith.maximumf %sub3A_297, %max3A_299 : vector<16xf32>
        %add3A_301 = arith.addf %max3A_296, %max3A_300 : vector<16xf32>
        %add3A_302 = arith.constant 1 : i32
        %add3A_303 = arith.addi %mul3A_278, %add3A_302 : i32
        %add3A_304 = arith.constant 256 : i32
        %add3A_305 = arith.addi %add3A_304, %add3A_303 : i32
        %get3A_306 = arith.index_cast %add3A_303 : i32 to index
        %get3A_307 = arith.constant 0 : index
        %get3A_308 = tpu.vector_load %arg10[%get3A_306, %get3A_307] {strides = array<i32>} : memref<512x32xf32, #tpu.memory_space<vmem>>, vector<16xf32>,
        %get3A_309 = arith.index_cast %add3A_303 : i32 to index
        %get3A_310 = arith.constant 16 : index
        %get3A_311 = tpu.vector_load %arg10[%get3A_309, %get3A_310] {strides = array<i32>} : memref<512x32xf32, #tpu.memory_space<vmem>>, vector<16xf32>,
        %get3A_312 = arith.index_cast %add3A_305 : i32 to index
        %get3A_313 = arith.constant 0 : index
        %get3A_314 = tpu.vector_load %arg10[%get3A_312, %get3A_313] {strides = array<i32>} : memref<512x32xf32, #tpu.memory_space<vmem>>, vector<16xf32>,
        %get3A_315 = arith.index_cast %add3A_305 : i32 to index
        %get3A_316 = arith.constant 16 : index
        %get3A_317 = tpu.vector_load %arg10[%get3A_315, %get3A_316] {strides = array<i32>} : memref<512x32xf32, #tpu.memory_space<vmem>>, vector<16xf32>,
        %sub3A_318 = arith.subf %get3A_308, %get3A_314 : vector<16xf32>
        %max3A_319 = arith.constant 0.000000e+00 : f32
        %max3A_320 = vector.broadcast %max3A_319 : f32 to vector<16xf32>
        %max3A_321 = arith.maximumf %sub3A_318, %max3A_320 : vector<16xf32>
        %sub3A_322 = arith.subf %get3A_311, %get3A_317 : vector<16xf32>
        %max3A_323 = arith.constant 0.000000e+00 : f32
        %max3A_324 = vector.broadcast %max3A_323 : f32 to vector<16xf32>
        %max3A_325 = arith.maximumf %sub3A_322, %max3A_324 : vector<16xf32>
        %add3A_326 = arith.addf %max3A_321, %max3A_325 : vector<16xf32>
        %add3A_327 = arith.constant 2 : i32
        %add3A_328 = arith.addi %mul3A_278, %add3A_327 : i32
        %add3A_329 = arith.constant 256 : i32
        %add3A_330 = arith.addi %add3A_329, %add3A_328 : i32
        %get3A_331 = arith.index_cast %add3A_328 : i32 to index
        %get3A_332 = arith.constant 0 : index
        %get3A_333 = tpu.vector_load %arg10[%get3A_331, %get3A_332] {strides = array<i32>} : memref<512x32xf32, #tpu.memory_space<vmem>>, vector<16xf32>,
        %get3A_334 = arith.index_cast %add3A_328 : i32 to index
        %get3A_335 = arith.constant 16 : index
        %get3A_336 = tpu.vector_load %arg10[%get3A_334, %get3A_335] {strides = array<i32>} : memref<512x32xf32, #tpu.memory_space<vmem>>, vector<16xf32>,
        %get3A_337 = arith.index_cast %add3A_330 : i32 to index
        %get3A_338 = arith.constant 0 : index
        %get3A_339 = tpu.vector_load %arg10[%get3A_337, %get3A_338] {strides = array<i32>} : memref<512x32xf32, #tpu.memory_space<vmem>>, vector<16xf32>,
        %get3A_340 = arith.index_cast %add3A_330 : i32 to index
        %get3A_341 = arith.constant 16 : index
        %get3A_342 = tpu.vector_load %arg10[%get3A_340, %get3A_341] {strides = array<i32>} : memref<512x32xf32, #tpu.memory_space<vmem>>, vector<16xf32>,
        %sub3A_343 = arith.subf %get3A_333, %get3A_339 : vector<16xf32>
        %max3A_344 = arith.constant 0.000000e+00 : f32
        %max3A_345 = vector.broadcast %max3A_344 : f32 to vector<16xf32>
        %max3A_346 = arith.maximumf %sub3A_343, %max3A_345 : vector<16xf32>
        %sub3A_347 = arith.subf %get3A_336, %get3A_342 : vector<16xf32>
        %max3A_348 = arith.constant 0.000000e+00 : f32
        %max3A_349 = vector.broadcast %max3A_348 : f32 to vector<16xf32>
        %max3A_350 = arith.maximumf %sub3A_347, %max3A_349 : vector<16xf32>
        %add3A_351 = arith.addf %max3A_346, %max3A_350 : vector<16xf32>
        %add3A_352 = arith.constant 3 : i32
        %add3A_353 = arith.addi %mul3A_278, %add3A_352 : i32
        %add3A_354 = arith.constant 256 : i32
        %add3A_355 = arith.addi %add3A_354, %add3A_353 : i32
        %get3A_356 = arith.index_cast %add3A_353 : i32 to index
        %get3A_357 = arith.constant 0 : index
        %get3A_358 = tpu.vector_load %arg10[%get3A_356, %get3A_357] {strides = array<i32>} : memref<512x32xf32, #tpu.memory_space<vmem>>, vector<16xf32>,
        %get3A_359 = arith.index_cast %add3A_353 : i32 to index
        %get3A_360 = arith.constant 16 : index
        %get3A_361 = tpu.vector_load %arg10[%get3A_359, %get3A_360] {strides = array<i32>} : memref<512x32xf32, #tpu.memory_space<vmem>>, vector<16xf32>,
        %get3A_362 = arith.index_cast %add3A_355 : i32 to index
        %get3A_363 = arith.constant 0 : index
        %get3A_364 = tpu.vector_load %arg10[%get3A_362, %get3A_363] {strides = array<i32>} : memref<512x32xf32, #tpu.memory_space<vmem>>, vector<16xf32>,
        %get3A_365 = arith.index_cast %add3A_355 : i32 to index
        %get3A_366 = arith.constant 16 : index
        %get3A_367 = tpu.vector_load %arg10[%get3A_365, %get3A_366] {strides = array<i32>} : memref<512x32xf32, #tpu.memory_space<vmem>>, vector<16xf32>,
        %sub3A_368 = arith.subf %get3A_358, %get3A_364 : vector<16xf32>
        %max3A_369 = arith.constant 0.000000e+00 : f32
        %max3A_370 = vector.broadcast %max3A_369 : f32 to vector<16xf32>
        %max3A_371 = arith.maximumf %sub3A_368, %max3A_370 : vector<16xf32>
        %sub3A_372 = arith.subf %get3A_361, %get3A_367 : vector<16xf32>
        %max3A_373 = arith.constant 0.000000e+00 : f32
        %max3A_374 = vector.broadcast %max3A_373 : f32 to vector<16xf32>
        %max3A_375 = arith.maximumf %sub3A_372, %max3A_374 : vector<16xf32>
        %add3A_376 = arith.addf %max3A_371, %max3A_375 : vector<16xf32>
        %add3A_377 = arith.constant 4 : i32
        %add3A_378 = arith.addi %mul3A_278, %add3A_377 : i32
        %add3A_379 = arith.constant 256 : i32
        %add3A_380 = arith.addi %add3A_379, %add3A_378 : i32
        %get3A_381 = arith.index_cast %add3A_378 : i32 to index
        %get3A_382 = arith.constant 0 : index
        %get3A_383 = tpu.vector_load %arg10[%get3A_381, %get3A_382] {strides = array<i32>} : memref<512x32xf32, #tpu.memory_space<vmem>>, vector<16xf32>,
        %get3A_384 = arith.index_cast %add3A_378 : i32 to index
        %get3A_385 = arith.constant 16 : index
        %get3A_386 = tpu.vector_load %arg10[%get3A_384, %get3A_385] {strides = array<i32>} : memref<512x32xf32, #tpu.memory_space<vmem>>, vector<16xf32>,
        %get3A_387 = arith.index_cast %add3A_380 : i32 to index
        %get3A_388 = arith.constant 0 : index
        %get3A_389 = tpu.vector_load %arg10[%get3A_387, %get3A_388] {strides = array<i32>} : memref<512x32xf32, #tpu.memory_space<vmem>>, vector<16xf32>,
        %get3A_390 = arith.index_cast %add3A_380 : i32 to index
        %get3A_391 = arith.constant 16 : index
        %get3A_392 = tpu.vector_load %arg10[%get3A_390, %get3A_391] {strides = array<i32>} : memref<512x32xf32, #tpu.memory_space<vmem>>, vector<16xf32>,
        %sub3A_393 = arith.subf %get3A_383, %get3A_389 : vector<16xf32>
        %max3A_394 = arith.constant 0.000000e+00 : f32
        %max3A_395 = vector.broadcast %max3A_394 : f32 to vector<16xf32>
        %max3A_396 = arith.maximumf %sub3A_393, %max3A_395 : vector<16xf32>
        %sub3A_397 = arith.subf %get3A_386, %get3A_392 : vector<16xf32>
        %max3A_398 = arith.constant 0.000000e+00 : f32
        %max3A_399 = vector.broadcast %max3A_398 : f32 to vector<16xf32>
        %max3A_400 = arith.maximumf %sub3A_397, %max3A_399 : vector<16xf32>
        %add3A_401 = arith.addf %max3A_396, %max3A_400 : vector<16xf32>
        %add3A_402 = arith.constant 5 : i32
        %add3A_403 = arith.addi %mul3A_278, %add3A_402 : i32
        %add3A_404 = arith.constant 256 : i32
        %add3A_405 = arith.addi %add3A_404, %add3A_403 : i32
        %get3A_406 = arith.index_cast %add3A_403 : i32 to index
        %get3A_407 = arith.constant 0 : index
        %get3A_408 = tpu.vector_load %arg10[%get3A_406, %get3A_407] {strides = array<i32>} : memref<512x32xf32, #tpu.memory_space<vmem>>, vector<16xf32>,
        %get3A_409 = arith.index_cast %add3A_403 : i32 to index
        %get3A_410 = arith.constant 16 : index
        %get3A_411 = tpu.vector_load %arg10[%get3A_409, %get3A_410] {strides = array<i32>} : memref<512x32xf32, #tpu.memory_space<vmem>>, vector<16xf32>,
        %get3A_412 = arith.index_cast %add3A_405 : i32 to index
        %get3A_413 = arith.constant 0 : index
        %get3A_414 = tpu.vector_load %arg10[%get3A_412, %get3A_413] {strides = array<i32>} : memref<512x32xf32, #tpu.memory_space<vmem>>, vector<16xf32>,
        %get3A_415 = arith.index_cast %add3A_405 : i32 to index
        %get3A_416 = arith.constant 16 : index
        %get3A_417 = tpu.vector_load %arg10[%get3A_415, %get3A_416] {strides = array<i32>} : memref<512x32xf32, #tpu.memory_space<vmem>>, vector<16xf32>,
        %sub3A_418 = arith.subf %get3A_408, %get3A_414 : vector<16xf32>
        %max3A_419 = arith.constant 0.000000e+00 : f32
        %max3A_420 = vector.broadcast %max3A_419 : f32 to vector<16xf32>
        %max3A_421 = arith.maximumf %sub3A_418, %max3A_420 : vector<16xf32>
        %sub3A_422 = arith.subf %get3A_411, %get3A_417 : vector<16xf32>
        %max3A_423 = arith.constant 0.000000e+00 : f32
        %max3A_424 = vector.broadcast %max3A_423 : f32 to vector<16xf32>
        %max3A_425 = arith.maximumf %sub3A_422, %max3A_424 : vector<16xf32>
        %add3A_426 = arith.addf %max3A_421, %max3A_425 : vector<16xf32>
        %add3A_427 = arith.constant 6 : i32
        %add3A_428 = arith.addi %mul3A_278, %add3A_427 : i32
        %add3A_429 = arith.constant 256 : i32
        %add3A_430 = arith.addi %add3A_429, %add3A_428 : i32
        %get3A_431 = arith.index_cast %add3A_428 : i32 to index
        %get3A_432 = arith.constant 0 : index
        %get3A_433 = tpu.vector_load %arg10[%get3A_431, %get3A_432] {strides = array<i32>} : memref<512x32xf32, #tpu.memory_space<vmem>>, vector<16xf32>,
        %get3A_434 = arith.index_cast %add3A_428 : i32 to index
        %get3A_435 = arith.constant 16 : index
        %get3A_436 = tpu.vector_load %arg10[%get3A_434, %get3A_435] {strides = array<i32>} : memref<512x32xf32, #tpu.memory_space<vmem>>, vector<16xf32>,
        %get3A_437 = arith.index_cast %add3A_430 : i32 to index
        %get3A_438 = arith.constant 0 : index
        %get3A_439 = tpu.vector_load %arg10[%get3A_437, %get3A_438] {strides = array<i32>} : memref<512x32xf32, #tpu.memory_space<vmem>>, vector<16xf32>,
        %get3A_440 = arith.index_cast %add3A_430 : i32 to index
        %get3A_441 = arith.constant 16 : index
        %get3A_442 = tpu.vector_load %arg10[%get3A_440, %get3A_441] {strides = array<i32>} : memref<512x32xf32, #tpu.memory_space<vmem>>, vector<16xf32>,
        %sub3A_443 = arith.subf %get3A_433, %get3A_439 : vector<16xf32>
        %max3A_444 = arith.constant 0.000000e+00 : f32
        %max3A_445 = vector.broadcast %max3A_444 : f32 to vector<16xf32>
        %max3A_446 = arith.maximumf %sub3A_443, %max3A_445 : vector<16xf32>
        %sub3A_447 = arith.subf %get3A_436, %get3A_442 : vector<16xf32>
        %max3A_448 = arith.constant 0.000000e+00 : f32
        %max3A_449 = vector.broadcast %max3A_448 : f32 to vector<16xf32>
        %max3A_450 = arith.maximumf %sub3A_447, %max3A_449 : vector<16xf32>
        %add3A_451 = arith.addf %max3A_446, %max3A_450 : vector<16xf32>
        %add3A_452 = arith.constant 7 : i32
        %add3A_453 = arith.addi %mul3A_278, %add3A_452 : i32
        %add3A_454 = arith.constant 256 : i32
        %add3A_455 = arith.addi %add3A_454, %add3A_453 : i32
        %get3A_456 = arith.index_cast %add3A_453 : i32 to index
        %get3A_457 = arith.constant 0 : index
        %get3A_458 = tpu.vector_load %arg10[%get3A_456, %get3A_457] {strides = array<i32>} : memref<512x32xf32, #tpu.memory_space<vmem>>, vector<16xf32>,
        %get3A_459 = arith.index_cast %add3A_453 : i32 to index
        %get3A_460 = arith.constant 16 : index
        %get3A_461 = tpu.vector_load %arg10[%get3A_459, %get3A_460] {strides = array<i32>} : memref<512x32xf32, #tpu.memory_space<vmem>>, vector<16xf32>,
        %get3A_462 = arith.index_cast %add3A_455 : i32 to index
        %get3A_463 = arith.constant 0 : index
        %get3A_464 = tpu.vector_load %arg10[%get3A_462, %get3A_463] {strides = array<i32>} : memref<512x32xf32, #tpu.memory_space<vmem>>, vector<16xf32>,
        %get3A_465 = arith.index_cast %add3A_455 : i32 to index
        %get3A_466 = arith.constant 16 : index
        %get3A_467 = tpu.vector_load %arg10[%get3A_465, %get3A_466] {strides = array<i32>} : memref<512x32xf32, #tpu.memory_space<vmem>>, vector<16xf32>,
        %sub3A_468 = arith.subf %get3A_458, %get3A_464 : vector<16xf32>
        %max3A_469 = arith.constant 0.000000e+00 : f32
        %max3A_470 = vector.broadcast %max3A_469 : f32 to vector<16xf32>
        %max3A_471 = arith.maximumf %sub3A_468, %max3A_470 : vector<16xf32>
        %sub3A_472 = arith.subf %get3A_461, %get3A_467 : vector<16xf32>
        %max3A_473 = arith.constant 0.000000e+00 : f32
        %max3A_474 = vector.broadcast %max3A_473 : f32 to vector<16xf32>
        %max3A_475 = arith.maximumf %sub3A_472, %max3A_474 : vector<16xf32>
        %add3A_476 = arith.addf %max3A_471, %max3A_475 : vector<16xf32>
        %add3A_477 = arith.constant 8 : i32
        %add3A_478 = arith.addi %mul3A_278, %add3A_477 : i32
        %add3A_479 = arith.constant 256 : i32
        %add3A_480 = arith.addi %add3A_479, %add3A_478 : i32
        %get3A_481 = arith.index_cast %add3A_478 : i32 to index
        %get3A_482 = arith.constant 0 : index
        %get3A_483 = tpu.vector_load %arg10[%get3A_481, %get3A_482] {strides = array<i32>} : memref<512x32xf32, #tpu.memory_space<vmem>>, vector<16xf32>,
        %get3A_484 = arith.index_cast %add3A_478 : i32 to index
        %get3A_485 = arith.constant 16 : index
        %get3A_486 = tpu.vector_load %arg10[%get3A_484, %get3A_485] {strides = array<i32>} : memref<512x32xf32, #tpu.memory_space<vmem>>, vector<16xf32>,
        %get3A_487 = arith.index_cast %add3A_480 : i32 to index
        %get3A_488 = arith.constant 0 : index
        %get3A_489 = tpu.vector_load %arg10[%get3A_487, %get3A_488] {strides = array<i32>} : memref<512x32xf32, #tpu.memory_space<vmem>>, vector<16xf32>,
        %get3A_490 = arith.index_cast %add3A_480 : i32 to index
        %get3A_491 = arith.constant 16 : index
        %get3A_492 = tpu.vector_load %arg10[%get3A_490, %get3A_491] {strides = array<i32>} : memref<512x32xf32, #tpu.memory_space<vmem>>, vector<16xf32>,
        %sub3A_493 = arith.subf %get3A_483, %get3A_489 : vector<16xf32>
        %max3A_494 = arith.constant 0.000000e+00 : f32
        %max3A_495 = vector.broadcast %max3A_494 : f32 to vector<16xf32>
        %max3A_496 = arith.maximumf %sub3A_493, %max3A_495 : vector<16xf32>
        %sub3A_497 = arith.subf %get3A_486, %get3A_492 : vector<16xf32>
        %max3A_498 = arith.constant 0.000000e+00 : f32
        %max3A_499 = vector.broadcast %max3A_498 : f32 to vector<16xf32>
        %max3A_500 = arith.maximumf %sub3A_497, %max3A_499 : vector<16xf32>
        %add3A_501 = arith.addf %max3A_496, %max3A_500 : vector<16xf32>
        %add3A_502 = arith.constant 9 : i32
        %add3A_503 = arith.addi %mul3A_278, %add3A_502 : i32
        %add3A_504 = arith.constant 256 : i32
        %add3A_505 = arith.addi %add3A_504, %add3A_503 : i32
        %get3A_506 = arith.index_cast %add3A_503 : i32 to index
        %get3A_507 = arith.constant 0 : index
        %get3A_508 = tpu.vector_load %arg10[%get3A_506, %get3A_507] {strides = array<i32>} : memref<512x32xf32, #tpu.memory_space<vmem>>, vector<16xf32>,
        %get3A_509 = arith.index_cast %add3A_503 : i32 to index
        %get3A_510 = arith.constant 16 : index
        %get3A_511 = tpu.vector_load %arg10[%get3A_509, %get3A_510] {strides = array<i32>} : memref<512x32xf32, #tpu.memory_space<vmem>>, vector<16xf32>,
        %get3A_512 = arith.index_cast %add3A_505 : i32 to index
        %get3A_513 = arith.constant 0 : index
        %get3A_514 = tpu.vector_load %arg10[%get3A_512, %get3A_513] {strides = array<i32>} : memref<512x32xf32, #tpu.memory_space<vmem>>, vector<16xf32>,
        %get3A_515 = arith.index_cast %add3A_505 : i32 to index
        %get3A_516 = arith.constant 16 : index
        %get3A_517 = tpu.vector_load %arg10[%get3A_515, %get3A_516] {strides = array<i32>} : memref<512x32xf32, #tpu.memory_space<vmem>>, vector<16xf32>,
        %sub3A_518 = arith.subf %get3A_508, %get3A_514 : vector<16xf32>
        %max3A_519 = arith.constant 0.000000e+00 : f32
        %max3A_520 = vector.broadcast %max3A_519 : f32 to vector<16xf32>
        %max3A_521 = arith.maximumf %sub3A_518, %max3A_520 : vector<16xf32>
        %sub3A_522 = arith.subf %get3A_511, %get3A_517 : vector<16xf32>
        %max3A_523 = arith.constant 0.000000e+00 : f32
        %max3A_524 = vector.broadcast %max3A_523 : f32 to vector<16xf32>
        %max3A_525 = arith.maximumf %sub3A_522, %max3A_524 : vector<16xf32>
        %add3A_526 = arith.addf %max3A_521, %max3A_525 : vector<16xf32>
        %add3A_527 = arith.constant 10 : i32
        %add3A_528 = arith.addi %mul3A_278, %add3A_527 : i32
        %add3A_529 = arith.constant 256 : i32
        %add3A_530 = arith.addi %add3A_529, %add3A_528 : i32
        %get3A_531 = arith.index_cast %add3A_528 : i32 to index
        %get3A_532 = arith.constant 0 : index
        %get3A_533 = tpu.vector_load %arg10[%get3A_531, %get3A_532] {strides = array<i32>} : memref<512x32xf32, #tpu.memory_space<vmem>>, vector<16xf32>,
        %get3A_534 = arith.index_cast %add3A_528 : i32 to index
        %get3A_535 = arith.constant 16 : index
        %get3A_536 = tpu.vector_load %arg10[%get3A_534, %get3A_535] {strides = array<i32>} : memref<512x32xf32, #tpu.memory_space<vmem>>, vector<16xf32>,
        %get3A_537 = arith.index_cast %add3A_530 : i32 to index
        %get3A_538 = arith.constant 0 : index
        %get3A_539 = tpu.vector_load %arg10[%get3A_537, %get3A_538] {strides = array<i32>} : memref<512x32xf32, #tpu.memory_space<vmem>>, vector<16xf32>,
        %get3A_540 = arith.index_cast %add3A_530 : i32 to index
        %get3A_541 = arith.constant 16 : index
        %get3A_542 = tpu.vector_load %arg10[%get3A_540, %get3A_541] {strides = array<i32>} : memref<512x32xf32, #tpu.memory_space<vmem>>, vector<16xf32>,
        %sub3A_543 = arith.subf %get3A_533, %get3A_539 : vector<16xf32>
        %max3A_544 = arith.constant 0.000000e+00 : f32
        %max3A_545 = vector.broadcast %max3A_544 : f32 to vector<16xf32>
        %max3A_546 = arith.maximumf %sub3A_543, %max3A_545 : vector<16xf32>
        %sub3A_547 = arith.subf %get3A_536, %get3A_542 : vector<16xf32>
        %max3A_548 = arith.constant 0.000000e+00 : f32
        %max3A_549 = vector.broadcast %max3A_548 : f32 to vector<16xf32>
        %max3A_550 = arith.maximumf %sub3A_547, %max3A_549 : vector<16xf32>
        %add3A_551 = arith.addf %max3A_546, %max3A_550 : vector<16xf32>
        %add3A_552 = arith.constant 11 : i32
        %add3A_553 = arith.addi %mul3A_278, %add3A_552 : i32
        %add3A_554 = arith.constant 256 : i32
        %add3A_555 = arith.addi %add3A_554, %add3A_553 : i32
        %get3A_556 = arith.index_cast %add3A_553 : i32 to index
        %get3A_557 = arith.constant 0 : index
        %get3A_558 = tpu.vector_load %arg10[%get3A_556, %get3A_557] {strides = array<i32>} : memref<512x32xf32, #tpu.memory_space<vmem>>, vector<16xf32>,
        %get3A_559 = arith.index_cast %add3A_553 : i32 to index
        %get3A_560 = arith.constant 16 : index
        %get3A_561 = tpu.vector_load %arg10[%get3A_559, %get3A_560] {strides = array<i32>} : memref<512x32xf32, #tpu.memory_space<vmem>>, vector<16xf32>,
        %get3A_562 = arith.index_cast %add3A_555 : i32 to index
        %get3A_563 = arith.constant 0 : index
        %get3A_564 = tpu.vector_load %arg10[%get3A_562, %get3A_563] {strides = array<i32>} : memref<512x32xf32, #tpu.memory_space<vmem>>, vector<16xf32>,
        %get3A_565 = arith.index_cast %add3A_555 : i32 to index
        %get3A_566 = arith.constant 16 : index
        %get3A_567 = tpu.vector_load %arg10[%get3A_565, %get3A_566] {strides = array<i32>} : memref<512x32xf32, #tpu.memory_space<vmem>>, vector<16xf32>,
        %sub3A_568 = arith.subf %get3A_558, %get3A_564 : vector<16xf32>
        %max3A_569 = arith.constant 0.000000e+00 : f32
        %max3A_570 = vector.broadcast %max3A_569 : f32 to vector<16xf32>
        %max3A_571 = arith.maximumf %sub3A_568, %max3A_570 : vector<16xf32>
        %sub3A_572 = arith.subf %get3A_561, %get3A_567 : vector<16xf32>
        %max3A_573 = arith.constant 0.000000e+00 : f32
        %max3A_574 = vector.broadcast %max3A_573 : f32 to vector<16xf32>
        %max3A_575 = arith.maximumf %sub3A_572, %max3A_574 : vector<16xf32>
        %add3A_576 = arith.addf %max3A_571, %max3A_575 : vector<16xf32>
        %add3A_577 = arith.constant 12 : i32
        %add3A_578 = arith.addi %mul3A_278, %add3A_577 : i32
        %add3A_579 = arith.constant 256 : i32
        %add3A_580 = arith.addi %add3A_579, %add3A_578 : i32
        %get3A_581 = arith.index_cast %add3A_578 : i32 to index
        %get3A_582 = arith.constant 0 : index
        %get3A_583 = tpu.vector_load %arg10[%get3A_581, %get3A_582] {strides = array<i32>} : memref<512x32xf32, #tpu.memory_space<vmem>>, vector<16xf32>,
        %get3A_584 = arith.index_cast %add3A_578 : i32 to index
        %get3A_585 = arith.constant 16 : index
        %get3A_586 = tpu.vector_load %arg10[%get3A_584, %get3A_585] {strides = array<i32>} : memref<512x32xf32, #tpu.memory_space<vmem>>, vector<16xf32>,
        %get3A_587 = arith.index_cast %add3A_580 : i32 to index
        %get3A_588 = arith.constant 0 : index
        %get3A_589 = tpu.vector_load %arg10[%get3A_587, %get3A_588] {strides = array<i32>} : memref<512x32xf32, #tpu.memory_space<vmem>>, vector<16xf32>,
        %get3A_590 = arith.index_cast %add3A_580 : i32 to index
        %get3A_591 = arith.constant 16 : index
        %get3A_592 = tpu.vector_load %arg10[%get3A_590, %get3A_591] {strides = array<i32>} : memref<512x32xf32, #tpu.memory_space<vmem>>, vector<16xf32>,
        %sub3A_593 = arith.subf %get3A_583, %get3A_589 : vector<16xf32>
        %max3A_594 = arith.constant 0.000000e+00 : f32
        %max3A_595 = vector.broadcast %max3A_594 : f32 to vector<16xf32>
        %max3A_596 = arith.maximumf %sub3A_593, %max3A_595 : vector<16xf32>
        %sub3A_597 = arith.subf %get3A_586, %get3A_592 : vector<16xf32>
        %max3A_598 = arith.constant 0.000000e+00 : f32
        %max3A_599 = vector.broadcast %max3A_598 : f32 to vector<16xf32>
        %max3A_600 = arith.maximumf %sub3A_597, %max3A_599 : vector<16xf32>
        %add3A_601 = arith.addf %max3A_596, %max3A_600 : vector<16xf32>
        %add3A_602 = arith.constant 13 : i32
        %add3A_603 = arith.addi %mul3A_278, %add3A_602 : i32
        %add3A_604 = arith.constant 256 : i32
        %add3A_605 = arith.addi %add3A_604, %add3A_603 : i32
        %get3A_606 = arith.index_cast %add3A_603 : i32 to index
        %get3A_607 = arith.constant 0 : index
        %get3A_608 = tpu.vector_load %arg10[%get3A_606, %get3A_607] {strides = array<i32>} : memref<512x32xf32, #tpu.memory_space<vmem>>, vector<16xf32>,
        %get3A_609 = arith.index_cast %add3A_603 : i32 to index
        %get3A_610 = arith.constant 16 : index
        %get3A_611 = tpu.vector_load %arg10[%get3A_609, %get3A_610] {strides = array<i32>} : memref<512x32xf32, #tpu.memory_space<vmem>>, vector<16xf32>,
        %get3A_612 = arith.index_cast %add3A_605 : i32 to index
        %get3A_613 = arith.constant 0 : index
        %get3A_614 = tpu.vector_load %arg10[%get3A_612, %get3A_613] {strides = array<i32>} : memref<512x32xf32, #tpu.memory_space<vmem>>, vector<16xf32>,
        %get3A_615 = arith.index_cast %add3A_605 : i32 to index
        %get3A_616 = arith.constant 16 : index
        %get3A_617 = tpu.vector_load %arg10[%get3A_615, %get3A_616] {strides = array<i32>} : memref<512x32xf32, #tpu.memory_space<vmem>>, vector<16xf32>,
        %sub3A_618 = arith.subf %get3A_608, %get3A_614 : vector<16xf32>
        %max3A_619 = arith.constant 0.000000e+00 : f32
        %max3A_620 = vector.broadcast %max3A_619 : f32 to vector<16xf32>
        %max3A_621 = arith.maximumf %sub3A_618, %max3A_620 : vector<16xf32>
        %sub3A_622 = arith.subf %get3A_611, %get3A_617 : vector<16xf32>
        %max3A_623 = arith.constant 0.000000e+00 : f32
        %max3A_624 = vector.broadcast %max3A_623 : f32 to vector<16xf32>
        %max3A_625 = arith.maximumf %sub3A_622, %max3A_624 : vector<16xf32>
        %add3A_626 = arith.addf %max3A_621, %max3A_625 : vector<16xf32>
        %add3A_627 = arith.constant 14 : i32
        %add3A_628 = arith.addi %mul3A_278, %add3A_627 : i32
        %add3A_629 = arith.constant 256 : i32
        %add3A_630 = arith.addi %add3A_629, %add3A_628 : i32
        %get3A_631 = arith.index_cast %add3A_628 : i32 to index
        %get3A_632 = arith.constant 0 : index
        %get3A_633 = tpu.vector_load %arg10[%get3A_631, %get3A_632] {strides = array<i32>} : memref<512x32xf32, #tpu.memory_space<vmem>>, vector<16xf32>,
        %get3A_634 = arith.index_cast %add3A_628 : i32 to index
        %get3A_635 = arith.constant 16 : index
        %get3A_636 = tpu.vector_load %arg10[%get3A_634, %get3A_635] {strides = array<i32>} : memref<512x32xf32, #tpu.memory_space<vmem>>, vector<16xf32>,
        %get3A_637 = arith.index_cast %add3A_630 : i32 to index
        %get3A_638 = arith.constant 0 : index
        %get3A_639 = tpu.vector_load %arg10[%get3A_637, %get3A_638] {strides = array<i32>} : memref<512x32xf32, #tpu.memory_space<vmem>>, vector<16xf32>,
        %get3A_640 = arith.index_cast %add3A_630 : i32 to index
        %get3A_641 = arith.constant 16 : index
        %get3A_642 = tpu.vector_load %arg10[%get3A_640, %get3A_641] {strides = array<i32>} : memref<512x32xf32, #tpu.memory_space<vmem>>, vector<16xf32>,
        %sub3A_643 = arith.subf %get3A_633, %get3A_639 : vector<16xf32>
        %max3A_644 = arith.constant 0.000000e+00 : f32
        %max3A_645 = vector.broadcast %max3A_644 : f32 to vector<16xf32>
        %max3A_646 = arith.maximumf %sub3A_643, %max3A_645 : vector<16xf32>
        %sub3A_647 = arith.subf %get3A_636, %get3A_642 : vector<16xf32>
        %max3A_648 = arith.constant 0.000000e+00 : f32
        %max3A_649 = vector.broadcast %max3A_648 : f32 to vector<16xf32>
        %max3A_650 = arith.maximumf %sub3A_647, %max3A_649 : vector<16xf32>
        %add3A_651 = arith.addf %max3A_646, %max3A_650 : vector<16xf32>
        %add3A_652 = arith.constant 15 : i32
        %add3A_653 = arith.addi %mul3A_278, %add3A_652 : i32
        %add3A_654 = arith.constant 256 : i32
        %add3A_655 = arith.addi %add3A_654, %add3A_653 : i32
        %get3A_656 = arith.index_cast %add3A_653 : i32 to index
        %get3A_657 = arith.constant 0 : index
        %get3A_658 = tpu.vector_load %arg10[%get3A_656, %get3A_657] {strides = array<i32>} : memref<512x32xf32, #tpu.memory_space<vmem>>, vector<16xf32>,
        %get3A_659 = arith.index_cast %add3A_653 : i32 to index
        %get3A_660 = arith.constant 16 : index
        %get3A_661 = tpu.vector_load %arg10[%get3A_659, %get3A_660] {strides = array<i32>} : memref<512x32xf32, #tpu.memory_space<vmem>>, vector<16xf32>,
        %get3A_662 = arith.index_cast %add3A_655 : i32 to index
        %get3A_663 = arith.constant 0 : index
        %get3A_664 = tpu.vector_load %arg10[%get3A_662, %get3A_663] {strides = array<i32>} : memref<512x32xf32, #tpu.memory_space<vmem>>, vector<16xf32>,
        %get3A_665 = arith.index_cast %add3A_655 : i32 to index
        %get3A_666 = arith.constant 16 : index
        %get3A_667 = tpu.vector_load %arg10[%get3A_665, %get3A_666] {strides = array<i32>} : memref<512x32xf32, #tpu.memory_space<vmem>>, vector<16xf32>,
        %sub3A_668 = arith.subf %get3A_658, %get3A_664 : vector<16xf32>
        %max3A_669 = arith.constant 0.000000e+00 : f32
        %max3A_670 = vector.broadcast %max3A_669 : f32 to vector<16xf32>
        %max3A_671 = arith.maximumf %sub3A_668, %max3A_670 : vector<16xf32>
        %sub3A_672 = arith.subf %get3A_661, %get3A_667 : vector<16xf32>
        %max3A_673 = arith.constant 0.000000e+00 : f32
        %max3A_674 = vector.broadcast %max3A_673 : f32 to vector<16xf32>
        %max3A_675 = arith.maximumf %sub3A_672, %max3A_674 : vector<16xf32>
        %add3A_676 = arith.addf %max3A_671, %max3A_675 : vector<16xf32>
        %add3A_677 = arith.constant 8 : i32
        %add3A_678 = vector.broadcast %add3A_677 : i32 to vector<16xi32>
        %add3A_679 = arith.addi %iota3A, %add3A_678 : vector<16xi32>
        %and3A_680 = arith.constant 15 : i32
        %and3A_681 = vector.broadcast %and3A_680 : i32 to vector<16xi32>
        %and3A_682 = arith.andi %add3A_679, %and3A_681 : vector<16xi32>
        %broadcast_in_dim3A = vector.shape_cast %and3A_682 : vector<16xi32> to vector<16x1xi32>
        %gather3A = vector.shape_cast %broadcast_in_dim3A : vector<16x1xi32> to vector<16xi32>
        %gather3A_683 = tpu.dynamic_gather %add3A_301[%gather3A] in [0] : vector<16xf32>, vector<16xi32> -> vector<16xf32>
        %add3A_684 = arith.addf %add3A_301, %gather3A_683 : vector<16xf32>
        %add3A_685 = arith.constant 8 : i32
        %add3A_686 = vector.broadcast %add3A_685 : i32 to vector<16xi32>
        %add3A_687 = arith.addi %iota3A, %add3A_686 : vector<16xi32>
        %and3A_688 = arith.constant 15 : i32
        %and3A_689 = vector.broadcast %and3A_688 : i32 to vector<16xi32>
        %and3A_690 = arith.andi %add3A_687, %and3A_689 : vector<16xi32>
        %broadcast_in_dim3A_691 = vector.shape_cast %and3A_690 : vector<16xi32> to vector<16x1xi32>
        %gather3A_692 = vector.shape_cast %broadcast_in_dim3A_691 : vector<16x1xi32> to vector<16xi32>
        %gather3A_693 = tpu.dynamic_gather %add3A_326[%gather3A_692] in [0] : vector<16xf32>, vector<16xi32> -> vector<16xf32>
        %add3A_694 = arith.addf %add3A_326, %gather3A_693 : vector<16xf32>
        %add3A_695 = arith.constant 8 : i32
        %add3A_696 = vector.broadcast %add3A_695 : i32 to vector<16xi32>
        %add3A_697 = arith.addi %iota3A, %add3A_696 : vector<16xi32>
        %and3A_698 = arith.constant 15 : i32
        %and3A_699 = vector.broadcast %and3A_698 : i32 to vector<16xi32>
        %and3A_700 = arith.andi %add3A_697, %and3A_699 : vector<16xi32>
        %broadcast_in_dim3A_701 = vector.shape_cast %and3A_700 : vector<16xi32> to vector<16x1xi32>
        %gather3A_702 = vector.shape_cast %broadcast_in_dim3A_701 : vector<16x1xi32> to vector<16xi32>
        %gather3A_703 = tpu.dynamic_gather %add3A_351[%gather3A_702] in [0] : vector<16xf32>, vector<16xi32> -> vector<16xf32>
        %add3A_704 = arith.addf %add3A_351, %gather3A_703 : vector<16xf32>
        %add3A_705 = arith.constant 8 : i32
        %add3A_706 = vector.broadcast %add3A_705 : i32 to vector<16xi32>
        %add3A_707 = arith.addi %iota3A, %add3A_706 : vector<16xi32>
        %and3A_708 = arith.constant 15 : i32
        %and3A_709 = vector.broadcast %and3A_708 : i32 to vector<16xi32>
        %and3A_710 = arith.andi %add3A_707, %and3A_709 : vector<16xi32>
        %broadcast_in_dim3A_711 = vector.shape_cast %and3A_710 : vector<16xi32> to vector<16x1xi32>
        %gather3A_712 = vector.shape_cast %broadcast_in_dim3A_711 : vector<16x1xi32> to vector<16xi32>
        %gather3A_713 = tpu.dynamic_gather %add3A_376[%gather3A_712] in [0] : vector<16xf32>, vector<16xi32> -> vector<16xf32>
        %add3A_714 = arith.addf %add3A_376, %gather3A_713 : vector<16xf32>
        %add3A_715 = arith.constant 8 : i32
        %add3A_716 = vector.broadcast %add3A_715 : i32 to vector<16xi32>
        %add3A_717 = arith.addi %iota3A, %add3A_716 : vector<16xi32>
        %and3A_718 = arith.constant 15 : i32
        %and3A_719 = vector.broadcast %and3A_718 : i32 to vector<16xi32>
        %and3A_720 = arith.andi %add3A_717, %and3A_719 : vector<16xi32>
        %broadcast_in_dim3A_721 = vector.shape_cast %and3A_720 : vector<16xi32> to vector<16x1xi32>
        %gather3A_722 = vector.shape_cast %broadcast_in_dim3A_721 : vector<16x1xi32> to vector<16xi32>
        %gather3A_723 = tpu.dynamic_gather %add3A_401[%gather3A_722] in [0] : vector<16xf32>, vector<16xi32> -> vector<16xf32>
        %add3A_724 = arith.addf %add3A_401, %gather3A_723 : vector<16xf32>
        %add3A_725 = arith.constant 8 : i32
        %add3A_726 = vector.broadcast %add3A_725 : i32 to vector<16xi32>
        %add3A_727 = arith.addi %iota3A, %add3A_726 : vector<16xi32>
        %and3A_728 = arith.constant 15 : i32
        %and3A_729 = vector.broadcast %and3A_728 : i32 to vector<16xi32>
        %and3A_730 = arith.andi %add3A_727, %and3A_729 : vector<16xi32>
        %broadcast_in_dim3A_731 = vector.shape_cast %and3A_730 : vector<16xi32> to vector<16x1xi32>
        %gather3A_732 = vector.shape_cast %broadcast_in_dim3A_731 : vector<16x1xi32> to vector<16xi32>
        %gather3A_733 = tpu.dynamic_gather %add3A_426[%gather3A_732] in [0] : vector<16xf32>, vector<16xi32> -> vector<16xf32>
        %add3A_734 = arith.addf %add3A_426, %gather3A_733 : vector<16xf32>
        %add3A_735 = arith.constant 8 : i32
        %add3A_736 = vector.broadcast %add3A_735 : i32 to vector<16xi32>
        %add3A_737 = arith.addi %iota3A, %add3A_736 : vector<16xi32>
        %and3A_738 = arith.constant 15 : i32
        %and3A_739 = vector.broadcast %and3A_738 : i32 to vector<16xi32>
        %and3A_740 = arith.andi %add3A_737, %and3A_739 : vector<16xi32>
        %broadcast_in_dim3A_741 = vector.shape_cast %and3A_740 : vector<16xi32> to vector<16x1xi32>
        %gather3A_742 = vector.shape_cast %broadcast_in_dim3A_741 : vector<16x1xi32> to vector<16xi32>
        %gather3A_743 = tpu.dynamic_gather %add3A_451[%gather3A_742] in [0] : vector<16xf32>, vector<16xi32> -> vector<16xf32>
        %add3A_744 = arith.addf %add3A_451, %gather3A_743 : vector<16xf32>
        %add3A_745 = arith.constant 8 : i32
        %add3A_746 = vector.broadcast %add3A_745 : i32 to vector<16xi32>
        %add3A_747 = arith.addi %iota3A, %add3A_746 : vector<16xi32>
        %and3A_748 = arith.constant 15 : i32
        %and3A_749 = vector.broadcast %and3A_748 : i32 to vector<16xi32>
        %and3A_750 = arith.andi %add3A_747, %and3A_749 : vector<16xi32>
        %broadcast_in_dim3A_751 = vector.shape_cast %and3A_750 : vector<16xi32> to vector<16x1xi32>
        %gather3A_752 = vector.shape_cast %broadcast_in_dim3A_751 : vector<16x1xi32> to vector<16xi32>
        %gather3A_753 = tpu.dynamic_gather %add3A_476[%gather3A_752] in [0] : vector<16xf32>, vector<16xi32> -> vector<16xf32>
        %add3A_754 = arith.addf %add3A_476, %gather3A_753 : vector<16xf32>
        %add3A_755 = arith.constant 8 : i32
        %add3A_756 = vector.broadcast %add3A_755 : i32 to vector<16xi32>
        %add3A_757 = arith.addi %iota3A, %add3A_756 : vector<16xi32>
        %and3A_758 = arith.constant 15 : i32
        %and3A_759 = vector.broadcast %and3A_758 : i32 to vector<16xi32>
        %and3A_760 = arith.andi %add3A_757, %and3A_759 : vector<16xi32>
        %broadcast_in_dim3A_761 = vector.shape_cast %and3A_760 : vector<16xi32> to vector<16x1xi32>
        %gather3A_762 = vector.shape_cast %broadcast_in_dim3A_761 : vector<16x1xi32> to vector<16xi32>
        %gather3A_763 = tpu.dynamic_gather %add3A_501[%gather3A_762] in [0] : vector<16xf32>, vector<16xi32> -> vector<16xf32>
        %add3A_764 = arith.addf %add3A_501, %gather3A_763 : vector<16xf32>
        %add3A_765 = arith.constant 8 : i32
        %add3A_766 = vector.broadcast %add3A_765 : i32 to vector<16xi32>
        %add3A_767 = arith.addi %iota3A, %add3A_766 : vector<16xi32>
        %and3A_768 = arith.constant 15 : i32
        %and3A_769 = vector.broadcast %and3A_768 : i32 to vector<16xi32>
        %and3A_770 = arith.andi %add3A_767, %and3A_769 : vector<16xi32>
        %broadcast_in_dim3A_771 = vector.shape_cast %and3A_770 : vector<16xi32> to vector<16x1xi32>
        %gather3A_772 = vector.shape_cast %broadcast_in_dim3A_771 : vector<16x1xi32> to vector<16xi32>
        %gather3A_773 = tpu.dynamic_gather %add3A_526[%gather3A_772] in [0] : vector<16xf32>, vector<16xi32> -> vector<16xf32>
        %add3A_774 = arith.addf %add3A_526, %gather3A_773 : vector<16xf32>
        %add3A_775 = arith.constant 8 : i32
        %add3A_776 = vector.broadcast %add3A_775 : i32 to vector<16xi32>
        %add3A_777 = arith.addi %iota3A, %add3A_776 : vector<16xi32>
        %and3A_778 = arith.constant 15 : i32
        %and3A_779 = vector.broadcast %and3A_778 : i32 to vector<16xi32>
        %and3A_780 = arith.andi %add3A_777, %and3A_779 : vector<16xi32>
        %broadcast_in_dim3A_781 = vector.shape_cast %and3A_780 : vector<16xi32> to vector<16x1xi32>
        %gather3A_782 = vector.shape_cast %broadcast_in_dim3A_781 : vector<16x1xi32> to vector<16xi32>
        %gather3A_783 = tpu.dynamic_gather %add3A_551[%gather3A_782] in [0] : vector<16xf32>, vector<16xi32> -> vector<16xf32>
        %add3A_784 = arith.addf %add3A_551, %gather3A_783 : vector<16xf32>
        %add3A_785 = arith.constant 8 : i32
        %add3A_786 = vector.broadcast %add3A_785 : i32 to vector<16xi32>
        %add3A_787 = arith.addi %iota3A, %add3A_786 : vector<16xi32>
        %and3A_788 = arith.constant 15 : i32
        %and3A_789 = vector.broadcast %and3A_788 : i32 to vector<16xi32>
        %and3A_790 = arith.andi %add3A_787, %and3A_789 : vector<16xi32>
        %broadcast_in_dim3A_791 = vector.shape_cast %and3A_790 : vector<16xi32> to vector<16x1xi32>
        %gather3A_792 = vector.shape_cast %broadcast_in_dim3A_791 : vector<16x1xi32> to vector<16xi32>
        %gather3A_793 = tpu.dynamic_gather %add3A_576[%gather3A_792] in [0] : vector<16xf32>, vector<16xi32> -> vector<16xf32>
        %add3A_794 = arith.addf %add3A_576, %gather3A_793 : vector<16xf32>
        %add3A_795 = arith.constant 8 : i32
        %add3A_796 = vector.broadcast %add3A_795 : i32 to vector<16xi32>
        %add3A_797 = arith.addi %iota3A, %add3A_796 : vector<16xi32>
        %and3A_798 = arith.constant 15 : i32
        %and3A_799 = vector.broadcast %and3A_798 : i32 to vector<16xi32>
        %and3A_800 = arith.andi %add3A_797, %and3A_799 : vector<16xi32>
        %broadcast_in_dim3A_801 = vector.shape_cast %and3A_800 : vector<16xi32> to vector<16x1xi32>
        %gather3A_802 = vector.shape_cast %broadcast_in_dim3A_801 : vector<16x1xi32> to vector<16xi32>
        %gather3A_803 = tpu.dynamic_gather %add3A_601[%gather3A_802] in [0] : vector<16xf32>, vector<16xi32> -> vector<16xf32>
        %add3A_804 = arith.addf %add3A_601, %gather3A_803 : vector<16xf32>
        %add3A_805 = arith.constant 8 : i32
        %add3A_806 = vector.broadcast %add3A_805 : i32 to vector<16xi32>
        %add3A_807 = arith.addi %iota3A, %add3A_806 : vector<16xi32>
        %and3A_808 = arith.constant 15 : i32
        %and3A_809 = vector.broadcast %and3A_808 : i32 to vector<16xi32>
        %and3A_810 = arith.andi %add3A_807, %and3A_809 : vector<16xi32>
        %broadcast_in_dim3A_811 = vector.shape_cast %and3A_810 : vector<16xi32> to vector<16x1xi32>
        %gather3A_812 = vector.shape_cast %broadcast_in_dim3A_811 : vector<16x1xi32> to vector<16xi32>
        %gather3A_813 = tpu.dynamic_gather %add3A_626[%gather3A_812] in [0] : vector<16xf32>, vector<16xi32> -> vector<16xf32>
        %add3A_814 = arith.addf %add3A_626, %gather3A_813 : vector<16xf32>
        %add3A_815 = arith.constant 8 : i32
        %add3A_816 = vector.broadcast %add3A_815 : i32 to vector<16xi32>
        %add3A_817 = arith.addi %iota3A, %add3A_816 : vector<16xi32>
        %and3A_818 = arith.constant 15 : i32
        %and3A_819 = vector.broadcast %and3A_818 : i32 to vector<16xi32>
        %and3A_820 = arith.andi %add3A_817, %and3A_819 : vector<16xi32>
        %broadcast_in_dim3A_821 = vector.shape_cast %and3A_820 : vector<16xi32> to vector<16x1xi32>
        %gather3A_822 = vector.shape_cast %broadcast_in_dim3A_821 : vector<16x1xi32> to vector<16xi32>
        %gather3A_823 = tpu.dynamic_gather %add3A_651[%gather3A_822] in [0] : vector<16xf32>, vector<16xi32> -> vector<16xf32>
        %add3A_824 = arith.addf %add3A_651, %gather3A_823 : vector<16xf32>
        %add3A_825 = arith.constant 8 : i32
        %add3A_826 = vector.broadcast %add3A_825 : i32 to vector<16xi32>
        %add3A_827 = arith.addi %iota3A, %add3A_826 : vector<16xi32>
        %and3A_828 = arith.constant 15 : i32
        %and3A_829 = vector.broadcast %and3A_828 : i32 to vector<16xi32>
        %and3A_830 = arith.andi %add3A_827, %and3A_829 : vector<16xi32>
        %broadcast_in_dim3A_831 = vector.shape_cast %and3A_830 : vector<16xi32> to vector<16x1xi32>
        %gather3A_832 = vector.shape_cast %broadcast_in_dim3A_831 : vector<16x1xi32> to vector<16xi32>
        %gather3A_833 = tpu.dynamic_gather %add3A_676[%gather3A_832] in [0] : vector<16xf32>, vector<16xi32> -> vector<16xf32>
        %add3A_834 = arith.addf %add3A_676, %gather3A_833 : vector<16xf32>
        %select_n3A = arith.select %lt3A_27, %add3A_684, %add3A_694 : vector<16xi1>, vector<16xf32>
        %select_n3A_835 = arith.select %lt3A_27, %add3A_704, %add3A_714 : vector<16xi1>, vector<16xf32>
        %select_n3A_836 = arith.select %lt3A_27, %add3A_724, %add3A_734 : vector<16xi1>, vector<16xf32>
        %select_n3A_837 = arith.select %lt3A_27, %add3A_744, %add3A_754 : vector<16xi1>, vector<16xf32>
        %select_n3A_838 = arith.select %lt3A_27, %add3A_764, %add3A_774 : vector<16xi1>, vector<16xf32>
        %select_n3A_839 = arith.select %lt3A_27, %add3A_784, %add3A_794 : vector<16xi1>, vector<16xf32>
        %select_n3A_840 = arith.select %lt3A_27, %add3A_804, %add3A_814 : vector<16xi1>, vector<16xf32>
        %select_n3A_841 = arith.select %lt3A_27, %add3A_824, %add3A_834 : vector<16xi1>, vector<16xf32>
        %add3A_842 = arith.constant 4 : i32
        %add3A_843 = vector.broadcast %add3A_842 : i32 to vector<16xi32>
        %add3A_844 = arith.addi %iota3A, %add3A_843 : vector<16xi32>
        %and3A_845 = arith.constant 15 : i32
        %and3A_846 = vector.broadcast %and3A_845 : i32 to vector<16xi32>
        %and3A_847 = arith.andi %add3A_844, %and3A_846 : vector<16xi32>
        %broadcast_in_dim3A_848 = vector.shape_cast %and3A_847 : vector<16xi32> to vector<16x1xi32>
        %gather3A_849 = vector.shape_cast %broadcast_in_dim3A_848 : vector<16x1xi32> to vector<16xi32>
        %gather3A_850 = tpu.dynamic_gather %select_n3A[%gather3A_849] in [0] : vector<16xf32>, vector<16xi32> -> vector<16xf32>
        %add3A_851 = arith.addf %select_n3A, %gather3A_850 : vector<16xf32>
        %add3A_852 = arith.constant 4 : i32
        %add3A_853 = vector.broadcast %add3A_852 : i32 to vector<16xi32>
        %add3A_854 = arith.addi %iota3A, %add3A_853 : vector<16xi32>
        %and3A_855 = arith.constant 15 : i32
        %and3A_856 = vector.broadcast %and3A_855 : i32 to vector<16xi32>
        %and3A_857 = arith.andi %add3A_854, %and3A_856 : vector<16xi32>
        %broadcast_in_dim3A_858 = vector.shape_cast %and3A_857 : vector<16xi32> to vector<16x1xi32>
        %gather3A_859 = vector.shape_cast %broadcast_in_dim3A_858 : vector<16x1xi32> to vector<16xi32>
        %gather3A_860 = tpu.dynamic_gather %select_n3A_835[%gather3A_859] in [0] : vector<16xf32>, vector<16xi32> -> vector<16xf32>
        %add3A_861 = arith.addf %select_n3A_835, %gather3A_860 : vector<16xf32>
        %add3A_862 = arith.constant 4 : i32
        %add3A_863 = vector.broadcast %add3A_862 : i32 to vector<16xi32>
        %add3A_864 = arith.addi %iota3A, %add3A_863 : vector<16xi32>
        %and3A_865 = arith.constant 15 : i32
        %and3A_866 = vector.broadcast %and3A_865 : i32 to vector<16xi32>
        %and3A_867 = arith.andi %add3A_864, %and3A_866 : vector<16xi32>
        %broadcast_in_dim3A_868 = vector.shape_cast %and3A_867 : vector<16xi32> to vector<16x1xi32>
        %gather3A_869 = vector.shape_cast %broadcast_in_dim3A_868 : vector<16x1xi32> to vector<16xi32>
        %gather3A_870 = tpu.dynamic_gather %select_n3A_836[%gather3A_869] in [0] : vector<16xf32>, vector<16xi32> -> vector<16xf32>
        %add3A_871 = arith.addf %select_n3A_836, %gather3A_870 : vector<16xf32>
        %add3A_872 = arith.constant 4 : i32
        %add3A_873 = vector.broadcast %add3A_872 : i32 to vector<16xi32>
        %add3A_874 = arith.addi %iota3A, %add3A_873 : vector<16xi32>
        %and3A_875 = arith.constant 15 : i32
        %and3A_876 = vector.broadcast %and3A_875 : i32 to vector<16xi32>
        %and3A_877 = arith.andi %add3A_874, %and3A_876 : vector<16xi32>
        %broadcast_in_dim3A_878 = vector.shape_cast %and3A_877 : vector<16xi32> to vector<16x1xi32>
        %gather3A_879 = vector.shape_cast %broadcast_in_dim3A_878 : vector<16x1xi32> to vector<16xi32>
        %gather3A_880 = tpu.dynamic_gather %select_n3A_837[%gather3A_879] in [0] : vector<16xf32>, vector<16xi32> -> vector<16xf32>
        %add3A_881 = arith.addf %select_n3A_837, %gather3A_880 : vector<16xf32>
        %add3A_882 = arith.constant 4 : i32
        %add3A_883 = vector.broadcast %add3A_882 : i32 to vector<16xi32>
        %add3A_884 = arith.addi %iota3A, %add3A_883 : vector<16xi32>
        %and3A_885 = arith.constant 15 : i32
        %and3A_886 = vector.broadcast %and3A_885 : i32 to vector<16xi32>
        %and3A_887 = arith.andi %add3A_884, %and3A_886 : vector<16xi32>
        %broadcast_in_dim3A_888 = vector.shape_cast %and3A_887 : vector<16xi32> to vector<16x1xi32>
        %gather3A_889 = vector.shape_cast %broadcast_in_dim3A_888 : vector<16x1xi32> to vector<16xi32>
        %gather3A_890 = tpu.dynamic_gather %select_n3A_838[%gather3A_889] in [0] : vector<16xf32>, vector<16xi32> -> vector<16xf32>
        %add3A_891 = arith.addf %select_n3A_838, %gather3A_890 : vector<16xf32>
        %add3A_892 = arith.constant 4 : i32
        %add3A_893 = vector.broadcast %add3A_892 : i32 to vector<16xi32>
        %add3A_894 = arith.addi %iota3A, %add3A_893 : vector<16xi32>
        %and3A_895 = arith.constant 15 : i32
        %and3A_896 = vector.broadcast %and3A_895 : i32 to vector<16xi32>
        %and3A_897 = arith.andi %add3A_894, %and3A_896 : vector<16xi32>
        %broadcast_in_dim3A_898 = vector.shape_cast %and3A_897 : vector<16xi32> to vector<16x1xi32>
        %gather3A_899 = vector.shape_cast %broadcast_in_dim3A_898 : vector<16x1xi32> to vector<16xi32>
        %gather3A_900 = tpu.dynamic_gather %select_n3A_839[%gather3A_899] in [0] : vector<16xf32>, vector<16xi32> -> vector<16xf32>
        %add3A_901 = arith.addf %select_n3A_839, %gather3A_900 : vector<16xf32>
        %add3A_902 = arith.constant 4 : i32
        %add3A_903 = vector.broadcast %add3A_902 : i32 to vector<16xi32>
        %add3A_904 = arith.addi %iota3A, %add3A_903 : vector<16xi32>
        %and3A_905 = arith.constant 15 : i32
        %and3A_906 = vector.broadcast %and3A_905 : i32 to vector<16xi32>
        %and3A_907 = arith.andi %add3A_904, %and3A_906 : vector<16xi32>
        %broadcast_in_dim3A_908 = vector.shape_cast %and3A_907 : vector<16xi32> to vector<16x1xi32>
        %gather3A_909 = vector.shape_cast %broadcast_in_dim3A_908 : vector<16x1xi32> to vector<16xi32>
        %gather3A_910 = tpu.dynamic_gather %select_n3A_840[%gather3A_909] in [0] : vector<16xf32>, vector<16xi32> -> vector<16xf32>
        %add3A_911 = arith.addf %select_n3A_840, %gather3A_910 : vector<16xf32>
        %add3A_912 = arith.constant 4 : i32
        %add3A_913 = vector.broadcast %add3A_912 : i32 to vector<16xi32>
        %add3A_914 = arith.addi %iota3A, %add3A_913 : vector<16xi32>
        %and3A_915 = arith.constant 15 : i32
        %and3A_916 = vector.broadcast %and3A_915 : i32 to vector<16xi32>
        %and3A_917 = arith.andi %add3A_914, %and3A_916 : vector<16xi32>
        %broadcast_in_dim3A_918 = vector.shape_cast %and3A_917 : vector<16xi32> to vector<16x1xi32>
        %gather3A_919 = vector.shape_cast %broadcast_in_dim3A_918 : vector<16x1xi32> to vector<16xi32>
        %gather3A_920 = tpu.dynamic_gather %select_n3A_841[%gather3A_919] in [0] : vector<16xf32>, vector<16xi32> -> vector<16xf32>
        %add3A_921 = arith.addf %select_n3A_841, %gather3A_920 : vector<16xf32>
        %add3A_922 = arith.constant -4 : i32
        %add3A_923 = vector.broadcast %add3A_922 : i32 to vector<16xi32>
        %add3A_924 = arith.addi %iota3A, %add3A_923 : vector<16xi32>
        %and3A_925 = arith.constant 15 : i32
        %and3A_926 = vector.broadcast %and3A_925 : i32 to vector<16xi32>
        %and3A_927 = arith.andi %add3A_924, %and3A_926 : vector<16xi32>
        %broadcast_in_dim3A_928 = vector.shape_cast %and3A_927 : vector<16xi32> to vector<16x1xi32>
        %gather3A_929 = vector.shape_cast %broadcast_in_dim3A_928 : vector<16x1xi32> to vector<16xi32>
        %gather3A_930 = tpu.dynamic_gather %add3A_861[%gather3A_929] in [0] : vector<16xf32>, vector<16xi32> -> vector<16xf32>
        %select_n3A_931 = arith.select %lt3A_33, %add3A_851, %gather3A_930 : vector<16xi1>, vector<16xf32>
        %add3A_932 = arith.constant -4 : i32
        %add3A_933 = vector.broadcast %add3A_932 : i32 to vector<16xi32>
        %add3A_934 = arith.addi %iota3A, %add3A_933 : vector<16xi32>
        %and3A_935 = arith.constant 15 : i32
        %and3A_936 = vector.broadcast %and3A_935 : i32 to vector<16xi32>
        %and3A_937 = arith.andi %add3A_934, %and3A_936 : vector<16xi32>
        %broadcast_in_dim3A_938 = vector.shape_cast %and3A_937 : vector<16xi32> to vector<16x1xi32>
        %gather3A_939 = vector.shape_cast %broadcast_in_dim3A_938 : vector<16x1xi32> to vector<16xi32>
        %gather3A_940 = tpu.dynamic_gather %add3A_881[%gather3A_939] in [0] : vector<16xf32>, vector<16xi32> -> vector<16xf32>
        %select_n3A_941 = arith.select %lt3A_33, %add3A_871, %gather3A_940 : vector<16xi1>, vector<16xf32>
        %add3A_942 = arith.constant -4 : i32
        %add3A_943 = vector.broadcast %add3A_942 : i32 to vector<16xi32>
        %add3A_944 = arith.addi %iota3A, %add3A_943 : vector<16xi32>
        %and3A_945 = arith.constant 15 : i32
        %and3A_946 = vector.broadcast %and3A_945 : i32 to vector<16xi32>
        %and3A_947 = arith.andi %add3A_944, %and3A_946 : vector<16xi32>
        %broadcast_in_dim3A_948 = vector.shape_cast %and3A_947 : vector<16xi32> to vector<16x1xi32>
        %gather3A_949 = vector.shape_cast %broadcast_in_dim3A_948 : vector<16x1xi32> to vector<16xi32>
        %gather3A_950 = tpu.dynamic_gather %add3A_901[%gather3A_949] in [0] : vector<16xf32>, vector<16xi32> -> vector<16xf32>
        %select_n3A_951 = arith.select %lt3A_33, %add3A_891, %gather3A_950 : vector<16xi1>, vector<16xf32>
        %add3A_952 = arith.constant -4 : i32
        %add3A_953 = vector.broadcast %add3A_952 : i32 to vector<16xi32>
        %add3A_954 = arith.addi %iota3A, %add3A_953 : vector<16xi32>
        %and3A_955 = arith.constant 15 : i32
        %and3A_956 = vector.broadcast %and3A_955 : i32 to vector<16xi32>
        %and3A_957 = arith.andi %add3A_954, %and3A_956 : vector<16xi32>
        %broadcast_in_dim3A_958 = vector.shape_cast %and3A_957 : vector<16xi32> to vector<16x1xi32>
        %gather3A_959 = vector.shape_cast %broadcast_in_dim3A_958 : vector<16x1xi32> to vector<16xi32>
        %gather3A_960 = tpu.dynamic_gather %add3A_921[%gather3A_959] in [0] : vector<16xf32>, vector<16xi32> -> vector<16xf32>
        %select_n3A_961 = arith.select %lt3A_33, %add3A_911, %gather3A_960 : vector<16xi1>, vector<16xf32>
        %add3A_962 = arith.constant 2 : i32
        %add3A_963 = vector.broadcast %add3A_962 : i32 to vector<16xi32>
        %add3A_964 = arith.addi %iota3A, %add3A_963 : vector<16xi32>
        %and3A_965 = arith.constant 15 : i32
        %and3A_966 = vector.broadcast %and3A_965 : i32 to vector<16xi32>
        %and3A_967 = arith.andi %add3A_964, %and3A_966 : vector<16xi32>
        %broadcast_in_dim3A_968 = vector.shape_cast %and3A_967 : vector<16xi32> to vector<16x1xi32>
        %gather3A_969 = vector.shape_cast %broadcast_in_dim3A_968 : vector<16x1xi32> to vector<16xi32>
        %gather3A_970 = tpu.dynamic_gather %select_n3A_931[%gather3A_969] in [0] : vector<16xf32>, vector<16xi32> -> vector<16xf32>
        %add3A_971 = arith.addf %select_n3A_931, %gather3A_970 : vector<16xf32>
        %add3A_972 = arith.constant 2 : i32
        %add3A_973 = vector.broadcast %add3A_972 : i32 to vector<16xi32>
        %add3A_974 = arith.addi %iota3A, %add3A_973 : vector<16xi32>
        %and3A_975 = arith.constant 15 : i32
        %and3A_976 = vector.broadcast %and3A_975 : i32 to vector<16xi32>
        %and3A_977 = arith.andi %add3A_974, %and3A_976 : vector<16xi32>
        %broadcast_in_dim3A_978 = vector.shape_cast %and3A_977 : vector<16xi32> to vector<16x1xi32>
        %gather3A_979 = vector.shape_cast %broadcast_in_dim3A_978 : vector<16x1xi32> to vector<16xi32>
        %gather3A_980 = tpu.dynamic_gather %select_n3A_941[%gather3A_979] in [0] : vector<16xf32>, vector<16xi32> -> vector<16xf32>
        %add3A_981 = arith.addf %select_n3A_941, %gather3A_980 : vector<16xf32>
        %add3A_982 = arith.constant 2 : i32
        %add3A_983 = vector.broadcast %add3A_982 : i32 to vector<16xi32>
        %add3A_984 = arith.addi %iota3A, %add3A_983 : vector<16xi32>
        %and3A_985 = arith.constant 15 : i32
        %and3A_986 = vector.broadcast %and3A_985 : i32 to vector<16xi32>
        %and3A_987 = arith.andi %add3A_984, %and3A_986 : vector<16xi32>
        %broadcast_in_dim3A_988 = vector.shape_cast %and3A_987 : vector<16xi32> to vector<16x1xi32>
        %gather3A_989 = vector.shape_cast %broadcast_in_dim3A_988 : vector<16x1xi32> to vector<16xi32>
        %gather3A_990 = tpu.dynamic_gather %select_n3A_951[%gather3A_989] in [0] : vector<16xf32>, vector<16xi32> -> vector<16xf32>
        %add3A_991 = arith.addf %select_n3A_951, %gather3A_990 : vector<16xf32>
        %add3A_992 = arith.constant 2 : i32
        %add3A_993 = vector.broadcast %add3A_992 : i32 to vector<16xi32>
        %add3A_994 = arith.addi %iota3A, %add3A_993 : vector<16xi32>
        %and3A_995 = arith.constant 15 : i32
        %and3A_996 = vector.broadcast %and3A_995 : i32 to vector<16xi32>
        %and3A_997 = arith.andi %add3A_994, %and3A_996 : vector<16xi32>
        %broadcast_in_dim3A_998 = vector.shape_cast %and3A_997 : vector<16xi32> to vector<16x1xi32>
        %gather3A_999 = vector.shape_cast %broadcast_in_dim3A_998 : vector<16x1xi32> to vector<16xi32>
        %gather3A_1000 = tpu.dynamic_gather %select_n3A_961[%gather3A_999] in [0] : vector<16xf32>, vector<16xi32> -> vector<16xf32>
        %add3A_1001 = arith.addf %select_n3A_961, %gather3A_1000 : vector<16xf32>
        %add3A_1002 = arith.constant -2 : i32
        %add3A_1003 = vector.broadcast %add3A_1002 : i32 to vector<16xi32>
        %add3A_1004 = arith.addi %iota3A, %add3A_1003 : vector<16xi32>
        %and3A_1005 = arith.constant 15 : i32
        %and3A_1006 = vector.broadcast %and3A_1005 : i32 to vector<16xi32>
        %and3A_1007 = arith.andi %add3A_1004, %and3A_1006 : vector<16xi32>
        %broadcast_in_dim3A_1008 = vector.shape_cast %and3A_1007 : vector<16xi32> to vector<16x1xi32>
        %gather3A_1009 = vector.shape_cast %broadcast_in_dim3A_1008 : vector<16x1xi32> to vector<16xi32>
        %gather3A_1010 = tpu.dynamic_gather %add3A_981[%gather3A_1009] in [0] : vector<16xf32>, vector<16xi32> -> vector<16xf32>
        %select_n3A_1011 = arith.select %lt3A_39, %add3A_971, %gather3A_1010 : vector<16xi1>, vector<16xf32>
        %add3A_1012 = arith.constant -2 : i32
        %add3A_1013 = vector.broadcast %add3A_1012 : i32 to vector<16xi32>
        %add3A_1014 = arith.addi %iota3A, %add3A_1013 : vector<16xi32>
        %and3A_1015 = arith.constant 15 : i32
        %and3A_1016 = vector.broadcast %and3A_1015 : i32 to vector<16xi32>
        %and3A_1017 = arith.andi %add3A_1014, %and3A_1016 : vector<16xi32>
        %broadcast_in_dim3A_1018 = vector.shape_cast %and3A_1017 : vector<16xi32> to vector<16x1xi32>
        %gather3A_1019 = vector.shape_cast %broadcast_in_dim3A_1018 : vector<16x1xi32> to vector<16xi32>
        %gather3A_1020 = tpu.dynamic_gather %add3A_1001[%gather3A_1019] in [0] : vector<16xf32>, vector<16xi32> -> vector<16xf32>
        %select_n3A_1021 = arith.select %lt3A_39, %add3A_991, %gather3A_1020 : vector<16xi1>, vector<16xf32>
        %add3A_1022 = arith.constant 1 : i32
        %add3A_1023 = vector.broadcast %add3A_1022 : i32 to vector<16xi32>
        %add3A_1024 = arith.addi %iota3A, %add3A_1023 : vector<16xi32>
        %and3A_1025 = arith.constant 15 : i32
        %and3A_1026 = vector.broadcast %and3A_1025 : i32 to vector<16xi32>
        %and3A_1027 = arith.andi %add3A_1024, %and3A_1026 : vector<16xi32>
        %broadcast_in_dim3A_1028 = vector.shape_cast %and3A_1027 : vector<16xi32> to vector<16x1xi32>
        %gather3A_1029 = vector.shape_cast %broadcast_in_dim3A_1028 : vector<16x1xi32> to vector<16xi32>
        %gather3A_1030 = tpu.dynamic_gather %select_n3A_1011[%gather3A_1029] in [0] : vector<16xf32>, vector<16xi32> -> vector<16xf32>
        %add3A_1031 = arith.addf %select_n3A_1011, %gather3A_1030 : vector<16xf32>
        %add3A_1032 = arith.constant 1 : i32
        %add3A_1033 = vector.broadcast %add3A_1032 : i32 to vector<16xi32>
        %add3A_1034 = arith.addi %iota3A, %add3A_1033 : vector<16xi32>
        %and3A_1035 = arith.constant 15 : i32
        %and3A_1036 = vector.broadcast %and3A_1035 : i32 to vector<16xi32>
        %and3A_1037 = arith.andi %add3A_1034, %and3A_1036 : vector<16xi32>
        %broadcast_in_dim3A_1038 = vector.shape_cast %and3A_1037 : vector<16xi32> to vector<16x1xi32>
        %gather3A_1039 = vector.shape_cast %broadcast_in_dim3A_1038 : vector<16x1xi32> to vector<16xi32>
        %gather3A_1040 = tpu.dynamic_gather %select_n3A_1021[%gather3A_1039] in [0] : vector<16xf32>, vector<16xi32> -> vector<16xf32>
        %add3A_1041 = arith.addf %select_n3A_1021, %gather3A_1040 : vector<16xf32>
        %add3A_1042 = arith.constant -1 : i32
        %add3A_1043 = vector.broadcast %add3A_1042 : i32 to vector<16xi32>
        %add3A_1044 = arith.addi %iota3A, %add3A_1043 : vector<16xi32>
        %and3A_1045 = arith.constant 15 : i32
        %and3A_1046 = vector.broadcast %and3A_1045 : i32 to vector<16xi32>
        %and3A_1047 = arith.andi %add3A_1044, %and3A_1046 : vector<16xi32>
        %broadcast_in_dim3A_1048 = vector.shape_cast %and3A_1047 : vector<16xi32> to vector<16x1xi32>
        %gather3A_1049 = vector.shape_cast %broadcast_in_dim3A_1048 : vector<16x1xi32> to vector<16xi32>
        %gather3A_1050 = tpu.dynamic_gather %add3A_1041[%gather3A_1049] in [0] : vector<16xf32>, vector<16xi32> -> vector<16xf32>
        %select_n3A_1051 = arith.select %lt3A_45, %add3A_1031, %gather3A_1050 : vector<16xi1>, vector<16xf32>
        %broadcast_in_dim3A_1052 = vector.shape_cast %or3A_25 : vector<16xi32> to vector<16x1xi32>
        %gather3A_1053 = vector.shape_cast %broadcast_in_dim3A_1052 : vector<16x1xi32> to vector<16xi32>
        %gather3A_1054 = tpu.dynamic_gather %select_n3A_1051[%gather3A_1053] in [0] : vector<16xf32>, vector<16xi32> -> vector<16xf32>
        %neg3A = arith.constant 0.000000e+00 : f32
        %neg3A_1055 = vector.broadcast %neg3A : f32 to vector<16xf32>
        %neg3A_1056 = arith.subf %neg3A_1055, %gather3A_1054 : vector<16xf32>
        %mul3A_1057 = arith.constant 16 : i32
        %mul3A_1058 = arith.muli %scan3A_276, %mul3A_1057 : i32
        %swap3A = arith.index_cast %mul3A_1058 : i32 to index
        %swap3A_1059 = tpu.vector_load %arg14[%swap3A] {strides = array<i32>} : memref<256xf32, #tpu.memory_space<vmem>>, vector<16xf32>,
        tpu.vector_store %arg14[%swap3A], %neg3A_1056 {strides = array<i32>} : memref<256xf32, #tpu.memory_space<vmem>>, vector<16xf32>,
      }
      %scan3A_270 = arith.constant 16 : i32
      %mul3A_271 = arith.constant 256 : i32
      %mul3A_272 = arith.muli %add3A_234, %mul3A_271 : i32
      %add3A_273 = arith.addi %mul3A_2, %mul3A_272 : i32
      %dma_start3A_274 = tpu.memref_slice %arg5[%add3A_273] : memref<819200xf32, #tpu.memory_space<hbm>> -> memref<256xf32, #tpu.memory_space<hbm>>
      %dma_start3A_275 = tpu.memref_slice %arg5[%add3A_273] : memref<819200xf32, #tpu.memory_space<hbm>> -> memref<256xf32, #tpu.memory_space<hbm>>
      tpu.enqueue_dma source(%arg14 : memref<256xf32, #tpu.memory_space<vmem>>) target(%dma_start3A_275 : memref<256xf32, #tpu.memory_space<hbm>>) target_semaphore(%arg22 : memref<!tpu.dma_semaphore, #tpu.memory_space<semaphore_mem>>)
    }
    %scan3A_97 = arith.constant 25 : i32
    %dma_wait3A = tpu.memref_slice %arg5[%mul3A_2] : memref<819200xf32, #tpu.memory_space<hbm>> -> memref<256xf32, #tpu.memory_space<hbm>>
    %dma_wait3A_98 = tpu.memref_slice %arg5[%mul3A_2] : memref<819200xf32, #tpu.memory_space<hbm>> -> memref<256xf32, #tpu.memory_space<hbm>>
    tpu.wait_dma2 semaphore(%arg19 : memref<!tpu.dma_semaphore, #tpu.memory_space<semaphore_mem>>) src(%arg11 : memref<256xf32, #tpu.memory_space<vmem>>) dst(%dma_wait3A_98 : memref<256xf32, #tpu.memory_space<hbm>>)
    %dma_wait3A_99 = tpu.memref_slice %arg5[%mul3A_2] : memref<819200xf32, #tpu.memory_space<hbm>> -> memref<256xf32, #tpu.memory_space<hbm>>
    %dma_wait3A_100 = tpu.memref_slice %arg5[%mul3A_2] : memref<819200xf32, #tpu.memory_space<hbm>> -> memref<256xf32, #tpu.memory_space<hbm>>
    tpu.wait_dma2 semaphore(%arg20 : memref<!tpu.dma_semaphore, #tpu.memory_space<semaphore_mem>>) src(%arg12 : memref<256xf32, #tpu.memory_space<vmem>>) dst(%dma_wait3A_100 : memref<256xf32, #tpu.memory_space<hbm>>)
    %dma_wait3A_101 = tpu.memref_slice %arg5[%mul3A_2] : memref<819200xf32, #tpu.memory_space<hbm>> -> memref<256xf32, #tpu.memory_space<hbm>>
    %dma_wait3A_102 = tpu.memref_slice %arg5[%mul3A_2] : memref<819200xf32, #tpu.memory_space<hbm>> -> memref<256xf32, #tpu.memory_space<hbm>>
    tpu.wait_dma2 semaphore(%arg21 : memref<!tpu.dma_semaphore, #tpu.memory_space<semaphore_mem>>) src(%arg13 : memref<256xf32, #tpu.memory_space<vmem>>) dst(%dma_wait3A_102 : memref<256xf32, #tpu.memory_space<hbm>>)
    %dma_wait3A_103 = tpu.memref_slice %arg5[%mul3A_2] : memref<819200xf32, #tpu.memory_space<hbm>> -> memref<256xf32, #tpu.memory_space<hbm>>
    %dma_wait3A_104 = tpu.memref_slice %arg5[%mul3A_2] : memref<819200xf32, #tpu.memory_space<hbm>> -> memref<256xf32, #tpu.memory_space<hbm>>
    tpu.wait_dma2 semaphore(%arg22 : memref<!tpu.dma_semaphore, #tpu.memory_space<semaphore_mem>>) src(%arg14 : memref<256xf32, #tpu.memory_space<vmem>>) dst(%dma_wait3A_104 : memref<256xf32, #tpu.memory_space<hbm>>)
    return
  }
}

</mosaic_0001>

<sc_bundles>
// kernel: kernel.3.cloned.1.call-start
scs
__scs_entry_jumppad:
0x0: {  	(pc) =	sbr.rel $0x88, $3  }
0x1: {  	(tag) =	ssettag $0x0;
	lr =	simm.s32 $0x1  }
0x2: {  	[smem:$0x3F9F] =	sst lr;
	_ =	strace $0xD0000000  }
0x3: {  	_ = 	snop  }
0x4: {  	_ = 	snop  }
0x5: {  	_ = 	snop  }
0x6: {  	_ = 	snop  }
0x7: {  	_ = 	snop  }
__scs_overlays_trampoline_lowered:
0x8: {  	[smem:$0x3FAE] =	sst s0  }
0x9: {  	[smem:$0x3FAF] =	sst s1  }
0xa: {  	[smem:$0x3FB0] =	sst s2  }
0xb: {  	[smem:$0x3FB1] =	sst s3  }
0xc: {  	[smem:$0x3FB2] =	sst s4  }
0xd: {  	[smem:$0x3FB3] =	sst s5  }
0xe: {  	[smem:$0x3FB4] =	sst s6  }
0xf: {  	[smem:$0x3FB5] =	sst s7  }
0x10: {  	[smem:$0x3FB6] =	sst s8  }
0x11: {  	[smem:$0x3FB7] =	sst s9;
	s0 =	simm.s32 @!p0 $0x0  }
0x12: {  	s1 =	sld [smem:$0x3F9D];
	s0 =	simm.s32 @p0 $0x1  }
0x13: {  	[smem:$0x3FB8] =	sst s0;
	s0 =	simm.s32 @!p1 $0x0  }
0x14: {  	s2 =	sld [smem:$0x3F9C];
	s0 =	simm.s32 @p1 $0x1  }
0x15: {  	[smem:$0x3FB9] =	sst s0;
	s0 =	simm.s32 @!p2 $0x0  }
0x16: {  	s3 =	sld [smem:$0x3FDB];
	s0 =	simm.s32 @p2 $0x1  }
0x17: {  	s4 =	simm.s32 $0x1BF5;
	[smem:$0x3FBB] =	sst s0  }
0x18: {  	s0 =	sld [smem:$0x3F9E];
	_ =	swait.ge [sflag:s4], $0x0  }
0x19: {  	s7 =	sld [smem:$0x3F9F]  }
0x1a: {  	s8 =	sadd.s32 $0xFFFFE003, lr  }
0x1b: {  	s9 =	sadd.s32 $0xFFFFFEF7, lr;
	s5 =	simm.s32 $0xFFFFFFFF;
	p2 =	slt.u32 s8, $0xFFFFF086  }
0x1c: {  	p1 =	slt.u32 s9, $0xF7A;
	s5 =	simm.s32 @!p2 $0x0  }
0x1d: {  	s5 =	simm.s32 @p1 $0x1;
	p0 =	seq.s32 s7, s2  }
0x1e: {  	s7 =	smul.u32 @!p0 $0xF7A, s2;
	p2 =	seq.s32 @!p0 s5, $0x0  }
0x1f: {  	s9 =	smul.u32 $0xF7A, s1;
	s8 =	simm.s32 @!p0 $0x1BF5;
	p2 =	por !p2, p0  }
0x20: {  	[sflag:s8] =	ssyncset.s32 @!p0 $0xFFFFF086;
	s6 =	sadd.s32 @!p0 s3, s7;
	s7 =	simm.s32 @!p0 $0x108  }
0x21: {  	s3 =	sadd.s32 s3, s9;
	s6 =	sadd.s32 @!p0 $0x88, s6;
	s7 =	simm.s32 @p2 $0x1082  }
0x22: {  	[simem:s7], [sflag:s8] =	dma.local @!p0 [hbm:s6], $0xF7A  }
0x23: {  	s9 =	sor.u32 $0xD0000000, s2;
	s6 =	simm.s32 $0x108;
	_ =	swait.ge @!p0 [sflag:s8], $0x0  }
0x24: {  	s3 =	sadd.s32 $0x88, s3;
	s6 =	simm.s32 @!p1 $0x1082;
	[sflag:s4] =	ssyncset.s32 $0xFFFFF086  }
0x25: {  	[simem:s6], [sflag:s4] =	dma.local [hbm:s3], $0xF7A  }
0x26: {  	[smem:$0x3F9F] =	sst s1;
	(tag) =	ssettag s2;
	_ =	strace s9  }
0x27: {  	s1 =	sld [smem:$0x3FAF]  }
0x28: {  	s2 =	sld [smem:$0x3FB0]  }
0x29: {  	s4 =	sld [smem:$0x3FB2]  }
0x2a: {  	p0 =	seq.s32 s5, $0x0;
	s5 =	sld [smem:$0x3FB3]  }
0x2b: {  	s6 =	sld [smem:$0x3FB4]  }
0x2c: {  	s7 =	sld [smem:$0x3FB5]  }
0x2d: {  	s3 =	simm.s32 $0x108;
	s8 =	sld [smem:$0x3FB6]  }
0x2e: {  	s3 =	simm.s32 @!p0 $0x1082;
	s9 =	sld [smem:$0x3FB7]  }
0x2f: {  	lr =	sadd.s32 s0, s3;
	s0 =	sld [smem:$0x3FAE]  }
0x30: {  	s3 =	sld [smem:$0x3FB1]  }
0x31: {  	[smem:$0x3FBA] =	sst s10  }
0x32: {  	s10 =	sld [smem:$0x3FB8];
	_ =	sdelay $0x3  }
0x33: {  	p0 =	seq.s32 s10, $0x1;
	s10 =	sld [smem:$0x3FBA];
	_ =	sdelay $0x3  }
0x34: {  	[smem:$0x3FBA] =	sst s10  }
0x35: {  	s10 =	sld [smem:$0x3FB9];
	_ =	sdelay $0x3  }
0x36: {  	p1 =	seq.s32 s10, $0x1;
	s10 =	sld [smem:$0x3FBA];
	_ =	sdelay $0x3  }
0x37: {  	[smem:$0x3FBA] =	sst s10  }
0x38: {  	s10 =	sld [smem:$0x3FBB]  }
0x39: {  	_ = 	snop;
	(pc) =	sbr.ind lr, $3  }
0x3a: {  	_ = 	snop  }
0x3b: {  	_ = 	snop  }
0x3c: {  	p2 =	seq.s32 s10, $0x1;
	s10 =	sld [smem:$0x3FBA]  }
0x3d: {  	_ =	shalt  }
0x3e: {  	_ =	shalt  }
0x3f: {  	_ =	shalt  }
0x40: {  	_ =	shalt  }
0x41: {  	_ =	shalt  }
0x42: {  	_ =	shalt  }
0x43: {  	_ =	shalt  }
0x44: {  	_ =	shalt  }
0x45: {  	_ =	shalt  }
0x46: {  	_ =	shalt  }
0x47: {  	_ =	shalt  }
0x48: {  	_ =	shalt  }
0x49: {  	_ =	shalt  }
0x4a: {  	_ =	shalt  }
0x4b: {  	_ =	shalt  }
0x4c: {  	_ =	shalt  }
0x4d: {  	_ =	shalt  }
0x4e: {  	_ =	shalt  }
0x4f: {  	_ =	shalt  }
0x50: {  	_ =	shalt  }
0x51: {  	_ =	shalt  }
0x52: {  	_ =	shalt  }
0x53: {  	_ =	shalt  }
0x54: {  	_ =	shalt  }
0x55: {  	_ =	shalt  }
0x56: {  	_ =	shalt  }
0x57: {  	_ =	shalt  }
0x58: {  	_ =	shalt  }
0x59: {  	_ =	shalt  }
0x5a: {  	_ =	shalt  }
0x5b: {  	_ =	shalt  }
0x5c: {  	_ =	shalt  }
0x5d: {  	_ =	shalt  }
0x5e: {  	_ =	shalt  }
0x5f: {  	_ =	shalt  }
0x60: {  	_ =	shalt  }
0x61: {  	_ =	shalt  }
0x62: {  	_ =	shalt  }
0x63: {  	_ =	shalt  }
0x64: {  	_ =	shalt  }
0x65: {  	_ =	shalt  }
0x66: {  	_ =	shalt  }
0x67: {  	_ =	shalt  }
0x68: {  	_ =	shalt  }
0x69: {  	_ =	shalt  }
0x6a: {  	_ =	shalt  }
0x6b: {  	_ =	shalt  }
0x6c: {  	_ =	shalt  }
0x6d: {  	_ =	shalt  }
0x6e: {  	_ =	shalt  }
0x6f: {  	_ =	shalt  }
0x70: {  	_ =	shalt  }
0x71: {  	_ =	shalt  }
0x72: {  	_ =	shalt  }
0x73: {  	_ =	shalt  }
0x74: {  	_ =	shalt  }
0x75: {  	_ =	shalt  }
0x76: {  	_ =	shalt  }
0x77: {  	_ =	shalt  }
0x78: {  	_ =	shalt  }
0x79: {  	_ =	shalt  }
0x7a: {  	_ =	shalt  }
0x7b: {  	_ =	shalt  }
0x7c: {  	_ =	shalt  }
0x7d: {  	_ =	shalt  }
0x7e: {  	_ =	shalt  }
0x7f: {  	_ =	shalt  }
0x80: {  	_ =	shalt  }
0x81: {  	_ =	shalt  }
0x82: {  	_ =	shalt  }
0x83: {  	_ =	shalt  }
0x84: {  	_ =	shalt  }
0x85: {  	_ =	shalt  }
0x86: {  	_ =	shalt  }
0x87: {  	_ =	shalt  }
.Lfunc_end0:
.L_simem_size_0:
called_computation_lowered:
.L_overlay_start_0:
0x88: {  	s2 =	sld [smem:$0x3FD9]  }
0x89: {  	s3 =	sld [smem:$0x3FFE];
	_ =	sdelay $0x1  }
0x8a: {  	s1 =	srdreg.scid  }
0x8b: {  	s0 =	sand.u32 $0x1, s1  }
0x8c: {  	s17 =	sshll.u32 s0, $0xA;
	s2 =	sadd.s32 s3, s2  }
0x8d: {  	s2 =	sadd.s32 s2, s17  }
0x8e: {  	[smem:$0x3FC6] =	sst s2  }
0x8f: {  	_ = 	snop  }
0x90: {  	s2 =	sld [smem:$0x3FD0];
	(tm) =	ssettm $0x1  }
0x91: {  	s18 =	sld [smem:$0x3FFB];
	_ =	sdelay $0x3  }
0x92: {  	_ =	strace s18  }
0x93: {  	s3 =	sld [smem:$0x3FFC];
	_ =	sdelay $0x3  }
0x94: {  	_ =	strace s3  }
0x95: {  	s3 =	sld [smem:$0x3FFD];
	_ =	sdelay $0x3  }
0x96: {  	_ =	strace s3  }
0x97: {  	_ =	strace $0x8FFFFFFF  }
0x98: {  	s19 =	sld [smem:$0x3FDB];
	_ =	sdelay $0x1  }
0x99: {  	s4 =	simm.s32 $_scs_section_size  }
0x9a: {  	s5 =	simm.s32 $_size__tile_overlayer_lowered;
	s6 =	simm.s32 $_tile_overlayer_lowered  }
0x9b: {  	s22 =	simm.s32 $0x1BFF;
	s21 =	sshll.u32 s6, $0x1;
	s3 =	sadd.s32 s4, s19  }
0x9c: {  	s7 =	simm.s32 $0x0;
	s20 =	sshll.u32 s5, $0x1;
	s5 =	sadd.s32 s21, s3  }
0x9d: {  	[timem:s7], [sflag:s22] =	dma.local [hbm:s5], s20  }
0x9e: {  	_ =	swait.ge [sflag:s22], s20  }
0x9f: {  	s4 =	ssub.s32 $0x0, s20;
	[sflag:s22] =	ssyncset.done $0x0  }
0xa0: {  	[sflag:s22] =	ssyncadd.s32 s4;
	_ =	sdelay $0x1  }
0xa1: {  	s23 =	simm.s32 $0x1B8B  }
0xa2: {  	_ =	swait.ge [sflag:s23], $0x1  }
0xa3: {  	[sflag:s23] =	ssyncset.done $0x0  }
0xa4: {  	s25 =	simm.s32 $0x1B8E;
	s24 =	sld [smem:$0x3FFE];
	[sflag:s23] =	ssyncadd.s32 $0xFFFFFFFF  }
0xa5: {  	s26 =	simm.s32 $execute0_lowered;
	[smem:$0x3FD2] =	sst s25  }
0xa6: {  	s5 =	sshll.u32 s26, $0x1;
	_ =	strace $0x80000046;
	[dreg:$0x1] =	wrdreg $0xFFFFFFFF  }
0xa7: {  	s28 =	simm.s32 $_size_execute0_lowered;
	s3 =	sadd.s32 s3, s5;
	[dreg:$0x0] =	wrdreg $0x0  }
0xa8: {  	s5 =	sshll.u32 s28, $0x1;
	[dreg:$0x2] =	wrdreg s3  }
0xa9: {  	[dreg:$0x3] =	wrdreg s5  }
0xaa: {  	[dreg:$0x4] =	wrdreg $0xC0  }
0xab: {  	_ =	task [dreg:s7], $0x5FFFF  }
0xac: {  	[dreg:$0x1] =	wrdreg $0xFFFFFFFF  }
0xad: {  	[dreg:$0x0] =	wrdreg $0x60  }
0xae: {  	[dreg:$0x2] =	wrdreg s2  }
0xaf: {  	[dreg:$0x3] =	wrdreg s24  }
0xb0: {  	[dreg:$0x4] =	wrdreg $0x9  }
0xb1: {  	_ =	task.clear_ibuf [dreg:s7], $0x5FFFF;
	_ =	strace $0x90000046  }
0xb2: {  	s29 =	simm.s32 $0x9;
	_ =	strace $0x80000048  }
0xb3: {  	_ =	swait.ge [sflag:s29], $0x1  }
0xb4: {  	[sflag:s29] =	ssyncadd.s32 $0xFFFFFFFF  }
0xb5: {  	_ =	strace $0x90000048  }
0xb6: {  	_ =	sfence  }
0xb7: {  	s30 =	sld [smem:$0x0];
	_ =	sdelay $0x2  }
0xb8: {  	s31 =	sshll.u32 s1, $0xD;
	s1 =	sshrl.u32 s1, $0x2  }
0xb9: {  	s3 =	sand.u32 $0x4000, s31;
	s1 =	sadd.s32 s1, s30  }
0xba: {  	s0 =	sor.u32 s3, s0;
	s1 =	sshll.u32 s1, $0x11  }
0xbb: {  	s0 =	sor.u32 s1, s0  }
0xbc: {  	s0 =	sadd.s32 $0x8F2B, s0  }
0xbd: {  	[sflag:s0] =	ssyncadd.remote.s32 $0x1  }
0xbe: {  	_ =	sfence.sel $0xFFFF  }
0xbf: {  	[dreg:$0x0] =	wrdreg $0xFFFFFFFF;
	(pc) =	sbr.abs _section_cstart, $3  }
0xc0: {  	[dreg:$0x1] =	wrdreg $0xFFFFFFFF  }
0xc1: {  	_ =	task.clear_ibuf [dreg:s7], $0x2FFFF;
	_ =	strace $0x9FFFFFFF  }
0xc2: {  	(tm) =	ssettm $0x7FFFFFFF  }
0xc3: {  	_ =	shalt  }
tec
execute0_lowered:
.L_overlay_start_1:
0x0: {  	(tag) =	ssettag $0x1  }
0x1: {  	v0 =	vimm.s32 $0x76543210  }
0x2: {  	v1 =	vimm.s32 $0xFEDCBA98;
	v2 =	vimm.s32 $0x3210FEDC;
	v3 =	vimm.s32 $0xBA987654  }
0x3: {  	vm0 =	vcmask $0x2F20;
	vm1 =	vcmask $0xF00;
	v5 =	vimm.s32 $0xDCBA9876  }
0x4: {  	v6 =	vimm.s32 $0x543210FE;
	v7 =	vimm.s32 $0xFEDCBA9;
	v8 =	vimm.s32 $0x87654321  }
0x5: {  	vm2 =	vcmask $0x700;
	vm3 =	vcmask $0xB08;
	vm4 =	vcmask $0x300  }
0x6: {  	v1 =	vunpack.c.l.s4.s8 v1;
	v0 =	vunpack.c.l.s4.s8 v0;
	v2 =	vunpack.c.l.s4.s8 v2  }
0x7: {  	v3 =	vunpack.c.l.s4.s8 v3;
	vm0 =	vmor vm1, vm0;
	v5 =	vunpack.c.l.s4.s8 v5  }
0x8: {  	v6 =	vunpack.c.l.s4.s8 v6;
	vm1 =	vcmask $0x1710;
	vm3 =	vmor vm4, vm3  }
0x9: {  	vm4 =	vcmask $0x1310;
	vm1 =	vmor vm2, vm1;
	vm2 =	vcmask $0x2720  }
0xa: {  	vm3 =	vmor vm3, vm4;
	vm4 =	vcmask $0x1B18;
	v1 =	vunpack.c.0.s8.s32 v1  }
0xb: {  	v0 =	vunpack.c.0.s8.s32 v0;
	v2 =	vunpack.c.0.s8.s32 v2;
	v3 =	vunpack.c.0.s8.s32 v3  }
0xc: {  	v5 =	vunpack.c.0.s8.s32 v5;
	v6 =	vunpack.c.0.s8.s32 v6;
	vm3 =	vmor vm3, vm4  }
0xd: {  	v1 =	vand.u32 $0xF, v1;
	v4 =	vcombine.low v3, v2;
	v3 =	vcombine.low v2, v3  }
0xe: {  	s0 =	rddreg [dreg:$0x0];
	s1 =	srdreg.scid;
	v2 =	vimm.s32 $0x98765432;
	v0 =	vcombine.low v1, v0;
	v1 =	vimm.s32 $0x10FEDCBA  }
0xf: {  	s2 =	stileid.u32;
	s5 =	rddreg [dreg:$0x1];
	vm4 =	vcmask $0x2320;
	v2 =	vunpack.c.l.s4.s8 v2;
	v1 =	vunpack.c.l.s4.s8 v1  }
0x10: {  	s11 =	simm.s32 $0x9;
	s20 =	simm.s32 $0x100;
	s23 =	simm.s32 $0x18800;
	vm1 =	vmor vm1, vm2;
	vm2 =	vcmask $0x3730;
	vm3 =	vmor vm3, vm4  }
0x11: {  	s24 =	simm.s32 $0x1A800;
	s28 =	simm.s32 $0x2;
	s29 =	simm.s32 $0x1C900;
	vm4 =	vcmask $0x2B28;
	v2 =	vunpack.c.0.s8.s32 v2;
	v1 =	vunpack.c.0.s8.s32 v1  }
0x12: {  	s30 =	simm.s32 $0x3;
	s31 =	simm.s32 $0x1CA00;
	s13 =	simm.s32 $0x5;
	vm1 =	vmor vm1, vm2;
	vm3 =	vmor vm3, vm4;
	vm4 =	vcmask $0x3330  }
0x13: {  	s14 =	simm.s32 $0x6;
	s15 =	simm.s32 $0x7;
	s16 =	simm.s32 $0x8;
	v9 =	vcombine.low v2, v1;
	v1 =	vunpack.c.l.s4.s8 v7;
	v2 =	vunpack.c.l.s4.s8 v8  }
0x14: {  	s1 =	sand.u32 $0x1, s1;
	s3 =	sshll.u32 s2, $0x1;
	s2 =	simm.s32 $0x0;
	v5 =	vcombine.low v6, v5;
	vm3 =	vmor vm3, vm4;
	v7 =	vimm.s32 $0xF7B3D591  }
0x15: {  	s4 =	sadd.s32 $0xF5BA00, s5;
	s3 =	sor.u32 s1, s3;
	s1 =	ssub.s32 $0x2, s1;
	v8 =	vimm.s32 $0xE6A2C480;
	v1 =	vunpack.c.0.s8.s32 v1;
	v2 =	vunpack.c.0.s8.s32 v2  }
0x16: {  	[smem:$0x7FF] =	sst s2;
	s3 =	smul.u32 $0x6400, s3;
	s8 =	sshrl.u32 s1, $0x1;
	vm4 =	vcmask $0x3B38;
	v7 =	vunpack.c.l.s4.s8 v7;
	v8 =	vunpack.c.l.s4.s8 v8  }
0x17: {  	s17 =	simm.s32 $0x0;
	_ =	strace $0x80000047;
	s1 =	ssub.s32 s1, s8;
	v6 =	vcombine.low v2, v1;
	v1 =	vimm.s32 $0xEDCBA987;
	v2 =	vimm.s32 $0x6543210F  }
0x18: {  	s6 =	sshrl.u32 s3, $0x3;
	s8 =	sor.u32 $0x100, s3;
	s9 =	sor.u32 $0x200, s3;
	vm2 =	vmor vm3, vm4;
	v1 =	vunpack.c.l.s4.s8 v1;
	v2 =	vunpack.c.l.s4.s8 v2  }
0x19: {  	s26 =	smax.u32 s1, $0x1;
	s1 =	simm.s32 $0x4;
	s7 =	sadd.s32 s6, s5;
	vm3 =	vmmov $0xff;
	v7 =	vunpack.c.0.s8.s32 v7;
	v8 =	vunpack.c.0.s8.s32 v8  }
0x1a: {  	s5 =	sadd.s32 $0x19600, s5;
	s0 =	sadd.s32 s0, s6;
	[dreg:$0x5] =	wrdreg s26;
	v3 =	vand.u32 $0xF, v3;
	v1 =	vunpack.c.0.s8.s32 v1;
	v2 =	vunpack.c.0.s8.s32 v2  }
0x1b: {  	s26 =	simm.s32 $0x1C800;
	[dreg:$0x3] =	wrdreg s0;
	s25 =	sadd.s32 $0x600, s7;
	v5 =	vand.u32 $0xF, v5;
	v7 =	vcombine.low v8, v7;
	v6 =	vand.u32 $0xF, v6  }
0x1c: {  	s0 =	simm.s32 $0x1CB00;
	[dreg:$0x4] =	wrdreg s25;
	s25 =	simm.s32 $0x1;
	v1 =	vcombine.low v2, v1;
	v2 =	vand.u32 $0xF, v4;
	v4 =	vand.u32 $0xF, v9  }
.LBB2_1:
0x1d: {  	s6 =	rddreg [dreg:$0x3]  }
0x1e: {  	[tilespmem:s2], [sflag:$0x9] =	stream.linear.gather [hbm4b:s6+s2], $0x6400, $0x38;
	[tilespmem:$0x1CC00] =	vst v63  }
0x1f: {  	_ =	swait.ge [sflag:s11], $0x6400  }
0x20: {  	[sflag:s11] =	ssyncset.done $0x0  }
0x21: {  	s7 =	simm.s32 $0x6400;
	s19 =	rddreg [dreg:$0x4];
	[sflag:s11] =	ssyncadd.s32 $0xFFFF9C00  }
0x22: {  	[tilespmem:s7], [sflag:$0x9] =	stream.linear.gather [hbm4b:s19+s2], $0x6400, $0x38;
	[tilespmem:$0x1CC00] =	vst v63  }
0x23: {  	_ =	swait.ge [sflag:s11], $0x6400  }
0x24: {  	[sflag:s11] =	ssyncset.done $0x0  }
0x25: {  	s21 =	simm.s32 $0xC800;
	[sflag:s11] =	ssyncadd.s32 $0xFFFF9C00  }
0x26: {  	[tilespmem:s21], [sflag:$0x1] =	stream.indirect.gather [hbm4b:s4+s20], $0x20, s2, s20, $0xb8;
	[tilespmem:$0x1CC00] =	vst v63  }
0x27: {  	s22 =	simm.s32 $0xE800  }
0x28: {  	[tilespmem:s22], [sflag:$0x1] =	stream.indirect.gather [hbm4b:s4+s20], $0x20, s7, s20, $0xb8;
	[tilespmem:$0x1CC00] =	vst v63  }
0x29: {  	s7 =	simm.s32 $0x10800  }
0x2a: {  	[tilespmem:s7], [sflag:$0x2] =	stream.indirect.gather [hbm4b:s4+s20], $0x20, s20, s20, $0xb8;
	[tilespmem:$0x1CC00] =	vst v63  }
0x2b: {  	s10 =	simm.s32 $0x6500;
	s12 =	simm.s32 $0x12800  }
0x2c: {  	[tilespmem:s12], [sflag:$0x2] =	stream.indirect.gather [hbm4b:s4+s20], $0x20, s10, s20, $0xb8;
	[tilespmem:$0x1CC00] =	vst v63  }
0x2d: {  	s18 =	simm.s32 $0x200;
	s19 =	simm.s32 $0x14800  }
0x2e: {  	[tilespmem:s19], [sflag:$0x3] =	stream.indirect.gather [hbm4b:s4+s20], $0x20, s18, s20, $0xb8;
	[tilespmem:$0x1CC00] =	vst v63  }
0x2f: {  	s21 =	simm.s32 $0x6600;
	s22 =	simm.s32 $0x16800;
	s18 =	simm.s32 $0x0  }
0x30: {  	[tilespmem:s22], [sflag:$0x3] =	stream.indirect.gather [hbm4b:s4+s20], $0x20, s21, s20, $0xb8;
	[tilespmem:$0x1CC00] =	vst v63  }
.LBB2_2:
0x31: {  	s21 =	sshll.u32 s18, $0xA  }
0x32: {  	s19 =	sor.u32 $0x300, s21  }
0x33: {  	[tilespmem:s23], [sflag:$0x4] =	stream.indirect.gather [hbm4b:s4+s20], $0x20, s19, s20, $0xb8;
	[tilespmem:$0x1CC00] =	vst v63  }
0x34: {  	s6 =	sadd.s32 $0x6700, s21  }
0x35: {  	[tilespmem:s24], [sflag:$0x4] =	stream.indirect.gather [hbm4b:s4+s20], $0x20, s6, s20, $0xb8;
	[tilespmem:$0x1CC00] =	vst v63  }
0x36: {  	_ =	swait.ge [sflag:s25], $0x2000  }
0x37: {  	[sflag:s25] =	ssyncset.done $0x0  }
0x38: {  	[sflag:s25] =	ssyncadd.s32 $0xFFFFE000  }
0x39: {  	_ =	swait.ge [sflag:s25], $0x2000  }
0x3a: {  	p0 =	seq.s32 s18, $0x0;
	[sflag:s25] =	ssyncset.done $0x0  }
0x3b: {  	s6 =	simm.s32 @!p0 $0x5;
	[sflag:s25] =	ssyncadd.s32 $0xFFFFE000  }
0x3c: {  	_ =	swait.ge @!p0 [sflag:s6], $0x100  }
0x3d: {  	[sflag:s6] =	ssyncset.done @!p0 $0x0  }
0x3e: {  	s22 =	simm.s32 $0xE800;
	[sflag:s6] =	ssyncadd.s32 @!p0 $0xFFFFFF00  }
0x3f: {  	v10 =	vld [tilespmem:s22+$0x20]  }
0x40: {  	v13 =	vld [tilespmem:s22+$0xFFFFE030]  }
0x41: {  	v14 =	vld [tilespmem:s22+$0x30]  }
0x42: {  	v15 =	vld [tilespmem:s22+$0xFFFFE020]  }
0x43: {  	v8 =	vld [tilespmem:s22+$0xFFFFE000]  }
0x44: {  	v16 =	vld [tilespmem:s22+$0xFFFFE0A0]  }
0x45: {  	v17 =	vld [tilespmem:s22+$0xFFFFE0B0]  }
0x46: {  	v18 =	vld [tilespmem:s22+$0xB0]  }
0x47: {  	v19 =	vld [tilespmem:s22+$0xA0]  }
0x48: {  	v20 =	vld [tilespmem:s22+$0x90]  }
0x49: {  	v21 =	vld [tilespmem:s22+$0x80]  }
0x4a: {  	v22 =	vld [tilespmem:s22+$0xFFFFE090]  }
0x4b: {  	v23 =	vld [tilespmem:s22+$0xFFFFE080]  }
0x4c: {  	v24 =	vld [tilespmem:s22+$0x70]  }
0x4d: {  	v25 =	vld [tilespmem:s22+$0x60]  }
0x4e: {  	v26 =	vld [tilespmem:s22+$0xFFFFE070]  }
0x4f: {  	v27 =	vld [tilespmem:s22+$0xFFFFE060]  }
0x50: {  	v12 =	vld [tilespmem:s22+$0x50]  }
0x51: {  	v11 =	vld [tilespmem:s22+$0x40]  }
0x52: {  	v28 =	vld [tilespmem:s22+$0x130]  }
0x53: {  	v29 =	vld [tilespmem:s22+$0x120]  }
0x54: {  	v30 =	vld [tilespmem:s22+$0xFFFFE130]  }
0x55: {  	v31 =	vld [tilespmem:s22+$0xFFFFE120]  }
0x56: {  	v32 =	vld [tilespmem:s22+$0x110]  }
0x57: {  	v33 =	vld [tilespmem:s22+$0x100]  }
0x58: {  	v34 =	vld [tilespmem:s22+$0xFFFFE110]  }
0x59: {  	v35 =	vld [tilespmem:s22+$0xFFFFE100]  }
0x5a: {  	v49 =	vld [tilespmem:s22+$0x1B0]  }
0x5b: {  	v50 =	vld [tilespmem:s22+$0x1A0]  }
0x5c: {  	v36 =	vld [tilespmem:s22+$0xFFFFE1B0]  }
0x5d: {  	v51 =	vld [tilespmem:s22+$0xFFFFE1A0]  }
0x5e: {  	v53 =	vld [tilespmem:s22+$0xFFFFE190]  }
0x5f: {  	v54 =	vld [tilespmem:s22+$0xFFFFE180]  }
0x60: {  	v61 =	vld [tilespmem:s22+$0xFFFFE170];
	v13 =	vsub.f32 v13, v14  }
0x61: {  	v37 =	vld [tilespmem:s22+$0xFFFFE160];
	v10 =	vsub.f32 v15, v10;
	v17 =	vsub.f32 v17, v18  }
0x62: {  	v38 =	vld [tilespmem:s22+$0x150];
	v16 =	vsub.f32 v16, v19;
	v20 =	vsub.f32 v22, v20  }
0x63: {  	v40 =	vld [tilespmem:s22+$0x140];
	v21 =	vsub.f32 v23, v21;
	v56 =	vsub.f32 v26, v24  }
0x64: {  	v43 =	vld [tilespmem:s22+$0xFFFFE150];
	v57 =	vsub.f32 v27, v25;
	v59 =	vsub.f32 v30, v28  }
0x65: {  	v45 =	vld [tilespmem:s22+$0xFFFFE140];
	v60 =	vsub.f32 v31, v29;
	v63 =	vsub.f32 v34, v32  }
0x66: {  	v46 =	vld [tilespmem:s22+$0xF0];
	v33 =	vsub.f32 v35, v33;
	v14 =	vsub.f32 v36, v49  }
0x67: {  	v18 =	vld [tilespmem:s22+$0x190];
	v10 =	vmax.f32 v10, $0.0e+00;
	v13 =	vmax.f32 v13, $0.0e+00;
	v17 =	vmax.f32 v17, $0.0e+00  }
0x68: {  	v22 =	vld [tilespmem:s22+$0x180];
	v16 =	vmax.f32 v16, $0.0e+00;
	v55 =	vmax.f32 v21, $0.0e+00;
	v20 =	vmax.f32 v20, $0.0e+00  }
0x69: {  	v24 =	vld [tilespmem:s22+$0x170];
	v21 =	vmax.f32 v56, $0.0e+00;
	v28 =	vmax.f32 v60, $0.0e+00;
	v27 =	vmax.f32 v59, $0.0e+00  }
0x6a: {  	v25 =	vld [tilespmem:s22+$0x160];
	v41 =	vmax.f32 v33, $0.0e+00;
	v42 =	vmax.f32 v63, $0.0e+00;
	v10 =	vadd.f32 v13, v10  }
0x6b: {  	v49 =	vld [tilespmem:s22+$0xE0];
	v14 =	vmax.f32 v14, $0.0e+00;
	v16 =	vadd.f32 v17, v16;
	v19 =	vadd.f32 v20, v55  }
0x6c: {  	v59 =	vld [tilespmem:s22+$0x1E0];
	v20 =	vmax.f32 v57, $0.0e+00;
	v39 =	vadd.f32 v27, v28;
	v13 =	vsub.f32 v51, v50  }
0x6d: {  	v60 =	vld [tilespmem:s22+$0xFFFFE1F0];
	v27 =	vsub.f32 v45, v40;
	v20 =	vadd.f32 v21, v20;
	v52 =	vperm.xlane v10, v0  }
0x6e: {  	v63 =	vld [tilespmem:s22+$0x1D0];
	v21 =	vadd.f32 v42, v41;
	v58 =	vperm.xlane v16, v0;
	v62 =	vperm.xlane v19, v0  }
0x6f: {  	v51 =	vld [tilespmem:s22+$0xFFFFE0F0];
	v44 =	vperm.xlane v39, v0;
	v18 =	vsub.f32 v53, v18;
	v17 =	vsub.f32 v54, v22  }
0x70: {  	v57 =	vld [tilespmem:s22+$0x1F0];
	v13 =	vmax.f32 v13, $0.0e+00;
	v24 =	vsub.f32 v61, v24;
	v25 =	vsub.f32 v37, v25  }
0x71: {  	v40 =	vld [tilespmem:s22+$0xFFFFE1C0];
	v61 =	vsub.f32 v43, v38;
	v27 =	vmax.f32 v27, $0.0e+00;
	v13 =	vadd.f32 v14, v13  }
0x72: {  	v41 =	vld [tilespmem:s22+$0xFFFFE0D0];
	v47 =	vperm.xlane v20, v0;
	v10 =	vadd.f32 v52, v10;
	v16 =	vadd.f32 v58, v16  }
0x73: {  	v53 =	vld [tilespmem:s22+$0xFFFFE0E0];
	v50 =	vperm.xlane v21, v0;
	v19 =	vadd.f32 v62, v19;
	v48 =	vadd.f32 v44, v39  }
0x74: {  	v37 =	vld [tilespmem:s22+$0x1C0];
	v17 =	vmax.f32 v17, $0.0e+00;
	v18 =	vmax.f32 v18, $0.0e+00;
	v24 =	vmax.f32 v24, $0.0e+00  }
0x75: {  	v38 =	vld [tilespmem:s22+$0xFFFFE1D0];
	v25 =	vmax.f32 v25, $0.0e+00;
	v21 =	vadd.f32 v50, v21;
	v20 =	vadd.f32 v47, v20  }
0x76: {  	v54 =	vld [tilespmem:s22+$0xD0];
	v55 =	vperm.xlane v13, v0;
	v17 =	vadd.f32 v18, v17;
	v16 =	vsel vm3, v19, v16  }
0x77: {  	v62 =	vld [tilespmem:s22+$0xFFFFE1E0];
	v24 =	vadd.f32 v24, v25;
	v15 =	vsub.f32 v51, v46;
	v52 =	vperm.xlane v16, v2  }
0x78: {  	v56 =	vld [tilespmem:s22+$0xC0];
	v19 =	vsel vm3, v21, v48;
	v13 =	vadd.f32 v55, v13;
	v36 =	vperm.xlane v17, v0  }
0x79: {  	v44 =	vld [tilespmem:s22+$0xFFFFE050];
	v14 =	vsub.f32 v53, v49;
	v39 =	vperm.xlane v24, v0;
	v21 =	vsub.f32 v60, v57  }
0x7a: {  	v43 =	vld [tilespmem:s22+$0xFFFFE0C0];
	v15 =	vmax.f32 v15, $0.0e+00;
	v26 =	vsub.f32 v38, v63;
	v23 =	vsub.f32 v40, v37  }
0x7b: {  	v46 =	vld [tilespmem:s22+$0xFFFFE040];
	v22 =	vsub.f32 v41, v54;
	v58 =	vperm.xlane v19, v2;
	v16 =	vadd.f32 v52, v16  }
0x7c: {  	v47 =	vld [tilespmem:s22+$0x0];
	v14 =	vmax.f32 v14, $0.0e+00;
	v29 =	vsub.f32 v62, v59;
	v17 =	vadd.f32 v36, v17  }
0x7d: {  	v24 =	vadd.f32 v39, v24;
	v21 =	vmax.f32 v21, $0.0e+00;
	v26 =	vmax.f32 v26, $0.0e+00  }
0x7e: {  	v9 =	vld [tilespmem:s22+$0x10];
	v23 =	vmax.f32 v23, $0.0e+00;
	v12 =	vsub.f32 v44, v12;
	v18 =	vadd.f32 v58, v19  }
0x7f: {  	v48 =	vld [tilespmem:s22+$0xFFFFE010];
	v22 =	vmax.f32 v22, $0.0e+00;
	v14 =	vadd.f32 v15, v14;
	v15 =	vsub.f32 v43, v56  }
0x80: {  	v19 =	vmax.f32 v61, $0.0e+00;
	v50 =	vadd.f32 v26, v23;
	v11 =	vsub.f32 v46, v11  }
0x81: {  	v8 =	vsub.f32 v8, v47;
	v19 =	vadd.f32 v19, v27;
	v29 =	vmax.f32 v29, $0.0e+00  }
0x82: {  	v13 =	vsel vm3, v17, v13;
	v12 =	vmax.f32 v12, $0.0e+00;
	v45 =	vperm.xlane v14, v0  }
0x83: {  	v21 =	vadd.f32 v21, v29;
	v15 =	vmax.f32 v15, $0.0e+00;
	v51 =	vperm.xlane v50, v0  }
0x84: {  	v9 =	vsub.f32 v48, v9;
	v11 =	vmax.f32 v11, $0.0e+00;
	v8 =	vmax.f32 v8, $0.0e+00  }
0x85: {  	v42 =	vperm.xlane v19, v0;
	v15 =	vadd.f32 v22, v15;
	v49 =	vperm.xlane v21, v0  }
0x86: {  	v11 =	vadd.f32 v12, v11;
	v17 =	vadd.f32 v51, v50;
	v9 =	vmax.f32 v9, $0.0e+00  }
0x87: {  	v19 =	vadd.f32 v42, v19;
	v52 =	vperm.xlane v15, v0;
	v21 =	vadd.f32 v49, v21  }
0x88: {  	v14 =	vadd.f32 v45, v14;
	v8 =	vadd.f32 v9, v8;
	v9 =	vperm.xlane v11, v0  }
0x89: {  	v19 =	vsel vm3, v19, v24;
	v53 =	vadd.f32 v52, v15;
	v54 =	vsel vm3, v17, v21  }
0x8a: {  	v57 =	vperm.xlane v8, v0;
	v9 =	vadd.f32 v9, v11;
	v56 =	vperm.xlane v54, v2  }
0x8b: {  	v11 =	vperm.xlane v13, v2;
	v24 =	vperm.xlane v19, v2;
	v12 =	vsel vm3, v53, v14  }
0x8c: {  	v9 =	vsel vm3, v9, v20;
	v58 =	vperm.xlane v12, v2;
	v15 =	vadd.f32 v56, v54  }
0x8d: {  	v8 =	vadd.f32 v57, v8;
	v55 =	vadd.f32 v24, v19;
	v60 =	vperm.xlane v9, v2  }
0x8e: {  	v11 =	vadd.f32 v11, v13;
	v12 =	vadd.f32 v58, v12;
	v59 =	vperm.xlane v15, v3  }
0x8f: {  	v8 =	vsel vm3, v8, v10;
	v17 =	vperm.xlane v55, v3;
	v9 =	vadd.f32 v60, v9  }
0x90: {  	v12 =	vperm.xlane v12, v3;
	v10 =	vsel vm0, v11, v59;
	v11 =	vperm.xlane v8, v2  }
0x91: {  	v61 =	vsel vm0, v18, v17;
	v9 =	vperm.xlane v9, v3;
	v63 =	vperm.xlane v10, v4  }
0x92: {  	v62 =	vperm.xlane v61, v4;
	v12 =	vsel vm0, v16, v12;
	v8 =	vadd.f32 v11, v8  }
0x93: {  	v11 =	vperm.xlane v12, v4;
	v10 =	vadd.f32 v63, v10  }
0x94: {  	v13 =	vadd.f32 v62, v61;
	v8 =	vsel vm0, v8, v9  }
0x95: {  	v9 =	vadd.f32 v11, v12;
	v10 =	vperm.xlane v10, v5;
	v11 =	vperm.xlane v8, v4;
	_ =	sdelay $0x1  }
0x96: {  	v9 =	vperm.xlane v9, v5;
	v10 =	vsel vm1, v13, v10;
	v8 =	vadd.f32 v11, v8  }
0x97: {  	v11 =	vperm.xlane v10, v6  }
0x98: {  	v8 =	vsel vm1, v8, v9  }
0x99: {  	v9 =	vadd.f32 v11, v10;
	v10 =	vperm.xlane v8, v6;
	_ =	sdelay $0x1  }
0x9a: {  	v9 =	vperm.xlane v9, v1;
	v8 =	vadd.f32 v10, v8;
	_ =	sdelay $0x1  }
0x9b: {  	v8 =	vsel vm2, v8, v9  }
0x9c: {  	s12 =	simm.s32 $0x0;
	s6 =	simm.s32 $0x40;
	v8 =	vperm.xlane v8, v7  }
.LBB2_3:
0x9d: {  	p1 =	sne.s32 s6, $0x3C0  }
0x9e: {  	s22 =	sadd.s32 $0x200, s22;
	s7 =	smov.u32 s6;
	s6 =	sadd.s32 $0x40, s6;
	v8 =	vsub.f32 $0.0e+00, v8  }
0x9f: {  	s10 =	sshra.s32 s12, $0x2;
	s12 =	smov.u32 s7  }
0xa0: {  	[tilespmem:s10+$0x1C800] =	vst v8  }
0xa1: {  	v8 =	vld [tilespmem:s22+$0x20]  }
0xa2: {  	v11 =	vld [tilespmem:s22+$0xFFFFE030]  }
0xa3: {  	v12 =	vld [tilespmem:s22+$0x30]  }
0xa4: {  	v13 =	vld [tilespmem:s22+$0xFFFFE020]  }
0xa5: {  	v9 =	vld [tilespmem:s22+$0xFFFFE000]  }
0xa6: {  	v10 =	vld [tilespmem:s22+$0x10]  }
0xa7: {  	v14 =	vld [tilespmem:s22+$0xFFFFE0A0]  }
0xa8: {  	v11 =	vsub.f32 v11, v12;
	v12 =	vld [tilespmem:s22+$0xFFFFE0B0]  }
0xa9: {  	v8 =	vsub.f32 v13, v8;
	v13 =	vld [tilespmem:s22+$0xB0]  }
0xaa: {  	v15 =	vld [tilespmem:s22+$0xA0]  }
0xab: {  	v11 =	vmax.f32 v11, $0.0e+00;
	v8 =	vmax.f32 v8, $0.0e+00;
	v16 =	vld [tilespmem:s22+$0x90]  }
0xac: {  	v8 =	vadd.f32 v11, v8;
	v11 =	vld [tilespmem:s22+$0x80]  }
0xad: {  	v17 =	vld [tilespmem:s22+$0xFFFFE090]  }
0xae: {  	v18 =	vld [tilespmem:s22+$0xFFFFE080];
	v12 =	vsub.f32 v12, v13;
	v13 =	vperm.xlane v8, v0  }
0xaf: {  	v19 =	vld [tilespmem:s22+$0x70];
	v14 =	vsub.f32 v14, v15  }
0xb0: {  	v15 =	vld [tilespmem:s22+$0x60];
	v12 =	vmax.f32 v12, $0.0e+00;
	v8 =	vadd.f32 v13, v8  }
0xb1: {  	v20 =	vld [tilespmem:s22+$0xFFFFE070];
	v13 =	vmax.f32 v14, $0.0e+00  }
0xb2: {  	v14 =	vld [tilespmem:s22+$0xFFFFE060];
	v16 =	vsub.f32 v17, v16;
	v17 =	vadd.f32 v12, v13  }
0xb3: {  	v13 =	vld [tilespmem:s22+$0x50];
	v11 =	vsub.f32 v18, v11  }
0xb4: {  	v12 =	vld [tilespmem:s22+$0x40];
	v18 =	vperm.xlane v17, v0  }
0xb5: {  	v16 =	vmax.f32 v16, $0.0e+00;
	v11 =	vmax.f32 v11, $0.0e+00;
	v21 =	vld [tilespmem:s22+$0x130]  }
0xb6: {  	v19 =	vsub.f32 v20, v19;
	v11 =	vadd.f32 v16, v11;
	v16 =	vld [tilespmem:s22+$0x120]  }
0xb7: {  	v14 =	vsub.f32 v14, v15;
	v15 =	vld [tilespmem:s22+$0xFFFFE130]  }
0xb8: {  	v19 =	vmax.f32 v19, $0.0e+00;
	v20 =	vld [tilespmem:s22+$0xFFFFE120];
	v22 =	vperm.xlane v11, v0  }
0xb9: {  	v17 =	vadd.f32 v18, v17;
	v14 =	vmax.f32 v14, $0.0e+00;
	v23 =	vld [tilespmem:s22+$0x110]  }
0xba: {  	v14 =	vadd.f32 v19, v14;
	v18 =	vld [tilespmem:s22+$0x100];
	v11 =	vadd.f32 v22, v11  }
0xbb: {  	v19 =	vld [tilespmem:s22+$0xFFFFE110]  }
0xbc: {  	v22 =	vld [tilespmem:s22+$0xFFFFE100];
	v15 =	vsub.f32 v15, v21;
	v21 =	vperm.xlane v14, v0;
	v11 =	vsel vm3, v11, v17  }
0xbd: {  	v16 =	vsub.f32 v20, v16;
	v17 =	vld [tilespmem:s22+$0x1B0];
	v20 =	vperm.xlane v11, v2  }
0xbe: {  	v24 =	vld [tilespmem:s22+$0x1A0];
	v14 =	vadd.f32 v21, v14  }
0xbf: {  	v15 =	vmax.f32 v15, $0.0e+00;
	v16 =	vmax.f32 v16, $0.0e+00;
	v21 =	vld [tilespmem:s22+$0xFFFFE1B0];
	v11 =	vadd.f32 v20, v11  }
0xc0: {  	v19 =	vsub.f32 v19, v23;
	v15 =	vadd.f32 v15, v16;
	v16 =	vld [tilespmem:s22+$0xFFFFE1A0]  }
0xc1: {  	v18 =	vsub.f32 v22, v18;
	v20 =	vld [tilespmem:s22+$0x190]  }
0xc2: {  	v22 =	vld [tilespmem:s22+$0x180];
	v23 =	vperm.xlane v15, v0  }
0xc3: {  	v19 =	vmax.f32 v19, $0.0e+00;
	v18 =	vmax.f32 v18, $0.0e+00;
	v25 =	vld [tilespmem:s22+$0xFFFFE190]  }
0xc4: {  	v18 =	vadd.f32 v19, v18;
	v19 =	vld [tilespmem:s22+$0xFFFFE180];
	v17 =	vsub.f32 v21, v17  }
0xc5: {  	v15 =	vadd.f32 v23, v15;
	v21 =	vld [tilespmem:s22+$0x170];
	v16 =	vsub.f32 v16, v24  }
0xc6: {  	v23 =	vld [tilespmem:s22+$0x160];
	v24 =	vperm.xlane v18, v0  }
0xc7: {  	v17 =	vmax.f32 v17, $0.0e+00;
	v26 =	vld [tilespmem:s22+$0xFFFFE170];
	v16 =	vmax.f32 v16, $0.0e+00  }
0xc8: {  	v27 =	vld [tilespmem:s22+$0xFFFFE160];
	v20 =	vsub.f32 v25, v20;
	v16 =	vadd.f32 v17, v16  }
0xc9: {  	v18 =	vadd.f32 v24, v18;
	v17 =	vld [tilespmem:s22+$0x150];
	v19 =	vsub.f32 v19, v22  }
0xca: {  	v22 =	vld [tilespmem:s22+$0x140];
	v24 =	vperm.xlane v16, v0  }
0xcb: {  	v20 =	vmax.f32 v20, $0.0e+00;
	v15 =	vsel vm3, v18, v15;
	v25 =	vld [tilespmem:s22+$0xFFFFE150];
	v19 =	vmax.f32 v19, $0.0e+00  }
0xcc: {  	v18 =	vld [tilespmem:s22+$0xFFFFE140];
	v21 =	vsub.f32 v26, v21;
	v19 =	vadd.f32 v20, v19;
	v20 =	vperm.xlane v15, v2  }
0xcd: {  	v16 =	vadd.f32 v24, v16;
	v26 =	vld [tilespmem:s22+$0xF0];
	v23 =	vsub.f32 v27, v23  }
0xce: {  	v24 =	vld [tilespmem:s22+$0xE0];
	v21 =	vmax.f32 v21, $0.0e+00;
	v27 =	vperm.xlane v19, v0;
	v15 =	vadd.f32 v20, v15  }
0xcf: {  	v20 =	vld [tilespmem:s22+$0xFFFFE0F0];
	v23 =	vmax.f32 v23, $0.0e+00  }
0xd0: {  	v28 =	vld [tilespmem:s22+$0xFFFFE0E0];
	v17 =	vsub.f32 v25, v17;
	v21 =	vadd.f32 v21, v23  }
0xd1: {  	v19 =	vadd.f32 v27, v19;
	v23 =	vld [tilespmem:s22+$0xD0];
	v18 =	vsub.f32 v18, v22  }
0xd2: {  	v22 =	vld [tilespmem:s22+$0xC0];
	v17 =	vmax.f32 v17, $0.0e+00;
	v25 =	vperm.xlane v21, v0  }
0xd3: {  	v16 =	vsel vm3, v19, v16;
	v18 =	vmax.f32 v18, $0.0e+00;
	v27 =	vld [tilespmem:s22+$0x1F0]  }
0xd4: {  	v19 =	vsub.f32 v20, v26;
	v17 =	vadd.f32 v17, v18;
	v18 =	vld [tilespmem:s22+$0x1E0];
	v20 =	vperm.xlane v16, v2  }
0xd5: {  	v21 =	vadd.f32 v25, v21;
	v24 =	vsub.f32 v28, v24;
	v26 =	vld [tilespmem:s22+$0xFFFFE1F0]  }
0xd6: {  	v25 =	vld [tilespmem:s22+$0xFFFFE1E0];
	v28 =	vperm.xlane v17, v0;
	v16 =	vadd.f32 v20, v16  }
0xd7: {  	v19 =	vmax.f32 v19, $0.0e+00;
	v20 =	vmax.f32 v24, $0.0e+00;
	v24 =	vld [tilespmem:s22+$0x1D0]  }
0xd8: {  	v19 =	vadd.f32 v19, v20;
	v20 =	vld [tilespmem:s22+$0x1C0];
	v17 =	vadd.f32 v28, v17  }
0xd9: {  	v28 =	vld [tilespmem:s22+$0xFFFFE1D0]  }
0xda: {  	v29 =	vld [tilespmem:s22+$0xFFFFE1C0];
	v26 =	vsub.f32 v26, v27;
	v27 =	vperm.xlane v19, v0;
	v17 =	vsel vm3, v17, v21  }
0xdb: {  	v21 =	vld [tilespmem:s22+$0xFFFFE0D0];
	v18 =	vsub.f32 v25, v18;
	v25 =	vperm.xlane v17, v2  }
0xdc: {  	v30 =	vld [tilespmem:s22+$0xFFFFE0C0];
	v19 =	vadd.f32 v27, v19  }
0xdd: {  	v26 =	vmax.f32 v26, $0.0e+00;
	v27 =	vld [tilespmem:s22+$0xFFFFE050];
	v18 =	vmax.f32 v18, $0.0e+00;
	v17 =	vadd.f32 v25, v17  }
0xde: {  	v25 =	vld [tilespmem:s22+$0xFFFFE040];
	v24 =	vsub.f32 v28, v24;
	v18 =	vadd.f32 v26, v18  }
0xdf: {  	v26 =	vld [tilespmem:s22+$0x0];
	v20 =	vsub.f32 v29, v20;
	v17 =	vperm.xlane v17, v3  }
0xe0: {  	v28 =	vld [tilespmem:s22+$0xFFFFE010];
	v21 =	vsub.f32 v21, v23;
	v23 =	vmax.f32 v24, $0.0e+00;
	v24 =	vperm.xlane v18, v0  }
0xe1: {  	v22 =	vsub.f32 v30, v22;
	v20 =	vmax.f32 v20, $0.0e+00;
	v15 =	vsel vm0, v15, v17  }
0xe2: {  	v17 =	vadd.f32 v23, v20;
	v18 =	vadd.f32 v24, v18;
	v20 =	vperm.xlane v15, v4  }
0xe3: {  	v13 =	vsub.f32 v27, v13;
	v21 =	vmax.f32 v21, $0.0e+00;
	v22 =	vmax.f32 v22, $0.0e+00  }
0xe4: {  	v12 =	vsub.f32 v25, v12;
	v21 =	vadd.f32 v21, v22;
	v22 =	vperm.xlane v17, v0  }
0xe5: {  	v9 =	vsub.f32 v9, v26;
	v13 =	vmax.f32 v13, $0.0e+00;
	v10 =	vsub.f32 v28, v10  }
0xe6: {  	v12 =	vmax.f32 v12, $0.0e+00;
	v23 =	vperm.xlane v21, v0;
	v17 =	vadd.f32 v22, v17  }
0xe7: {  	v9 =	vmax.f32 v9, $0.0e+00;
	v12 =	vadd.f32 v13, v12;
	v10 =	vmax.f32 v10, $0.0e+00  }
0xe8: {  	v15 =	vadd.f32 v20, v15;
	v13 =	vadd.f32 v23, v21;
	v17 =	vsel vm3, v17, v18  }
0xe9: {  	v9 =	vadd.f32 v10, v9;
	v10 =	vperm.xlane v12, v0;
	v18 =	vperm.xlane v17, v2  }
0xea: {  	v13 =	vsel vm3, v13, v19  }
0xeb: {  	v19 =	vperm.xlane v9, v0;
	v20 =	vperm.xlane v13, v2;
	v17 =	vadd.f32 v18, v17  }
0xec: {  	v10 =	vadd.f32 v10, v12  }
0xed: {  	v12 =	vadd.f32 v20, v13;
	v13 =	vperm.xlane v17, v3  }
0xee: {  	v9 =	vadd.f32 v19, v9;
	v10 =	vsel vm3, v10, v14  }
0xef: {  	v14 =	vperm.xlane v10, v2;
	v12 =	vperm.xlane v12, v3;
	v13 =	vsel vm0, v16, v13  }
0xf0: {  	v8 =	vsel vm3, v9, v8;
	v9 =	vperm.xlane v13, v4  }
0xf1: {  	v16 =	vperm.xlane v8, v2;
	v10 =	vadd.f32 v14, v10;
	v11 =	vsel vm0, v11, v12  }
0xf2: {  	v12 =	vperm.xlane v11, v4;
	v9 =	vadd.f32 v9, v13  }
0xf3: {  	v8 =	vadd.f32 v16, v8;
	v10 =	vperm.xlane v10, v3  }
0xf4: {  	v11 =	vadd.f32 v12, v11;
	v9 =	vperm.xlane v9, v5  }
0xf5: {  	v8 =	vsel vm0, v8, v10  }
0xf6: {  	v10 =	vperm.xlane v8, v4;
	v11 =	vperm.xlane v11, v5;
	v9 =	vsel vm1, v15, v9  }
0xf7: {  	v12 =	vperm.xlane v9, v6  }
0xf8: {  	v8 =	vadd.f32 v10, v8  }
0xf9: {  	v9 =	vadd.f32 v12, v9  }
0xfa: {  	v8 =	vsel vm1, v8, v11  }
0xfb: {  	v10 =	vperm.xlane v8, v6;
	v9 =	vperm.xlane v9, v1  }
.Ltmp0:
0xfc: {  	(pc) =	sbr.rel @p1 .LBB2_3-.Ltmp0, $3  }
0xfd: {  	v8 =	vadd.f32 v10, v8;
	_ =	sdelay $0x1  }
0xfe: {  	v8 =	vsel vm2, v8, v9  }
0xff: {  	v8 =	vperm.xlane v8, v7  }
0x100: {  	_ = 	snop  }
0x101: {  	s6 =	sadd.s32 s3, s21;
	v8 =	vsub.f32 $0.0e+00, v8  }
0x102: {  	s7 =	sshra.s32 s12, $0x2;
	s6 =	sshrl.u32 s6, $0x3  }
0x103: {  	p1 =	seq.s32 s18, $0x18;
	s6 =	sadd.s32 s5, s6;
	[tilespmem:s7+$0x1C800] =	vst v8  }
0x104: {  	[hbm4b:s6+s2] =	stream.linear.scatter [tilespmem:s26], [sflag:$0x5], $0x100, $0x38;
	[tilespmem:$0x1CC00] =	vst v63  }
0x105: {  	s10 =	simm.s32 @!p1 $0xC800;
	s7 =	simm.s32 @!p1 $0x100;
	s6 =	sadd.s32 @!p1 $0x400, s21  }
0x106: {  	[tilespmem:s10], [sflag:$0x1] =	stream.indirect.gather @!p1 [hbm4b:s4+s7], $0x20, s6, s7, $0xb8;
	[tilespmem:$0x1CC00] =	vst v63  }
0x107: {  	s6 =	sadd.s32 @!p1 $0x6800, s21;
	s10 =	simm.s32 @!p1 $0xE800  }
0x108: {  	[tilespmem:s10], [sflag:$0x1] =	stream.indirect.gather @!p1 [hbm4b:s4+s7], $0x20, s6, s7, $0xb8;
	[tilespmem:$0x1CC00] =	vst v63  }
0x109: {  	_ =	swait.ge [sflag:s28], $0x2000  }
0x10a: {  	[sflag:s28] =	ssyncset.done $0x0  }
0x10b: {  	[sflag:s28] =	ssyncadd.s32 $0xFFFFE000  }
0x10c: {  	_ =	swait.ge [sflag:s28], $0x2000  }
0x10d: {  	[sflag:s28] =	ssyncset.done $0x0  }
0x10e: {  	s6 =	simm.s32 @!p0 $0x6;
	[sflag:s28] =	ssyncadd.s32 $0xFFFFE000  }
0x10f: {  	_ =	swait.ge @!p0 [sflag:s6], $0x100  }
0x110: {  	[sflag:s6] =	ssyncset.done @!p0 $0x0  }
0x111: {  	s22 =	simm.s32 $0x12800;
	[sflag:s6] =	ssyncadd.s32 @!p0 $0xFFFFFF00  }
0x112: {  	v10 =	vld [tilespmem:s22+$0x20]  }
0x113: {  	v13 =	vld [tilespmem:s22+$0xFFFFE030]  }
0x114: {  	v14 =	vld [tilespmem:s22+$0x30]  }
0x115: {  	v15 =	vld [tilespmem:s22+$0xFFFFE020]  }
0x116: {  	v8 =	vld [tilespmem:s22+$0xFFFFE000]  }
0x117: {  	v16 =	vld [tilespmem:s22+$0xFFFFE0A0]  }
0x118: {  	v17 =	vld [tilespmem:s22+$0xFFFFE0B0]  }
0x119: {  	v18 =	vld [tilespmem:s22+$0xB0]  }
0x11a: {  	v19 =	vld [tilespmem:s22+$0xA0]  }
0x11b: {  	v20 =	vld [tilespmem:s22+$0x90]  }
0x11c: {  	v21 =	vld [tilespmem:s22+$0x80]  }
0x11d: {  	v22 =	vld [tilespmem:s22+$0xFFFFE090]  }
0x11e: {  	v23 =	vld [tilespmem:s22+$0xFFFFE080]  }
0x11f: {  	v24 =	vld [tilespmem:s22+$0x70]  }
0x120: {  	v25 =	vld [tilespmem:s22+$0x60]  }
0x121: {  	v26 =	vld [tilespmem:s22+$0xFFFFE070]  }
0x122: {  	v27 =	vld [tilespmem:s22+$0xFFFFE060]  }
0x123: {  	v12 =	vld [tilespmem:s22+$0x50]  }
0x124: {  	v11 =	vld [tilespmem:s22+$0x40]  }
0x125: {  	v28 =	vld [tilespmem:s22+$0x130]  }
0x126: {  	v29 =	vld [tilespmem:s22+$0x120]  }
0x127: {  	v30 =	vld [tilespmem:s22+$0xFFFFE130]  }
0x128: {  	v31 =	vld [tilespmem:s22+$0xFFFFE120]  }
0x129: {  	v32 =	vld [tilespmem:s22+$0x110]  }
0x12a: {  	v33 =	vld [tilespmem:s22+$0x100]  }
0x12b: {  	v34 =	vld [tilespmem:s22+$0xFFFFE110]  }
0x12c: {  	v35 =	vld [tilespmem:s22+$0xFFFFE100]  }
0x12d: {  	v49 =	vld [tilespmem:s22+$0x1B0]  }
0x12e: {  	v50 =	vld [tilespmem:s22+$0x1A0]  }
0x12f: {  	v36 =	vld [tilespmem:s22+$0xFFFFE1B0]  }
0x130: {  	v51 =	vld [tilespmem:s22+$0xFFFFE1A0]  }
0x131: {  	v53 =	vld [tilespmem:s22+$0xFFFFE190]  }
0x132: {  	v54 =	vld [tilespmem:s22+$0xFFFFE180]  }
0x133: {  	v61 =	vld [tilespmem:s22+$0xFFFFE170];
	v13 =	vsub.f32 v13, v14  }
0x134: {  	v37 =	vld [tilespmem:s22+$0xFFFFE160];
	v10 =	vsub.f32 v15, v10;
	v17 =	vsub.f32 v17, v18  }
0x135: {  	v38 =	vld [tilespmem:s22+$0x150];
	v16 =	vsub.f32 v16, v19;
	v20 =	vsub.f32 v22, v20  }
0x136: {  	v40 =	vld [tilespmem:s22+$0x140];
	v21 =	vsub.f32 v23, v21;
	v56 =	vsub.f32 v26, v24  }
0x137: {  	v43 =	vld [tilespmem:s22+$0xFFFFE150];
	v57 =	vsub.f32 v27, v25;
	v59 =	vsub.f32 v30, v28  }
0x138: {  	v45 =	vld [tilespmem:s22+$0xFFFFE140];
	v60 =	vsub.f32 v31, v29;
	v63 =	vsub.f32 v34, v32  }
0x139: {  	v46 =	vld [tilespmem:s22+$0xF0];
	v33 =	vsub.f32 v35, v33;
	v14 =	vsub.f32 v36, v49  }
0x13a: {  	v18 =	vld [tilespmem:s22+$0x190];
	v10 =	vmax.f32 v10, $0.0e+00;
	v13 =	vmax.f32 v13, $0.0e+00;
	v17 =	vmax.f32 v17, $0.0e+00  }
0x13b: {  	v22 =	vld [tilespmem:s22+$0x180];
	v16 =	vmax.f32 v16, $0.0e+00;
	v55 =	vmax.f32 v21, $0.0e+00;
	v20 =	vmax.f32 v20, $0.0e+00  }
0x13c: {  	v24 =	vld [tilespmem:s22+$0x170];
	v21 =	vmax.f32 v56, $0.0e+00;
	v28 =	vmax.f32 v60, $0.0e+00;
	v27 =	vmax.f32 v59, $0.0e+00  }
0x13d: {  	v25 =	vld [tilespmem:s22+$0x160];
	v41 =	vmax.f32 v33, $0.0e+00;
	v42 =	vmax.f32 v63, $0.0e+00;
	v10 =	vadd.f32 v13, v10  }
0x13e: {  	v49 =	vld [tilespmem:s22+$0xE0];
	v14 =	vmax.f32 v14, $0.0e+00;
	v16 =	vadd.f32 v17, v16;
	v19 =	vadd.f32 v20, v55  }
0x13f: {  	v59 =	vld [tilespmem:s22+$0x1E0];
	v20 =	vmax.f32 v57, $0.0e+00;
	v39 =	vadd.f32 v27, v28;
	v13 =	vsub.f32 v51, v50  }
0x140: {  	v60 =	vld [tilespmem:s22+$0xFFFFE1F0];
	v27 =	vsub.f32 v45, v40;
	v20 =	vadd.f32 v21, v20;
	v52 =	vperm.xlane v10, v0  }
0x141: {  	v63 =	vld [tilespmem:s22+$0x1D0];
	v21 =	vadd.f32 v42, v41;
	v58 =	vperm.xlane v16, v0;
	v62 =	vperm.xlane v19, v0  }
0x142: {  	v51 =	vld [tilespmem:s22+$0xFFFFE0F0];
	v44 =	vperm.xlane v39, v0;
	v18 =	vsub.f32 v53, v18;
	v17 =	vsub.f32 v54, v22  }
0x143: {  	v57 =	vld [tilespmem:s22+$0x1F0];
	v13 =	vmax.f32 v13, $0.0e+00;
	v24 =	vsub.f32 v61, v24;
	v25 =	vsub.f32 v37, v25  }
0x144: {  	v40 =	vld [tilespmem:s22+$0xFFFFE1C0];
	v61 =	vsub.f32 v43, v38;
	v27 =	vmax.f32 v27, $0.0e+00;
	v13 =	vadd.f32 v14, v13  }
0x145: {  	v41 =	vld [tilespmem:s22+$0xFFFFE0D0];
	v47 =	vperm.xlane v20, v0;
	v10 =	vadd.f32 v52, v10;
	v16 =	vadd.f32 v58, v16  }
0x146: {  	v53 =	vld [tilespmem:s22+$0xFFFFE0E0];
	v50 =	vperm.xlane v21, v0;
	v19 =	vadd.f32 v62, v19;
	v48 =	vadd.f32 v44, v39  }
0x147: {  	v37 =	vld [tilespmem:s22+$0x1C0];
	v17 =	vmax.f32 v17, $0.0e+00;
	v18 =	vmax.f32 v18, $0.0e+00;
	v24 =	vmax.f32 v24, $0.0e+00  }
0x148: {  	v38 =	vld [tilespmem:s22+$0xFFFFE1D0];
	v25 =	vmax.f32 v25, $0.0e+00;
	v21 =	vadd.f32 v50, v21;
	v20 =	vadd.f32 v47, v20  }
0x149: {  	v54 =	vld [tilespmem:s22+$0xD0];
	v55 =	vperm.xlane v13, v0;
	v17 =	vadd.f32 v18, v17;
	v16 =	vsel vm3, v19, v16  }
0x14a: {  	v62 =	vld [tilespmem:s22+$0xFFFFE1E0];
	v24 =	vadd.f32 v24, v25;
	v15 =	vsub.f32 v51, v46;
	v52 =	vperm.xlane v16, v2  }
0x14b: {  	v56 =	vld [tilespmem:s22+$0xC0];
	v19 =	vsel vm3, v21, v48;
	v13 =	vadd.f32 v55, v13;
	v36 =	vperm.xlane v17, v0  }
0x14c: {  	v44 =	vld [tilespmem:s22+$0xFFFFE050];
	v14 =	vsub.f32 v53, v49;
	v39 =	vperm.xlane v24, v0;
	v21 =	vsub.f32 v60, v57  }
0x14d: {  	v43 =	vld [tilespmem:s22+$0xFFFFE0C0];
	v15 =	vmax.f32 v15, $0.0e+00;
	v26 =	vsub.f32 v38, v63;
	v23 =	vsub.f32 v40, v37  }
0x14e: {  	v46 =	vld [tilespmem:s22+$0xFFFFE040];
	v22 =	vsub.f32 v41, v54;
	v58 =	vperm.xlane v19, v2;
	v16 =	vadd.f32 v52, v16  }
0x14f: {  	v47 =	vld [tilespmem:s22+$0x0];
	v14 =	vmax.f32 v14, $0.0e+00;
	v29 =	vsub.f32 v62, v59;
	v17 =	vadd.f32 v36, v17  }
0x150: {  	v24 =	vadd.f32 v39, v24;
	v21 =	vmax.f32 v21, $0.0e+00;
	v26 =	vmax.f32 v26, $0.0e+00  }
0x151: {  	v9 =	vld [tilespmem:s22+$0x10];
	v23 =	vmax.f32 v23, $0.0e+00;
	v12 =	vsub.f32 v44, v12;
	v18 =	vadd.f32 v58, v19  }
0x152: {  	v48 =	vld [tilespmem:s22+$0xFFFFE010];
	v22 =	vmax.f32 v22, $0.0e+00;
	v14 =	vadd.f32 v15, v14;
	v15 =	vsub.f32 v43, v56  }
0x153: {  	v19 =	vmax.f32 v61, $0.0e+00;
	v50 =	vadd.f32 v26, v23;
	v11 =	vsub.f32 v46, v11  }
0x154: {  	v8 =	vsub.f32 v8, v47;
	v19 =	vadd.f32 v19, v27;
	v29 =	vmax.f32 v29, $0.0e+00  }
0x155: {  	v13 =	vsel vm3, v17, v13;
	v12 =	vmax.f32 v12, $0.0e+00;
	v45 =	vperm.xlane v14, v0  }
0x156: {  	v21 =	vadd.f32 v21, v29;
	v15 =	vmax.f32 v15, $0.0e+00;
	v51 =	vperm.xlane v50, v0  }
0x157: {  	v9 =	vsub.f32 v48, v9;
	v11 =	vmax.f32 v11, $0.0e+00;
	v8 =	vmax.f32 v8, $0.0e+00  }
0x158: {  	v42 =	vperm.xlane v19, v0;
	v15 =	vadd.f32 v22, v15;
	v49 =	vperm.xlane v21, v0  }
0x159: {  	v11 =	vadd.f32 v12, v11;
	v17 =	vadd.f32 v51, v50;
	v9 =	vmax.f32 v9, $0.0e+00  }
0x15a: {  	v19 =	vadd.f32 v42, v19;
	v52 =	vperm.xlane v15, v0;
	v21 =	vadd.f32 v49, v21  }
0x15b: {  	v14 =	vadd.f32 v45, v14;
	v8 =	vadd.f32 v9, v8;
	v9 =	vperm.xlane v11, v0  }
0x15c: {  	v19 =	vsel vm3, v19, v24;
	v53 =	vadd.f32 v52, v15;
	v54 =	vsel vm3, v17, v21  }
0x15d: {  	v57 =	vperm.xlane v8, v0;
	v9 =	vadd.f32 v9, v11;
	v56 =	vperm.xlane v54, v2  }
0x15e: {  	v11 =	vperm.xlane v13, v2;
	v24 =	vperm.xlane v19, v2;
	v12 =	vsel vm3, v53, v14  }
0x15f: {  	v9 =	vsel vm3, v9, v20;
	v58 =	vperm.xlane v12, v2;
	v15 =	vadd.f32 v56, v54  }
0x160: {  	v8 =	vadd.f32 v57, v8;
	v55 =	vadd.f32 v24, v19;
	v60 =	vperm.xlane v9, v2  }
0x161: {  	v11 =	vadd.f32 v11, v13;
	v12 =	vadd.f32 v58, v12;
	v59 =	vperm.xlane v15, v3  }
0x162: {  	v8 =	vsel vm3, v8, v10;
	v17 =	vperm.xlane v55, v3;
	v9 =	vadd.f32 v60, v9  }
0x163: {  	v12 =	vperm.xlane v12, v3;
	v10 =	vsel vm0, v11, v59;
	v11 =	vperm.xlane v8, v2  }
0x164: {  	v61 =	vsel vm0, v18, v17;
	v9 =	vperm.xlane v9, v3;
	v63 =	vperm.xlane v10, v4  }
0x165: {  	v62 =	vperm.xlane v61, v4;
	v12 =	vsel vm0, v16, v12;
	v8 =	vadd.f32 v11, v8  }
0x166: {  	v11 =	vperm.xlane v12, v4;
	v10 =	vadd.f32 v63, v10  }
0x167: {  	v13 =	vadd.f32 v62, v61;
	v8 =	vsel vm0, v8, v9  }
0x168: {  	v9 =	vadd.f32 v11, v12;
	v10 =	vperm.xlane v10, v5;
	v11 =	vperm.xlane v8, v4;
	_ =	sdelay $0x1  }
0x169: {  	v9 =	vperm.xlane v9, v5;
	v10 =	vsel vm1, v13, v10;
	v8 =	vadd.f32 v11, v8  }
0x16a: {  	v11 =	vperm.xlane v10, v6  }
0x16b: {  	v8 =	vsel vm1, v8, v9  }
0x16c: {  	v9 =	vadd.f32 v11, v10;
	v10 =	vperm.xlane v8, v6;
	_ =	sdelay $0x1  }
0x16d: {  	v9 =	vperm.xlane v9, v1;
	v8 =	vadd.f32 v10, v8;
	_ =	sdelay $0x1  }
0x16e: {  	v8 =	vsel vm2, v8, v9  }
0x16f: {  	s12 =	simm.s32 $0x0;
	s6 =	simm.s32 $0x40;
	v8 =	vperm.xlane v8, v7  }
.LBB2_5:
0x170: {  	p2 =	sne.s32 s6, $0x3C0  }
0x171: {  	s22 =	sadd.s32 $0x200, s22;
	s7 =	smov.u32 s6;
	s6 =	sadd.s32 $0x40, s6;
	v8 =	vsub.f32 $0.0e+00, v8  }
0x172: {  	s10 =	sshra.s32 s12, $0x2;
	s12 =	smov.u32 s7  }
0x173: {  	[tilespmem:s10+$0x1C900] =	vst v8  }
0x174: {  	v8 =	vld [tilespmem:s22+$0x20]  }
0x175: {  	v11 =	vld [tilespmem:s22+$0xFFFFE030]  }
0x176: {  	v12 =	vld [tilespmem:s22+$0x30]  }
0x177: {  	v13 =	vld [tilespmem:s22+$0xFFFFE020]  }
0x178: {  	v9 =	vld [tilespmem:s22+$0xFFFFE000]  }
0x179: {  	v10 =	vld [tilespmem:s22+$0x10]  }
0x17a: {  	v14 =	vld [tilespmem:s22+$0xFFFFE0A0]  }
0x17b: {  	v11 =	vsub.f32 v11, v12;
	v12 =	vld [tilespmem:s22+$0xFFFFE0B0]  }
0x17c: {  	v8 =	vsub.f32 v13, v8;
	v13 =	vld [tilespmem:s22+$0xB0]  }
0x17d: {  	v15 =	vld [tilespmem:s22+$0xA0]  }
0x17e: {  	v11 =	vmax.f32 v11, $0.0e+00;
	v8 =	vmax.f32 v8, $0.0e+00;
	v16 =	vld [tilespmem:s22+$0x90]  }
0x17f: {  	v8 =	vadd.f32 v11, v8;
	v11 =	vld [tilespmem:s22+$0x80]  }
0x180: {  	v17 =	vld [tilespmem:s22+$0xFFFFE090]  }
0x181: {  	v18 =	vld [tilespmem:s22+$0xFFFFE080];
	v12 =	vsub.f32 v12, v13;
	v13 =	vperm.xlane v8, v0  }
0x182: {  	v19 =	vld [tilespmem:s22+$0x70];
	v14 =	vsub.f32 v14, v15  }
0x183: {  	v15 =	vld [tilespmem:s22+$0x60];
	v12 =	vmax.f32 v12, $0.0e+00;
	v8 =	vadd.f32 v13, v8  }
0x184: {  	v20 =	vld [tilespmem:s22+$0xFFFFE070];
	v13 =	vmax.f32 v14, $0.0e+00  }
0x185: {  	v14 =	vld [tilespmem:s22+$0xFFFFE060];
	v16 =	vsub.f32 v17, v16;
	v17 =	vadd.f32 v12, v13  }
0x186: {  	v13 =	vld [tilespmem:s22+$0x50];
	v11 =	vsub.f32 v18, v11  }
0x187: {  	v12 =	vld [tilespmem:s22+$0x40];
	v18 =	vperm.xlane v17, v0  }
0x188: {  	v16 =	vmax.f32 v16, $0.0e+00;
	v11 =	vmax.f32 v11, $0.0e+00;
	v21 =	vld [tilespmem:s22+$0x130]  }
0x189: {  	v19 =	vsub.f32 v20, v19;
	v11 =	vadd.f32 v16, v11;
	v16 =	vld [tilespmem:s22+$0x120]  }
0x18a: {  	v14 =	vsub.f32 v14, v15;
	v15 =	vld [tilespmem:s22+$0xFFFFE130]  }
0x18b: {  	v19 =	vmax.f32 v19, $0.0e+00;
	v20 =	vld [tilespmem:s22+$0xFFFFE120];
	v22 =	vperm.xlane v11, v0  }
0x18c: {  	v17 =	vadd.f32 v18, v17;
	v14 =	vmax.f32 v14, $0.0e+00;
	v23 =	vld [tilespmem:s22+$0x110]  }
0x18d: {  	v14 =	vadd.f32 v19, v14;
	v18 =	vld [tilespmem:s22+$0x100];
	v11 =	vadd.f32 v22, v11  }
0x18e: {  	v19 =	vld [tilespmem:s22+$0xFFFFE110]  }
0x18f: {  	v22 =	vld [tilespmem:s22+$0xFFFFE100];
	v15 =	vsub.f32 v15, v21;
	v21 =	vperm.xlane v14, v0;
	v11 =	vsel vm3, v11, v17  }
0x190: {  	v16 =	vsub.f32 v20, v16;
	v17 =	vld [tilespmem:s22+$0x1B0];
	v20 =	vperm.xlane v11, v2  }
0x191: {  	v24 =	vld [tilespmem:s22+$0x1A0];
	v14 =	vadd.f32 v21, v14  }
0x192: {  	v15 =	vmax.f32 v15, $0.0e+00;
	v16 =	vmax.f32 v16, $0.0e+00;
	v21 =	vld [tilespmem:s22+$0xFFFFE1B0];
	v11 =	vadd.f32 v20, v11  }
0x193: {  	v19 =	vsub.f32 v19, v23;
	v15 =	vadd.f32 v15, v16;
	v16 =	vld [tilespmem:s22+$0xFFFFE1A0]  }
0x194: {  	v18 =	vsub.f32 v22, v18;
	v20 =	vld [tilespmem:s22+$0x190]  }
0x195: {  	v22 =	vld [tilespmem:s22+$0x180];
	v23 =	vperm.xlane v15, v0  }
0x196: {  	v19 =	vmax.f32 v19, $0.0e+00;
	v18 =	vmax.f32 v18, $0.0e+00;
	v25 =	vld [tilespmem:s22+$0xFFFFE190]  }
0x197: {  	v18 =	vadd.f32 v19, v18;
	v19 =	vld [tilespmem:s22+$0xFFFFE180];
	v17 =	vsub.f32 v21, v17  }
0x198: {  	v15 =	vadd.f32 v23, v15;
	v21 =	vld [tilespmem:s22+$0x170];
	v16 =	vsub.f32 v16, v24  }
0x199: {  	v23 =	vld [tilespmem:s22+$0x160];
	v24 =	vperm.xlane v18, v0  }
0x19a: {  	v17 =	vmax.f32 v17, $0.0e+00;
	v26 =	vld [tilespmem:s22+$0xFFFFE170];
	v16 =	vmax.f32 v16, $0.0e+00  }
0x19b: {  	v27 =	vld [tilespmem:s22+$0xFFFFE160];
	v20 =	vsub.f32 v25, v20;
	v16 =	vadd.f32 v17, v16  }
0x19c: {  	v18 =	vadd.f32 v24, v18;
	v17 =	vld [tilespmem:s22+$0x150];
	v19 =	vsub.f32 v19, v22  }
0x19d: {  	v22 =	vld [tilespmem:s22+$0x140];
	v24 =	vperm.xlane v16, v0  }
0x19e: {  	v20 =	vmax.f32 v20, $0.0e+00;
	v15 =	vsel vm3, v18, v15;
	v25 =	vld [tilespmem:s22+$0xFFFFE150];
	v19 =	vmax.f32 v19, $0.0e+00  }
0x19f: {  	v18 =	vld [tilespmem:s22+$0xFFFFE140];
	v21 =	vsub.f32 v26, v21;
	v19 =	vadd.f32 v20, v19;
	v20 =	vperm.xlane v15, v2  }
0x1a0: {  	v16 =	vadd.f32 v24, v16;
	v26 =	vld [tilespmem:s22+$0xF0];
	v23 =	vsub.f32 v27, v23  }
0x1a1: {  	v24 =	vld [tilespmem:s22+$0xE0];
	v21 =	vmax.f32 v21, $0.0e+00;
	v27 =	vperm.xlane v19, v0;
	v15 =	vadd.f32 v20, v15  }
0x1a2: {  	v20 =	vld [tilespmem:s22+$0xFFFFE0F0];
	v23 =	vmax.f32 v23, $0.0e+00  }
0x1a3: {  	v28 =	vld [tilespmem:s22+$0xFFFFE0E0];
	v17 =	vsub.f32 v25, v17;
	v21 =	vadd.f32 v21, v23  }
0x1a4: {  	v19 =	vadd.f32 v27, v19;
	v23 =	vld [tilespmem:s22+$0xD0];
	v18 =	vsub.f32 v18, v22  }
0x1a5: {  	v22 =	vld [tilespmem:s22+$0xC0];
	v17 =	vmax.f32 v17, $0.0e+00;
	v25 =	vperm.xlane v21, v0  }
0x1a6: {  	v16 =	vsel vm3, v19, v16;
	v18 =	vmax.f32 v18, $0.0e+00;
	v27 =	vld [tilespmem:s22+$0x1F0]  }
0x1a7: {  	v19 =	vsub.f32 v20, v26;
	v17 =	vadd.f32 v17, v18;
	v18 =	vld [tilespmem:s22+$0x1E0];
	v20 =	vperm.xlane v16, v2  }
0x1a8: {  	v21 =	vadd.f32 v25, v21;
	v24 =	vsub.f32 v28, v24;
	v26 =	vld [tilespmem:s22+$0xFFFFE1F0]  }
0x1a9: {  	v25 =	vld [tilespmem:s22+$0xFFFFE1E0];
	v28 =	vperm.xlane v17, v0;
	v16 =	vadd.f32 v20, v16  }
0x1aa: {  	v19 =	vmax.f32 v19, $0.0e+00;
	v20 =	vmax.f32 v24, $0.0e+00;
	v24 =	vld [tilespmem:s22+$0x1D0]  }
0x1ab: {  	v19 =	vadd.f32 v19, v20;
	v20 =	vld [tilespmem:s22+$0x1C0];
	v17 =	vadd.f32 v28, v17  }
0x1ac: {  	v28 =	vld [tilespmem:s22+$0xFFFFE1D0]  }
0x1ad: {  	v29 =	vld [tilespmem:s22+$0xFFFFE1C0];
	v26 =	vsub.f32 v26, v27;
	v27 =	vperm.xlane v19, v0;
	v17 =	vsel vm3, v17, v21  }
0x1ae: {  	v21 =	vld [tilespmem:s22+$0xFFFFE0D0];
	v18 =	vsub.f32 v25, v18;
	v25 =	vperm.xlane v17, v2  }
0x1af: {  	v30 =	vld [tilespmem:s22+$0xFFFFE0C0];
	v19 =	vadd.f32 v27, v19  }
0x1b0: {  	v26 =	vmax.f32 v26, $0.0e+00;
	v27 =	vld [tilespmem:s22+$0xFFFFE050];
	v18 =	vmax.f32 v18, $0.0e+00;
	v17 =	vadd.f32 v25, v17  }
0x1b1: {  	v25 =	vld [tilespmem:s22+$0xFFFFE040];
	v24 =	vsub.f32 v28, v24;
	v18 =	vadd.f32 v26, v18  }
0x1b2: {  	v26 =	vld [tilespmem:s22+$0x0];
	v20 =	vsub.f32 v29, v20;
	v17 =	vperm.xlane v17, v3  }
0x1b3: {  	v28 =	vld [tilespmem:s22+$0xFFFFE010];
	v21 =	vsub.f32 v21, v23;
	v23 =	vmax.f32 v24, $0.0e+00;
	v24 =	vperm.xlane v18, v0  }
0x1b4: {  	v22 =	vsub.f32 v30, v22;
	v20 =	vmax.f32 v20, $0.0e+00;
	v15 =	vsel vm0, v15, v17  }
0x1b5: {  	v17 =	vadd.f32 v23, v20;
	v18 =	vadd.f32 v24, v18;
	v20 =	vperm.xlane v15, v4  }
0x1b6: {  	v13 =	vsub.f32 v27, v13;
	v21 =	vmax.f32 v21, $0.0e+00;
	v22 =	vmax.f32 v22, $0.0e+00  }
0x1b7: {  	v12 =	vsub.f32 v25, v12;
	v21 =	vadd.f32 v21, v22;
	v22 =	vperm.xlane v17, v0  }
0x1b8: {  	v9 =	vsub.f32 v9, v26;
	v13 =	vmax.f32 v13, $0.0e+00;
	v10 =	vsub.f32 v28, v10  }
0x1b9: {  	v12 =	vmax.f32 v12, $0.0e+00;
	v23 =	vperm.xlane v21, v0;
	v17 =	vadd.f32 v22, v17  }
0x1ba: {  	v9 =	vmax.f32 v9, $0.0e+00;
	v12 =	vadd.f32 v13, v12;
	v10 =	vmax.f32 v10, $0.0e+00  }
0x1bb: {  	v15 =	vadd.f32 v20, v15;
	v13 =	vadd.f32 v23, v21;
	v17 =	vsel vm3, v17, v18  }
0x1bc: {  	v9 =	vadd.f32 v10, v9;
	v10 =	vperm.xlane v12, v0;
	v18 =	vperm.xlane v17, v2  }
0x1bd: {  	v13 =	vsel vm3, v13, v19  }
0x1be: {  	v19 =	vperm.xlane v9, v0;
	v20 =	vperm.xlane v13, v2;
	v17 =	vadd.f32 v18, v17  }
0x1bf: {  	v10 =	vadd.f32 v10, v12  }
0x1c0: {  	v12 =	vadd.f32 v20, v13;
	v13 =	vperm.xlane v17, v3  }
0x1c1: {  	v9 =	vadd.f32 v19, v9;
	v10 =	vsel vm3, v10, v14  }
0x1c2: {  	v14 =	vperm.xlane v10, v2;
	v12 =	vperm.xlane v12, v3;
	v13 =	vsel vm0, v16, v13  }
0x1c3: {  	v8 =	vsel vm3, v9, v8;
	v9 =	vperm.xlane v13, v4  }
0x1c4: {  	v16 =	vperm.xlane v8, v2;
	v10 =	vadd.f32 v14, v10;
	v11 =	vsel vm0, v11, v12  }
0x1c5: {  	v12 =	vperm.xlane v11, v4;
	v9 =	vadd.f32 v9, v13  }
0x1c6: {  	v8 =	vadd.f32 v16, v8;
	v10 =	vperm.xlane v10, v3  }
0x1c7: {  	v11 =	vadd.f32 v12, v11;
	v9 =	vperm.xlane v9, v5  }
0x1c8: {  	v8 =	vsel vm0, v8, v10  }
0x1c9: {  	v10 =	vperm.xlane v8, v4;
	v11 =	vperm.xlane v11, v5;
	v9 =	vsel vm1, v15, v9  }
0x1ca: {  	v12 =	vperm.xlane v9, v6  }
0x1cb: {  	v8 =	vadd.f32 v10, v8  }
0x1cc: {  	v9 =	vadd.f32 v12, v9  }
0x1cd: {  	v8 =	vsel vm1, v8, v11  }
0x1ce: {  	v10 =	vperm.xlane v8, v6;
	v9 =	vperm.xlane v9, v1  }
.Ltmp1:
0x1cf: {  	(pc) =	sbr.rel @p2 .LBB2_5-.Ltmp1, $3  }
0x1d0: {  	v8 =	vadd.f32 v10, v8;
	_ =	sdelay $0x1  }
0x1d1: {  	v8 =	vsel vm2, v8, v9  }
0x1d2: {  	v8 =	vperm.xlane v8, v7  }
0x1d3: {  	_ = 	snop  }
0x1d4: {  	s6 =	sadd.s32 s21, s8;
	v8 =	vsub.f32 $0.0e+00, v8  }
0x1d5: {  	s7 =	sshra.s32 s12, $0x2;
	s6 =	sshrl.u32 s6, $0x3  }
0x1d6: {  	s6 =	sadd.s32 s5, s6;
	[tilespmem:s7+$0x1C900] =	vst v8  }
0x1d7: {  	[hbm4b:s6+s2] =	stream.linear.scatter [tilespmem:s29], [sflag:$0x6], $0x100, $0x38;
	[tilespmem:$0x1CC00] =	vst v63  }
0x1d8: {  	s10 =	simm.s32 @!p1 $0x10800;
	s7 =	simm.s32 @!p1 $0x100;
	s6 =	sadd.s32 @!p1 $0x500, s21  }
0x1d9: {  	[tilespmem:s10], [sflag:$0x2] =	stream.indirect.gather @!p1 [hbm4b:s4+s7], $0x20, s6, s7, $0xb8;
	[tilespmem:$0x1CC00] =	vst v63  }
0x1da: {  	s6 =	sadd.s32 @!p1 $0x6900, s21;
	s10 =	simm.s32 @!p1 $0x12800  }
0x1db: {  	[tilespmem:s10], [sflag:$0x2] =	stream.indirect.gather @!p1 [hbm4b:s4+s7], $0x20, s6, s7, $0xb8;
	[tilespmem:$0x1CC00] =	vst v63  }
0x1dc: {  	_ =	swait.ge [sflag:s30], $0x2000  }
0x1dd: {  	[sflag:s30] =	ssyncset.done $0x0  }
0x1de: {  	[sflag:s30] =	ssyncadd.s32 $0xFFFFE000  }
0x1df: {  	_ =	swait.ge [sflag:s30], $0x2000  }
0x1e0: {  	[sflag:s30] =	ssyncset.done $0x0  }
0x1e1: {  	s6 =	simm.s32 @!p0 $0x7;
	[sflag:s30] =	ssyncadd.s32 $0xFFFFE000  }
0x1e2: {  	_ =	swait.ge @!p0 [sflag:s6], $0x100  }
0x1e3: {  	[sflag:s6] =	ssyncset.done @!p0 $0x0  }
0x1e4: {  	s22 =	simm.s32 $0x16800;
	[sflag:s6] =	ssyncadd.s32 @!p0 $0xFFFFFF00  }
0x1e5: {  	v10 =	vld [tilespmem:s22+$0x20]  }
0x1e6: {  	v13 =	vld [tilespmem:s22+$0xFFFFE030]  }
0x1e7: {  	v14 =	vld [tilespmem:s22+$0x30]  }
0x1e8: {  	v15 =	vld [tilespmem:s22+$0xFFFFE020]  }
0x1e9: {  	v8 =	vld [tilespmem:s22+$0xFFFFE000]  }
0x1ea: {  	v16 =	vld [tilespmem:s22+$0xFFFFE0A0]  }
0x1eb: {  	v17 =	vld [tilespmem:s22+$0xFFFFE0B0]  }
0x1ec: {  	v18 =	vld [tilespmem:s22+$0xB0]  }
0x1ed: {  	v19 =	vld [tilespmem:s22+$0xA0]  }
0x1ee: {  	v20 =	vld [tilespmem:s22+$0x90]  }
0x1ef: {  	v21 =	vld [tilespmem:s22+$0x80]  }
0x1f0: {  	v22 =	vld [tilespmem:s22+$0xFFFFE090]  }
0x1f1: {  	v23 =	vld [tilespmem:s22+$0xFFFFE080]  }
0x1f2: {  	v24 =	vld [tilespmem:s22+$0x70]  }
0x1f3: {  	v25 =	vld [tilespmem:s22+$0x60]  }
0x1f4: {  	v26 =	vld [tilespmem:s22+$0xFFFFE070]  }
0x1f5: {  	v27 =	vld [tilespmem:s22+$0xFFFFE060]  }
0x1f6: {  	v12 =	vld [tilespmem:s22+$0x50]  }
0x1f7: {  	v11 =	vld [tilespmem:s22+$0x40]  }
0x1f8: {  	v28 =	vld [tilespmem:s22+$0x130]  }
0x1f9: {  	v29 =	vld [tilespmem:s22+$0x120]  }
0x1fa: {  	v30 =	vld [tilespmem:s22+$0xFFFFE130]  }
0x1fb: {  	v31 =	vld [tilespmem:s22+$0xFFFFE120]  }
0x1fc: {  	v32 =	vld [tilespmem:s22+$0x110]  }
0x1fd: {  	v33 =	vld [tilespmem:s22+$0x100]  }
0x1fe: {  	v34 =	vld [tilespmem:s22+$0xFFFFE110]  }
0x1ff: {  	v35 =	vld [tilespmem:s22+$0xFFFFE100]  }
0x200: {  	v49 =	vld [tilespmem:s22+$0x1B0]  }
0x201: {  	v50 =	vld [tilespmem:s22+$0x1A0]  }
0x202: {  	v36 =	vld [tilespmem:s22+$0xFFFFE1B0]  }
0x203: {  	v51 =	vld [tilespmem:s22+$0xFFFFE1A0]  }
0x204: {  	v53 =	vld [tilespmem:s22+$0xFFFFE190]  }
0x205: {  	v54 =	vld [tilespmem:s22+$0xFFFFE180]  }
0x206: {  	v61 =	vld [tilespmem:s22+$0xFFFFE170];
	v13 =	vsub.f32 v13, v14  }
0x207: {  	v37 =	vld [tilespmem:s22+$0xFFFFE160];
	v10 =	vsub.f32 v15, v10;
	v17 =	vsub.f32 v17, v18  }
0x208: {  	v38 =	vld [tilespmem:s22+$0x150];
	v16 =	vsub.f32 v16, v19;
	v20 =	vsub.f32 v22, v20  }
0x209: {  	v40 =	vld [tilespmem:s22+$0x140];
	v21 =	vsub.f32 v23, v21;
	v56 =	vsub.f32 v26, v24  }
0x20a: {  	v43 =	vld [tilespmem:s22+$0xFFFFE150];
	v57 =	vsub.f32 v27, v25;
	v59 =	vsub.f32 v30, v28  }
0x20b: {  	v45 =	vld [tilespmem:s22+$0xFFFFE140];
	v60 =	vsub.f32 v31, v29;
	v63 =	vsub.f32 v34, v32  }
0x20c: {  	v46 =	vld [tilespmem:s22+$0xF0];
	v33 =	vsub.f32 v35, v33;
	v14 =	vsub.f32 v36, v49  }
0x20d: {  	v18 =	vld [tilespmem:s22+$0x190];
	v10 =	vmax.f32 v10, $0.0e+00;
	v13 =	vmax.f32 v13, $0.0e+00;
	v17 =	vmax.f32 v17, $0.0e+00  }
0x20e: {  	v22 =	vld [tilespmem:s22+$0x180];
	v16 =	vmax.f32 v16, $0.0e+00;
	v55 =	vmax.f32 v21, $0.0e+00;
	v20 =	vmax.f32 v20, $0.0e+00  }
0x20f: {  	v24 =	vld [tilespmem:s22+$0x170];
	v21 =	vmax.f32 v56, $0.0e+00;
	v28 =	vmax.f32 v60, $0.0e+00;
	v27 =	vmax.f32 v59, $0.0e+00  }
0x210: {  	v25 =	vld [tilespmem:s22+$0x160];
	v41 =	vmax.f32 v33, $0.0e+00;
	v42 =	vmax.f32 v63, $0.0e+00;
	v10 =	vadd.f32 v13, v10  }
0x211: {  	v49 =	vld [tilespmem:s22+$0xE0];
	v14 =	vmax.f32 v14, $0.0e+00;
	v16 =	vadd.f32 v17, v16;
	v19 =	vadd.f32 v20, v55  }
0x212: {  	v59 =	vld [tilespmem:s22+$0x1E0];
	v20 =	vmax.f32 v57, $0.0e+00;
	v39 =	vadd.f32 v27, v28;
	v13 =	vsub.f32 v51, v50  }
0x213: {  	v60 =	vld [tilespmem:s22+$0xFFFFE1F0];
	v27 =	vsub.f32 v45, v40;
	v20 =	vadd.f32 v21, v20;
	v52 =	vperm.xlane v10, v0  }
0x214: {  	v63 =	vld [tilespmem:s22+$0x1D0];
	v21 =	vadd.f32 v42, v41;
	v58 =	vperm.xlane v16, v0;
	v62 =	vperm.xlane v19, v0  }
0x215: {  	v51 =	vld [tilespmem:s22+$0xFFFFE0F0];
	v44 =	vperm.xlane v39, v0;
	v18 =	vsub.f32 v53, v18;
	v17 =	vsub.f32 v54, v22  }
0x216: {  	v57 =	vld [tilespmem:s22+$0x1F0];
	v13 =	vmax.f32 v13, $0.0e+00;
	v24 =	vsub.f32 v61, v24;
	v25 =	vsub.f32 v37, v25  }
0x217: {  	v40 =	vld [tilespmem:s22+$0xFFFFE1C0];
	v61 =	vsub.f32 v43, v38;
	v27 =	vmax.f32 v27, $0.0e+00;
	v13 =	vadd.f32 v14, v13  }
0x218: {  	v41 =	vld [tilespmem:s22+$0xFFFFE0D0];
	v47 =	vperm.xlane v20, v0;
	v10 =	vadd.f32 v52, v10;
	v16 =	vadd.f32 v58, v16  }
0x219: {  	v53 =	vld [tilespmem:s22+$0xFFFFE0E0];
	v50 =	vperm.xlane v21, v0;
	v19 =	vadd.f32 v62, v19;
	v48 =	vadd.f32 v44, v39  }
0x21a: {  	v37 =	vld [tilespmem:s22+$0x1C0];
	v17 =	vmax.f32 v17, $0.0e+00;
	v18 =	vmax.f32 v18, $0.0e+00;
	v24 =	vmax.f32 v24, $0.0e+00  }
0x21b: {  	v38 =	vld [tilespmem:s22+$0xFFFFE1D0];
	v25 =	vmax.f32 v25, $0.0e+00;
	v21 =	vadd.f32 v50, v21;
	v20 =	vadd.f32 v47, v20  }
0x21c: {  	v54 =	vld [tilespmem:s22+$0xD0];
	v55 =	vperm.xlane v13, v0;
	v17 =	vadd.f32 v18, v17;
	v16 =	vsel vm3, v19, v16  }
0x21d: {  	v62 =	vld [tilespmem:s22+$0xFFFFE1E0];
	v24 =	vadd.f32 v24, v25;
	v15 =	vsub.f32 v51, v46;
	v52 =	vperm.xlane v16, v2  }
0x21e: {  	v56 =	vld [tilespmem:s22+$0xC0];
	v19 =	vsel vm3, v21, v48;
	v13 =	vadd.f32 v55, v13;
	v36 =	vperm.xlane v17, v0  }
0x21f: {  	v44 =	vld [tilespmem:s22+$0xFFFFE050];
	v14 =	vsub.f32 v53, v49;
	v39 =	vperm.xlane v24, v0;
	v21 =	vsub.f32 v60, v57  }
0x220: {  	v43 =	vld [tilespmem:s22+$0xFFFFE0C0];
	v15 =	vmax.f32 v15, $0.0e+00;
	v26 =	vsub.f32 v38, v63;
	v23 =	vsub.f32 v40, v37  }
0x221: {  	v46 =	vld [tilespmem:s22+$0xFFFFE040];
	v22 =	vsub.f32 v41, v54;
	v58 =	vperm.xlane v19, v2;
	v16 =	vadd.f32 v52, v16  }
0x222: {  	v47 =	vld [tilespmem:s22+$0x0];
	v14 =	vmax.f32 v14, $0.0e+00;
	v29 =	vsub.f32 v62, v59;
	v17 =	vadd.f32 v36, v17  }
0x223: {  	v24 =	vadd.f32 v39, v24;
	v21 =	vmax.f32 v21, $0.0e+00;
	v26 =	vmax.f32 v26, $0.0e+00  }
0x224: {  	v9 =	vld [tilespmem:s22+$0x10];
	v23 =	vmax.f32 v23, $0.0e+00;
	v12 =	vsub.f32 v44, v12;
	v18 =	vadd.f32 v58, v19  }
0x225: {  	v48 =	vld [tilespmem:s22+$0xFFFFE010];
	v22 =	vmax.f32 v22, $0.0e+00;
	v14 =	vadd.f32 v15, v14;
	v15 =	vsub.f32 v43, v56  }
0x226: {  	v19 =	vmax.f32 v61, $0.0e+00;
	v50 =	vadd.f32 v26, v23;
	v11 =	vsub.f32 v46, v11  }
0x227: {  	v8 =	vsub.f32 v8, v47;
	v19 =	vadd.f32 v19, v27;
	v29 =	vmax.f32 v29, $0.0e+00  }
0x228: {  	v13 =	vsel vm3, v17, v13;
	v12 =	vmax.f32 v12, $0.0e+00;
	v45 =	vperm.xlane v14, v0  }
0x229: {  	v21 =	vadd.f32 v21, v29;
	v15 =	vmax.f32 v15, $0.0e+00;
	v51 =	vperm.xlane v50, v0  }
0x22a: {  	v9 =	vsub.f32 v48, v9;
	v11 =	vmax.f32 v11, $0.0e+00;
	v8 =	vmax.f32 v8, $0.0e+00  }
0x22b: {  	v42 =	vperm.xlane v19, v0;
	v15 =	vadd.f32 v22, v15;
	v49 =	vperm.xlane v21, v0  }
0x22c: {  	v11 =	vadd.f32 v12, v11;
	v17 =	vadd.f32 v51, v50;
	v9 =	vmax.f32 v9, $0.0e+00  }
0x22d: {  	v19 =	vadd.f32 v42, v19;
	v52 =	vperm.xlane v15, v0;
	v21 =	vadd.f32 v49, v21  }
0x22e: {  	v14 =	vadd.f32 v45, v14;
	v8 =	vadd.f32 v9, v8;
	v9 =	vperm.xlane v11, v0  }
0x22f: {  	v19 =	vsel vm3, v19, v24;
	v53 =	vadd.f32 v52, v15;
	v54 =	vsel vm3, v17, v21  }
0x230: {  	v57 =	vperm.xlane v8, v0;
	v9 =	vadd.f32 v9, v11;
	v56 =	vperm.xlane v54, v2  }
0x231: {  	v11 =	vperm.xlane v13, v2;
	v24 =	vperm.xlane v19, v2;
	v12 =	vsel vm3, v53, v14  }
0x232: {  	v9 =	vsel vm3, v9, v20;
	v58 =	vperm.xlane v12, v2;
	v15 =	vadd.f32 v56, v54  }
0x233: {  	v8 =	vadd.f32 v57, v8;
	v55 =	vadd.f32 v24, v19;
	v60 =	vperm.xlane v9, v2  }
0x234: {  	v11 =	vadd.f32 v11, v13;
	v12 =	vadd.f32 v58, v12;
	v59 =	vperm.xlane v15, v3  }
0x235: {  	v8 =	vsel vm3, v8, v10;
	v17 =	vperm.xlane v55, v3;
	v9 =	vadd.f32 v60, v9  }
0x236: {  	v12 =	vperm.xlane v12, v3;
	v10 =	vsel vm0, v11, v59;
	v11 =	vperm.xlane v8, v2  }
0x237: {  	v61 =	vsel vm0, v18, v17;
	v9 =	vperm.xlane v9, v3;
	v63 =	vperm.xlane v10, v4  }
0x238: {  	v62 =	vperm.xlane v61, v4;
	v12 =	vsel vm0, v16, v12;
	v8 =	vadd.f32 v11, v8  }
0x239: {  	v11 =	vperm.xlane v12, v4;
	v10 =	vadd.f32 v63, v10  }
0x23a: {  	v13 =	vadd.f32 v62, v61;
	v8 =	vsel vm0, v8, v9  }
0x23b: {  	v9 =	vadd.f32 v11, v12;
	v10 =	vperm.xlane v10, v5;
	v11 =	vperm.xlane v8, v4;
	_ =	sdelay $0x1  }
0x23c: {  	v9 =	vperm.xlane v9, v5;
	v10 =	vsel vm1, v13, v10;
	v8 =	vadd.f32 v11, v8  }
0x23d: {  	v11 =	vperm.xlane v10, v6  }
0x23e: {  	v8 =	vsel vm1, v8, v9  }
0x23f: {  	v9 =	vadd.f32 v11, v10;
	v10 =	vperm.xlane v8, v6;
	_ =	sdelay $0x1  }
0x240: {  	v9 =	vperm.xlane v9, v1;
	v8 =	vadd.f32 v10, v8;
	_ =	sdelay $0x1  }
0x241: {  	v8 =	vsel vm2, v8, v9  }
0x242: {  	s12 =	simm.s32 $0x0;
	s6 =	simm.s32 $0x40;
	v8 =	vperm.xlane v8, v7  }
.LBB2_7:
0x243: {  	p2 =	sne.s32 s6, $0x3C0  }
0x244: {  	s22 =	sadd.s32 $0x200, s22;
	s7 =	smov.u32 s6;
	s6 =	sadd.s32 $0x40, s6;
	v8 =	vsub.f32 $0.0e+00, v8  }
0x245: {  	s10 =	sshra.s32 s12, $0x2;
	s12 =	smov.u32 s7  }
0x246: {  	[tilespmem:s10+$0x1CA00] =	vst v8  }
0x247: {  	v8 =	vld [tilespmem:s22+$0x20]  }
0x248: {  	v11 =	vld [tilespmem:s22+$0xFFFFE030]  }
0x249: {  	v12 =	vld [tilespmem:s22+$0x30]  }
0x24a: {  	v13 =	vld [tilespmem:s22+$0xFFFFE020]  }
0x24b: {  	v9 =	vld [tilespmem:s22+$0xFFFFE000]  }
0x24c: {  	v10 =	vld [tilespmem:s22+$0x10]  }
0x24d: {  	v14 =	vld [tilespmem:s22+$0xFFFFE0A0]  }
0x24e: {  	v11 =	vsub.f32 v11, v12;
	v12 =	vld [tilespmem:s22+$0xFFFFE0B0]  }
0x24f: {  	v8 =	vsub.f32 v13, v8;
	v13 =	vld [tilespmem:s22+$0xB0]  }
0x250: {  	v15 =	vld [tilespmem:s22+$0xA0]  }
0x251: {  	v11 =	vmax.f32 v11, $0.0e+00;
	v8 =	vmax.f32 v8, $0.0e+00;
	v16 =	vld [tilespmem:s22+$0x90]  }
0x252: {  	v8 =	vadd.f32 v11, v8;
	v11 =	vld [tilespmem:s22+$0x80]  }
0x253: {  	v17 =	vld [tilespmem:s22+$0xFFFFE090]  }
0x254: {  	v18 =	vld [tilespmem:s22+$0xFFFFE080];
	v12 =	vsub.f32 v12, v13;
	v13 =	vperm.xlane v8, v0  }
0x255: {  	v19 =	vld [tilespmem:s22+$0x70];
	v14 =	vsub.f32 v14, v15  }
0x256: {  	v15 =	vld [tilespmem:s22+$0x60];
	v12 =	vmax.f32 v12, $0.0e+00;
	v8 =	vadd.f32 v13, v8  }
0x257: {  	v20 =	vld [tilespmem:s22+$0xFFFFE070];
	v13 =	vmax.f32 v14, $0.0e+00  }
0x258: {  	v14 =	vld [tilespmem:s22+$0xFFFFE060];
	v16 =	vsub.f32 v17, v16;
	v17 =	vadd.f32 v12, v13  }
0x259: {  	v13 =	vld [tilespmem:s22+$0x50];
	v11 =	vsub.f32 v18, v11  }
0x25a: {  	v12 =	vld [tilespmem:s22+$0x40];
	v18 =	vperm.xlane v17, v0  }
0x25b: {  	v16 =	vmax.f32 v16, $0.0e+00;
	v11 =	vmax.f32 v11, $0.0e+00;
	v21 =	vld [tilespmem:s22+$0x130]  }
0x25c: {  	v19 =	vsub.f32 v20, v19;
	v11 =	vadd.f32 v16, v11;
	v16 =	vld [tilespmem:s22+$0x120]  }
0x25d: {  	v14 =	vsub.f32 v14, v15;
	v15 =	vld [tilespmem:s22+$0xFFFFE130]  }
0x25e: {  	v19 =	vmax.f32 v19, $0.0e+00;
	v20 =	vld [tilespmem:s22+$0xFFFFE120];
	v22 =	vperm.xlane v11, v0  }
0x25f: {  	v17 =	vadd.f32 v18, v17;
	v14 =	vmax.f32 v14, $0.0e+00;
	v23 =	vld [tilespmem:s22+$0x110]  }
0x260: {  	v14 =	vadd.f32 v19, v14;
	v18 =	vld [tilespmem:s22+$0x100];
	v11 =	vadd.f32 v22, v11  }
0x261: {  	v19 =	vld [tilespmem:s22+$0xFFFFE110]  }
0x262: {  	v22 =	vld [tilespmem:s22+$0xFFFFE100];
	v15 =	vsub.f32 v15, v21;
	v21 =	vperm.xlane v14, v0;
	v11 =	vsel vm3, v11, v17  }
0x263: {  	v16 =	vsub.f32 v20, v16;
	v17 =	vld [tilespmem:s22+$0x1B0];
	v20 =	vperm.xlane v11, v2  }
0x264: {  	v24 =	vld [tilespmem:s22+$0x1A0];
	v14 =	vadd.f32 v21, v14  }
0x265: {  	v15 =	vmax.f32 v15, $0.0e+00;
	v16 =	vmax.f32 v16, $0.0e+00;
	v21 =	vld [tilespmem:s22+$0xFFFFE1B0];
	v11 =	vadd.f32 v20, v11  }
0x266: {  	v19 =	vsub.f32 v19, v23;
	v15 =	vadd.f32 v15, v16;
	v16 =	vld [tilespmem:s22+$0xFFFFE1A0]  }
0x267: {  	v18 =	vsub.f32 v22, v18;
	v20 =	vld [tilespmem:s22+$0x190]  }
0x268: {  	v22 =	vld [tilespmem:s22+$0x180];
	v23 =	vperm.xlane v15, v0  }
0x269: {  	v19 =	vmax.f32 v19, $0.0e+00;
	v18 =	vmax.f32 v18, $0.0e+00;
	v25 =	vld [tilespmem:s22+$0xFFFFE190]  }
0x26a: {  	v18 =	vadd.f32 v19, v18;
	v19 =	vld [tilespmem:s22+$0xFFFFE180];
	v17 =	vsub.f32 v21, v17  }
0x26b: {  	v15 =	vadd.f32 v23, v15;
	v21 =	vld [tilespmem:s22+$0x170];
	v16 =	vsub.f32 v16, v24  }
0x26c: {  	v23 =	vld [tilespmem:s22+$0x160];
	v24 =	vperm.xlane v18, v0  }
0x26d: {  	v17 =	vmax.f32 v17, $0.0e+00;
	v26 =	vld [tilespmem:s22+$0xFFFFE170];
	v16 =	vmax.f32 v16, $0.0e+00  }
0x26e: {  	v27 =	vld [tilespmem:s22+$0xFFFFE160];
	v20 =	vsub.f32 v25, v20;
	v16 =	vadd.f32 v17, v16  }
0x26f: {  	v18 =	vadd.f32 v24, v18;
	v17 =	vld [tilespmem:s22+$0x150];
	v19 =	vsub.f32 v19, v22  }
0x270: {  	v22 =	vld [tilespmem:s22+$0x140];
	v24 =	vperm.xlane v16, v0  }
0x271: {  	v20 =	vmax.f32 v20, $0.0e+00;
	v15 =	vsel vm3, v18, v15;
	v25 =	vld [tilespmem:s22+$0xFFFFE150];
	v19 =	vmax.f32 v19, $0.0e+00  }
0x272: {  	v18 =	vld [tilespmem:s22+$0xFFFFE140];
	v21 =	vsub.f32 v26, v21;
	v19 =	vadd.f32 v20, v19;
	v20 =	vperm.xlane v15, v2  }
0x273: {  	v16 =	vadd.f32 v24, v16;
	v26 =	vld [tilespmem:s22+$0xF0];
	v23 =	vsub.f32 v27, v23  }
0x274: {  	v24 =	vld [tilespmem:s22+$0xE0];
	v21 =	vmax.f32 v21, $0.0e+00;
	v27 =	vperm.xlane v19, v0;
	v15 =	vadd.f32 v20, v15  }
0x275: {  	v20 =	vld [tilespmem:s22+$0xFFFFE0F0];
	v23 =	vmax.f32 v23, $0.0e+00  }
0x276: {  	v28 =	vld [tilespmem:s22+$0xFFFFE0E0];
	v17 =	vsub.f32 v25, v17;
	v21 =	vadd.f32 v21, v23  }
0x277: {  	v19 =	vadd.f32 v27, v19;
	v23 =	vld [tilespmem:s22+$0xD0];
	v18 =	vsub.f32 v18, v22  }
0x278: {  	v22 =	vld [tilespmem:s22+$0xC0];
	v17 =	vmax.f32 v17, $0.0e+00;
	v25 =	vperm.xlane v21, v0  }
0x279: {  	v16 =	vsel vm3, v19, v16;
	v18 =	vmax.f32 v18, $0.0e+00;
	v27 =	vld [tilespmem:s22+$0x1F0]  }
0x27a: {  	v19 =	vsub.f32 v20, v26;
	v17 =	vadd.f32 v17, v18;
	v18 =	vld [tilespmem:s22+$0x1E0];
	v20 =	vperm.xlane v16, v2  }
0x27b: {  	v21 =	vadd.f32 v25, v21;
	v24 =	vsub.f32 v28, v24;
	v26 =	vld [tilespmem:s22+$0xFFFFE1F0]  }
0x27c: {  	v25 =	vld [tilespmem:s22+$0xFFFFE1E0];
	v28 =	vperm.xlane v17, v0;
	v16 =	vadd.f32 v20, v16  }
0x27d: {  	v19 =	vmax.f32 v19, $0.0e+00;
	v20 =	vmax.f32 v24, $0.0e+00;
	v24 =	vld [tilespmem:s22+$0x1D0]  }
0x27e: {  	v19 =	vadd.f32 v19, v20;
	v20 =	vld [tilespmem:s22+$0x1C0];
	v17 =	vadd.f32 v28, v17  }
0x27f: {  	v28 =	vld [tilespmem:s22+$0xFFFFE1D0]  }
0x280: {  	v29 =	vld [tilespmem:s22+$0xFFFFE1C0];
	v26 =	vsub.f32 v26, v27;
	v27 =	vperm.xlane v19, v0;
	v17 =	vsel vm3, v17, v21  }
0x281: {  	v21 =	vld [tilespmem:s22+$0xFFFFE0D0];
	v18 =	vsub.f32 v25, v18;
	v25 =	vperm.xlane v17, v2  }
0x282: {  	v30 =	vld [tilespmem:s22+$0xFFFFE0C0];
	v19 =	vadd.f32 v27, v19  }
0x283: {  	v26 =	vmax.f32 v26, $0.0e+00;
	v27 =	vld [tilespmem:s22+$0xFFFFE050];
	v18 =	vmax.f32 v18, $0.0e+00;
	v17 =	vadd.f32 v25, v17  }
0x284: {  	v25 =	vld [tilespmem:s22+$0xFFFFE040];
	v24 =	vsub.f32 v28, v24;
	v18 =	vadd.f32 v26, v18  }
0x285: {  	v26 =	vld [tilespmem:s22+$0x0];
	v20 =	vsub.f32 v29, v20;
	v17 =	vperm.xlane v17, v3  }
0x286: {  	v28 =	vld [tilespmem:s22+$0xFFFFE010];
	v21 =	vsub.f32 v21, v23;
	v23 =	vmax.f32 v24, $0.0e+00;
	v24 =	vperm.xlane v18, v0  }
0x287: {  	v22 =	vsub.f32 v30, v22;
	v20 =	vmax.f32 v20, $0.0e+00;
	v15 =	vsel vm0, v15, v17  }
0x288: {  	v17 =	vadd.f32 v23, v20;
	v18 =	vadd.f32 v24, v18;
	v20 =	vperm.xlane v15, v4  }
0x289: {  	v13 =	vsub.f32 v27, v13;
	v21 =	vmax.f32 v21, $0.0e+00;
	v22 =	vmax.f32 v22, $0.0e+00  }
0x28a: {  	v12 =	vsub.f32 v25, v12;
	v21 =	vadd.f32 v21, v22;
	v22 =	vperm.xlane v17, v0  }
0x28b: {  	v9 =	vsub.f32 v9, v26;
	v13 =	vmax.f32 v13, $0.0e+00;
	v10 =	vsub.f32 v28, v10  }
0x28c: {  	v12 =	vmax.f32 v12, $0.0e+00;
	v23 =	vperm.xlane v21, v0;
	v17 =	vadd.f32 v22, v17  }
0x28d: {  	v9 =	vmax.f32 v9, $0.0e+00;
	v12 =	vadd.f32 v13, v12;
	v10 =	vmax.f32 v10, $0.0e+00  }
0x28e: {  	v15 =	vadd.f32 v20, v15;
	v13 =	vadd.f32 v23, v21;
	v17 =	vsel vm3, v17, v18  }
0x28f: {  	v9 =	vadd.f32 v10, v9;
	v10 =	vperm.xlane v12, v0;
	v18 =	vperm.xlane v17, v2  }
0x290: {  	v13 =	vsel vm3, v13, v19  }
0x291: {  	v19 =	vperm.xlane v9, v0;
	v20 =	vperm.xlane v13, v2;
	v17 =	vadd.f32 v18, v17  }
0x292: {  	v10 =	vadd.f32 v10, v12  }
0x293: {  	v12 =	vadd.f32 v20, v13;
	v13 =	vperm.xlane v17, v3  }
0x294: {  	v9 =	vadd.f32 v19, v9;
	v10 =	vsel vm3, v10, v14  }
0x295: {  	v14 =	vperm.xlane v10, v2;
	v12 =	vperm.xlane v12, v3;
	v13 =	vsel vm0, v16, v13  }
0x296: {  	v8 =	vsel vm3, v9, v8;
	v9 =	vperm.xlane v13, v4  }
0x297: {  	v16 =	vperm.xlane v8, v2;
	v10 =	vadd.f32 v14, v10;
	v11 =	vsel vm0, v11, v12  }
0x298: {  	v12 =	vperm.xlane v11, v4;
	v9 =	vadd.f32 v9, v13  }
0x299: {  	v8 =	vadd.f32 v16, v8;
	v10 =	vperm.xlane v10, v3  }
0x29a: {  	v11 =	vadd.f32 v12, v11;
	v9 =	vperm.xlane v9, v5  }
0x29b: {  	v8 =	vsel vm0, v8, v10  }
0x29c: {  	v10 =	vperm.xlane v8, v4;
	v11 =	vperm.xlane v11, v5;
	v9 =	vsel vm1, v15, v9  }
0x29d: {  	v12 =	vperm.xlane v9, v6  }
0x29e: {  	v8 =	vadd.f32 v10, v8  }
0x29f: {  	v9 =	vadd.f32 v12, v9  }
0x2a0: {  	v8 =	vsel vm1, v8, v11  }
0x2a1: {  	v10 =	vperm.xlane v8, v6;
	v9 =	vperm.xlane v9, v1  }
.Ltmp2:
0x2a2: {  	(pc) =	sbr.rel @p2 .LBB2_7-.Ltmp2, $3  }
0x2a3: {  	v8 =	vadd.f32 v10, v8;
	_ =	sdelay $0x1  }
0x2a4: {  	v8 =	vsel vm2, v8, v9  }
0x2a5: {  	v8 =	vperm.xlane v8, v7  }
0x2a6: {  	_ = 	snop  }
0x2a7: {  	s6 =	sadd.s32 s21, s9;
	v8 =	vsub.f32 $0.0e+00, v8  }
0x2a8: {  	s7 =	sshra.s32 s12, $0x2;
	s6 =	sshrl.u32 s6, $0x3  }
0x2a9: {  	s6 =	sadd.s32 s5, s6;
	[tilespmem:s7+$0x1CA00] =	vst v8  }
0x2aa: {  	[hbm4b:s6+s2] =	stream.linear.scatter [tilespmem:s31], [sflag:$0x7], $0x100, $0x38;
	[tilespmem:$0x1CC00] =	vst v63  }
0x2ab: {  	s10 =	simm.s32 @!p1 $0x14800;
	s7 =	simm.s32 @!p1 $0x100;
	s6 =	sadd.s32 @!p1 $0x600, s21  }
0x2ac: {  	[tilespmem:s10], [sflag:$0x3] =	stream.indirect.gather @!p1 [hbm4b:s4+s7], $0x20, s6, s7, $0xb8;
	[tilespmem:$0x1CC00] =	vst v63  }
0x2ad: {  	s6 =	sadd.s32 @!p1 $0x6A00, s21;
	s10 =	simm.s32 @!p1 $0x16800  }
0x2ae: {  	[tilespmem:s10], [sflag:$0x3] =	stream.indirect.gather @!p1 [hbm4b:s4+s7], $0x20, s6, s7, $0xb8;
	[tilespmem:$0x1CC00] =	vst v63  }
0x2af: {  	_ =	swait.ge [sflag:s1], $0x2000  }
0x2b0: {  	[sflag:s1] =	ssyncset.done $0x0  }
0x2b1: {  	[sflag:s1] =	ssyncadd.s32 $0xFFFFE000  }
0x2b2: {  	_ =	swait.ge [sflag:s1], $0x2000  }
0x2b3: {  	[sflag:s1] =	ssyncset.done $0x0  }
0x2b4: {  	s6 =	simm.s32 @!p0 $0x8;
	[sflag:s1] =	ssyncadd.s32 $0xFFFFE000  }
0x2b5: {  	_ =	swait.ge @!p0 [sflag:s6], $0x100  }
0x2b6: {  	[sflag:s6] =	ssyncset.done @!p0 $0x0  }
0x2b7: {  	s21 =	simm.s32 $0x1A800;
	[sflag:s6] =	ssyncadd.s32 @!p0 $0xFFFFFF00  }
0x2b8: {  	v10 =	vld [tilespmem:s21+$0x20]  }
0x2b9: {  	v13 =	vld [tilespmem:s21+$0xFFFFE030]  }
0x2ba: {  	v14 =	vld [tilespmem:s21+$0x30]  }
0x2bb: {  	v15 =	vld [tilespmem:s21+$0xFFFFE020]  }
0x2bc: {  	v8 =	vld [tilespmem:s21+$0xFFFFE000]  }
0x2bd: {  	v16 =	vld [tilespmem:s21+$0xFFFFE0A0]  }
0x2be: {  	v17 =	vld [tilespmem:s21+$0xFFFFE0B0]  }
0x2bf: {  	v18 =	vld [tilespmem:s21+$0xB0]  }
0x2c0: {  	v19 =	vld [tilespmem:s21+$0xA0]  }
0x2c1: {  	v20 =	vld [tilespmem:s21+$0x90]  }
0x2c2: {  	v21 =	vld [tilespmem:s21+$0x80]  }
0x2c3: {  	v22 =	vld [tilespmem:s21+$0xFFFFE090]  }
0x2c4: {  	v23 =	vld [tilespmem:s21+$0xFFFFE080]  }
0x2c5: {  	v24 =	vld [tilespmem:s21+$0x70]  }
0x2c6: {  	v25 =	vld [tilespmem:s21+$0x60]  }
0x2c7: {  	v26 =	vld [tilespmem:s21+$0xFFFFE070]  }
0x2c8: {  	v27 =	vld [tilespmem:s21+$0xFFFFE060]  }
0x2c9: {  	v12 =	vld [tilespmem:s21+$0x50]  }
0x2ca: {  	v11 =	vld [tilespmem:s21+$0x40]  }
0x2cb: {  	v28 =	vld [tilespmem:s21+$0x130]  }
0x2cc: {  	v29 =	vld [tilespmem:s21+$0x120]  }
0x2cd: {  	v30 =	vld [tilespmem:s21+$0xFFFFE130]  }
0x2ce: {  	v31 =	vld [tilespmem:s21+$0xFFFFE120]  }
0x2cf: {  	v32 =	vld [tilespmem:s21+$0x110]  }
0x2d0: {  	v33 =	vld [tilespmem:s21+$0x100]  }
0x2d1: {  	v34 =	vld [tilespmem:s21+$0xFFFFE110]  }
0x2d2: {  	v35 =	vld [tilespmem:s21+$0xFFFFE100]  }
0x2d3: {  	v49 =	vld [tilespmem:s21+$0x1B0]  }
0x2d4: {  	v50 =	vld [tilespmem:s21+$0x1A0]  }
0x2d5: {  	v36 =	vld [tilespmem:s21+$0xFFFFE1B0]  }
0x2d6: {  	v51 =	vld [tilespmem:s21+$0xFFFFE1A0]  }
0x2d7: {  	v53 =	vld [tilespmem:s21+$0xFFFFE190]  }
0x2d8: {  	v54 =	vld [tilespmem:s21+$0xFFFFE180]  }
0x2d9: {  	v61 =	vld [tilespmem:s21+$0xFFFFE170];
	v13 =	vsub.f32 v13, v14  }
0x2da: {  	v37 =	vld [tilespmem:s21+$0xFFFFE160];
	v10 =	vsub.f32 v15, v10;
	v17 =	vsub.f32 v17, v18  }
0x2db: {  	v38 =	vld [tilespmem:s21+$0x150];
	v16 =	vsub.f32 v16, v19;
	v20 =	vsub.f32 v22, v20  }
0x2dc: {  	v40 =	vld [tilespmem:s21+$0x140];
	v21 =	vsub.f32 v23, v21;
	v56 =	vsub.f32 v26, v24  }
0x2dd: {  	v43 =	vld [tilespmem:s21+$0xFFFFE150];
	v57 =	vsub.f32 v27, v25;
	v59 =	vsub.f32 v30, v28  }
0x2de: {  	v45 =	vld [tilespmem:s21+$0xFFFFE140];
	v60 =	vsub.f32 v31, v29;
	v63 =	vsub.f32 v34, v32  }
0x2df: {  	v46 =	vld [tilespmem:s21+$0xF0];
	v33 =	vsub.f32 v35, v33;
	v14 =	vsub.f32 v36, v49  }
0x2e0: {  	v18 =	vld [tilespmem:s21+$0x190];
	v10 =	vmax.f32 v10, $0.0e+00;
	v13 =	vmax.f32 v13, $0.0e+00;
	v17 =	vmax.f32 v17, $0.0e+00  }
0x2e1: {  	v22 =	vld [tilespmem:s21+$0x180];
	v16 =	vmax.f32 v16, $0.0e+00;
	v55 =	vmax.f32 v21, $0.0e+00;
	v20 =	vmax.f32 v20, $0.0e+00  }
0x2e2: {  	v24 =	vld [tilespmem:s21+$0x170];
	v21 =	vmax.f32 v56, $0.0e+00;
	v28 =	vmax.f32 v60, $0.0e+00;
	v27 =	vmax.f32 v59, $0.0e+00  }
0x2e3: {  	v25 =	vld [tilespmem:s21+$0x160];
	v41 =	vmax.f32 v33, $0.0e+00;
	v42 =	vmax.f32 v63, $0.0e+00;
	v10 =	vadd.f32 v13, v10  }
0x2e4: {  	v49 =	vld [tilespmem:s21+$0xE0];
	v14 =	vmax.f32 v14, $0.0e+00;
	v16 =	vadd.f32 v17, v16;
	v19 =	vadd.f32 v20, v55  }
0x2e5: {  	v59 =	vld [tilespmem:s21+$0x1E0];
	v20 =	vmax.f32 v57, $0.0e+00;
	v39 =	vadd.f32 v27, v28;
	v13 =	vsub.f32 v51, v50  }
0x2e6: {  	v60 =	vld [tilespmem:s21+$0xFFFFE1F0];
	v27 =	vsub.f32 v45, v40;
	v20 =	vadd.f32 v21, v20;
	v52 =	vperm.xlane v10, v0  }
0x2e7: {  	v63 =	vld [tilespmem:s21+$0x1D0];
	v21 =	vadd.f32 v42, v41;
	v58 =	vperm.xlane v16, v0;
	v62 =	vperm.xlane v19, v0  }
0x2e8: {  	v51 =	vld [tilespmem:s21+$0xFFFFE0F0];
	v44 =	vperm.xlane v39, v0;
	v18 =	vsub.f32 v53, v18;
	v17 =	vsub.f32 v54, v22  }
0x2e9: {  	v57 =	vld [tilespmem:s21+$0x1F0];
	v13 =	vmax.f32 v13, $0.0e+00;
	v24 =	vsub.f32 v61, v24;
	v25 =	vsub.f32 v37, v25  }
0x2ea: {  	v40 =	vld [tilespmem:s21+$0xFFFFE1C0];
	v61 =	vsub.f32 v43, v38;
	v27 =	vmax.f32 v27, $0.0e+00;
	v13 =	vadd.f32 v14, v13  }
0x2eb: {  	v41 =	vld [tilespmem:s21+$0xFFFFE0D0];
	v47 =	vperm.xlane v20, v0;
	v10 =	vadd.f32 v52, v10;
	v16 =	vadd.f32 v58, v16  }
0x2ec: {  	v53 =	vld [tilespmem:s21+$0xFFFFE0E0];
	v50 =	vperm.xlane v21, v0;
	v19 =	vadd.f32 v62, v19;
	v48 =	vadd.f32 v44, v39  }
0x2ed: {  	v37 =	vld [tilespmem:s21+$0x1C0];
	v17 =	vmax.f32 v17, $0.0e+00;
	v18 =	vmax.f32 v18, $0.0e+00;
	v24 =	vmax.f32 v24, $0.0e+00  }
0x2ee: {  	v38 =	vld [tilespmem:s21+$0xFFFFE1D0];
	v25 =	vmax.f32 v25, $0.0e+00;
	v21 =	vadd.f32 v50, v21;
	v20 =	vadd.f32 v47, v20  }
0x2ef: {  	v54 =	vld [tilespmem:s21+$0xD0];
	v55 =	vperm.xlane v13, v0;
	v17 =	vadd.f32 v18, v17;
	v16 =	vsel vm3, v19, v16  }
0x2f0: {  	v62 =	vld [tilespmem:s21+$0xFFFFE1E0];
	v24 =	vadd.f32 v24, v25;
	v15 =	vsub.f32 v51, v46;
	v52 =	vperm.xlane v16, v2  }
0x2f1: {  	v56 =	vld [tilespmem:s21+$0xC0];
	v19 =	vsel vm3, v21, v48;
	v13 =	vadd.f32 v55, v13;
	v36 =	vperm.xlane v17, v0  }
0x2f2: {  	v44 =	vld [tilespmem:s21+$0xFFFFE050];
	v14 =	vsub.f32 v53, v49;
	v39 =	vperm.xlane v24, v0;
	v21 =	vsub.f32 v60, v57  }
0x2f3: {  	v43 =	vld [tilespmem:s21+$0xFFFFE0C0];
	v15 =	vmax.f32 v15, $0.0e+00;
	v26 =	vsub.f32 v38, v63;
	v23 =	vsub.f32 v40, v37  }
0x2f4: {  	v46 =	vld [tilespmem:s21+$0xFFFFE040];
	v22 =	vsub.f32 v41, v54;
	v58 =	vperm.xlane v19, v2;
	v16 =	vadd.f32 v52, v16  }
0x2f5: {  	v47 =	vld [tilespmem:s21+$0x0];
	v14 =	vmax.f32 v14, $0.0e+00;
	v29 =	vsub.f32 v62, v59;
	v17 =	vadd.f32 v36, v17  }
0x2f6: {  	v24 =	vadd.f32 v39, v24;
	v21 =	vmax.f32 v21, $0.0e+00;
	v26 =	vmax.f32 v26, $0.0e+00  }
0x2f7: {  	v9 =	vld [tilespmem:s21+$0x10];
	v23 =	vmax.f32 v23, $0.0e+00;
	v12 =	vsub.f32 v44, v12;
	v18 =	vadd.f32 v58, v19  }
0x2f8: {  	v48 =	vld [tilespmem:s21+$0xFFFFE010];
	v22 =	vmax.f32 v22, $0.0e+00;
	v14 =	vadd.f32 v15, v14;
	v15 =	vsub.f32 v43, v56  }
0x2f9: {  	v19 =	vmax.f32 v61, $0.0e+00;
	v50 =	vadd.f32 v26, v23;
	v11 =	vsub.f32 v46, v11  }
0x2fa: {  	v8 =	vsub.f32 v8, v47;
	v19 =	vadd.f32 v19, v27;
	v29 =	vmax.f32 v29, $0.0e+00  }
0x2fb: {  	v13 =	vsel vm3, v17, v13;
	v12 =	vmax.f32 v12, $0.0e+00;
	v45 =	vperm.xlane v14, v0  }
0x2fc: {  	v21 =	vadd.f32 v21, v29;
	v15 =	vmax.f32 v15, $0.0e+00;
	v51 =	vperm.xlane v50, v0  }
0x2fd: {  	v9 =	vsub.f32 v48, v9;
	v11 =	vmax.f32 v11, $0.0e+00;
	v8 =	vmax.f32 v8, $0.0e+00  }
0x2fe: {  	v42 =	vperm.xlane v19, v0;
	v15 =	vadd.f32 v22, v15;
	v49 =	vperm.xlane v21, v0  }
0x2ff: {  	v11 =	vadd.f32 v12, v11;
	v17 =	vadd.f32 v51, v50;
	v9 =	vmax.f32 v9, $0.0e+00  }
0x300: {  	v19 =	vadd.f32 v42, v19;
	v52 =	vperm.xlane v15, v0;
	v21 =	vadd.f32 v49, v21  }
0x301: {  	v14 =	vadd.f32 v45, v14;
	v8 =	vadd.f32 v9, v8;
	v9 =	vperm.xlane v11, v0  }
0x302: {  	v19 =	vsel vm3, v19, v24;
	v53 =	vadd.f32 v52, v15;
	v54 =	vsel vm3, v17, v21  }
0x303: {  	v57 =	vperm.xlane v8, v0;
	v9 =	vadd.f32 v9, v11;
	v56 =	vperm.xlane v54, v2  }
0x304: {  	v11 =	vperm.xlane v13, v2;
	v24 =	vperm.xlane v19, v2;
	v12 =	vsel vm3, v53, v14  }
0x305: {  	v9 =	vsel vm3, v9, v20;
	v58 =	vperm.xlane v12, v2;
	v15 =	vadd.f32 v56, v54  }
0x306: {  	v8 =	vadd.f32 v57, v8;
	v55 =	vadd.f32 v24, v19;
	v60 =	vperm.xlane v9, v2  }
0x307: {  	v11 =	vadd.f32 v11, v13;
	v12 =	vadd.f32 v58, v12;
	v59 =	vperm.xlane v15, v3  }
0x308: {  	v8 =	vsel vm3, v8, v10;
	v17 =	vperm.xlane v55, v3;
	v9 =	vadd.f32 v60, v9  }
0x309: {  	v12 =	vperm.xlane v12, v3;
	v10 =	vsel vm0, v11, v59;
	v11 =	vperm.xlane v8, v2  }
0x30a: {  	v61 =	vsel vm0, v18, v17;
	v9 =	vperm.xlane v9, v3;
	v63 =	vperm.xlane v10, v4  }
0x30b: {  	v62 =	vperm.xlane v61, v4;
	v12 =	vsel vm0, v16, v12;
	v8 =	vadd.f32 v11, v8  }
0x30c: {  	v11 =	vperm.xlane v12, v4;
	v10 =	vadd.f32 v63, v10  }
0x30d: {  	v13 =	vadd.f32 v62, v61;
	v8 =	vsel vm0, v8, v9  }
0x30e: {  	v9 =	vadd.f32 v11, v12;
	v10 =	vperm.xlane v10, v5;
	v11 =	vperm.xlane v8, v4;
	_ =	sdelay $0x1  }
0x30f: {  	v9 =	vperm.xlane v9, v5;
	v10 =	vsel vm1, v13, v10;
	v8 =	vadd.f32 v11, v8  }
0x310: {  	v11 =	vperm.xlane v10, v6  }
0x311: {  	v8 =	vsel vm1, v8, v9  }
0x312: {  	v9 =	vadd.f32 v11, v10;
	v10 =	vperm.xlane v8, v6;
	_ =	sdelay $0x1  }
0x313: {  	v9 =	vperm.xlane v9, v1;
	v8 =	vadd.f32 v10, v8;
	_ =	sdelay $0x1  }
0x314: {  	v8 =	vsel vm2, v8, v9  }
0x315: {  	s12 =	simm.s32 $0x0;
	s6 =	simm.s32 $0x40;
	v8 =	vperm.xlane v8, v7  }
.LBB2_9:
0x316: {  	p0 =	sne.s32 s6, $0x3C0  }
0x317: {  	s21 =	sadd.s32 $0x200, s21;
	s7 =	smov.u32 s6;
	s6 =	sadd.s32 $0x40, s6;
	v8 =	vsub.f32 $0.0e+00, v8  }
0x318: {  	s10 =	sshra.s32 s12, $0x2;
	s12 =	smov.u32 s7  }
0x319: {  	[tilespmem:s10+$0x1CB00] =	vst v8  }
0x31a: {  	v8 =	vld [tilespmem:s21+$0x20]  }
0x31b: {  	v11 =	vld [tilespmem:s21+$0xFFFFE030]  }
0x31c: {  	v12 =	vld [tilespmem:s21+$0x30]  }
0x31d: {  	v13 =	vld [tilespmem:s21+$0xFFFFE020]  }
0x31e: {  	v9 =	vld [tilespmem:s21+$0xFFFFE000]  }
0x31f: {  	v10 =	vld [tilespmem:s21+$0x10]  }
0x320: {  	v14 =	vld [tilespmem:s21+$0xFFFFE0A0]  }
0x321: {  	v11 =	vsub.f32 v11, v12;
	v12 =	vld [tilespmem:s21+$0xFFFFE0B0]  }
0x322: {  	v8 =	vsub.f32 v13, v8;
	v13 =	vld [tilespmem:s21+$0xB0]  }
0x323: {  	v15 =	vld [tilespmem:s21+$0xA0]  }
0x324: {  	v11 =	vmax.f32 v11, $0.0e+00;
	v8 =	vmax.f32 v8, $0.0e+00;
	v16 =	vld [tilespmem:s21+$0x90]  }
0x325: {  	v8 =	vadd.f32 v11, v8;
	v11 =	vld [tilespmem:s21+$0x80]  }
0x326: {  	v17 =	vld [tilespmem:s21+$0xFFFFE090]  }
0x327: {  	v18 =	vld [tilespmem:s21+$0xFFFFE080];
	v12 =	vsub.f32 v12, v13;
	v13 =	vperm.xlane v8, v0  }
0x328: {  	v19 =	vld [tilespmem:s21+$0x70];
	v14 =	vsub.f32 v14, v15  }
0x329: {  	v15 =	vld [tilespmem:s21+$0x60];
	v12 =	vmax.f32 v12, $0.0e+00;
	v8 =	vadd.f32 v13, v8  }
0x32a: {  	v20 =	vld [tilespmem:s21+$0xFFFFE070];
	v13 =	vmax.f32 v14, $0.0e+00  }
0x32b: {  	v14 =	vld [tilespmem:s21+$0xFFFFE060];
	v16 =	vsub.f32 v17, v16;
	v17 =	vadd.f32 v12, v13  }
0x32c: {  	v13 =	vld [tilespmem:s21+$0x50];
	v11 =	vsub.f32 v18, v11  }
0x32d: {  	v12 =	vld [tilespmem:s21+$0x40];
	v18 =	vperm.xlane v17, v0  }
0x32e: {  	v16 =	vmax.f32 v16, $0.0e+00;
	v11 =	vmax.f32 v11, $0.0e+00;
	v21 =	vld [tilespmem:s21+$0x130]  }
0x32f: {  	v19 =	vsub.f32 v20, v19;
	v11 =	vadd.f32 v16, v11;
	v16 =	vld [tilespmem:s21+$0x120]  }
0x330: {  	v14 =	vsub.f32 v14, v15;
	v15 =	vld [tilespmem:s21+$0xFFFFE130]  }
0x331: {  	v19 =	vmax.f32 v19, $0.0e+00;
	v20 =	vld [tilespmem:s21+$0xFFFFE120];
	v22 =	vperm.xlane v11, v0  }
0x332: {  	v17 =	vadd.f32 v18, v17;
	v14 =	vmax.f32 v14, $0.0e+00;
	v23 =	vld [tilespmem:s21+$0x110]  }
0x333: {  	v14 =	vadd.f32 v19, v14;
	v18 =	vld [tilespmem:s21+$0x100];
	v11 =	vadd.f32 v22, v11  }
0x334: {  	v19 =	vld [tilespmem:s21+$0xFFFFE110]  }
0x335: {  	v22 =	vld [tilespmem:s21+$0xFFFFE100];
	v15 =	vsub.f32 v15, v21;
	v21 =	vperm.xlane v14, v0;
	v11 =	vsel vm3, v11, v17  }
0x336: {  	v16 =	vsub.f32 v20, v16;
	v17 =	vld [tilespmem:s21+$0x1B0];
	v20 =	vperm.xlane v11, v2  }
0x337: {  	v24 =	vld [tilespmem:s21+$0x1A0];
	v14 =	vadd.f32 v21, v14  }
0x338: {  	v15 =	vmax.f32 v15, $0.0e+00;
	v16 =	vmax.f32 v16, $0.0e+00;
	v21 =	vld [tilespmem:s21+$0xFFFFE1B0];
	v11 =	vadd.f32 v20, v11  }
0x339: {  	v19 =	vsub.f32 v19, v23;
	v15 =	vadd.f32 v15, v16;
	v16 =	vld [tilespmem:s21+$0xFFFFE1A0]  }
0x33a: {  	v18 =	vsub.f32 v22, v18;
	v20 =	vld [tilespmem:s21+$0x190]  }
0x33b: {  	v22 =	vld [tilespmem:s21+$0x180];
	v23 =	vperm.xlane v15, v0  }
0x33c: {  	v19 =	vmax.f32 v19, $0.0e+00;
	v18 =	vmax.f32 v18, $0.0e+00;
	v25 =	vld [tilespmem:s21+$0xFFFFE190]  }
0x33d: {  	v18 =	vadd.f32 v19, v18;
	v19 =	vld [tilespmem:s21+$0xFFFFE180];
	v17 =	vsub.f32 v21, v17  }
0x33e: {  	v15 =	vadd.f32 v23, v15;
	v21 =	vld [tilespmem:s21+$0x170];
	v16 =	vsub.f32 v16, v24  }
0x33f: {  	v23 =	vld [tilespmem:s21+$0x160];
	v24 =	vperm.xlane v18, v0  }
0x340: {  	v17 =	vmax.f32 v17, $0.0e+00;
	v26 =	vld [tilespmem:s21+$0xFFFFE170];
	v16 =	vmax.f32 v16, $0.0e+00  }
0x341: {  	v27 =	vld [tilespmem:s21+$0xFFFFE160];
	v20 =	vsub.f32 v25, v20;
	v16 =	vadd.f32 v17, v16  }
0x342: {  	v18 =	vadd.f32 v24, v18;
	v17 =	vld [tilespmem:s21+$0x150];
	v19 =	vsub.f32 v19, v22  }
0x343: {  	v22 =	vld [tilespmem:s21+$0x140];
	v24 =	vperm.xlane v16, v0  }
0x344: {  	v20 =	vmax.f32 v20, $0.0e+00;
	v15 =	vsel vm3, v18, v15;
	v25 =	vld [tilespmem:s21+$0xFFFFE150];
	v19 =	vmax.f32 v19, $0.0e+00  }
0x345: {  	v18 =	vld [tilespmem:s21+$0xFFFFE140];
	v21 =	vsub.f32 v26, v21;
	v19 =	vadd.f32 v20, v19;
	v20 =	vperm.xlane v15, v2  }
0x346: {  	v16 =	vadd.f32 v24, v16;
	v26 =	vld [tilespmem:s21+$0xF0];
	v23 =	vsub.f32 v27, v23  }
0x347: {  	v24 =	vld [tilespmem:s21+$0xE0];
	v21 =	vmax.f32 v21, $0.0e+00;
	v27 =	vperm.xlane v19, v0;
	v15 =	vadd.f32 v20, v15  }
0x348: {  	v20 =	vld [tilespmem:s21+$0xFFFFE0F0];
	v23 =	vmax.f32 v23, $0.0e+00  }
0x349: {  	v28 =	vld [tilespmem:s21+$0xFFFFE0E0];
	v17 =	vsub.f32 v25, v17;
	v21 =	vadd.f32 v21, v23  }
0x34a: {  	v19 =	vadd.f32 v27, v19;
	v23 =	vld [tilespmem:s21+$0xD0];
	v18 =	vsub.f32 v18, v22  }
0x34b: {  	v22 =	vld [tilespmem:s21+$0xC0];
	v17 =	vmax.f32 v17, $0.0e+00;
	v25 =	vperm.xlane v21, v0  }
0x34c: {  	v16 =	vsel vm3, v19, v16;
	v18 =	vmax.f32 v18, $0.0e+00;
	v27 =	vld [tilespmem:s21+$0x1F0]  }
0x34d: {  	v19 =	vsub.f32 v20, v26;
	v17 =	vadd.f32 v17, v18;
	v18 =	vld [tilespmem:s21+$0x1E0];
	v20 =	vperm.xlane v16, v2  }
0x34e: {  	v21 =	vadd.f32 v25, v21;
	v24 =	vsub.f32 v28, v24;
	v26 =	vld [tilespmem:s21+$0xFFFFE1F0]  }
0x34f: {  	v25 =	vld [tilespmem:s21+$0xFFFFE1E0];
	v28 =	vperm.xlane v17, v0;
	v16 =	vadd.f32 v20, v16  }
0x350: {  	v19 =	vmax.f32 v19, $0.0e+00;
	v20 =	vmax.f32 v24, $0.0e+00;
	v24 =	vld [tilespmem:s21+$0x1D0]  }
0x351: {  	v19 =	vadd.f32 v19, v20;
	v20 =	vld [tilespmem:s21+$0x1C0];
	v17 =	vadd.f32 v28, v17  }
0x352: {  	v28 =	vld [tilespmem:s21+$0xFFFFE1D0]  }
0x353: {  	v29 =	vld [tilespmem:s21+$0xFFFFE1C0];
	v26 =	vsub.f32 v26, v27;
	v27 =	vperm.xlane v19, v0;
	v17 =	vsel vm3, v17, v21  }
0x354: {  	v21 =	vld [tilespmem:s21+$0xFFFFE0D0];
	v18 =	vsub.f32 v25, v18;
	v25 =	vperm.xlane v17, v2  }
0x355: {  	v30 =	vld [tilespmem:s21+$0xFFFFE0C0];
	v19 =	vadd.f32 v27, v19  }
0x356: {  	v26 =	vmax.f32 v26, $0.0e+00;
	v27 =	vld [tilespmem:s21+$0xFFFFE050];
	v18 =	vmax.f32 v18, $0.0e+00;
	v17 =	vadd.f32 v25, v17  }
0x357: {  	v25 =	vld [tilespmem:s21+$0xFFFFE040];
	v24 =	vsub.f32 v28, v24;
	v18 =	vadd.f32 v26, v18  }
0x358: {  	v26 =	vld [tilespmem:s21+$0x0];
	v20 =	vsub.f32 v29, v20;
	v17 =	vperm.xlane v17, v3  }
0x359: {  	v28 =	vld [tilespmem:s21+$0xFFFFE010];
	v21 =	vsub.f32 v21, v23;
	v23 =	vmax.f32 v24, $0.0e+00;
	v24 =	vperm.xlane v18, v0  }
0x35a: {  	v22 =	vsub.f32 v30, v22;
	v20 =	vmax.f32 v20, $0.0e+00;
	v15 =	vsel vm0, v15, v17  }
0x35b: {  	v17 =	vadd.f32 v23, v20;
	v18 =	vadd.f32 v24, v18;
	v20 =	vperm.xlane v15, v4  }
0x35c: {  	v13 =	vsub.f32 v27, v13;
	v21 =	vmax.f32 v21, $0.0e+00;
	v22 =	vmax.f32 v22, $0.0e+00  }
0x35d: {  	v12 =	vsub.f32 v25, v12;
	v21 =	vadd.f32 v21, v22;
	v22 =	vperm.xlane v17, v0  }
0x35e: {  	v9 =	vsub.f32 v9, v26;
	v13 =	vmax.f32 v13, $0.0e+00;
	v10 =	vsub.f32 v28, v10  }
0x35f: {  	v12 =	vmax.f32 v12, $0.0e+00;
	v23 =	vperm.xlane v21, v0;
	v17 =	vadd.f32 v22, v17  }
0x360: {  	v9 =	vmax.f32 v9, $0.0e+00;
	v12 =	vadd.f32 v13, v12;
	v10 =	vmax.f32 v10, $0.0e+00  }
0x361: {  	v15 =	vadd.f32 v20, v15;
	v13 =	vadd.f32 v23, v21;
	v17 =	vsel vm3, v17, v18  }
0x362: {  	v9 =	vadd.f32 v10, v9;
	v10 =	vperm.xlane v12, v0;
	v18 =	vperm.xlane v17, v2  }
0x363: {  	v13 =	vsel vm3, v13, v19  }
0x364: {  	v19 =	vperm.xlane v9, v0;
	v20 =	vperm.xlane v13, v2;
	v17 =	vadd.f32 v18, v17  }
0x365: {  	v10 =	vadd.f32 v10, v12  }
0x366: {  	v12 =	vadd.f32 v20, v13;
	v13 =	vperm.xlane v17, v3  }
0x367: {  	v9 =	vadd.f32 v19, v9;
	v10 =	vsel vm3, v10, v14  }
0x368: {  	v14 =	vperm.xlane v10, v2;
	v12 =	vperm.xlane v12, v3;
	v13 =	vsel vm0, v16, v13  }
0x369: {  	v8 =	vsel vm3, v9, v8;
	v9 =	vperm.xlane v13, v4  }
0x36a: {  	v16 =	vperm.xlane v8, v2;
	v10 =	vadd.f32 v14, v10;
	v11 =	vsel vm0, v11, v12  }
0x36b: {  	v12 =	vperm.xlane v11, v4;
	v9 =	vadd.f32 v9, v13  }
0x36c: {  	v8 =	vadd.f32 v16, v8;
	v10 =	vperm.xlane v10, v3  }
0x36d: {  	v11 =	vadd.f32 v12, v11;
	v9 =	vperm.xlane v9, v5  }
0x36e: {  	v8 =	vsel vm0, v8, v10  }
0x36f: {  	v10 =	vperm.xlane v8, v4;
	v11 =	vperm.xlane v11, v5;
	v9 =	vsel vm1, v15, v9  }
0x370: {  	v12 =	vperm.xlane v9, v6  }
0x371: {  	v8 =	vadd.f32 v10, v8  }
0x372: {  	v9 =	vadd.f32 v12, v9  }
0x373: {  	v8 =	vsel vm1, v8, v11  }
0x374: {  	v10 =	vperm.xlane v8, v6;
	v9 =	vperm.xlane v9, v1  }
.Ltmp3:
0x375: {  	(pc) =	sbr.rel @p0 .LBB2_9-.Ltmp3, $3  }
0x376: {  	v8 =	vadd.f32 v10, v8;
	_ =	sdelay $0x1  }
0x377: {  	v8 =	vsel vm2, v8, v9  }
0x378: {  	v8 =	vperm.xlane v8, v7  }
0x379: {  	s18 =	sadd.s32 $0x1, s18  }
0x37a: {  	p0 =	sne.s32 s18, $0x19  }
.Ltmp4:
0x37b: {  	_ = 	snop;
	(pc) =	sbr.rel @p0 .LBB2_2-.Ltmp4, $4  }
0x37c: {  	s6 =	sadd.s32 s3, s19;
	v8 =	vsub.f32 $0.0e+00, v8  }
0x37d: {  	s7 =	sshra.s32 s12, $0x2;
	s6 =	sshrl.u32 s6, $0x3  }
0x37e: {  	s6 =	sadd.s32 s5, s6;
	[tilespmem:s7+$0x1CB00] =	vst v8  }
0x37f: {  	[hbm4b:s6+s2] =	stream.linear.scatter [tilespmem:s0], [sflag:$0x8], $0x100, $0x38;
	[tilespmem:$0x1CC00] =	vst v63  }
0x380: {  	_ =	swait.ge [sflag:s13], $0x100  }
0x381: {  	[sflag:s13] =	ssyncset.done $0x0  }
0x382: {  	[sflag:s13] =	ssyncadd.s32 $0xFFFFFF00  }
0x383: {  	_ =	swait.ge [sflag:s14], $0x100  }
0x384: {  	[sflag:s14] =	ssyncset.done $0x0  }
0x385: {  	[sflag:s14] =	ssyncadd.s32 $0xFFFFFF00  }
0x386: {  	_ =	swait.ge [sflag:s15], $0x100  }
0x387: {  	[sflag:s15] =	ssyncset.done $0x0  }
0x388: {  	[sflag:s15] =	ssyncadd.s32 $0xFFFFFF00  }
0x389: {  	_ =	swait.ge [sflag:s16], $0x100  }
0x38a: {  	s17 =	sadd.s32 $0x1, s17;
	s6 =	rddreg [dreg:$0x5]  }
0x38b: {  	p0 =	sne.s32 s17, s6  }
.Ltmp5:
0x38c: {  	_ = 	snop;
	(pc) =	sbr.rel @p0 .LBB2_1-.Ltmp5, $3  }
0x38d: {  	_ =	sdelay $0x1  }
0x38e: {  	[sflag:s16] =	ssyncset.done $0x0  }
0x38f: {  	[sflag:s16] =	ssyncadd.s32 $0xFFFFFF00  }
0x390: {  	_ =	sfence.sel $0x180000  }
0x391: {  	[bflag:$0x0] =	sbarrier.arrive $0xFFFF  }
0x392: {  	_ =	strace $0x90000047  }
0x393: {  	s0 =	stileid.u32;
	[bflag:$0x2] =	sbarrier.arrive $0xFFFF  }
0x394: {  	p0 =	sne.s32 s0, $0x0;
	s0 =	rddreg [dreg:$0x2]  }
0x395: {  	s0 =	sadd.s32 @!p0 $0x100000, s0  }
0x396: {  	[sflag:s0] =	ssyncadd.tile.s32 @!p0 $0x1;
	_ =	shalt  }
.Lfunc_end2:
_tile_overlayer_lowered:
.L_overlay_start_2:
0x397: {  	(tag) =	ssettag $0x2  }
0x398: {  	s0 =	rddreg [dreg:$0x0];
	s2 =	stileid.u32  }
0x399: {  	s1 =	rddreg [dreg:$0x1];
	p0 =	sne.s32 s2, $0x0  }
0x39a: {  	s3 =	rddreg [dreg:$0x2];
	[bflag:$0x3] =	sbarrier.arrive $0xFFFF;
	s2 =	simm.s32 @!p0 $0x1C09  }
0x39b: {  	[timem:s3], [sflag:s2] =	dma.local @!p0 [hbm:s0], s1  }
0x39c: {  	s0 =	simm.s32 @!p0 $0x9  }
0x39d: {  	_ =	swait.ge @!p0 [sflag:s0], s1  }
0x39e: {  	s1 =	ssub.s32 @!p0 $0x0, s1;
	[sflag:s0] =	ssyncset.done @!p0 $0x0  }
0x39f: {  	[sflag:s0] =	ssyncadd.s32 @!p0 s1  }
0x3a0: {  	[bflag:$0x3] =	sbarrier.arrive $0xFFFF  }
0x3a1: {  	_ =	shalt  }

</sc_bundles>
